<compile_context>
chip_gen: v7x
topology: tpu7x:2x2x1
jax: 0.10.2.dev20260603
libtpu: 0.0.44.dev20260713+nightly
codegen_flags: <defaults>
</compile_context>

<pallas_src>
import functools

import jax
import jax.numpy as jnp
from jax import lax
from jax.experimental import pallas as pl
from jax.experimental.pallas import tpu as pltpu
from jax.experimental.pallas import tpu_sc as plsc

_B, _L, _D = 4096, 50, 128
_NC, _NS = 2, 16
_NW = _NC * _NS
_BW = _B // _NW
_NBUF = 4
_LOOK = 2
_NG = _BW // 16
_FW = (_L + 1) * 16
_TERSE_ID = 1
_VERBOSE_ID = 2


def _sc_body(ids_hbm, table_hbm, delta3_hbm, work_hbm, out_hbm,
             idx_v, wk_v, sel_v, drows_v, rows_v, isem, dsem, *sems):
    gsem = sems[:_NBUF]
    osem = sems[_NBUF:]
    wid = lax.axis_index("s") * _NC + lax.axis_index("c")
    base = wid * _BW

    for l in range(_L):
        pltpu.make_async_copy(
            ids_hbm.at[pl.ds(l * _B + base, _BW)], idx_v.at[l], isem).start()
    pltpu.make_async_copy(
        work_hbm.at[pl.ds(wid * _FW, _FW)], wk_v, isem).start()
    for l in range(_L):
        pltpu.make_async_copy(
            ids_hbm.at[pl.ds(base, _BW)], idx_v.at[l], isem).wait()
    pltpu.make_async_copy(
        work_hbm.at[pl.ds(0, _FW)], wk_v, isem).wait()

    def gdesc(c, b):
        return pltpu.make_async_copy(
            table_hbm.at[idx_v.at[c]], rows_v.at[b], gsem[b])

    def odesc(c, b):
        return pltpu.make_async_copy(
            rows_v.at[b], out_hbm.at[c, pl.ds(base, _BW)], osem[b])

    for c in range(_LOOK):
        gdesc(c, c).start()
    for c in range(_LOOK):
        gdesc(c + _LOOK, c + _LOOK).start()
        gdesc(c, c).wait()
        odesc(c, c).start()

    n_steady = _L - 2 * _LOOK - ((_L - 2 * _LOOK) % _NBUF)
    def group(c0, carry):
        for k in range(_NBUF):
            b = (_LOOK + k) % _NBUF
            bn = (_LOOK + k + _LOOK) % _NBUF
            c = c0 + k
            odesc(c - _LOOK, bn).wait()
            gdesc(c + _LOOK, bn).start()
            gdesc(c, b).wait()
            odesc(c, b).start()
        return carry

    lax.fori_loop(0, n_steady // _NBUF,
                  lambda i, car: group(_LOOK + i * _NBUF, car), 0)

    for c in range(_LOOK + n_steady, _L - _LOOK):
        b, bn = c % _NBUF, (c + _LOOK) % _NBUF
        odesc(c + _LOOK - _NBUF, bn).wait()
        gdesc(c + _LOOK, bn).start()
        gdesc(c, b).wait()
        odesc(c, b).start()
    for c in range(_L - _LOOK, _L):
        b = c % _NBUF
        gdesc(c, b).wait()
        odesc(c, b).start()
    for b in range(_NBUF):
        odesc(0, b).wait()

    count = wk_v[pl.ds(0, 16)][0]

    def fix_plane(i, car):
        c = wk_v[pl.ds(16 + 16 * i, 16)][0]
        pltpu.sync_copy(out_hbm.at[c, pl.ds(base, _BW)], rows_v.at[0])
        for g in range(_NG):
            v = idx_v[c, pl.ds(16 * g, 16)]
            s = (jnp.where(v == _TERSE_ID, 1, 0)
                 + jnp.where(v == _VERBOSE_ID, 2, 0)).astype(jnp.int32)
            sel_v[pl.ds(16 * g, 16)] = s
        cp = pltpu.make_async_copy(delta3_hbm.at[sel_v], drows_v, dsem)
        cp.start()
        cp.wait()

        def add_row(r, car2):
            for j in range(_D // 16):
                sl = pl.ds(16 * j, 16)
                rows_v[0, r, sl] = rows_v[0, r, sl] + drows_v[r, sl]
            return car2

        lax.fori_loop(0, _BW, add_row, 0)
        pltpu.sync_copy(rows_v.at[0], out_hbm.at[c, pl.ds(base, _BW)])
        return car

    lax.fori_loop(0, count, fix_plane, 0)


def kernel(input_ids, base_table, style_delta):
    ids_t = input_ids.astype(jnp.int32).T
    ids = ids_t.reshape(-1)
    delta3 = jnp.concatenate(
        [jnp.zeros((1, _D), style_delta.dtype), style_delta], axis=0)
    is_style = (ids_t == _TERSE_ID) | (ids_t == _VERBOSE_ID)
    plane_flag = jnp.any(is_style.reshape(_L, _NW, _BW), axis=-1).T
    count = jnp.sum(plane_flag, axis=-1).astype(jnp.int32)
    order = jnp.argsort(jnp.logical_not(plane_flag),
                        axis=-1, stable=True).astype(jnp.int32)
    wl = jnp.concatenate([count[:, None], order], axis=1)
    work = jnp.broadcast_to(wl[:, :, None], (_NW, _L + 1, 16)).reshape(-1)

    mesh = plsc.VectorSubcoreMesh(core_axis_name="c", subcore_axis_name="s")
    run = functools.partial(
        pl.kernel,
        mesh=mesh,
        out_type=jax.ShapeDtypeStruct((_L, _B, _D), jnp.float32),
        compiler_params=pltpu.CompilerParams(use_tc_tiling_on_sc=True),
        scratch_types=[
            pltpu.VMEM((_L, _BW), jnp.int32),
            pltpu.VMEM((_FW,), jnp.int32),
            pltpu.VMEM((_BW,), jnp.int32),
            pltpu.VMEM((_BW, _D), jnp.float32),
            pltpu.VMEM((_NBUF, _BW, _D), jnp.float32),
            pltpu.SemaphoreType.DMA,
            pltpu.SemaphoreType.DMA,
        ] + [pltpu.SemaphoreType.DMA] * (2 * _NBUF),
    )(_sc_body)
    return run(ids, base_table, delta3, work).transpose(1, 0, 2)

# --- scband reference (transcript-rebuilt; emitter-appended) ---
"""Pipeline reference for scband-style-delta-embedding-58600533786877 (READ-ONLY COPY).

The authoritative reference and input builder live on the scoring server;
editing this copy changes nothing except your own understanding.
"""

import jax, jax.numpy as jnp
import numpy as np

VOCAB = 100000
DIM = 128
TERSE_ID = 1
VERBOSE_ID = 2


def setup_inputs(seed: int = 0) -> dict:
    key = jax.random.key(seed)
    k_ids, k_tab = jax.random.split(key)
    input_ids = jax.random.randint(k_ids, (4096, 50), 0, VOCAB, dtype=jnp.int64) if jax.config.jax_enable_x64 else jax.random.randint(k_ids, (4096, 50), 0, VOCAB, dtype=jnp.int32)
    base_table = jax.random.normal(k_tab, (VOCAB, DIM), dtype=jnp.float32) * 0.02
    # nn.init.zeros_ on the style delta, exactly as in the torch module
    style_delta = jnp.zeros((2, DIM), dtype=jnp.float32)
    return {"input_ids": input_ids, "base_table": base_table, "style_delta": style_delta}


def reference(input_ids, base_table, style_delta):
    # base embedding lookup (gather)
    out = jnp.take(base_table, input_ids, axis=0)  # [B, L, D]
    m_terse = (input_ids == TERSE_ID)[..., None].astype(out.dtype)
    m_verbose = (input_ids == VERBOSE_ID)[..., None].astype(out.dtype)
    # torch code guards with .any(); adding a zero-masked delta is mathematically identical
    out = out + style_delta[0] * m_terse
    out = out + style_delta[1] * m_verbose
    return out

if __name__ == "__main__":
    import jax
    _d = setup_inputs()
    print(jax.jit(kernel)(*tuple(_d.values())))

</pallas_src>

<mosaic_0001>
#map = affine_map<(d0, d1) -> (0)>
#map1 = affine_map<(d0, d1) -> (0, 0)>
#map2 = affine_map<(d0, d1) -> (0, 0, 0)>
module attributes {stable_mosaic.version = 14 : i64} {
  func.func @_sc_body(%arg0: i32, %arg1: i32, %arg2: memref<204800xi32, #tpu.memory_space<hbm>>, %arg3: memref<100000x128xf32, #tpu.memory_space<hbm>>, %arg4: memref<3x128xf32, #tpu.memory_space<hbm>>, %arg5: memref<26112xi32, #tpu.memory_space<hbm>>, %arg6: memref<50x4096x128xf32, #tpu.memory_space<hbm>>, %arg7: memref<50x128xi32, #tpu.memory_space<vmem>>, %arg8: memref<816xi32, #tpu.memory_space<vmem>>, %arg9: memref<128xi32, #tpu.memory_space<vmem>>, %arg10: memref<128x128xf32, #tpu.memory_space<vmem>>, %arg11: memref<4x128x128xf32, #tpu.memory_space<vmem>>, %arg12: memref<!tpu.dma_semaphore, #tpu.memory_space<semaphore_mem>>, %arg13: memref<!tpu.dma_semaphore, #tpu.memory_space<semaphore_mem>>, %arg14: memref<!tpu.dma_semaphore, #tpu.memory_space<semaphore_mem>>, %arg15: memref<!tpu.dma_semaphore, #tpu.memory_space<semaphore_mem>>, %arg16: memref<!tpu.dma_semaphore, #tpu.memory_space<semaphore_mem>>, %arg17: memref<!tpu.dma_semaphore, #tpu.memory_space<semaphore_mem>>, %arg18: memref<!tpu.dma_semaphore, #tpu.memory_space<semaphore_mem>>, %arg19: memref<!tpu.dma_semaphore, #tpu.memory_space<semaphore_mem>>, %arg20: memref<!tpu.dma_semaphore, #tpu.memory_space<semaphore_mem>>, %arg21: memref<!tpu.dma_semaphore, #tpu.memory_space<semaphore_mem>>) attributes {dimension_semantics = [#tpu.dimension_semantics<core_parallel>, #tpu.dimension_semantics<subcore_parallel>], iteration_bounds = array<i64: 2, 16>, scalar_prefetch = 0 : i64, scratch_operands = 15 : i64, tpu.core_type = #tpu.core_type<sc_vector_subcore>, window_params = [{transform_indices = #map}, {transform_indices = #map1}, {transform_indices = #map1}, {transform_indices = #map}, {transform_indices = #map2}]} {
    %mul3A = arith.constant 2 : i32
    %mul3A_0 = arith.muli %arg1, %mul3A : i32
    %add3A = arith.addi %mul3A_0, %arg0 : i32
    %mul3A_1 = arith.constant 128 : i32
    %mul3A_2 = arith.muli %add3A, %mul3A_1 : i32
    %add3A_3 = arith.constant 0 : i32
    %add3A_4 = arith.addi %add3A_3, %mul3A_2 : i32
    %dma_start3A = arith.constant 0 : i32
    %dma_start3A_5 = arith.constant 0 : i32
    %dma_start3A_6 = tpu.memref_slice %arg7[%dma_start3A, %dma_start3A_5] : memref<50x128xi32, #tpu.memory_space<vmem>> -> memref<1x128xi32, #tpu.memory_space<vmem>>
    %dma_start3A_7 = tpu.memref_squeeze %dma_start3A_6 : memref<1x128xi32, #tpu.memory_space<vmem>> -> memref<128xi32, #tpu.memory_space<vmem>>
    %dma_start3A_8 = tpu.memref_slice %arg2[%add3A_4] : memref<204800xi32, #tpu.memory_space<hbm>> -> memref<128xi32, #tpu.memory_space<hbm>>
    %dma_start3A_9 = arith.constant 0 : i32
    %dma_start3A_10 = tpu.memref_slice %arg7[%dma_start3A, %dma_start3A_9] : memref<50x128xi32, #tpu.memory_space<vmem>> -> memref<1x128xi32, #tpu.memory_space<vmem>>
    %dma_start3A_11 = tpu.memref_squeeze %dma_start3A_10 : memref<1x128xi32, #tpu.memory_space<vmem>> -> memref<128xi32, #tpu.memory_space<vmem>>
    %dma_start3A_12 = tpu.memref_slice %arg2[%add3A_4] : memref<204800xi32, #tpu.memory_space<hbm>> -> memref<128xi32, #tpu.memory_space<hbm>>
    tpu.enqueue_dma source(%dma_start3A_12 : memref<128xi32, #tpu.memory_space<hbm>>) target(%dma_start3A_11 : memref<128xi32, #tpu.memory_space<vmem>>) target_semaphore(%arg12 : memref<!tpu.dma_semaphore, #tpu.memory_space<semaphore_mem>>)
    %add3A_13 = arith.constant 4096 : i32
    %add3A_14 = arith.addi %add3A_13, %mul3A_2 : i32
    %dma_start3A_15 = arith.constant 1 : i32
    %dma_start3A_16 = arith.constant 0 : i32
    %dma_start3A_17 = tpu.memref_slice %arg7[%dma_start3A_15, %dma_start3A_16] : memref<50x128xi32, #tpu.memory_space<vmem>> -> memref<1x128xi32, #tpu.memory_space<vmem>>
    %dma_start3A_18 = tpu.memref_squeeze %dma_start3A_17 : memref<1x128xi32, #tpu.memory_space<vmem>> -> memref<128xi32, #tpu.memory_space<vmem>>
    %dma_start3A_19 = tpu.memref_slice %arg2[%add3A_14] : memref<204800xi32, #tpu.memory_space<hbm>> -> memref<128xi32, #tpu.memory_space<hbm>>
    %dma_start3A_20 = arith.constant 0 : i32
    %dma_start3A_21 = tpu.memref_slice %arg7[%dma_start3A_15, %dma_start3A_20] : memref<50x128xi32, #tpu.memory_space<vmem>> -> memref<1x128xi32, #tpu.memory_space<vmem>>
    %dma_start3A_22 = tpu.memref_squeeze %dma_start3A_21 : memref<1x128xi32, #tpu.memory_space<vmem>> -> memref<128xi32, #tpu.memory_space<vmem>>
    %dma_start3A_23 = tpu.memref_slice %arg2[%add3A_14] : memref<204800xi32, #tpu.memory_space<hbm>> -> memref<128xi32, #tpu.memory_space<hbm>>
    tpu.enqueue_dma source(%dma_start3A_23 : memref<128xi32, #tpu.memory_space<hbm>>) target(%dma_start3A_22 : memref<128xi32, #tpu.memory_space<vmem>>) target_semaphore(%arg12 : memref<!tpu.dma_semaphore, #tpu.memory_space<semaphore_mem>>)
    %add3A_24 = arith.constant 8192 : i32
    %add3A_25 = arith.addi %add3A_24, %mul3A_2 : i32
    %dma_start3A_26 = arith.constant 2 : i32
    %dma_start3A_27 = arith.constant 0 : i32
    %dma_start3A_28 = tpu.memref_slice %arg7[%dma_start3A_26, %dma_start3A_27] : memref<50x128xi32, #tpu.memory_space<vmem>> -> memref<1x128xi32, #tpu.memory_space<vmem>>
    %dma_start3A_29 = tpu.memref_squeeze %dma_start3A_28 : memref<1x128xi32, #tpu.memory_space<vmem>> -> memref<128xi32, #tpu.memory_space<vmem>>
    %dma_start3A_30 = tpu.memref_slice %arg2[%add3A_25] : memref<204800xi32, #tpu.memory_space<hbm>> -> memref<128xi32, #tpu.memory_space<hbm>>
    %dma_start3A_31 = arith.constant 0 : i32
    %dma_start3A_32 = tpu.memref_slice %arg7[%dma_start3A_26, %dma_start3A_31] : memref<50x128xi32, #tpu.memory_space<vmem>> -> memref<1x128xi32, #tpu.memory_space<vmem>>
    %dma_start3A_33 = tpu.memref_squeeze %dma_start3A_32 : memref<1x128xi32, #tpu.memory_space<vmem>> -> memref<128xi32, #tpu.memory_space<vmem>>
    %dma_start3A_34 = tpu.memref_slice %arg2[%add3A_25] : memref<204800xi32, #tpu.memory_space<hbm>> -> memref<128xi32, #tpu.memory_space<hbm>>
    tpu.enqueue_dma source(%dma_start3A_34 : memref<128xi32, #tpu.memory_space<hbm>>) target(%dma_start3A_33 : memref<128xi32, #tpu.memory_space<vmem>>) target_semaphore(%arg12 : memref<!tpu.dma_semaphore, #tpu.memory_space<semaphore_mem>>)
    %add3A_35 = arith.constant 12288 : i32
    %add3A_36 = arith.addi %add3A_35, %mul3A_2 : i32
    %dma_start3A_37 = arith.constant 3 : i32
    %dma_start3A_38 = arith.constant 0 : i32
    %dma_start3A_39 = tpu.memref_slice %arg7[%dma_start3A_37, %dma_start3A_38] : memref<50x128xi32, #tpu.memory_space<vmem>> -> memref<1x128xi32, #tpu.memory_space<vmem>>
    %dma_start3A_40 = tpu.memref_squeeze %dma_start3A_39 : memref<1x128xi32, #tpu.memory_space<vmem>> -> memref<128xi32, #tpu.memory_space<vmem>>
    %dma_start3A_41 = tpu.memref_slice %arg2[%add3A_36] : memref<204800xi32, #tpu.memory_space<hbm>> -> memref<128xi32, #tpu.memory_space<hbm>>
    %dma_start3A_42 = arith.constant 0 : i32
    %dma_start3A_43 = tpu.memref_slice %arg7[%dma_start3A_37, %dma_start3A_42] : memref<50x128xi32, #tpu.memory_space<vmem>> -> memref<1x128xi32, #tpu.memory_space<vmem>>
    %dma_start3A_44 = tpu.memref_squeeze %dma_start3A_43 : memref<1x128xi32, #tpu.memory_space<vmem>> -> memref<128xi32, #tpu.memory_space<vmem>>
    %dma_start3A_45 = tpu.memref_slice %arg2[%add3A_36] : memref<204800xi32, #tpu.memory_space<hbm>> -> memref<128xi32, #tpu.memory_space<hbm>>
    tpu.enqueue_dma source(%dma_start3A_45 : memref<128xi32, #tpu.memory_space<hbm>>) target(%dma_start3A_44 : memref<128xi32, #tpu.memory_space<vmem>>) target_semaphore(%arg12 : memref<!tpu.dma_semaphore, #tpu.memory_space<semaphore_mem>>)
    %add3A_46 = arith.constant 16384 : i32
    %add3A_47 = arith.addi %add3A_46, %mul3A_2 : i32
    %dma_start3A_48 = arith.constant 4 : i32
    %dma_start3A_49 = arith.constant 0 : i32
    %dma_start3A_50 = tpu.memref_slice %arg7[%dma_start3A_48, %dma_start3A_49] : memref<50x128xi32, #tpu.memory_space<vmem>> -> memref<1x128xi32, #tpu.memory_space<vmem>>
    %dma_start3A_51 = tpu.memref_squeeze %dma_start3A_50 : memref<1x128xi32, #tpu.memory_space<vmem>> -> memref<128xi32, #tpu.memory_space<vmem>>
    %dma_start3A_52 = tpu.memref_slice %arg2[%add3A_47] : memref<204800xi32, #tpu.memory_space<hbm>> -> memref<128xi32, #tpu.memory_space<hbm>>
    %dma_start3A_53 = arith.constant 0 : i32
    %dma_start3A_54 = tpu.memref_slice %arg7[%dma_start3A_48, %dma_start3A_53] : memref<50x128xi32, #tpu.memory_space<vmem>> -> memref<1x128xi32, #tpu.memory_space<vmem>>
    %dma_start3A_55 = tpu.memref_squeeze %dma_start3A_54 : memref<1x128xi32, #tpu.memory_space<vmem>> -> memref<128xi32, #tpu.memory_space<vmem>>
    %dma_start3A_56 = tpu.memref_slice %arg2[%add3A_47] : memref<204800xi32, #tpu.memory_space<hbm>> -> memref<128xi32, #tpu.memory_space<hbm>>
    tpu.enqueue_dma source(%dma_start3A_56 : memref<128xi32, #tpu.memory_space<hbm>>) target(%dma_start3A_55 : memref<128xi32, #tpu.memory_space<vmem>>) target_semaphore(%arg12 : memref<!tpu.dma_semaphore, #tpu.memory_space<semaphore_mem>>)
    %add3A_57 = arith.constant 20480 : i32
    %add3A_58 = arith.addi %add3A_57, %mul3A_2 : i32
    %dma_start3A_59 = arith.constant 5 : i32
    %dma_start3A_60 = arith.constant 0 : i32
    %dma_start3A_61 = tpu.memref_slice %arg7[%dma_start3A_59, %dma_start3A_60] : memref<50x128xi32, #tpu.memory_space<vmem>> -> memref<1x128xi32, #tpu.memory_space<vmem>>
    %dma_start3A_62 = tpu.memref_squeeze %dma_start3A_61 : memref<1x128xi32, #tpu.memory_space<vmem>> -> memref<128xi32, #tpu.memory_space<vmem>>
    %dma_start3A_63 = tpu.memref_slice %arg2[%add3A_58] : memref<204800xi32, #tpu.memory_space<hbm>> -> memref<128xi32, #tpu.memory_space<hbm>>
    %dma_start3A_64 = arith.constant 0 : i32
    %dma_start3A_65 = tpu.memref_slice %arg7[%dma_start3A_59, %dma_start3A_64] : memref<50x128xi32, #tpu.memory_space<vmem>> -> memref<1x128xi32, #tpu.memory_space<vmem>>
    %dma_start3A_66 = tpu.memref_squeeze %dma_start3A_65 : memref<1x128xi32, #tpu.memory_space<vmem>> -> memref<128xi32, #tpu.memory_space<vmem>>
    %dma_start3A_67 = tpu.memref_slice %arg2[%add3A_58] : memref<204800xi32, #tpu.memory_space<hbm>> -> memref<128xi32, #tpu.memory_space<hbm>>
    tpu.enqueue_dma source(%dma_start3A_67 : memref<128xi32, #tpu.memory_space<hbm>>) target(%dma_start3A_66 : memref<128xi32, #tpu.memory_space<vmem>>) target_semaphore(%arg12 : memref<!tpu.dma_semaphore, #tpu.memory_space<semaphore_mem>>)
    %add3A_68 = arith.constant 24576 : i32
    %add3A_69 = arith.addi %add3A_68, %mul3A_2 : i32
    %dma_start3A_70 = arith.constant 6 : i32
    %dma_start3A_71 = arith.constant 0 : i32
    %dma_start3A_72 = tpu.memref_slice %arg7[%dma_start3A_70, %dma_start3A_71] : memref<50x128xi32, #tpu.memory_space<vmem>> -> memref<1x128xi32, #tpu.memory_space<vmem>>
    %dma_start3A_73 = tpu.memref_squeeze %dma_start3A_72 : memref<1x128xi32, #tpu.memory_space<vmem>> -> memref<128xi32, #tpu.memory_space<vmem>>
    %dma_start3A_74 = tpu.memref_slice %arg2[%add3A_69] : memref<204800xi32, #tpu.memory_space<hbm>> -> memref<128xi32, #tpu.memory_space<hbm>>
    %dma_start3A_75 = arith.constant 0 : i32
    %dma_start3A_76 = tpu.memref_slice %arg7[%dma_start3A_70, %dma_start3A_75] : memref<50x128xi32, #tpu.memory_space<vmem>> -> memref<1x128xi32, #tpu.memory_space<vmem>>
    %dma_start3A_77 = tpu.memref_squeeze %dma_start3A_76 : memref<1x128xi32, #tpu.memory_space<vmem>> -> memref<128xi32, #tpu.memory_space<vmem>>
    %dma_start3A_78 = tpu.memref_slice %arg2[%add3A_69] : memref<204800xi32, #tpu.memory_space<hbm>> -> memref<128xi32, #tpu.memory_space<hbm>>
    tpu.enqueue_dma source(%dma_start3A_78 : memref<128xi32, #tpu.memory_space<hbm>>) target(%dma_start3A_77 : memref<128xi32, #tpu.memory_space<vmem>>) target_semaphore(%arg12 : memref<!tpu.dma_semaphore, #tpu.memory_space<semaphore_mem>>)
    %add3A_79 = arith.constant 28672 : i32
    %add3A_80 = arith.addi %add3A_79, %mul3A_2 : i32
    %dma_start3A_81 = arith.constant 7 : i32
    %dma_start3A_82 = arith.constant 0 : i32
    %dma_start3A_83 = tpu.memref_slice %arg7[%dma_start3A_81, %dma_start3A_82] : memref<50x128xi32, #tpu.memory_space<vmem>> -> memref<1x128xi32, #tpu.memory_space<vmem>>
    %dma_start3A_84 = tpu.memref_squeeze %dma_start3A_83 : memref<1x128xi32, #tpu.memory_space<vmem>> -> memref<128xi32, #tpu.memory_space<vmem>>
    %dma_start3A_85 = tpu.memref_slice %arg2[%add3A_80] : memref<204800xi32, #tpu.memory_space<hbm>> -> memref<128xi32, #tpu.memory_space<hbm>>
    %dma_start3A_86 = arith.constant 0 : i32
    %dma_start3A_87 = tpu.memref_slice %arg7[%dma_start3A_81, %dma_start3A_86] : memref<50x128xi32, #tpu.memory_space<vmem>> -> memref<1x128xi32, #tpu.memory_space<vmem>>
    %dma_start3A_88 = tpu.memref_squeeze %dma_start3A_87 : memref<1x128xi32, #tpu.memory_space<vmem>> -> memref<128xi32, #tpu.memory_space<vmem>>
    %dma_start3A_89 = tpu.memref_slice %arg2[%add3A_80] : memref<204800xi32, #tpu.memory_space<hbm>> -> memref<128xi32, #tpu.memory_space<hbm>>
    tpu.enqueue_dma source(%dma_start3A_89 : memref<128xi32, #tpu.memory_space<hbm>>) target(%dma_start3A_88 : memref<128xi32, #tpu.memory_space<vmem>>) target_semaphore(%arg12 : memref<!tpu.dma_semaphore, #tpu.memory_space<semaphore_mem>>)
    %add3A_90 = arith.constant 32768 : i32
    %add3A_91 = arith.addi %add3A_90, %mul3A_2 : i32
    %dma_start3A_92 = arith.constant 8 : i32
    %dma_start3A_93 = arith.constant 0 : i32
    %dma_start3A_94 = tpu.memref_slice %arg7[%dma_start3A_92, %dma_start3A_93] : memref<50x128xi32, #tpu.memory_space<vmem>> -> memref<1x128xi32, #tpu.memory_space<vmem>>
    %dma_start3A_95 = tpu.memref_squeeze %dma_start3A_94 : memref<1x128xi32, #tpu.memory_space<vmem>> -> memref<128xi32, #tpu.memory_space<vmem>>
    %dma_start3A_96 = tpu.memref_slice %arg2[%add3A_91] : memref<204800xi32, #tpu.memory_space<hbm>> -> memref<128xi32, #tpu.memory_space<hbm>>
    %dma_start3A_97 = arith.constant 0 : i32
    %dma_start3A_98 = tpu.memref_slice %arg7[%dma_start3A_92, %dma_start3A_97] : memref<50x128xi32, #tpu.memory_space<vmem>> -> memref<1x128xi32, #tpu.memory_space<vmem>>
    %dma_start3A_99 = tpu.memref_squeeze %dma_start3A_98 : memref<1x128xi32, #tpu.memory_space<vmem>> -> memref<128xi32, #tpu.memory_space<vmem>>
    %dma_start3A_100 = tpu.memref_slice %arg2[%add3A_91] : memref<204800xi32, #tpu.memory_space<hbm>> -> memref<128xi32, #tpu.memory_space<hbm>>
    tpu.enqueue_dma source(%dma_start3A_100 : memref<128xi32, #tpu.memory_space<hbm>>) target(%dma_start3A_99 : memref<128xi32, #tpu.memory_space<vmem>>) target_semaphore(%arg12 : memref<!tpu.dma_semaphore, #tpu.memory_space<semaphore_mem>>)
    %add3A_101 = arith.constant 36864 : i32
    %add3A_102 = arith.addi %add3A_101, %mul3A_2 : i32
    %dma_start3A_103 = arith.constant 9 : i32
    %dma_start3A_104 = arith.constant 0 : i32
    %dma_start3A_105 = tpu.memref_slice %arg7[%dma_start3A_103, %dma_start3A_104] : memref<50x128xi32, #tpu.memory_space<vmem>> -> memref<1x128xi32, #tpu.memory_space<vmem>>
    %dma_start3A_106 = tpu.memref_squeeze %dma_start3A_105 : memref<1x128xi32, #tpu.memory_space<vmem>> -> memref<128xi32, #tpu.memory_space<vmem>>
    %dma_start3A_107 = tpu.memref_slice %arg2[%add3A_102] : memref<204800xi32, #tpu.memory_space<hbm>> -> memref<128xi32, #tpu.memory_space<hbm>>
    %dma_start3A_108 = arith.constant 0 : i32
    %dma_start3A_109 = tpu.memref_slice %arg7[%dma_start3A_103, %dma_start3A_108] : memref<50x128xi32, #tpu.memory_space<vmem>> -> memref<1x128xi32, #tpu.memory_space<vmem>>
    %dma_start3A_110 = tpu.memref_squeeze %dma_start3A_109 : memref<1x128xi32, #tpu.memory_space<vmem>> -> memref<128xi32, #tpu.memory_space<vmem>>
    %dma_start3A_111 = tpu.memref_slice %arg2[%add3A_102] : memref<204800xi32, #tpu.memory_space<hbm>> -> memref<128xi32, #tpu.memory_space<hbm>>
    tpu.enqueue_dma source(%dma_start3A_111 : memref<128xi32, #tpu.memory_space<hbm>>) target(%dma_start3A_110 : memref<128xi32, #tpu.memory_space<vmem>>) target_semaphore(%arg12 : memref<!tpu.dma_semaphore, #tpu.memory_space<semaphore_mem>>)
    %add3A_112 = arith.constant 40960 : i32
    %add3A_113 = arith.addi %add3A_112, %mul3A_2 : i32
    %dma_start3A_114 = arith.constant 10 : i32
    %dma_start3A_115 = arith.constant 0 : i32
    %dma_start3A_116 = tpu.memref_slice %arg7[%dma_start3A_114, %dma_start3A_115] : memref<50x128xi32, #tpu.memory_space<vmem>> -> memref<1x128xi32, #tpu.memory_space<vmem>>
    %dma_start3A_117 = tpu.memref_squeeze %dma_start3A_116 : memref<1x128xi32, #tpu.memory_space<vmem>> -> memref<128xi32, #tpu.memory_space<vmem>>
    %dma_start3A_118 = tpu.memref_slice %arg2[%add3A_113] : memref<204800xi32, #tpu.memory_space<hbm>> -> memref<128xi32, #tpu.memory_space<hbm>>
    %dma_start3A_119 = arith.constant 0 : i32
    %dma_start3A_120 = tpu.memref_slice %arg7[%dma_start3A_114, %dma_start3A_119] : memref<50x128xi32, #tpu.memory_space<vmem>> -> memref<1x128xi32, #tpu.memory_space<vmem>>
    %dma_start3A_121 = tpu.memref_squeeze %dma_start3A_120 : memref<1x128xi32, #tpu.memory_space<vmem>> -> memref<128xi32, #tpu.memory_space<vmem>>
    %dma_start3A_122 = tpu.memref_slice %arg2[%add3A_113] : memref<204800xi32, #tpu.memory_space<hbm>> -> memref<128xi32, #tpu.memory_space<hbm>>
    tpu.enqueue_dma source(%dma_start3A_122 : memref<128xi32, #tpu.memory_space<hbm>>) target(%dma_start3A_121 : memref<128xi32, #tpu.memory_space<vmem>>) target_semaphore(%arg12 : memref<!tpu.dma_semaphore, #tpu.memory_space<semaphore_mem>>)
    %add3A_123 = arith.constant 45056 : i32
    %add3A_124 = arith.addi %add3A_123, %mul3A_2 : i32
    %dma_start3A_125 = arith.constant 11 : i32
    %dma_start3A_126 = arith.constant 0 : i32
    %dma_start3A_127 = tpu.memref_slice %arg7[%dma_start3A_125, %dma_start3A_126] : memref<50x128xi32, #tpu.memory_space<vmem>> -> memref<1x128xi32, #tpu.memory_space<vmem>>
    %dma_start3A_128 = tpu.memref_squeeze %dma_start3A_127 : memref<1x128xi32, #tpu.memory_space<vmem>> -> memref<128xi32, #tpu.memory_space<vmem>>
    %dma_start3A_129 = tpu.memref_slice %arg2[%add3A_124] : memref<204800xi32, #tpu.memory_space<hbm>> -> memref<128xi32, #tpu.memory_space<hbm>>
    %dma_start3A_130 = arith.constant 0 : i32
    %dma_start3A_131 = tpu.memref_slice %arg7[%dma_start3A_125, %dma_start3A_130] : memref<50x128xi32, #tpu.memory_space<vmem>> -> memref<1x128xi32, #tpu.memory_space<vmem>>
    %dma_start3A_132 = tpu.memref_squeeze %dma_start3A_131 : memref<1x128xi32, #tpu.memory_space<vmem>> -> memref<128xi32, #tpu.memory_space<vmem>>
    %dma_start3A_133 = tpu.memref_slice %arg2[%add3A_124] : memref<204800xi32, #tpu.memory_space<hbm>> -> memref<128xi32, #tpu.memory_space<hbm>>
    tpu.enqueue_dma source(%dma_start3A_133 : memref<128xi32, #tpu.memory_space<hbm>>) target(%dma_start3A_132 : memref<128xi32, #tpu.memory_space<vmem>>) target_semaphore(%arg12 : memref<!tpu.dma_semaphore, #tpu.memory_space<semaphore_mem>>)
    %add3A_134 = arith.constant 49152 : i32
    %add3A_135 = arith.addi %add3A_134, %mul3A_2 : i32
    %dma_start3A_136 = arith.constant 12 : i32
    %dma_start3A_137 = arith.constant 0 : i32
    %dma_start3A_138 = tpu.memref_slice %arg7[%dma_start3A_136, %dma_start3A_137] : memref<50x128xi32, #tpu.memory_space<vmem>> -> memref<1x128xi32, #tpu.memory_space<vmem>>
    %dma_start3A_139 = tpu.memref_squeeze %dma_start3A_138 : memref<1x128xi32, #tpu.memory_space<vmem>> -> memref<128xi32, #tpu.memory_space<vmem>>
    %dma_start3A_140 = tpu.memref_slice %arg2[%add3A_135] : memref<204800xi32, #tpu.memory_space<hbm>> -> memref<128xi32, #tpu.memory_space<hbm>>
    %dma_start3A_141 = arith.constant 0 : i32
    %dma_start3A_142 = tpu.memref_slice %arg7[%dma_start3A_136, %dma_start3A_141] : memref<50x128xi32, #tpu.memory_space<vmem>> -> memref<1x128xi32, #tpu.memory_space<vmem>>
    %dma_start3A_143 = tpu.memref_squeeze %dma_start3A_142 : memref<1x128xi32, #tpu.memory_space<vmem>> -> memref<128xi32, #tpu.memory_space<vmem>>
    %dma_start3A_144 = tpu.memref_slice %arg2[%add3A_135] : memref<204800xi32, #tpu.memory_space<hbm>> -> memref<128xi32, #tpu.memory_space<hbm>>
    tpu.enqueue_dma source(%dma_start3A_144 : memref<128xi32, #tpu.memory_space<hbm>>) target(%dma_start3A_143 : memref<128xi32, #tpu.memory_space<vmem>>) target_semaphore(%arg12 : memref<!tpu.dma_semaphore, #tpu.memory_space<semaphore_mem>>)
    %add3A_145 = arith.constant 53248 : i32
    %add3A_146 = arith.addi %add3A_145, %mul3A_2 : i32
    %dma_start3A_147 = arith.constant 13 : i32
    %dma_start3A_148 = arith.constant 0 : i32
    %dma_start3A_149 = tpu.memref_slice %arg7[%dma_start3A_147, %dma_start3A_148] : memref<50x128xi32, #tpu.memory_space<vmem>> -> memref<1x128xi32, #tpu.memory_space<vmem>>
    %dma_start3A_150 = tpu.memref_squeeze %dma_start3A_149 : memref<1x128xi32, #tpu.memory_space<vmem>> -> memref<128xi32, #tpu.memory_space<vmem>>
    %dma_start3A_151 = tpu.memref_slice %arg2[%add3A_146] : memref<204800xi32, #tpu.memory_space<hbm>> -> memref<128xi32, #tpu.memory_space<hbm>>
    %dma_start3A_152 = arith.constant 0 : i32
    %dma_start3A_153 = tpu.memref_slice %arg7[%dma_start3A_147, %dma_start3A_152] : memref<50x128xi32, #tpu.memory_space<vmem>> -> memref<1x128xi32, #tpu.memory_space<vmem>>
    %dma_start3A_154 = tpu.memref_squeeze %dma_start3A_153 : memref<1x128xi32, #tpu.memory_space<vmem>> -> memref<128xi32, #tpu.memory_space<vmem>>
    %dma_start3A_155 = tpu.memref_slice %arg2[%add3A_146] : memref<204800xi32, #tpu.memory_space<hbm>> -> memref<128xi32, #tpu.memory_space<hbm>>
    tpu.enqueue_dma source(%dma_start3A_155 : memref<128xi32, #tpu.memory_space<hbm>>) target(%dma_start3A_154 : memref<128xi32, #tpu.memory_space<vmem>>) target_semaphore(%arg12 : memref<!tpu.dma_semaphore, #tpu.memory_space<semaphore_mem>>)
    %add3A_156 = arith.constant 57344 : i32
    %add3A_157 = arith.addi %add3A_156, %mul3A_2 : i32
    %dma_start3A_158 = arith.constant 14 : i32
    %dma_start3A_159 = arith.constant 0 : i32
    %dma_start3A_160 = tpu.memref_slice %arg7[%dma_start3A_158, %dma_start3A_159] : memref<50x128xi32, #tpu.memory_space<vmem>> -> memref<1x128xi32, #tpu.memory_space<vmem>>
    %dma_start3A_161 = tpu.memref_squeeze %dma_start3A_160 : memref<1x128xi32, #tpu.memory_space<vmem>> -> memref<128xi32, #tpu.memory_space<vmem>>
    %dma_start3A_162 = tpu.memref_slice %arg2[%add3A_157] : memref<204800xi32, #tpu.memory_space<hbm>> -> memref<128xi32, #tpu.memory_space<hbm>>
    %dma_start3A_163 = arith.constant 0 : i32
    %dma_start3A_164 = tpu.memref_slice %arg7[%dma_start3A_158, %dma_start3A_163] : memref<50x128xi32, #tpu.memory_space<vmem>> -> memref<1x128xi32, #tpu.memory_space<vmem>>
    %dma_start3A_165 = tpu.memref_squeeze %dma_start3A_164 : memref<1x128xi32, #tpu.memory_space<vmem>> -> memref<128xi32, #tpu.memory_space<vmem>>
    %dma_start3A_166 = tpu.memref_slice %arg2[%add3A_157] : memref<204800xi32, #tpu.memory_space<hbm>> -> memref<128xi32, #tpu.memory_space<hbm>>
    tpu.enqueue_dma source(%dma_start3A_166 : memref<128xi32, #tpu.memory_space<hbm>>) target(%dma_start3A_165 : memref<128xi32, #tpu.memory_space<vmem>>) target_semaphore(%arg12 : memref<!tpu.dma_semaphore, #tpu.memory_space<semaphore_mem>>)
    %add3A_167 = arith.constant 61440 : i32
    %add3A_168 = arith.addi %add3A_167, %mul3A_2 : i32
    %dma_start3A_169 = arith.constant 15 : i32
    %dma_start3A_170 = arith.constant 0 : i32
    %dma_start3A_171 = tpu.memref_slice %arg7[%dma_start3A_169, %dma_start3A_170] : memref<50x128xi32, #tpu.memory_space<vmem>> -> memref<1x128xi32, #tpu.memory_space<vmem>>
    %dma_start3A_172 = tpu.memref_squeeze %dma_start3A_171 : memref<1x128xi32, #tpu.memory_space<vmem>> -> memref<128xi32, #tpu.memory_space<vmem>>
    %dma_start3A_173 = tpu.memref_slice %arg2[%add3A_168] : memref<204800xi32, #tpu.memory_space<hbm>> -> memref<128xi32, #tpu.memory_space<hbm>>
    %dma_start3A_174 = arith.constant 0 : i32
    %dma_start3A_175 = tpu.memref_slice %arg7[%dma_start3A_169, %dma_start3A_174] : memref<50x128xi32, #tpu.memory_space<vmem>> -> memref<1x128xi32, #tpu.memory_space<vmem>>
    %dma_start3A_176 = tpu.memref_squeeze %dma_start3A_175 : memref<1x128xi32, #tpu.memory_space<vmem>> -> memref<128xi32, #tpu.memory_space<vmem>>
    %dma_start3A_177 = tpu.memref_slice %arg2[%add3A_168] : memref<204800xi32, #tpu.memory_space<hbm>> -> memref<128xi32, #tpu.memory_space<hbm>>
    tpu.enqueue_dma source(%dma_start3A_177 : memref<128xi32, #tpu.memory_space<hbm>>) target(%dma_start3A_176 : memref<128xi32, #tpu.memory_space<vmem>>) target_semaphore(%arg12 : memref<!tpu.dma_semaphore, #tpu.memory_space<semaphore_mem>>)
    %add3A_178 = arith.constant 65536 : i32
    %add3A_179 = arith.addi %add3A_178, %mul3A_2 : i32
    %dma_start3A_180 = arith.constant 16 : i32
    %dma_start3A_181 = arith.constant 0 : i32
    %dma_start3A_182 = tpu.memref_slice %arg7[%dma_start3A_180, %dma_start3A_181] : memref<50x128xi32, #tpu.memory_space<vmem>> -> memref<1x128xi32, #tpu.memory_space<vmem>>
    %dma_start3A_183 = tpu.memref_squeeze %dma_start3A_182 : memref<1x128xi32, #tpu.memory_space<vmem>> -> memref<128xi32, #tpu.memory_space<vmem>>
    %dma_start3A_184 = tpu.memref_slice %arg2[%add3A_179] : memref<204800xi32, #tpu.memory_space<hbm>> -> memref<128xi32, #tpu.memory_space<hbm>>
    %dma_start3A_185 = arith.constant 0 : i32
    %dma_start3A_186 = tpu.memref_slice %arg7[%dma_start3A_180, %dma_start3A_185] : memref<50x128xi32, #tpu.memory_space<vmem>> -> memref<1x128xi32, #tpu.memory_space<vmem>>
    %dma_start3A_187 = tpu.memref_squeeze %dma_start3A_186 : memref<1x128xi32, #tpu.memory_space<vmem>> -> memref<128xi32, #tpu.memory_space<vmem>>
    %dma_start3A_188 = tpu.memref_slice %arg2[%add3A_179] : memref<204800xi32, #tpu.memory_space<hbm>> -> memref<128xi32, #tpu.memory_space<hbm>>
    tpu.enqueue_dma source(%dma_start3A_188 : memref<128xi32, #tpu.memory_space<hbm>>) target(%dma_start3A_187 : memref<128xi32, #tpu.memory_space<vmem>>) target_semaphore(%arg12 : memref<!tpu.dma_semaphore, #tpu.memory_space<semaphore_mem>>)
    %add3A_189 = arith.constant 69632 : i32
    %add3A_190 = arith.addi %add3A_189, %mul3A_2 : i32
    %dma_start3A_191 = arith.constant 17 : i32
    %dma_start3A_192 = arith.constant 0 : i32
    %dma_start3A_193 = tpu.memref_slice %arg7[%dma_start3A_191, %dma_start3A_192] : memref<50x128xi32, #tpu.memory_space<vmem>> -> memref<1x128xi32, #tpu.memory_space<vmem>>
    %dma_start3A_194 = tpu.memref_squeeze %dma_start3A_193 : memref<1x128xi32, #tpu.memory_space<vmem>> -> memref<128xi32, #tpu.memory_space<vmem>>
    %dma_start3A_195 = tpu.memref_slice %arg2[%add3A_190] : memref<204800xi32, #tpu.memory_space<hbm>> -> memref<128xi32, #tpu.memory_space<hbm>>
    %dma_start3A_196 = arith.constant 0 : i32
    %dma_start3A_197 = tpu.memref_slice %arg7[%dma_start3A_191, %dma_start3A_196] : memref<50x128xi32, #tpu.memory_space<vmem>> -> memref<1x128xi32, #tpu.memory_space<vmem>>
    %dma_start3A_198 = tpu.memref_squeeze %dma_start3A_197 : memref<1x128xi32, #tpu.memory_space<vmem>> -> memref<128xi32, #tpu.memory_space<vmem>>
    %dma_start3A_199 = tpu.memref_slice %arg2[%add3A_190] : memref<204800xi32, #tpu.memory_space<hbm>> -> memref<128xi32, #tpu.memory_space<hbm>>
    tpu.enqueue_dma source(%dma_start3A_199 : memref<128xi32, #tpu.memory_space<hbm>>) target(%dma_start3A_198 : memref<128xi32, #tpu.memory_space<vmem>>) target_semaphore(%arg12 : memref<!tpu.dma_semaphore, #tpu.memory_space<semaphore_mem>>)
    %add3A_200 = arith.constant 73728 : i32
    %add3A_201 = arith.addi %add3A_200, %mul3A_2 : i32
    %dma_start3A_202 = arith.constant 18 : i32
    %dma_start3A_203 = arith.constant 0 : i32
    %dma_start3A_204 = tpu.memref_slice %arg7[%dma_start3A_202, %dma_start3A_203] : memref<50x128xi32, #tpu.memory_space<vmem>> -> memref<1x128xi32, #tpu.memory_space<vmem>>
    %dma_start3A_205 = tpu.memref_squeeze %dma_start3A_204 : memref<1x128xi32, #tpu.memory_space<vmem>> -> memref<128xi32, #tpu.memory_space<vmem>>
    %dma_start3A_206 = tpu.memref_slice %arg2[%add3A_201] : memref<204800xi32, #tpu.memory_space<hbm>> -> memref<128xi32, #tpu.memory_space<hbm>>
    %dma_start3A_207 = arith.constant 0 : i32
    %dma_start3A_208 = tpu.memref_slice %arg7[%dma_start3A_202, %dma_start3A_207] : memref<50x128xi32, #tpu.memory_space<vmem>> -> memref<1x128xi32, #tpu.memory_space<vmem>>
    %dma_start3A_209 = tpu.memref_squeeze %dma_start3A_208 : memref<1x128xi32, #tpu.memory_space<vmem>> -> memref<128xi32, #tpu.memory_space<vmem>>
    %dma_start3A_210 = tpu.memref_slice %arg2[%add3A_201] : memref<204800xi32, #tpu.memory_space<hbm>> -> memref<128xi32, #tpu.memory_space<hbm>>
    tpu.enqueue_dma source(%dma_start3A_210 : memref<128xi32, #tpu.memory_space<hbm>>) target(%dma_start3A_209 : memref<128xi32, #tpu.memory_space<vmem>>) target_semaphore(%arg12 : memref<!tpu.dma_semaphore, #tpu.memory_space<semaphore_mem>>)
    %add3A_211 = arith.constant 77824 : i32
    %add3A_212 = arith.addi %add3A_211, %mul3A_2 : i32
    %dma_start3A_213 = arith.constant 19 : i32
    %dma_start3A_214 = arith.constant 0 : i32
    %dma_start3A_215 = tpu.memref_slice %arg7[%dma_start3A_213, %dma_start3A_214] : memref<50x128xi32, #tpu.memory_space<vmem>> -> memref<1x128xi32, #tpu.memory_space<vmem>>
    %dma_start3A_216 = tpu.memref_squeeze %dma_start3A_215 : memref<1x128xi32, #tpu.memory_space<vmem>> -> memref<128xi32, #tpu.memory_space<vmem>>
    %dma_start3A_217 = tpu.memref_slice %arg2[%add3A_212] : memref<204800xi32, #tpu.memory_space<hbm>> -> memref<128xi32, #tpu.memory_space<hbm>>
    %dma_start3A_218 = arith.constant 0 : i32
    %dma_start3A_219 = tpu.memref_slice %arg7[%dma_start3A_213, %dma_start3A_218] : memref<50x128xi32, #tpu.memory_space<vmem>> -> memref<1x128xi32, #tpu.memory_space<vmem>>
    %dma_start3A_220 = tpu.memref_squeeze %dma_start3A_219 : memref<1x128xi32, #tpu.memory_space<vmem>> -> memref<128xi32, #tpu.memory_space<vmem>>
    %dma_start3A_221 = tpu.memref_slice %arg2[%add3A_212] : memref<204800xi32, #tpu.memory_space<hbm>> -> memref<128xi32, #tpu.memory_space<hbm>>
    tpu.enqueue_dma source(%dma_start3A_221 : memref<128xi32, #tpu.memory_space<hbm>>) target(%dma_start3A_220 : memref<128xi32, #tpu.memory_space<vmem>>) target_semaphore(%arg12 : memref<!tpu.dma_semaphore, #tpu.memory_space<semaphore_mem>>)
    %add3A_222 = arith.constant 81920 : i32
    %add3A_223 = arith.addi %add3A_222, %mul3A_2 : i32
    %dma_start3A_224 = arith.constant 20 : i32
    %dma_start3A_225 = arith.constant 0 : i32
    %dma_start3A_226 = tpu.memref_slice %arg7[%dma_start3A_224, %dma_start3A_225] : memref<50x128xi32, #tpu.memory_space<vmem>> -> memref<1x128xi32, #tpu.memory_space<vmem>>
    %dma_start3A_227 = tpu.memref_squeeze %dma_start3A_226 : memref<1x128xi32, #tpu.memory_space<vmem>> -> memref<128xi32, #tpu.memory_space<vmem>>
    %dma_start3A_228 = tpu.memref_slice %arg2[%add3A_223] : memref<204800xi32, #tpu.memory_space<hbm>> -> memref<128xi32, #tpu.memory_space<hbm>>
    %dma_start3A_229 = arith.constant 0 : i32
    %dma_start3A_230 = tpu.memref_slice %arg7[%dma_start3A_224, %dma_start3A_229] : memref<50x128xi32, #tpu.memory_space<vmem>> -> memref<1x128xi32, #tpu.memory_space<vmem>>
    %dma_start3A_231 = tpu.memref_squeeze %dma_start3A_230 : memref<1x128xi32, #tpu.memory_space<vmem>> -> memref<128xi32, #tpu.memory_space<vmem>>
    %dma_start3A_232 = tpu.memref_slice %arg2[%add3A_223] : memref<204800xi32, #tpu.memory_space<hbm>> -> memref<128xi32, #tpu.memory_space<hbm>>
    tpu.enqueue_dma source(%dma_start3A_232 : memref<128xi32, #tpu.memory_space<hbm>>) target(%dma_start3A_231 : memref<128xi32, #tpu.memory_space<vmem>>) target_semaphore(%arg12 : memref<!tpu.dma_semaphore, #tpu.memory_space<semaphore_mem>>)
    %add3A_233 = arith.constant 86016 : i32
    %add3A_234 = arith.addi %add3A_233, %mul3A_2 : i32
    %dma_start3A_235 = arith.constant 21 : i32
    %dma_start3A_236 = arith.constant 0 : i32
    %dma_start3A_237 = tpu.memref_slice %arg7[%dma_start3A_235, %dma_start3A_236] : memref<50x128xi32, #tpu.memory_space<vmem>> -> memref<1x128xi32, #tpu.memory_space<vmem>>
    %dma_start3A_238 = tpu.memref_squeeze %dma_start3A_237 : memref<1x128xi32, #tpu.memory_space<vmem>> -> memref<128xi32, #tpu.memory_space<vmem>>
    %dma_start3A_239 = tpu.memref_slice %arg2[%add3A_234] : memref<204800xi32, #tpu.memory_space<hbm>> -> memref<128xi32, #tpu.memory_space<hbm>>
    %dma_start3A_240 = arith.constant 0 : i32
    %dma_start3A_241 = tpu.memref_slice %arg7[%dma_start3A_235, %dma_start3A_240] : memref<50x128xi32, #tpu.memory_space<vmem>> -> memref<1x128xi32, #tpu.memory_space<vmem>>
    %dma_start3A_242 = tpu.memref_squeeze %dma_start3A_241 : memref<1x128xi32, #tpu.memory_space<vmem>> -> memref<128xi32, #tpu.memory_space<vmem>>
    %dma_start3A_243 = tpu.memref_slice %arg2[%add3A_234] : memref<204800xi32, #tpu.memory_space<hbm>> -> memref<128xi32, #tpu.memory_space<hbm>>
    tpu.enqueue_dma source(%dma_start3A_243 : memref<128xi32, #tpu.memory_space<hbm>>) target(%dma_start3A_242 : memref<128xi32, #tpu.memory_space<vmem>>) target_semaphore(%arg12 : memref<!tpu.dma_semaphore, #tpu.memory_space<semaphore_mem>>)
    %add3A_244 = arith.constant 90112 : i32
    %add3A_245 = arith.addi %add3A_244, %mul3A_2 : i32
    %dma_start3A_246 = arith.constant 22 : i32
    %dma_start3A_247 = arith.constant 0 : i32
    %dma_start3A_248 = tpu.memref_slice %arg7[%dma_start3A_246, %dma_start3A_247] : memref<50x128xi32, #tpu.memory_space<vmem>> -> memref<1x128xi32, #tpu.memory_space<vmem>>
    %dma_start3A_249 = tpu.memref_squeeze %dma_start3A_248 : memref<1x128xi32, #tpu.memory_space<vmem>> -> memref<128xi32, #tpu.memory_space<vmem>>
    %dma_start3A_250 = tpu.memref_slice %arg2[%add3A_245] : memref<204800xi32, #tpu.memory_space<hbm>> -> memref<128xi32, #tpu.memory_space<hbm>>
    %dma_start3A_251 = arith.constant 0 : i32
    %dma_start3A_252 = tpu.memref_slice %arg7[%dma_start3A_246, %dma_start3A_251] : memref<50x128xi32, #tpu.memory_space<vmem>> -> memref<1x128xi32, #tpu.memory_space<vmem>>
    %dma_start3A_253 = tpu.memref_squeeze %dma_start3A_252 : memref<1x128xi32, #tpu.memory_space<vmem>> -> memref<128xi32, #tpu.memory_space<vmem>>
    %dma_start3A_254 = tpu.memref_slice %arg2[%add3A_245] : memref<204800xi32, #tpu.memory_space<hbm>> -> memref<128xi32, #tpu.memory_space<hbm>>
    tpu.enqueue_dma source(%dma_start3A_254 : memref<128xi32, #tpu.memory_space<hbm>>) target(%dma_start3A_253 : memref<128xi32, #tpu.memory_space<vmem>>) target_semaphore(%arg12 : memref<!tpu.dma_semaphore, #tpu.memory_space<semaphore_mem>>)
    %add3A_255 = arith.constant 94208 : i32
    %add3A_256 = arith.addi %add3A_255, %mul3A_2 : i32
    %dma_start3A_257 = arith.constant 23 : i32
    %dma_start3A_258 = arith.constant 0 : i32
    %dma_start3A_259 = tpu.memref_slice %arg7[%dma_start3A_257, %dma_start3A_258] : memref<50x128xi32, #tpu.memory_space<vmem>> -> memref<1x128xi32, #tpu.memory_space<vmem>>
    %dma_start3A_260 = tpu.memref_squeeze %dma_start3A_259 : memref<1x128xi32, #tpu.memory_space<vmem>> -> memref<128xi32, #tpu.memory_space<vmem>>
    %dma_start3A_261 = tpu.memref_slice %arg2[%add3A_256] : memref<204800xi32, #tpu.memory_space<hbm>> -> memref<128xi32, #tpu.memory_space<hbm>>
    %dma_start3A_262 = arith.constant 0 : i32
    %dma_start3A_263 = tpu.memref_slice %arg7[%dma_start3A_257, %dma_start3A_262] : memref<50x128xi32, #tpu.memory_space<vmem>> -> memref<1x128xi32, #tpu.memory_space<vmem>>
    %dma_start3A_264 = tpu.memref_squeeze %dma_start3A_263 : memref<1x128xi32, #tpu.memory_space<vmem>> -> memref<128xi32, #tpu.memory_space<vmem>>
    %dma_start3A_265 = tpu.memref_slice %arg2[%add3A_256] : memref<204800xi32, #tpu.memory_space<hbm>> -> memref<128xi32, #tpu.memory_space<hbm>>
    tpu.enqueue_dma source(%dma_start3A_265 : memref<128xi32, #tpu.memory_space<hbm>>) target(%dma_start3A_264 : memref<128xi32, #tpu.memory_space<vmem>>) target_semaphore(%arg12 : memref<!tpu.dma_semaphore, #tpu.memory_space<semaphore_mem>>)
    %add3A_266 = arith.constant 98304 : i32
    %add3A_267 = arith.addi %add3A_266, %mul3A_2 : i32
    %dma_start3A_268 = arith.constant 24 : i32
    %dma_start3A_269 = arith.constant 0 : i32
    %dma_start3A_270 = tpu.memref_slice %arg7[%dma_start3A_268, %dma_start3A_269] : memref<50x128xi32, #tpu.memory_space<vmem>> -> memref<1x128xi32, #tpu.memory_space<vmem>>
    %dma_start3A_271 = tpu.memref_squeeze %dma_start3A_270 : memref<1x128xi32, #tpu.memory_space<vmem>> -> memref<128xi32, #tpu.memory_space<vmem>>
    %dma_start3A_272 = tpu.memref_slice %arg2[%add3A_267] : memref<204800xi32, #tpu.memory_space<hbm>> -> memref<128xi32, #tpu.memory_space<hbm>>
    %dma_start3A_273 = arith.constant 0 : i32
    %dma_start3A_274 = tpu.memref_slice %arg7[%dma_start3A_268, %dma_start3A_273] : memref<50x128xi32, #tpu.memory_space<vmem>> -> memref<1x128xi32, #tpu.memory_space<vmem>>
    %dma_start3A_275 = tpu.memref_squeeze %dma_start3A_274 : memref<1x128xi32, #tpu.memory_space<vmem>> -> memref<128xi32, #tpu.memory_space<vmem>>
    %dma_start3A_276 = tpu.memref_slice %arg2[%add3A_267] : memref<204800xi32, #tpu.memory_space<hbm>> -> memref<128xi32, #tpu.memory_space<hbm>>
    tpu.enqueue_dma source(%dma_start3A_276 : memref<128xi32, #tpu.memory_space<hbm>>) target(%dma_start3A_275 : memref<128xi32, #tpu.memory_space<vmem>>) target_semaphore(%arg12 : memref<!tpu.dma_semaphore, #tpu.memory_space<semaphore_mem>>)
    %add3A_277 = arith.constant 102400 : i32
    %add3A_278 = arith.addi %add3A_277, %mul3A_2 : i32
    %dma_start3A_279 = arith.constant 25 : i32
    %dma_start3A_280 = arith.constant 0 : i32
    %dma_start3A_281 = tpu.memref_slice %arg7[%dma_start3A_279, %dma_start3A_280] : memref<50x128xi32, #tpu.memory_space<vmem>> -> memref<1x128xi32, #tpu.memory_space<vmem>>
    %dma_start3A_282 = tpu.memref_squeeze %dma_start3A_281 : memref<1x128xi32, #tpu.memory_space<vmem>> -> memref<128xi32, #tpu.memory_space<vmem>>
    %dma_start3A_283 = tpu.memref_slice %arg2[%add3A_278] : memref<204800xi32, #tpu.memory_space<hbm>> -> memref<128xi32, #tpu.memory_space<hbm>>
    %dma_start3A_284 = arith.constant 0 : i32
    %dma_start3A_285 = tpu.memref_slice %arg7[%dma_start3A_279, %dma_start3A_284] : memref<50x128xi32, #tpu.memory_space<vmem>> -> memref<1x128xi32, #tpu.memory_space<vmem>>
    %dma_start3A_286 = tpu.memref_squeeze %dma_start3A_285 : memref<1x128xi32, #tpu.memory_space<vmem>> -> memref<128xi32, #tpu.memory_space<vmem>>
    %dma_start3A_287 = tpu.memref_slice %arg2[%add3A_278] : memref<204800xi32, #tpu.memory_space<hbm>> -> memref<128xi32, #tpu.memory_space<hbm>>
    tpu.enqueue_dma source(%dma_start3A_287 : memref<128xi32, #tpu.memory_space<hbm>>) target(%dma_start3A_286 : memref<128xi32, #tpu.memory_space<vmem>>) target_semaphore(%arg12 : memref<!tpu.dma_semaphore, #tpu.memory_space<semaphore_mem>>)
    %add3A_288 = arith.constant 106496 : i32
    %add3A_289 = arith.addi %add3A_288, %mul3A_2 : i32
    %dma_start3A_290 = arith.constant 26 : i32
    %dma_start3A_291 = arith.constant 0 : i32
    %dma_start3A_292 = tpu.memref_slice %arg7[%dma_start3A_290, %dma_start3A_291] : memref<50x128xi32, #tpu.memory_space<vmem>> -> memref<1x128xi32, #tpu.memory_space<vmem>>
    %dma_start3A_293 = tpu.memref_squeeze %dma_start3A_292 : memref<1x128xi32, #tpu.memory_space<vmem>> -> memref<128xi32, #tpu.memory_space<vmem>>
    %dma_start3A_294 = tpu.memref_slice %arg2[%add3A_289] : memref<204800xi32, #tpu.memory_space<hbm>> -> memref<128xi32, #tpu.memory_space<hbm>>
    %dma_start3A_295 = arith.constant 0 : i32
    %dma_start3A_296 = tpu.memref_slice %arg7[%dma_start3A_290, %dma_start3A_295] : memref<50x128xi32, #tpu.memory_space<vmem>> -> memref<1x128xi32, #tpu.memory_space<vmem>>
    %dma_start3A_297 = tpu.memref_squeeze %dma_start3A_296 : memref<1x128xi32, #tpu.memory_space<vmem>> -> memref<128xi32, #tpu.memory_space<vmem>>
    %dma_start3A_298 = tpu.memref_slice %arg2[%add3A_289] : memref<204800xi32, #tpu.memory_space<hbm>> -> memref<128xi32, #tpu.memory_space<hbm>>
    tpu.enqueue_dma source(%dma_start3A_298 : memref<128xi32, #tpu.memory_space<hbm>>) target(%dma_start3A_297 : memref<128xi32, #tpu.memory_space<vmem>>) target_semaphore(%arg12 : memref<!tpu.dma_semaphore, #tpu.memory_space<semaphore_mem>>)
    %add3A_299 = arith.constant 110592 : i32
    %add3A_300 = arith.addi %add3A_299, %mul3A_2 : i32
    %dma_start3A_301 = arith.constant 27 : i32
    %dma_start3A_302 = arith.constant 0 : i32
    %dma_start3A_303 = tpu.memref_slice %arg7[%dma_start3A_301, %dma_start3A_302] : memref<50x128xi32, #tpu.memory_space<vmem>> -> memref<1x128xi32, #tpu.memory_space<vmem>>
    %dma_start3A_304 = tpu.memref_squeeze %dma_start3A_303 : memref<1x128xi32, #tpu.memory_space<vmem>> -> memref<128xi32, #tpu.memory_space<vmem>>
    %dma_start3A_305 = tpu.memref_slice %arg2[%add3A_300] : memref<204800xi32, #tpu.memory_space<hbm>> -> memref<128xi32, #tpu.memory_space<hbm>>
    %dma_start3A_306 = arith.constant 0 : i32
    %dma_start3A_307 = tpu.memref_slice %arg7[%dma_start3A_301, %dma_start3A_306] : memref<50x128xi32, #tpu.memory_space<vmem>> -> memref<1x128xi32, #tpu.memory_space<vmem>>
    %dma_start3A_308 = tpu.memref_squeeze %dma_start3A_307 : memref<1x128xi32, #tpu.memory_space<vmem>> -> memref<128xi32, #tpu.memory_space<vmem>>
    %dma_start3A_309 = tpu.memref_slice %arg2[%add3A_300] : memref<204800xi32, #tpu.memory_space<hbm>> -> memref<128xi32, #tpu.memory_space<hbm>>
    tpu.enqueue_dma source(%dma_start3A_309 : memref<128xi32, #tpu.memory_space<hbm>>) target(%dma_start3A_308 : memref<128xi32, #tpu.memory_space<vmem>>) target_semaphore(%arg12 : memref<!tpu.dma_semaphore, #tpu.memory_space<semaphore_mem>>)
    %add3A_310 = arith.constant 114688 : i32
    %add3A_311 = arith.addi %add3A_310, %mul3A_2 : i32
    %dma_start3A_312 = arith.constant 28 : i32
    %dma_start3A_313 = arith.constant 0 : i32
    %dma_start3A_314 = tpu.memref_slice %arg7[%dma_start3A_312, %dma_start3A_313] : memref<50x128xi32, #tpu.memory_space<vmem>> -> memref<1x128xi32, #tpu.memory_space<vmem>>
    %dma_start3A_315 = tpu.memref_squeeze %dma_start3A_314 : memref<1x128xi32, #tpu.memory_space<vmem>> -> memref<128xi32, #tpu.memory_space<vmem>>
    %dma_start3A_316 = tpu.memref_slice %arg2[%add3A_311] : memref<204800xi32, #tpu.memory_space<hbm>> -> memref<128xi32, #tpu.memory_space<hbm>>
    %dma_start3A_317 = arith.constant 0 : i32
    %dma_start3A_318 = tpu.memref_slice %arg7[%dma_start3A_312, %dma_start3A_317] : memref<50x128xi32, #tpu.memory_space<vmem>> -> memref<1x128xi32, #tpu.memory_space<vmem>>
    %dma_start3A_319 = tpu.memref_squeeze %dma_start3A_318 : memref<1x128xi32, #tpu.memory_space<vmem>> -> memref<128xi32, #tpu.memory_space<vmem>>
    %dma_start3A_320 = tpu.memref_slice %arg2[%add3A_311] : memref<204800xi32, #tpu.memory_space<hbm>> -> memref<128xi32, #tpu.memory_space<hbm>>
    tpu.enqueue_dma source(%dma_start3A_320 : memref<128xi32, #tpu.memory_space<hbm>>) target(%dma_start3A_319 : memref<128xi32, #tpu.memory_space<vmem>>) target_semaphore(%arg12 : memref<!tpu.dma_semaphore, #tpu.memory_space<semaphore_mem>>)
    %add3A_321 = arith.constant 118784 : i32
    %add3A_322 = arith.addi %add3A_321, %mul3A_2 : i32
    %dma_start3A_323 = arith.constant 29 : i32
    %dma_start3A_324 = arith.constant 0 : i32
    %dma_start3A_325 = tpu.memref_slice %arg7[%dma_start3A_323, %dma_start3A_324] : memref<50x128xi32, #tpu.memory_space<vmem>> -> memref<1x128xi32, #tpu.memory_space<vmem>>
    %dma_start3A_326 = tpu.memref_squeeze %dma_start3A_325 : memref<1x128xi32, #tpu.memory_space<vmem>> -> memref<128xi32, #tpu.memory_space<vmem>>
    %dma_start3A_327 = tpu.memref_slice %arg2[%add3A_322] : memref<204800xi32, #tpu.memory_space<hbm>> -> memref<128xi32, #tpu.memory_space<hbm>>
    %dma_start3A_328 = arith.constant 0 : i32
    %dma_start3A_329 = tpu.memref_slice %arg7[%dma_start3A_323, %dma_start3A_328] : memref<50x128xi32, #tpu.memory_space<vmem>> -> memref<1x128xi32, #tpu.memory_space<vmem>>
    %dma_start3A_330 = tpu.memref_squeeze %dma_start3A_329 : memref<1x128xi32, #tpu.memory_space<vmem>> -> memref<128xi32, #tpu.memory_space<vmem>>
    %dma_start3A_331 = tpu.memref_slice %arg2[%add3A_322] : memref<204800xi32, #tpu.memory_space<hbm>> -> memref<128xi32, #tpu.memory_space<hbm>>
    tpu.enqueue_dma source(%dma_start3A_331 : memref<128xi32, #tpu.memory_space<hbm>>) target(%dma_start3A_330 : memref<128xi32, #tpu.memory_space<vmem>>) target_semaphore(%arg12 : memref<!tpu.dma_semaphore, #tpu.memory_space<semaphore_mem>>)
    %add3A_332 = arith.constant 122880 : i32
    %add3A_333 = arith.addi %add3A_332, %mul3A_2 : i32
    %dma_start3A_334 = arith.constant 30 : i32
    %dma_start3A_335 = arith.constant 0 : i32
    %dma_start3A_336 = tpu.memref_slice %arg7[%dma_start3A_334, %dma_start3A_335] : memref<50x128xi32, #tpu.memory_space<vmem>> -> memref<1x128xi32, #tpu.memory_space<vmem>>
    %dma_start3A_337 = tpu.memref_squeeze %dma_start3A_336 : memref<1x128xi32, #tpu.memory_space<vmem>> -> memref<128xi32, #tpu.memory_space<vmem>>
    %dma_start3A_338 = tpu.memref_slice %arg2[%add3A_333] : memref<204800xi32, #tpu.memory_space<hbm>> -> memref<128xi32, #tpu.memory_space<hbm>>
    %dma_start3A_339 = arith.constant 0 : i32
    %dma_start3A_340 = tpu.memref_slice %arg7[%dma_start3A_334, %dma_start3A_339] : memref<50x128xi32, #tpu.memory_space<vmem>> -> memref<1x128xi32, #tpu.memory_space<vmem>>
    %dma_start3A_341 = tpu.memref_squeeze %dma_start3A_340 : memref<1x128xi32, #tpu.memory_space<vmem>> -> memref<128xi32, #tpu.memory_space<vmem>>
    %dma_start3A_342 = tpu.memref_slice %arg2[%add3A_333] : memref<204800xi32, #tpu.memory_space<hbm>> -> memref<128xi32, #tpu.memory_space<hbm>>
    tpu.enqueue_dma source(%dma_start3A_342 : memref<128xi32, #tpu.memory_space<hbm>>) target(%dma_start3A_341 : memref<128xi32, #tpu.memory_space<vmem>>) target_semaphore(%arg12 : memref<!tpu.dma_semaphore, #tpu.memory_space<semaphore_mem>>)
    %add3A_343 = arith.constant 126976 : i32
    %add3A_344 = arith.addi %add3A_343, %mul3A_2 : i32
    %dma_start3A_345 = arith.constant 31 : i32
    %dma_start3A_346 = arith.constant 0 : i32
    %dma_start3A_347 = tpu.memref_slice %arg7[%dma_start3A_345, %dma_start3A_346] : memref<50x128xi32, #tpu.memory_space<vmem>> -> memref<1x128xi32, #tpu.memory_space<vmem>>
    %dma_start3A_348 = tpu.memref_squeeze %dma_start3A_347 : memref<1x128xi32, #tpu.memory_space<vmem>> -> memref<128xi32, #tpu.memory_space<vmem>>
    %dma_start3A_349 = tpu.memref_slice %arg2[%add3A_344] : memref<204800xi32, #tpu.memory_space<hbm>> -> memref<128xi32, #tpu.memory_space<hbm>>
    %dma_start3A_350 = arith.constant 0 : i32
    %dma_start3A_351 = tpu.memref_slice %arg7[%dma_start3A_345, %dma_start3A_350] : memref<50x128xi32, #tpu.memory_space<vmem>> -> memref<1x128xi32, #tpu.memory_space<vmem>>
    %dma_start3A_352 = tpu.memref_squeeze %dma_start3A_351 : memref<1x128xi32, #tpu.memory_space<vmem>> -> memref<128xi32, #tpu.memory_space<vmem>>
    %dma_start3A_353 = tpu.memref_slice %arg2[%add3A_344] : memref<204800xi32, #tpu.memory_space<hbm>> -> memref<128xi32, #tpu.memory_space<hbm>>
    tpu.enqueue_dma source(%dma_start3A_353 : memref<128xi32, #tpu.memory_space<hbm>>) target(%dma_start3A_352 : memref<128xi32, #tpu.memory_space<vmem>>) target_semaphore(%arg12 : memref<!tpu.dma_semaphore, #tpu.memory_space<semaphore_mem>>)
    %add3A_354 = arith.constant 131072 : i32
    %add3A_355 = arith.addi %add3A_354, %mul3A_2 : i32
    %dma_start3A_356 = arith.constant 32 : i32
    %dma_start3A_357 = arith.constant 0 : i32
    %dma_start3A_358 = tpu.memref_slice %arg7[%dma_start3A_356, %dma_start3A_357] : memref<50x128xi32, #tpu.memory_space<vmem>> -> memref<1x128xi32, #tpu.memory_space<vmem>>
    %dma_start3A_359 = tpu.memref_squeeze %dma_start3A_358 : memref<1x128xi32, #tpu.memory_space<vmem>> -> memref<128xi32, #tpu.memory_space<vmem>>
    %dma_start3A_360 = tpu.memref_slice %arg2[%add3A_355] : memref<204800xi32, #tpu.memory_space<hbm>> -> memref<128xi32, #tpu.memory_space<hbm>>
    %dma_start3A_361 = arith.constant 0 : i32
    %dma_start3A_362 = tpu.memref_slice %arg7[%dma_start3A_356, %dma_start3A_361] : memref<50x128xi32, #tpu.memory_space<vmem>> -> memref<1x128xi32, #tpu.memory_space<vmem>>
    %dma_start3A_363 = tpu.memref_squeeze %dma_start3A_362 : memref<1x128xi32, #tpu.memory_space<vmem>> -> memref<128xi32, #tpu.memory_space<vmem>>
    %dma_start3A_364 = tpu.memref_slice %arg2[%add3A_355] : memref<204800xi32, #tpu.memory_space<hbm>> -> memref<128xi32, #tpu.memory_space<hbm>>
    tpu.enqueue_dma source(%dma_start3A_364 : memref<128xi32, #tpu.memory_space<hbm>>) target(%dma_start3A_363 : memref<128xi32, #tpu.memory_space<vmem>>) target_semaphore(%arg12 : memref<!tpu.dma_semaphore, #tpu.memory_space<semaphore_mem>>)
    %add3A_365 = arith.constant 135168 : i32
    %add3A_366 = arith.addi %add3A_365, %mul3A_2 : i32
    %dma_start3A_367 = arith.constant 33 : i32
    %dma_start3A_368 = arith.constant 0 : i32
    %dma_start3A_369 = tpu.memref_slice %arg7[%dma_start3A_367, %dma_start3A_368] : memref<50x128xi32, #tpu.memory_space<vmem>> -> memref<1x128xi32, #tpu.memory_space<vmem>>
    %dma_start3A_370 = tpu.memref_squeeze %dma_start3A_369 : memref<1x128xi32, #tpu.memory_space<vmem>> -> memref<128xi32, #tpu.memory_space<vmem>>
    %dma_start3A_371 = tpu.memref_slice %arg2[%add3A_366] : memref<204800xi32, #tpu.memory_space<hbm>> -> memref<128xi32, #tpu.memory_space<hbm>>
    %dma_start3A_372 = arith.constant 0 : i32
    %dma_start3A_373 = tpu.memref_slice %arg7[%dma_start3A_367, %dma_start3A_372] : memref<50x128xi32, #tpu.memory_space<vmem>> -> memref<1x128xi32, #tpu.memory_space<vmem>>
    %dma_start3A_374 = tpu.memref_squeeze %dma_start3A_373 : memref<1x128xi32, #tpu.memory_space<vmem>> -> memref<128xi32, #tpu.memory_space<vmem>>
    %dma_start3A_375 = tpu.memref_slice %arg2[%add3A_366] : memref<204800xi32, #tpu.memory_space<hbm>> -> memref<128xi32, #tpu.memory_space<hbm>>
    tpu.enqueue_dma source(%dma_start3A_375 : memref<128xi32, #tpu.memory_space<hbm>>) target(%dma_start3A_374 : memref<128xi32, #tpu.memory_space<vmem>>) target_semaphore(%arg12 : memref<!tpu.dma_semaphore, #tpu.memory_space<semaphore_mem>>)
    %add3A_376 = arith.constant 139264 : i32
    %add3A_377 = arith.addi %add3A_376, %mul3A_2 : i32
    %dma_start3A_378 = arith.constant 34 : i32
    %dma_start3A_379 = arith.constant 0 : i32
    %dma_start3A_380 = tpu.memref_slice %arg7[%dma_start3A_378, %dma_start3A_379] : memref<50x128xi32, #tpu.memory_space<vmem>> -> memref<1x128xi32, #tpu.memory_space<vmem>>
    %dma_start3A_381 = tpu.memref_squeeze %dma_start3A_380 : memref<1x128xi32, #tpu.memory_space<vmem>> -> memref<128xi32, #tpu.memory_space<vmem>>
    %dma_start3A_382 = tpu.memref_slice %arg2[%add3A_377] : memref<204800xi32, #tpu.memory_space<hbm>> -> memref<128xi32, #tpu.memory_space<hbm>>
    %dma_start3A_383 = arith.constant 0 : i32
    %dma_start3A_384 = tpu.memref_slice %arg7[%dma_start3A_378, %dma_start3A_383] : memref<50x128xi32, #tpu.memory_space<vmem>> -> memref<1x128xi32, #tpu.memory_space<vmem>>
    %dma_start3A_385 = tpu.memref_squeeze %dma_start3A_384 : memref<1x128xi32, #tpu.memory_space<vmem>> -> memref<128xi32, #tpu.memory_space<vmem>>
    %dma_start3A_386 = tpu.memref_slice %arg2[%add3A_377] : memref<204800xi32, #tpu.memory_space<hbm>> -> memref<128xi32, #tpu.memory_space<hbm>>
    tpu.enqueue_dma source(%dma_start3A_386 : memref<128xi32, #tpu.memory_space<hbm>>) target(%dma_start3A_385 : memref<128xi32, #tpu.memory_space<vmem>>) target_semaphore(%arg12 : memref<!tpu.dma_semaphore, #tpu.memory_space<semaphore_mem>>)
    %add3A_387 = arith.constant 143360 : i32
    %add3A_388 = arith.addi %add3A_387, %mul3A_2 : i32
    %dma_start3A_389 = arith.constant 35 : i32
    %dma_start3A_390 = arith.constant 0 : i32
    %dma_start3A_391 = tpu.memref_slice %arg7[%dma_start3A_389, %dma_start3A_390] : memref<50x128xi32, #tpu.memory_space<vmem>> -> memref<1x128xi32, #tpu.memory_space<vmem>>
    %dma_start3A_392 = tpu.memref_squeeze %dma_start3A_391 : memref<1x128xi32, #tpu.memory_space<vmem>> -> memref<128xi32, #tpu.memory_space<vmem>>
    %dma_start3A_393 = tpu.memref_slice %arg2[%add3A_388] : memref<204800xi32, #tpu.memory_space<hbm>> -> memref<128xi32, #tpu.memory_space<hbm>>
    %dma_start3A_394 = arith.constant 0 : i32
    %dma_start3A_395 = tpu.memref_slice %arg7[%dma_start3A_389, %dma_start3A_394] : memref<50x128xi32, #tpu.memory_space<vmem>> -> memref<1x128xi32, #tpu.memory_space<vmem>>
    %dma_start3A_396 = tpu.memref_squeeze %dma_start3A_395 : memref<1x128xi32, #tpu.memory_space<vmem>> -> memref<128xi32, #tpu.memory_space<vmem>>
    %dma_start3A_397 = tpu.memref_slice %arg2[%add3A_388] : memref<204800xi32, #tpu.memory_space<hbm>> -> memref<128xi32, #tpu.memory_space<hbm>>
    tpu.enqueue_dma source(%dma_start3A_397 : memref<128xi32, #tpu.memory_space<hbm>>) target(%dma_start3A_396 : memref<128xi32, #tpu.memory_space<vmem>>) target_semaphore(%arg12 : memref<!tpu.dma_semaphore, #tpu.memory_space<semaphore_mem>>)
    %add3A_398 = arith.constant 147456 : i32
    %add3A_399 = arith.addi %add3A_398, %mul3A_2 : i32
    %dma_start3A_400 = arith.constant 36 : i32
    %dma_start3A_401 = arith.constant 0 : i32
    %dma_start3A_402 = tpu.memref_slice %arg7[%dma_start3A_400, %dma_start3A_401] : memref<50x128xi32, #tpu.memory_space<vmem>> -> memref<1x128xi32, #tpu.memory_space<vmem>>
    %dma_start3A_403 = tpu.memref_squeeze %dma_start3A_402 : memref<1x128xi32, #tpu.memory_space<vmem>> -> memref<128xi32, #tpu.memory_space<vmem>>
    %dma_start3A_404 = tpu.memref_slice %arg2[%add3A_399] : memref<204800xi32, #tpu.memory_space<hbm>> -> memref<128xi32, #tpu.memory_space<hbm>>
    %dma_start3A_405 = arith.constant 0 : i32
    %dma_start3A_406 = tpu.memref_slice %arg7[%dma_start3A_400, %dma_start3A_405] : memref<50x128xi32, #tpu.memory_space<vmem>> -> memref<1x128xi32, #tpu.memory_space<vmem>>
    %dma_start3A_407 = tpu.memref_squeeze %dma_start3A_406 : memref<1x128xi32, #tpu.memory_space<vmem>> -> memref<128xi32, #tpu.memory_space<vmem>>
    %dma_start3A_408 = tpu.memref_slice %arg2[%add3A_399] : memref<204800xi32, #tpu.memory_space<hbm>> -> memref<128xi32, #tpu.memory_space<hbm>>
    tpu.enqueue_dma source(%dma_start3A_408 : memref<128xi32, #tpu.memory_space<hbm>>) target(%dma_start3A_407 : memref<128xi32, #tpu.memory_space<vmem>>) target_semaphore(%arg12 : memref<!tpu.dma_semaphore, #tpu.memory_space<semaphore_mem>>)
    %add3A_409 = arith.constant 151552 : i32
    %add3A_410 = arith.addi %add3A_409, %mul3A_2 : i32
    %dma_start3A_411 = arith.constant 37 : i32
    %dma_start3A_412 = arith.constant 0 : i32
    %dma_start3A_413 = tpu.memref_slice %arg7[%dma_start3A_411, %dma_start3A_412] : memref<50x128xi32, #tpu.memory_space<vmem>> -> memref<1x128xi32, #tpu.memory_space<vmem>>
    %dma_start3A_414 = tpu.memref_squeeze %dma_start3A_413 : memref<1x128xi32, #tpu.memory_space<vmem>> -> memref<128xi32, #tpu.memory_space<vmem>>
    %dma_start3A_415 = tpu.memref_slice %arg2[%add3A_410] : memref<204800xi32, #tpu.memory_space<hbm>> -> memref<128xi32, #tpu.memory_space<hbm>>
    %dma_start3A_416 = arith.constant 0 : i32
    %dma_start3A_417 = tpu.memref_slice %arg7[%dma_start3A_411, %dma_start3A_416] : memref<50x128xi32, #tpu.memory_space<vmem>> -> memref<1x128xi32, #tpu.memory_space<vmem>>
    %dma_start3A_418 = tpu.memref_squeeze %dma_start3A_417 : memref<1x128xi32, #tpu.memory_space<vmem>> -> memref<128xi32, #tpu.memory_space<vmem>>
    %dma_start3A_419 = tpu.memref_slice %arg2[%add3A_410] : memref<204800xi32, #tpu.memory_space<hbm>> -> memref<128xi32, #tpu.memory_space<hbm>>
    tpu.enqueue_dma source(%dma_start3A_419 : memref<128xi32, #tpu.memory_space<hbm>>) target(%dma_start3A_418 : memref<128xi32, #tpu.memory_space<vmem>>) target_semaphore(%arg12 : memref<!tpu.dma_semaphore, #tpu.memory_space<semaphore_mem>>)
    %add3A_420 = arith.constant 155648 : i32
    %add3A_421 = arith.addi %add3A_420, %mul3A_2 : i32
    %dma_start3A_422 = arith.constant 38 : i32
    %dma_start3A_423 = arith.constant 0 : i32
    %dma_start3A_424 = tpu.memref_slice %arg7[%dma_start3A_422, %dma_start3A_423] : memref<50x128xi32, #tpu.memory_space<vmem>> -> memref<1x128xi32, #tpu.memory_space<vmem>>
    %dma_start3A_425 = tpu.memref_squeeze %dma_start3A_424 : memref<1x128xi32, #tpu.memory_space<vmem>> -> memref<128xi32, #tpu.memory_space<vmem>>
    %dma_start3A_426 = tpu.memref_slice %arg2[%add3A_421] : memref<204800xi32, #tpu.memory_space<hbm>> -> memref<128xi32, #tpu.memory_space<hbm>>
    %dma_start3A_427 = arith.constant 0 : i32
    %dma_start3A_428 = tpu.memref_slice %arg7[%dma_start3A_422, %dma_start3A_427] : memref<50x128xi32, #tpu.memory_space<vmem>> -> memref<1x128xi32, #tpu.memory_space<vmem>>
    %dma_start3A_429 = tpu.memref_squeeze %dma_start3A_428 : memref<1x128xi32, #tpu.memory_space<vmem>> -> memref<128xi32, #tpu.memory_space<vmem>>
    %dma_start3A_430 = tpu.memref_slice %arg2[%add3A_421] : memref<204800xi32, #tpu.memory_space<hbm>> -> memref<128xi32, #tpu.memory_space<hbm>>
    tpu.enqueue_dma source(%dma_start3A_430 : memref<128xi32, #tpu.memory_space<hbm>>) target(%dma_start3A_429 : memref<128xi32, #tpu.memory_space<vmem>>) target_semaphore(%arg12 : memref<!tpu.dma_semaphore, #tpu.memory_space<semaphore_mem>>)
    %add3A_431 = arith.constant 159744 : i32
    %add3A_432 = arith.addi %add3A_431, %mul3A_2 : i32
    %dma_start3A_433 = arith.constant 39 : i32
    %dma_start3A_434 = arith.constant 0 : i32
    %dma_start3A_435 = tpu.memref_slice %arg7[%dma_start3A_433, %dma_start3A_434] : memref<50x128xi32, #tpu.memory_space<vmem>> -> memref<1x128xi32, #tpu.memory_space<vmem>>
    %dma_start3A_436 = tpu.memref_squeeze %dma_start3A_435 : memref<1x128xi32, #tpu.memory_space<vmem>> -> memref<128xi32, #tpu.memory_space<vmem>>
    %dma_start3A_437 = tpu.memref_slice %arg2[%add3A_432] : memref<204800xi32, #tpu.memory_space<hbm>> -> memref<128xi32, #tpu.memory_space<hbm>>
    %dma_start3A_438 = arith.constant 0 : i32
    %dma_start3A_439 = tpu.memref_slice %arg7[%dma_start3A_433, %dma_start3A_438] : memref<50x128xi32, #tpu.memory_space<vmem>> -> memref<1x128xi32, #tpu.memory_space<vmem>>
    %dma_start3A_440 = tpu.memref_squeeze %dma_start3A_439 : memref<1x128xi32, #tpu.memory_space<vmem>> -> memref<128xi32, #tpu.memory_space<vmem>>
    %dma_start3A_441 = tpu.memref_slice %arg2[%add3A_432] : memref<204800xi32, #tpu.memory_space<hbm>> -> memref<128xi32, #tpu.memory_space<hbm>>
    tpu.enqueue_dma source(%dma_start3A_441 : memref<128xi32, #tpu.memory_space<hbm>>) target(%dma_start3A_440 : memref<128xi32, #tpu.memory_space<vmem>>) target_semaphore(%arg12 : memref<!tpu.dma_semaphore, #tpu.memory_space<semaphore_mem>>)
    %add3A_442 = arith.constant 163840 : i32
    %add3A_443 = arith.addi %add3A_442, %mul3A_2 : i32
    %dma_start3A_444 = arith.constant 40 : i32
    %dma_start3A_445 = arith.constant 0 : i32
    %dma_start3A_446 = tpu.memref_slice %arg7[%dma_start3A_444, %dma_start3A_445] : memref<50x128xi32, #tpu.memory_space<vmem>> -> memref<1x128xi32, #tpu.memory_space<vmem>>
    %dma_start3A_447 = tpu.memref_squeeze %dma_start3A_446 : memref<1x128xi32, #tpu.memory_space<vmem>> -> memref<128xi32, #tpu.memory_space<vmem>>
    %dma_start3A_448 = tpu.memref_slice %arg2[%add3A_443] : memref<204800xi32, #tpu.memory_space<hbm>> -> memref<128xi32, #tpu.memory_space<hbm>>
    %dma_start3A_449 = arith.constant 0 : i32
    %dma_start3A_450 = tpu.memref_slice %arg7[%dma_start3A_444, %dma_start3A_449] : memref<50x128xi32, #tpu.memory_space<vmem>> -> memref<1x128xi32, #tpu.memory_space<vmem>>
    %dma_start3A_451 = tpu.memref_squeeze %dma_start3A_450 : memref<1x128xi32, #tpu.memory_space<vmem>> -> memref<128xi32, #tpu.memory_space<vmem>>
    %dma_start3A_452 = tpu.memref_slice %arg2[%add3A_443] : memref<204800xi32, #tpu.memory_space<hbm>> -> memref<128xi32, #tpu.memory_space<hbm>>
    tpu.enqueue_dma source(%dma_start3A_452 : memref<128xi32, #tpu.memory_space<hbm>>) target(%dma_start3A_451 : memref<128xi32, #tpu.memory_space<vmem>>) target_semaphore(%arg12 : memref<!tpu.dma_semaphore, #tpu.memory_space<semaphore_mem>>)
    %add3A_453 = arith.constant 167936 : i32
    %add3A_454 = arith.addi %add3A_453, %mul3A_2 : i32
    %dma_start3A_455 = arith.constant 41 : i32
    %dma_start3A_456 = arith.constant 0 : i32
    %dma_start3A_457 = tpu.memref_slice %arg7[%dma_start3A_455, %dma_start3A_456] : memref<50x128xi32, #tpu.memory_space<vmem>> -> memref<1x128xi32, #tpu.memory_space<vmem>>
    %dma_start3A_458 = tpu.memref_squeeze %dma_start3A_457 : memref<1x128xi32, #tpu.memory_space<vmem>> -> memref<128xi32, #tpu.memory_space<vmem>>
    %dma_start3A_459 = tpu.memref_slice %arg2[%add3A_454] : memref<204800xi32, #tpu.memory_space<hbm>> -> memref<128xi32, #tpu.memory_space<hbm>>
    %dma_start3A_460 = arith.constant 0 : i32
    %dma_start3A_461 = tpu.memref_slice %arg7[%dma_start3A_455, %dma_start3A_460] : memref<50x128xi32, #tpu.memory_space<vmem>> -> memref<1x128xi32, #tpu.memory_space<vmem>>
    %dma_start3A_462 = tpu.memref_squeeze %dma_start3A_461 : memref<1x128xi32, #tpu.memory_space<vmem>> -> memref<128xi32, #tpu.memory_space<vmem>>
    %dma_start3A_463 = tpu.memref_slice %arg2[%add3A_454] : memref<204800xi32, #tpu.memory_space<hbm>> -> memref<128xi32, #tpu.memory_space<hbm>>
    tpu.enqueue_dma source(%dma_start3A_463 : memref<128xi32, #tpu.memory_space<hbm>>) target(%dma_start3A_462 : memref<128xi32, #tpu.memory_space<vmem>>) target_semaphore(%arg12 : memref<!tpu.dma_semaphore, #tpu.memory_space<semaphore_mem>>)
    %add3A_464 = arith.constant 172032 : i32
    %add3A_465 = arith.addi %add3A_464, %mul3A_2 : i32
    %dma_start3A_466 = arith.constant 42 : i32
    %dma_start3A_467 = arith.constant 0 : i32
    %dma_start3A_468 = tpu.memref_slice %arg7[%dma_start3A_466, %dma_start3A_467] : memref<50x128xi32, #tpu.memory_space<vmem>> -> memref<1x128xi32, #tpu.memory_space<vmem>>
    %dma_start3A_469 = tpu.memref_squeeze %dma_start3A_468 : memref<1x128xi32, #tpu.memory_space<vmem>> -> memref<128xi32, #tpu.memory_space<vmem>>
    %dma_start3A_470 = tpu.memref_slice %arg2[%add3A_465] : memref<204800xi32, #tpu.memory_space<hbm>> -> memref<128xi32, #tpu.memory_space<hbm>>
    %dma_start3A_471 = arith.constant 0 : i32
    %dma_start3A_472 = tpu.memref_slice %arg7[%dma_start3A_466, %dma_start3A_471] : memref<50x128xi32, #tpu.memory_space<vmem>> -> memref<1x128xi32, #tpu.memory_space<vmem>>
    %dma_start3A_473 = tpu.memref_squeeze %dma_start3A_472 : memref<1x128xi32, #tpu.memory_space<vmem>> -> memref<128xi32, #tpu.memory_space<vmem>>
    %dma_start3A_474 = tpu.memref_slice %arg2[%add3A_465] : memref<204800xi32, #tpu.memory_space<hbm>> -> memref<128xi32, #tpu.memory_space<hbm>>
    tpu.enqueue_dma source(%dma_start3A_474 : memref<128xi32, #tpu.memory_space<hbm>>) target(%dma_start3A_473 : memref<128xi32, #tpu.memory_space<vmem>>) target_semaphore(%arg12 : memref<!tpu.dma_semaphore, #tpu.memory_space<semaphore_mem>>)
    %add3A_475 = arith.constant 176128 : i32
    %add3A_476 = arith.addi %add3A_475, %mul3A_2 : i32
    %dma_start3A_477 = arith.constant 43 : i32
    %dma_start3A_478 = arith.constant 0 : i32
    %dma_start3A_479 = tpu.memref_slice %arg7[%dma_start3A_477, %dma_start3A_478] : memref<50x128xi32, #tpu.memory_space<vmem>> -> memref<1x128xi32, #tpu.memory_space<vmem>>
    %dma_start3A_480 = tpu.memref_squeeze %dma_start3A_479 : memref<1x128xi32, #tpu.memory_space<vmem>> -> memref<128xi32, #tpu.memory_space<vmem>>
    %dma_start3A_481 = tpu.memref_slice %arg2[%add3A_476] : memref<204800xi32, #tpu.memory_space<hbm>> -> memref<128xi32, #tpu.memory_space<hbm>>
    %dma_start3A_482 = arith.constant 0 : i32
    %dma_start3A_483 = tpu.memref_slice %arg7[%dma_start3A_477, %dma_start3A_482] : memref<50x128xi32, #tpu.memory_space<vmem>> -> memref<1x128xi32, #tpu.memory_space<vmem>>
    %dma_start3A_484 = tpu.memref_squeeze %dma_start3A_483 : memref<1x128xi32, #tpu.memory_space<vmem>> -> memref<128xi32, #tpu.memory_space<vmem>>
    %dma_start3A_485 = tpu.memref_slice %arg2[%add3A_476] : memref<204800xi32, #tpu.memory_space<hbm>> -> memref<128xi32, #tpu.memory_space<hbm>>
    tpu.enqueue_dma source(%dma_start3A_485 : memref<128xi32, #tpu.memory_space<hbm>>) target(%dma_start3A_484 : memref<128xi32, #tpu.memory_space<vmem>>) target_semaphore(%arg12 : memref<!tpu.dma_semaphore, #tpu.memory_space<semaphore_mem>>)
    %add3A_486 = arith.constant 180224 : i32
    %add3A_487 = arith.addi %add3A_486, %mul3A_2 : i32
    %dma_start3A_488 = arith.constant 44 : i32
    %dma_start3A_489 = arith.constant 0 : i32
    %dma_start3A_490 = tpu.memref_slice %arg7[%dma_start3A_488, %dma_start3A_489] : memref<50x128xi32, #tpu.memory_space<vmem>> -> memref<1x128xi32, #tpu.memory_space<vmem>>
    %dma_start3A_491 = tpu.memref_squeeze %dma_start3A_490 : memref<1x128xi32, #tpu.memory_space<vmem>> -> memref<128xi32, #tpu.memory_space<vmem>>
    %dma_start3A_492 = tpu.memref_slice %arg2[%add3A_487] : memref<204800xi32, #tpu.memory_space<hbm>> -> memref<128xi32, #tpu.memory_space<hbm>>
    %dma_start3A_493 = arith.constant 0 : i32
    %dma_start3A_494 = tpu.memref_slice %arg7[%dma_start3A_488, %dma_start3A_493] : memref<50x128xi32, #tpu.memory_space<vmem>> -> memref<1x128xi32, #tpu.memory_space<vmem>>
    %dma_start3A_495 = tpu.memref_squeeze %dma_start3A_494 : memref<1x128xi32, #tpu.memory_space<vmem>> -> memref<128xi32, #tpu.memory_space<vmem>>
    %dma_start3A_496 = tpu.memref_slice %arg2[%add3A_487] : memref<204800xi32, #tpu.memory_space<hbm>> -> memref<128xi32, #tpu.memory_space<hbm>>
    tpu.enqueue_dma source(%dma_start3A_496 : memref<128xi32, #tpu.memory_space<hbm>>) target(%dma_start3A_495 : memref<128xi32, #tpu.memory_space<vmem>>) target_semaphore(%arg12 : memref<!tpu.dma_semaphore, #tpu.memory_space<semaphore_mem>>)
    %add3A_497 = arith.constant 184320 : i32
    %add3A_498 = arith.addi %add3A_497, %mul3A_2 : i32
    %dma_start3A_499 = arith.constant 45 : i32
    %dma_start3A_500 = arith.constant 0 : i32
    %dma_start3A_501 = tpu.memref_slice %arg7[%dma_start3A_499, %dma_start3A_500] : memref<50x128xi32, #tpu.memory_space<vmem>> -> memref<1x128xi32, #tpu.memory_space<vmem>>
    %dma_start3A_502 = tpu.memref_squeeze %dma_start3A_501 : memref<1x128xi32, #tpu.memory_space<vmem>> -> memref<128xi32, #tpu.memory_space<vmem>>
    %dma_start3A_503 = tpu.memref_slice %arg2[%add3A_498] : memref<204800xi32, #tpu.memory_space<hbm>> -> memref<128xi32, #tpu.memory_space<hbm>>
    %dma_start3A_504 = arith.constant 0 : i32
    %dma_start3A_505 = tpu.memref_slice %arg7[%dma_start3A_499, %dma_start3A_504] : memref<50x128xi32, #tpu.memory_space<vmem>> -> memref<1x128xi32, #tpu.memory_space<vmem>>
    %dma_start3A_506 = tpu.memref_squeeze %dma_start3A_505 : memref<1x128xi32, #tpu.memory_space<vmem>> -> memref<128xi32, #tpu.memory_space<vmem>>
    %dma_start3A_507 = tpu.memref_slice %arg2[%add3A_498] : memref<204800xi32, #tpu.memory_space<hbm>> -> memref<128xi32, #tpu.memory_space<hbm>>
    tpu.enqueue_dma source(%dma_start3A_507 : memref<128xi32, #tpu.memory_space<hbm>>) target(%dma_start3A_506 : memref<128xi32, #tpu.memory_space<vmem>>) target_semaphore(%arg12 : memref<!tpu.dma_semaphore, #tpu.memory_space<semaphore_mem>>)
    %add3A_508 = arith.constant 188416 : i32
    %add3A_509 = arith.addi %add3A_508, %mul3A_2 : i32
    %dma_start3A_510 = arith.constant 46 : i32
    %dma_start3A_511 = arith.constant 0 : i32
    %dma_start3A_512 = tpu.memref_slice %arg7[%dma_start3A_510, %dma_start3A_511] : memref<50x128xi32, #tpu.memory_space<vmem>> -> memref<1x128xi32, #tpu.memory_space<vmem>>
    %dma_start3A_513 = tpu.memref_squeeze %dma_start3A_512 : memref<1x128xi32, #tpu.memory_space<vmem>> -> memref<128xi32, #tpu.memory_space<vmem>>
    %dma_start3A_514 = tpu.memref_slice %arg2[%add3A_509] : memref<204800xi32, #tpu.memory_space<hbm>> -> memref<128xi32, #tpu.memory_space<hbm>>
    %dma_start3A_515 = arith.constant 0 : i32
    %dma_start3A_516 = tpu.memref_slice %arg7[%dma_start3A_510, %dma_start3A_515] : memref<50x128xi32, #tpu.memory_space<vmem>> -> memref<1x128xi32, #tpu.memory_space<vmem>>
    %dma_start3A_517 = tpu.memref_squeeze %dma_start3A_516 : memref<1x128xi32, #tpu.memory_space<vmem>> -> memref<128xi32, #tpu.memory_space<vmem>>
    %dma_start3A_518 = tpu.memref_slice %arg2[%add3A_509] : memref<204800xi32, #tpu.memory_space<hbm>> -> memref<128xi32, #tpu.memory_space<hbm>>
    tpu.enqueue_dma source(%dma_start3A_518 : memref<128xi32, #tpu.memory_space<hbm>>) target(%dma_start3A_517 : memref<128xi32, #tpu.memory_space<vmem>>) target_semaphore(%arg12 : memref<!tpu.dma_semaphore, #tpu.memory_space<semaphore_mem>>)
    %add3A_519 = arith.constant 192512 : i32
    %add3A_520 = arith.addi %add3A_519, %mul3A_2 : i32
    %dma_start3A_521 = arith.constant 47 : i32
    %dma_start3A_522 = arith.constant 0 : i32
    %dma_start3A_523 = tpu.memref_slice %arg7[%dma_start3A_521, %dma_start3A_522] : memref<50x128xi32, #tpu.memory_space<vmem>> -> memref<1x128xi32, #tpu.memory_space<vmem>>
    %dma_start3A_524 = tpu.memref_squeeze %dma_start3A_523 : memref<1x128xi32, #tpu.memory_space<vmem>> -> memref<128xi32, #tpu.memory_space<vmem>>
    %dma_start3A_525 = tpu.memref_slice %arg2[%add3A_520] : memref<204800xi32, #tpu.memory_space<hbm>> -> memref<128xi32, #tpu.memory_space<hbm>>
    %dma_start3A_526 = arith.constant 0 : i32
    %dma_start3A_527 = tpu.memref_slice %arg7[%dma_start3A_521, %dma_start3A_526] : memref<50x128xi32, #tpu.memory_space<vmem>> -> memref<1x128xi32, #tpu.memory_space<vmem>>
    %dma_start3A_528 = tpu.memref_squeeze %dma_start3A_527 : memref<1x128xi32, #tpu.memory_space<vmem>> -> memref<128xi32, #tpu.memory_space<vmem>>
    %dma_start3A_529 = tpu.memref_slice %arg2[%add3A_520] : memref<204800xi32, #tpu.memory_space<hbm>> -> memref<128xi32, #tpu.memory_space<hbm>>
    tpu.enqueue_dma source(%dma_start3A_529 : memref<128xi32, #tpu.memory_space<hbm>>) target(%dma_start3A_528 : memref<128xi32, #tpu.memory_space<vmem>>) target_semaphore(%arg12 : memref<!tpu.dma_semaphore, #tpu.memory_space<semaphore_mem>>)
    %add3A_530 = arith.constant 196608 : i32
    %add3A_531 = arith.addi %add3A_530, %mul3A_2 : i32
    %dma_start3A_532 = arith.constant 48 : i32
    %dma_start3A_533 = arith.constant 0 : i32
    %dma_start3A_534 = tpu.memref_slice %arg7[%dma_start3A_532, %dma_start3A_533] : memref<50x128xi32, #tpu.memory_space<vmem>> -> memref<1x128xi32, #tpu.memory_space<vmem>>
    %dma_start3A_535 = tpu.memref_squeeze %dma_start3A_534 : memref<1x128xi32, #tpu.memory_space<vmem>> -> memref<128xi32, #tpu.memory_space<vmem>>
    %dma_start3A_536 = tpu.memref_slice %arg2[%add3A_531] : memref<204800xi32, #tpu.memory_space<hbm>> -> memref<128xi32, #tpu.memory_space<hbm>>
    %dma_start3A_537 = arith.constant 0 : i32
    %dma_start3A_538 = tpu.memref_slice %arg7[%dma_start3A_532, %dma_start3A_537] : memref<50x128xi32, #tpu.memory_space<vmem>> -> memref<1x128xi32, #tpu.memory_space<vmem>>
    %dma_start3A_539 = tpu.memref_squeeze %dma_start3A_538 : memref<1x128xi32, #tpu.memory_space<vmem>> -> memref<128xi32, #tpu.memory_space<vmem>>
    %dma_start3A_540 = tpu.memref_slice %arg2[%add3A_531] : memref<204800xi32, #tpu.memory_space<hbm>> -> memref<128xi32, #tpu.memory_space<hbm>>
    tpu.enqueue_dma source(%dma_start3A_540 : memref<128xi32, #tpu.memory_space<hbm>>) target(%dma_start3A_539 : memref<128xi32, #tpu.memory_space<vmem>>) target_semaphore(%arg12 : memref<!tpu.dma_semaphore, #tpu.memory_space<semaphore_mem>>)
    %add3A_541 = arith.constant 200704 : i32
    %add3A_542 = arith.addi %add3A_541, %mul3A_2 : i32
    %dma_start3A_543 = arith.constant 49 : i32
    %dma_start3A_544 = arith.constant 0 : i32
    %dma_start3A_545 = tpu.memref_slice %arg7[%dma_start3A_543, %dma_start3A_544] : memref<50x128xi32, #tpu.memory_space<vmem>> -> memref<1x128xi32, #tpu.memory_space<vmem>>
    %dma_start3A_546 = tpu.memref_squeeze %dma_start3A_545 : memref<1x128xi32, #tpu.memory_space<vmem>> -> memref<128xi32, #tpu.memory_space<vmem>>
    %dma_start3A_547 = tpu.memref_slice %arg2[%add3A_542] : memref<204800xi32, #tpu.memory_space<hbm>> -> memref<128xi32, #tpu.memory_space<hbm>>
    %dma_start3A_548 = arith.constant 0 : i32
    %dma_start3A_549 = tpu.memref_slice %arg7[%dma_start3A_543, %dma_start3A_548] : memref<50x128xi32, #tpu.memory_space<vmem>> -> memref<1x128xi32, #tpu.memory_space<vmem>>
    %dma_start3A_550 = tpu.memref_squeeze %dma_start3A_549 : memref<1x128xi32, #tpu.memory_space<vmem>> -> memref<128xi32, #tpu.memory_space<vmem>>
    %dma_start3A_551 = tpu.memref_slice %arg2[%add3A_542] : memref<204800xi32, #tpu.memory_space<hbm>> -> memref<128xi32, #tpu.memory_space<hbm>>
    tpu.enqueue_dma source(%dma_start3A_551 : memref<128xi32, #tpu.memory_space<hbm>>) target(%dma_start3A_550 : memref<128xi32, #tpu.memory_space<vmem>>) target_semaphore(%arg12 : memref<!tpu.dma_semaphore, #tpu.memory_space<semaphore_mem>>)
    %mul3A_552 = arith.constant 816 : i32
    %mul3A_553 = arith.muli %add3A, %mul3A_552 : i32
    %dma_start3A_554 = tpu.memref_slice %arg5[%mul3A_553] : memref<26112xi32, #tpu.memory_space<hbm>> -> memref<816xi32, #tpu.memory_space<hbm>>
    %dma_start3A_555 = tpu.memref_slice %arg5[%mul3A_553] : memref<26112xi32, #tpu.memory_space<hbm>> -> memref<816xi32, #tpu.memory_space<hbm>>
    tpu.enqueue_dma source(%dma_start3A_555 : memref<816xi32, #tpu.memory_space<hbm>>) target(%arg8 : memref<816xi32, #tpu.memory_space<vmem>>) target_semaphore(%arg12 : memref<!tpu.dma_semaphore, #tpu.memory_space<semaphore_mem>>)
    %dma_wait3A = arith.constant 0 : i32
    %dma_wait3A_556 = arith.constant 0 : i32
    %dma_wait3A_557 = tpu.memref_slice %arg7[%dma_wait3A, %dma_wait3A_556] : memref<50x128xi32, #tpu.memory_space<vmem>> -> memref<1x128xi32, #tpu.memory_space<vmem>>
    %dma_wait3A_558 = tpu.memref_squeeze %dma_wait3A_557 : memref<1x128xi32, #tpu.memory_space<vmem>> -> memref<128xi32, #tpu.memory_space<vmem>>
    %dma_wait3A_559 = tpu.memref_slice %arg2[%mul3A_2] : memref<204800xi32, #tpu.memory_space<hbm>> -> memref<128xi32, #tpu.memory_space<hbm>>
    %dma_wait3A_560 = arith.constant 0 : i32
    %dma_wait3A_561 = tpu.memref_slice %arg7[%dma_wait3A, %dma_wait3A_560] : memref<50x128xi32, #tpu.memory_space<vmem>> -> memref<1x128xi32, #tpu.memory_space<vmem>>
    %dma_wait3A_562 = tpu.memref_squeeze %dma_wait3A_561 : memref<1x128xi32, #tpu.memory_space<vmem>> -> memref<128xi32, #tpu.memory_space<vmem>>
    %dma_wait3A_563 = tpu.memref_slice %arg2[%mul3A_2] : memref<204800xi32, #tpu.memory_space<hbm>> -> memref<128xi32, #tpu.memory_space<hbm>>
    tpu.wait_dma2 semaphore(%arg12 : memref<!tpu.dma_semaphore, #tpu.memory_space<semaphore_mem>>) src(%dma_wait3A_563 : memref<128xi32, #tpu.memory_space<hbm>>) dst(%dma_wait3A_562 : memref<128xi32, #tpu.memory_space<vmem>>)
    %dma_wait3A_564 = arith.constant 1 : i32
    %dma_wait3A_565 = arith.constant 0 : i32
    %dma_wait3A_566 = tpu.memref_slice %arg7[%dma_wait3A_564, %dma_wait3A_565] : memref<50x128xi32, #tpu.memory_space<vmem>> -> memref<1x128xi32, #tpu.memory_space<vmem>>
    %dma_wait3A_567 = tpu.memref_squeeze %dma_wait3A_566 : memref<1x128xi32, #tpu.memory_space<vmem>> -> memref<128xi32, #tpu.memory_space<vmem>>
    %dma_wait3A_568 = tpu.memref_slice %arg2[%mul3A_2] : memref<204800xi32, #tpu.memory_space<hbm>> -> memref<128xi32, #tpu.memory_space<hbm>>
    %dma_wait3A_569 = arith.constant 0 : i32
    %dma_wait3A_570 = tpu.memref_slice %arg7[%dma_wait3A_564, %dma_wait3A_569] : memref<50x128xi32, #tpu.memory_space<vmem>> -> memref<1x128xi32, #tpu.memory_space<vmem>>
    %dma_wait3A_571 = tpu.memref_squeeze %dma_wait3A_570 : memref<1x128xi32, #tpu.memory_space<vmem>> -> memref<128xi32, #tpu.memory_space<vmem>>
    %dma_wait3A_572 = tpu.memref_slice %arg2[%mul3A_2] : memref<204800xi32, #tpu.memory_space<hbm>> -> memref<128xi32, #tpu.memory_space<hbm>>
    tpu.wait_dma2 semaphore(%arg12 : memref<!tpu.dma_semaphore, #tpu.memory_space<semaphore_mem>>) src(%dma_wait3A_572 : memref<128xi32, #tpu.memory_space<hbm>>) dst(%dma_wait3A_571 : memref<128xi32, #tpu.memory_space<vmem>>)
    %dma_wait3A_573 = arith.constant 2 : i32
    %dma_wait3A_574 = arith.constant 0 : i32
    %dma_wait3A_575 = tpu.memref_slice %arg7[%dma_wait3A_573, %dma_wait3A_574] : memref<50x128xi32, #tpu.memory_space<vmem>> -> memref<1x128xi32, #tpu.memory_space<vmem>>
    %dma_wait3A_576 = tpu.memref_squeeze %dma_wait3A_575 : memref<1x128xi32, #tpu.memory_space<vmem>> -> memref<128xi32, #tpu.memory_space<vmem>>
    %dma_wait3A_577 = tpu.memref_slice %arg2[%mul3A_2] : memref<204800xi32, #tpu.memory_space<hbm>> -> memref<128xi32, #tpu.memory_space<hbm>>
    %dma_wait3A_578 = arith.constant 0 : i32
    %dma_wait3A_579 = tpu.memref_slice %arg7[%dma_wait3A_573, %dma_wait3A_578] : memref<50x128xi32, #tpu.memory_space<vmem>> -> memref<1x128xi32, #tpu.memory_space<vmem>>
    %dma_wait3A_580 = tpu.memref_squeeze %dma_wait3A_579 : memref<1x128xi32, #tpu.memory_space<vmem>> -> memref<128xi32, #tpu.memory_space<vmem>>
    %dma_wait3A_581 = tpu.memref_slice %arg2[%mul3A_2] : memref<204800xi32, #tpu.memory_space<hbm>> -> memref<128xi32, #tpu.memory_space<hbm>>
    tpu.wait_dma2 semaphore(%arg12 : memref<!tpu.dma_semaphore, #tpu.memory_space<semaphore_mem>>) src(%dma_wait3A_581 : memref<128xi32, #tpu.memory_space<hbm>>) dst(%dma_wait3A_580 : memref<128xi32, #tpu.memory_space<vmem>>)
    %dma_wait3A_582 = arith.constant 3 : i32
    %dma_wait3A_583 = arith.constant 0 : i32
    %dma_wait3A_584 = tpu.memref_slice %arg7[%dma_wait3A_582, %dma_wait3A_583] : memref<50x128xi32, #tpu.memory_space<vmem>> -> memref<1x128xi32, #tpu.memory_space<vmem>>
    %dma_wait3A_585 = tpu.memref_squeeze %dma_wait3A_584 : memref<1x128xi32, #tpu.memory_space<vmem>> -> memref<128xi32, #tpu.memory_space<vmem>>
    %dma_wait3A_586 = tpu.memref_slice %arg2[%mul3A_2] : memref<204800xi32, #tpu.memory_space<hbm>> -> memref<128xi32, #tpu.memory_space<hbm>>
    %dma_wait3A_587 = arith.constant 0 : i32
    %dma_wait3A_588 = tpu.memref_slice %arg7[%dma_wait3A_582, %dma_wait3A_587] : memref<50x128xi32, #tpu.memory_space<vmem>> -> memref<1x128xi32, #tpu.memory_space<vmem>>
    %dma_wait3A_589 = tpu.memref_squeeze %dma_wait3A_588 : memref<1x128xi32, #tpu.memory_space<vmem>> -> memref<128xi32, #tpu.memory_space<vmem>>
    %dma_wait3A_590 = tpu.memref_slice %arg2[%mul3A_2] : memref<204800xi32, #tpu.memory_space<hbm>> -> memref<128xi32, #tpu.memory_space<hbm>>
    tpu.wait_dma2 semaphore(%arg12 : memref<!tpu.dma_semaphore, #tpu.memory_space<semaphore_mem>>) src(%dma_wait3A_590 : memref<128xi32, #tpu.memory_space<hbm>>) dst(%dma_wait3A_589 : memref<128xi32, #tpu.memory_space<vmem>>)
    %dma_wait3A_591 = arith.constant 4 : i32
    %dma_wait3A_592 = arith.constant 0 : i32
    %dma_wait3A_593 = tpu.memref_slice %arg7[%dma_wait3A_591, %dma_wait3A_592] : memref<50x128xi32, #tpu.memory_space<vmem>> -> memref<1x128xi32, #tpu.memory_space<vmem>>
    %dma_wait3A_594 = tpu.memref_squeeze %dma_wait3A_593 : memref<1x128xi32, #tpu.memory_space<vmem>> -> memref<128xi32, #tpu.memory_space<vmem>>
    %dma_wait3A_595 = tpu.memref_slice %arg2[%mul3A_2] : memref<204800xi32, #tpu.memory_space<hbm>> -> memref<128xi32, #tpu.memory_space<hbm>>
    %dma_wait3A_596 = arith.constant 0 : i32
    %dma_wait3A_597 = tpu.memref_slice %arg7[%dma_wait3A_591, %dma_wait3A_596] : memref<50x128xi32, #tpu.memory_space<vmem>> -> memref<1x128xi32, #tpu.memory_space<vmem>>
    %dma_wait3A_598 = tpu.memref_squeeze %dma_wait3A_597 : memref<1x128xi32, #tpu.memory_space<vmem>> -> memref<128xi32, #tpu.memory_space<vmem>>
    %dma_wait3A_599 = tpu.memref_slice %arg2[%mul3A_2] : memref<204800xi32, #tpu.memory_space<hbm>> -> memref<128xi32, #tpu.memory_space<hbm>>
    tpu.wait_dma2 semaphore(%arg12 : memref<!tpu.dma_semaphore, #tpu.memory_space<semaphore_mem>>) src(%dma_wait3A_599 : memref<128xi32, #tpu.memory_space<hbm>>) dst(%dma_wait3A_598 : memref<128xi32, #tpu.memory_space<vmem>>)
    %dma_wait3A_600 = arith.constant 5 : i32
    %dma_wait3A_601 = arith.constant 0 : i32
    %dma_wait3A_602 = tpu.memref_slice %arg7[%dma_wait3A_600, %dma_wait3A_601] : memref<50x128xi32, #tpu.memory_space<vmem>> -> memref<1x128xi32, #tpu.memory_space<vmem>>
    %dma_wait3A_603 = tpu.memref_squeeze %dma_wait3A_602 : memref<1x128xi32, #tpu.memory_space<vmem>> -> memref<128xi32, #tpu.memory_space<vmem>>
    %dma_wait3A_604 = tpu.memref_slice %arg2[%mul3A_2] : memref<204800xi32, #tpu.memory_space<hbm>> -> memref<128xi32, #tpu.memory_space<hbm>>
    %dma_wait3A_605 = arith.constant 0 : i32
    %dma_wait3A_606 = tpu.memref_slice %arg7[%dma_wait3A_600, %dma_wait3A_605] : memref<50x128xi32, #tpu.memory_space<vmem>> -> memref<1x128xi32, #tpu.memory_space<vmem>>
    %dma_wait3A_607 = tpu.memref_squeeze %dma_wait3A_606 : memref<1x128xi32, #tpu.memory_space<vmem>> -> memref<128xi32, #tpu.memory_space<vmem>>
    %dma_wait3A_608 = tpu.memref_slice %arg2[%mul3A_2] : memref<204800xi32, #tpu.memory_space<hbm>> -> memref<128xi32, #tpu.memory_space<hbm>>
    tpu.wait_dma2 semaphore(%arg12 : memref<!tpu.dma_semaphore, #tpu.memory_space<semaphore_mem>>) src(%dma_wait3A_608 : memref<128xi32, #tpu.memory_space<hbm>>) dst(%dma_wait3A_607 : memref<128xi32, #tpu.memory_space<vmem>>)
    %dma_wait3A_609 = arith.constant 6 : i32
    %dma_wait3A_610 = arith.constant 0 : i32
    %dma_wait3A_611 = tpu.memref_slice %arg7[%dma_wait3A_609, %dma_wait3A_610] : memref<50x128xi32, #tpu.memory_space<vmem>> -> memref<1x128xi32, #tpu.memory_space<vmem>>
    %dma_wait3A_612 = tpu.memref_squeeze %dma_wait3A_611 : memref<1x128xi32, #tpu.memory_space<vmem>> -> memref<128xi32, #tpu.memory_space<vmem>>
    %dma_wait3A_613 = tpu.memref_slice %arg2[%mul3A_2] : memref<204800xi32, #tpu.memory_space<hbm>> -> memref<128xi32, #tpu.memory_space<hbm>>
    %dma_wait3A_614 = arith.constant 0 : i32
    %dma_wait3A_615 = tpu.memref_slice %arg7[%dma_wait3A_609, %dma_wait3A_614] : memref<50x128xi32, #tpu.memory_space<vmem>> -> memref<1x128xi32, #tpu.memory_space<vmem>>
    %dma_wait3A_616 = tpu.memref_squeeze %dma_wait3A_615 : memref<1x128xi32, #tpu.memory_space<vmem>> -> memref<128xi32, #tpu.memory_space<vmem>>
    %dma_wait3A_617 = tpu.memref_slice %arg2[%mul3A_2] : memref<204800xi32, #tpu.memory_space<hbm>> -> memref<128xi32, #tpu.memory_space<hbm>>
    tpu.wait_dma2 semaphore(%arg12 : memref<!tpu.dma_semaphore, #tpu.memory_space<semaphore_mem>>) src(%dma_wait3A_617 : memref<128xi32, #tpu.memory_space<hbm>>) dst(%dma_wait3A_616 : memref<128xi32, #tpu.memory_space<vmem>>)
    %dma_wait3A_618 = arith.constant 7 : i32
    %dma_wait3A_619 = arith.constant 0 : i32
    %dma_wait3A_620 = tpu.memref_slice %arg7[%dma_wait3A_618, %dma_wait3A_619] : memref<50x128xi32, #tpu.memory_space<vmem>> -> memref<1x128xi32, #tpu.memory_space<vmem>>
    %dma_wait3A_621 = tpu.memref_squeeze %dma_wait3A_620 : memref<1x128xi32, #tpu.memory_space<vmem>> -> memref<128xi32, #tpu.memory_space<vmem>>
    %dma_wait3A_622 = tpu.memref_slice %arg2[%mul3A_2] : memref<204800xi32, #tpu.memory_space<hbm>> -> memref<128xi32, #tpu.memory_space<hbm>>
    %dma_wait3A_623 = arith.constant 0 : i32
    %dma_wait3A_624 = tpu.memref_slice %arg7[%dma_wait3A_618, %dma_wait3A_623] : memref<50x128xi32, #tpu.memory_space<vmem>> -> memref<1x128xi32, #tpu.memory_space<vmem>>
    %dma_wait3A_625 = tpu.memref_squeeze %dma_wait3A_624 : memref<1x128xi32, #tpu.memory_space<vmem>> -> memref<128xi32, #tpu.memory_space<vmem>>
    %dma_wait3A_626 = tpu.memref_slice %arg2[%mul3A_2] : memref<204800xi32, #tpu.memory_space<hbm>> -> memref<128xi32, #tpu.memory_space<hbm>>
    tpu.wait_dma2 semaphore(%arg12 : memref<!tpu.dma_semaphore, #tpu.memory_space<semaphore_mem>>) src(%dma_wait3A_626 : memref<128xi32, #tpu.memory_space<hbm>>) dst(%dma_wait3A_625 : memref<128xi32, #tpu.memory_space<vmem>>)
    %dma_wait3A_627 = arith.constant 8 : i32
    %dma_wait3A_628 = arith.constant 0 : i32
    %dma_wait3A_629 = tpu.memref_slice %arg7[%dma_wait3A_627, %dma_wait3A_628] : memref<50x128xi32, #tpu.memory_space<vmem>> -> memref<1x128xi32, #tpu.memory_space<vmem>>
    %dma_wait3A_630 = tpu.memref_squeeze %dma_wait3A_629 : memref<1x128xi32, #tpu.memory_space<vmem>> -> memref<128xi32, #tpu.memory_space<vmem>>
    %dma_wait3A_631 = tpu.memref_slice %arg2[%mul3A_2] : memref<204800xi32, #tpu.memory_space<hbm>> -> memref<128xi32, #tpu.memory_space<hbm>>
    %dma_wait3A_632 = arith.constant 0 : i32
    %dma_wait3A_633 = tpu.memref_slice %arg7[%dma_wait3A_627, %dma_wait3A_632] : memref<50x128xi32, #tpu.memory_space<vmem>> -> memref<1x128xi32, #tpu.memory_space<vmem>>
    %dma_wait3A_634 = tpu.memref_squeeze %dma_wait3A_633 : memref<1x128xi32, #tpu.memory_space<vmem>> -> memref<128xi32, #tpu.memory_space<vmem>>
    %dma_wait3A_635 = tpu.memref_slice %arg2[%mul3A_2] : memref<204800xi32, #tpu.memory_space<hbm>> -> memref<128xi32, #tpu.memory_space<hbm>>
    tpu.wait_dma2 semaphore(%arg12 : memref<!tpu.dma_semaphore, #tpu.memory_space<semaphore_mem>>) src(%dma_wait3A_635 : memref<128xi32, #tpu.memory_space<hbm>>) dst(%dma_wait3A_634 : memref<128xi32, #tpu.memory_space<vmem>>)
    %dma_wait3A_636 = arith.constant 9 : i32
    %dma_wait3A_637 = arith.constant 0 : i32
    %dma_wait3A_638 = tpu.memref_slice %arg7[%dma_wait3A_636, %dma_wait3A_637] : memref<50x128xi32, #tpu.memory_space<vmem>> -> memref<1x128xi32, #tpu.memory_space<vmem>>
    %dma_wait3A_639 = tpu.memref_squeeze %dma_wait3A_638 : memref<1x128xi32, #tpu.memory_space<vmem>> -> memref<128xi32, #tpu.memory_space<vmem>>
    %dma_wait3A_640 = tpu.memref_slice %arg2[%mul3A_2] : memref<204800xi32, #tpu.memory_space<hbm>> -> memref<128xi32, #tpu.memory_space<hbm>>
    %dma_wait3A_641 = arith.constant 0 : i32
    %dma_wait3A_642 = tpu.memref_slice %arg7[%dma_wait3A_636, %dma_wait3A_641] : memref<50x128xi32, #tpu.memory_space<vmem>> -> memref<1x128xi32, #tpu.memory_space<vmem>>
    %dma_wait3A_643 = tpu.memref_squeeze %dma_wait3A_642 : memref<1x128xi32, #tpu.memory_space<vmem>> -> memref<128xi32, #tpu.memory_space<vmem>>
    %dma_wait3A_644 = tpu.memref_slice %arg2[%mul3A_2] : memref<204800xi32, #tpu.memory_space<hbm>> -> memref<128xi32, #tpu.memory_space<hbm>>
    tpu.wait_dma2 semaphore(%arg12 : memref<!tpu.dma_semaphore, #tpu.memory_space<semaphore_mem>>) src(%dma_wait3A_644 : memref<128xi32, #tpu.memory_space<hbm>>) dst(%dma_wait3A_643 : memref<128xi32, #tpu.memory_space<vmem>>)
    %dma_wait3A_645 = arith.constant 10 : i32
    %dma_wait3A_646 = arith.constant 0 : i32
    %dma_wait3A_647 = tpu.memref_slice %arg7[%dma_wait3A_645, %dma_wait3A_646] : memref<50x128xi32, #tpu.memory_space<vmem>> -> memref<1x128xi32, #tpu.memory_space<vmem>>
    %dma_wait3A_648 = tpu.memref_squeeze %dma_wait3A_647 : memref<1x128xi32, #tpu.memory_space<vmem>> -> memref<128xi32, #tpu.memory_space<vmem>>
    %dma_wait3A_649 = tpu.memref_slice %arg2[%mul3A_2] : memref<204800xi32, #tpu.memory_space<hbm>> -> memref<128xi32, #tpu.memory_space<hbm>>
    %dma_wait3A_650 = arith.constant 0 : i32
    %dma_wait3A_651 = tpu.memref_slice %arg7[%dma_wait3A_645, %dma_wait3A_650] : memref<50x128xi32, #tpu.memory_space<vmem>> -> memref<1x128xi32, #tpu.memory_space<vmem>>
    %dma_wait3A_652 = tpu.memref_squeeze %dma_wait3A_651 : memref<1x128xi32, #tpu.memory_space<vmem>> -> memref<128xi32, #tpu.memory_space<vmem>>
    %dma_wait3A_653 = tpu.memref_slice %arg2[%mul3A_2] : memref<204800xi32, #tpu.memory_space<hbm>> -> memref<128xi32, #tpu.memory_space<hbm>>
    tpu.wait_dma2 semaphore(%arg12 : memref<!tpu.dma_semaphore, #tpu.memory_space<semaphore_mem>>) src(%dma_wait3A_653 : memref<128xi32, #tpu.memory_space<hbm>>) dst(%dma_wait3A_652 : memref<128xi32, #tpu.memory_space<vmem>>)
    %dma_wait3A_654 = arith.constant 11 : i32
    %dma_wait3A_655 = arith.constant 0 : i32
    %dma_wait3A_656 = tpu.memref_slice %arg7[%dma_wait3A_654, %dma_wait3A_655] : memref<50x128xi32, #tpu.memory_space<vmem>> -> memref<1x128xi32, #tpu.memory_space<vmem>>
    %dma_wait3A_657 = tpu.memref_squeeze %dma_wait3A_656 : memref<1x128xi32, #tpu.memory_space<vmem>> -> memref<128xi32, #tpu.memory_space<vmem>>
    %dma_wait3A_658 = tpu.memref_slice %arg2[%mul3A_2] : memref<204800xi32, #tpu.memory_space<hbm>> -> memref<128xi32, #tpu.memory_space<hbm>>
    %dma_wait3A_659 = arith.constant 0 : i32
    %dma_wait3A_660 = tpu.memref_slice %arg7[%dma_wait3A_654, %dma_wait3A_659] : memref<50x128xi32, #tpu.memory_space<vmem>> -> memref<1x128xi32, #tpu.memory_space<vmem>>
    %dma_wait3A_661 = tpu.memref_squeeze %dma_wait3A_660 : memref<1x128xi32, #tpu.memory_space<vmem>> -> memref<128xi32, #tpu.memory_space<vmem>>
    %dma_wait3A_662 = tpu.memref_slice %arg2[%mul3A_2] : memref<204800xi32, #tpu.memory_space<hbm>> -> memref<128xi32, #tpu.memory_space<hbm>>
    tpu.wait_dma2 semaphore(%arg12 : memref<!tpu.dma_semaphore, #tpu.memory_space<semaphore_mem>>) src(%dma_wait3A_662 : memref<128xi32, #tpu.memory_space<hbm>>) dst(%dma_wait3A_661 : memref<128xi32, #tpu.memory_space<vmem>>)
    %dma_wait3A_663 = arith.constant 12 : i32
    %dma_wait3A_664 = arith.constant 0 : i32
    %dma_wait3A_665 = tpu.memref_slice %arg7[%dma_wait3A_663, %dma_wait3A_664] : memref<50x128xi32, #tpu.memory_space<vmem>> -> memref<1x128xi32, #tpu.memory_space<vmem>>
    %dma_wait3A_666 = tpu.memref_squeeze %dma_wait3A_665 : memref<1x128xi32, #tpu.memory_space<vmem>> -> memref<128xi32, #tpu.memory_space<vmem>>
    %dma_wait3A_667 = tpu.memref_slice %arg2[%mul3A_2] : memref<204800xi32, #tpu.memory_space<hbm>> -> memref<128xi32, #tpu.memory_space<hbm>>
    %dma_wait3A_668 = arith.constant 0 : i32
    %dma_wait3A_669 = tpu.memref_slice %arg7[%dma_wait3A_663, %dma_wait3A_668] : memref<50x128xi32, #tpu.memory_space<vmem>> -> memref<1x128xi32, #tpu.memory_space<vmem>>
    %dma_wait3A_670 = tpu.memref_squeeze %dma_wait3A_669 : memref<1x128xi32, #tpu.memory_space<vmem>> -> memref<128xi32, #tpu.memory_space<vmem>>
    %dma_wait3A_671 = tpu.memref_slice %arg2[%mul3A_2] : memref<204800xi32, #tpu.memory_space<hbm>> -> memref<128xi32, #tpu.memory_space<hbm>>
    tpu.wait_dma2 semaphore(%arg12 : memref<!tpu.dma_semaphore, #tpu.memory_space<semaphore_mem>>) src(%dma_wait3A_671 : memref<128xi32, #tpu.memory_space<hbm>>) dst(%dma_wait3A_670 : memref<128xi32, #tpu.memory_space<vmem>>)
    %dma_wait3A_672 = arith.constant 13 : i32
    %dma_wait3A_673 = arith.constant 0 : i32
    %dma_wait3A_674 = tpu.memref_slice %arg7[%dma_wait3A_672, %dma_wait3A_673] : memref<50x128xi32, #tpu.memory_space<vmem>> -> memref<1x128xi32, #tpu.memory_space<vmem>>
    %dma_wait3A_675 = tpu.memref_squeeze %dma_wait3A_674 : memref<1x128xi32, #tpu.memory_space<vmem>> -> memref<128xi32, #tpu.memory_space<vmem>>
    %dma_wait3A_676 = tpu.memref_slice %arg2[%mul3A_2] : memref<204800xi32, #tpu.memory_space<hbm>> -> memref<128xi32, #tpu.memory_space<hbm>>
    %dma_wait3A_677 = arith.constant 0 : i32
    %dma_wait3A_678 = tpu.memref_slice %arg7[%dma_wait3A_672, %dma_wait3A_677] : memref<50x128xi32, #tpu.memory_space<vmem>> -> memref<1x128xi32, #tpu.memory_space<vmem>>
    %dma_wait3A_679 = tpu.memref_squeeze %dma_wait3A_678 : memref<1x128xi32, #tpu.memory_space<vmem>> -> memref<128xi32, #tpu.memory_space<vmem>>
    %dma_wait3A_680 = tpu.memref_slice %arg2[%mul3A_2] : memref<204800xi32, #tpu.memory_space<hbm>> -> memref<128xi32, #tpu.memory_space<hbm>>
    tpu.wait_dma2 semaphore(%arg12 : memref<!tpu.dma_semaphore, #tpu.memory_space<semaphore_mem>>) src(%dma_wait3A_680 : memref<128xi32, #tpu.memory_space<hbm>>) dst(%dma_wait3A_679 : memref<128xi32, #tpu.memory_space<vmem>>)
    %dma_wait3A_681 = arith.constant 14 : i32
    %dma_wait3A_682 = arith.constant 0 : i32
    %dma_wait3A_683 = tpu.memref_slice %arg7[%dma_wait3A_681, %dma_wait3A_682] : memref<50x128xi32, #tpu.memory_space<vmem>> -> memref<1x128xi32, #tpu.memory_space<vmem>>
    %dma_wait3A_684 = tpu.memref_squeeze %dma_wait3A_683 : memref<1x128xi32, #tpu.memory_space<vmem>> -> memref<128xi32, #tpu.memory_space<vmem>>
    %dma_wait3A_685 = tpu.memref_slice %arg2[%mul3A_2] : memref<204800xi32, #tpu.memory_space<hbm>> -> memref<128xi32, #tpu.memory_space<hbm>>
    %dma_wait3A_686 = arith.constant 0 : i32
    %dma_wait3A_687 = tpu.memref_slice %arg7[%dma_wait3A_681, %dma_wait3A_686] : memref<50x128xi32, #tpu.memory_space<vmem>> -> memref<1x128xi32, #tpu.memory_space<vmem>>
    %dma_wait3A_688 = tpu.memref_squeeze %dma_wait3A_687 : memref<1x128xi32, #tpu.memory_space<vmem>> -> memref<128xi32, #tpu.memory_space<vmem>>
    %dma_wait3A_689 = tpu.memref_slice %arg2[%mul3A_2] : memref<204800xi32, #tpu.memory_space<hbm>> -> memref<128xi32, #tpu.memory_space<hbm>>
    tpu.wait_dma2 semaphore(%arg12 : memref<!tpu.dma_semaphore, #tpu.memory_space<semaphore_mem>>) src(%dma_wait3A_689 : memref<128xi32, #tpu.memory_space<hbm>>) dst(%dma_wait3A_688 : memref<128xi32, #tpu.memory_space<vmem>>)
    %dma_wait3A_690 = arith.constant 15 : i32
    %dma_wait3A_691 = arith.constant 0 : i32
    %dma_wait3A_692 = tpu.memref_slice %arg7[%dma_wait3A_690, %dma_wait3A_691] : memref<50x128xi32, #tpu.memory_space<vmem>> -> memref<1x128xi32, #tpu.memory_space<vmem>>
    %dma_wait3A_693 = tpu.memref_squeeze %dma_wait3A_692 : memref<1x128xi32, #tpu.memory_space<vmem>> -> memref<128xi32, #tpu.memory_space<vmem>>
    %dma_wait3A_694 = tpu.memref_slice %arg2[%mul3A_2] : memref<204800xi32, #tpu.memory_space<hbm>> -> memref<128xi32, #tpu.memory_space<hbm>>
    %dma_wait3A_695 = arith.constant 0 : i32
    %dma_wait3A_696 = tpu.memref_slice %arg7[%dma_wait3A_690, %dma_wait3A_695] : memref<50x128xi32, #tpu.memory_space<vmem>> -> memref<1x128xi32, #tpu.memory_space<vmem>>
    %dma_wait3A_697 = tpu.memref_squeeze %dma_wait3A_696 : memref<1x128xi32, #tpu.memory_space<vmem>> -> memref<128xi32, #tpu.memory_space<vmem>>
    %dma_wait3A_698 = tpu.memref_slice %arg2[%mul3A_2] : memref<204800xi32, #tpu.memory_space<hbm>> -> memref<128xi32, #tpu.memory_space<hbm>>
    tpu.wait_dma2 semaphore(%arg12 : memref<!tpu.dma_semaphore, #tpu.memory_space<semaphore_mem>>) src(%dma_wait3A_698 : memref<128xi32, #tpu.memory_space<hbm>>) dst(%dma_wait3A_697 : memref<128xi32, #tpu.memory_space<vmem>>)
    %dma_wait3A_699 = arith.constant 16 : i32
    %dma_wait3A_700 = arith.constant 0 : i32
    %dma_wait3A_701 = tpu.memref_slice %arg7[%dma_wait3A_699, %dma_wait3A_700] : memref<50x128xi32, #tpu.memory_space<vmem>> -> memref<1x128xi32, #tpu.memory_space<vmem>>
    %dma_wait3A_702 = tpu.memref_squeeze %dma_wait3A_701 : memref<1x128xi32, #tpu.memory_space<vmem>> -> memref<128xi32, #tpu.memory_space<vmem>>
    %dma_wait3A_703 = tpu.memref_slice %arg2[%mul3A_2] : memref<204800xi32, #tpu.memory_space<hbm>> -> memref<128xi32, #tpu.memory_space<hbm>>
    %dma_wait3A_704 = arith.constant 0 : i32
    %dma_wait3A_705 = tpu.memref_slice %arg7[%dma_wait3A_699, %dma_wait3A_704] : memref<50x128xi32, #tpu.memory_space<vmem>> -> memref<1x128xi32, #tpu.memory_space<vmem>>
    %dma_wait3A_706 = tpu.memref_squeeze %dma_wait3A_705 : memref<1x128xi32, #tpu.memory_space<vmem>> -> memref<128xi32, #tpu.memory_space<vmem>>
    %dma_wait3A_707 = tpu.memref_slice %arg2[%mul3A_2] : memref<204800xi32, #tpu.memory_space<hbm>> -> memref<128xi32, #tpu.memory_space<hbm>>
    tpu.wait_dma2 semaphore(%arg12 : memref<!tpu.dma_semaphore, #tpu.memory_space<semaphore_mem>>) src(%dma_wait3A_707 : memref<128xi32, #tpu.memory_space<hbm>>) dst(%dma_wait3A_706 : memref<128xi32, #tpu.memory_space<vmem>>)
    %dma_wait3A_708 = arith.constant 17 : i32
    %dma_wait3A_709 = arith.constant 0 : i32
    %dma_wait3A_710 = tpu.memref_slice %arg7[%dma_wait3A_708, %dma_wait3A_709] : memref<50x128xi32, #tpu.memory_space<vmem>> -> memref<1x128xi32, #tpu.memory_space<vmem>>
    %dma_wait3A_711 = tpu.memref_squeeze %dma_wait3A_710 : memref<1x128xi32, #tpu.memory_space<vmem>> -> memref<128xi32, #tpu.memory_space<vmem>>
    %dma_wait3A_712 = tpu.memref_slice %arg2[%mul3A_2] : memref<204800xi32, #tpu.memory_space<hbm>> -> memref<128xi32, #tpu.memory_space<hbm>>
    %dma_wait3A_713 = arith.constant 0 : i32
    %dma_wait3A_714 = tpu.memref_slice %arg7[%dma_wait3A_708, %dma_wait3A_713] : memref<50x128xi32, #tpu.memory_space<vmem>> -> memref<1x128xi32, #tpu.memory_space<vmem>>
    %dma_wait3A_715 = tpu.memref_squeeze %dma_wait3A_714 : memref<1x128xi32, #tpu.memory_space<vmem>> -> memref<128xi32, #tpu.memory_space<vmem>>
    %dma_wait3A_716 = tpu.memref_slice %arg2[%mul3A_2] : memref<204800xi32, #tpu.memory_space<hbm>> -> memref<128xi32, #tpu.memory_space<hbm>>
    tpu.wait_dma2 semaphore(%arg12 : memref<!tpu.dma_semaphore, #tpu.memory_space<semaphore_mem>>) src(%dma_wait3A_716 : memref<128xi32, #tpu.memory_space<hbm>>) dst(%dma_wait3A_715 : memref<128xi32, #tpu.memory_space<vmem>>)
    %dma_wait3A_717 = arith.constant 18 : i32
    %dma_wait3A_718 = arith.constant 0 : i32
    %dma_wait3A_719 = tpu.memref_slice %arg7[%dma_wait3A_717, %dma_wait3A_718] : memref<50x128xi32, #tpu.memory_space<vmem>> -> memref<1x128xi32, #tpu.memory_space<vmem>>
    %dma_wait3A_720 = tpu.memref_squeeze %dma_wait3A_719 : memref<1x128xi32, #tpu.memory_space<vmem>> -> memref<128xi32, #tpu.memory_space<vmem>>
    %dma_wait3A_721 = tpu.memref_slice %arg2[%mul3A_2] : memref<204800xi32, #tpu.memory_space<hbm>> -> memref<128xi32, #tpu.memory_space<hbm>>
    %dma_wait3A_722 = arith.constant 0 : i32
    %dma_wait3A_723 = tpu.memref_slice %arg7[%dma_wait3A_717, %dma_wait3A_722] : memref<50x128xi32, #tpu.memory_space<vmem>> -> memref<1x128xi32, #tpu.memory_space<vmem>>
    %dma_wait3A_724 = tpu.memref_squeeze %dma_wait3A_723 : memref<1x128xi32, #tpu.memory_space<vmem>> -> memref<128xi32, #tpu.memory_space<vmem>>
    %dma_wait3A_725 = tpu.memref_slice %arg2[%mul3A_2] : memref<204800xi32, #tpu.memory_space<hbm>> -> memref<128xi32, #tpu.memory_space<hbm>>
    tpu.wait_dma2 semaphore(%arg12 : memref<!tpu.dma_semaphore, #tpu.memory_space<semaphore_mem>>) src(%dma_wait3A_725 : memref<128xi32, #tpu.memory_space<hbm>>) dst(%dma_wait3A_724 : memref<128xi32, #tpu.memory_space<vmem>>)
    %dma_wait3A_726 = arith.constant 19 : i32
    %dma_wait3A_727 = arith.constant 0 : i32
    %dma_wait3A_728 = tpu.memref_slice %arg7[%dma_wait3A_726, %dma_wait3A_727] : memref<50x128xi32, #tpu.memory_space<vmem>> -> memref<1x128xi32, #tpu.memory_space<vmem>>
    %dma_wait3A_729 = tpu.memref_squeeze %dma_wait3A_728 : memref<1x128xi32, #tpu.memory_space<vmem>> -> memref<128xi32, #tpu.memory_space<vmem>>
    %dma_wait3A_730 = tpu.memref_slice %arg2[%mul3A_2] : memref<204800xi32, #tpu.memory_space<hbm>> -> memref<128xi32, #tpu.memory_space<hbm>>
    %dma_wait3A_731 = arith.constant 0 : i32
    %dma_wait3A_732 = tpu.memref_slice %arg7[%dma_wait3A_726, %dma_wait3A_731] : memref<50x128xi32, #tpu.memory_space<vmem>> -> memref<1x128xi32, #tpu.memory_space<vmem>>
    %dma_wait3A_733 = tpu.memref_squeeze %dma_wait3A_732 : memref<1x128xi32, #tpu.memory_space<vmem>> -> memref<128xi32, #tpu.memory_space<vmem>>
    %dma_wait3A_734 = tpu.memref_slice %arg2[%mul3A_2] : memref<204800xi32, #tpu.memory_space<hbm>> -> memref<128xi32, #tpu.memory_space<hbm>>
    tpu.wait_dma2 semaphore(%arg12 : memref<!tpu.dma_semaphore, #tpu.memory_space<semaphore_mem>>) src(%dma_wait3A_734 : memref<128xi32, #tpu.memory_space<hbm>>) dst(%dma_wait3A_733 : memref<128xi32, #tpu.memory_space<vmem>>)
    %dma_wait3A_735 = arith.constant 20 : i32
    %dma_wait3A_736 = arith.constant 0 : i32
    %dma_wait3A_737 = tpu.memref_slice %arg7[%dma_wait3A_735, %dma_wait3A_736] : memref<50x128xi32, #tpu.memory_space<vmem>> -> memref<1x128xi32, #tpu.memory_space<vmem>>
    %dma_wait3A_738 = tpu.memref_squeeze %dma_wait3A_737 : memref<1x128xi32, #tpu.memory_space<vmem>> -> memref<128xi32, #tpu.memory_space<vmem>>
    %dma_wait3A_739 = tpu.memref_slice %arg2[%mul3A_2] : memref<204800xi32, #tpu.memory_space<hbm>> -> memref<128xi32, #tpu.memory_space<hbm>>
    %dma_wait3A_740 = arith.constant 0 : i32
    %dma_wait3A_741 = tpu.memref_slice %arg7[%dma_wait3A_735, %dma_wait3A_740] : memref<50x128xi32, #tpu.memory_space<vmem>> -> memref<1x128xi32, #tpu.memory_space<vmem>>
    %dma_wait3A_742 = tpu.memref_squeeze %dma_wait3A_741 : memref<1x128xi32, #tpu.memory_space<vmem>> -> memref<128xi32, #tpu.memory_space<vmem>>
    %dma_wait3A_743 = tpu.memref_slice %arg2[%mul3A_2] : memref<204800xi32, #tpu.memory_space<hbm>> -> memref<128xi32, #tpu.memory_space<hbm>>
    tpu.wait_dma2 semaphore(%arg12 : memref<!tpu.dma_semaphore, #tpu.memory_space<semaphore_mem>>) src(%dma_wait3A_743 : memref<128xi32, #tpu.memory_space<hbm>>) dst(%dma_wait3A_742 : memref<128xi32, #tpu.memory_space<vmem>>)
    %dma_wait3A_744 = arith.constant 21 : i32
    %dma_wait3A_745 = arith.constant 0 : i32
    %dma_wait3A_746 = tpu.memref_slice %arg7[%dma_wait3A_744, %dma_wait3A_745] : memref<50x128xi32, #tpu.memory_space<vmem>> -> memref<1x128xi32, #tpu.memory_space<vmem>>
    %dma_wait3A_747 = tpu.memref_squeeze %dma_wait3A_746 : memref<1x128xi32, #tpu.memory_space<vmem>> -> memref<128xi32, #tpu.memory_space<vmem>>
    %dma_wait3A_748 = tpu.memref_slice %arg2[%mul3A_2] : memref<204800xi32, #tpu.memory_space<hbm>> -> memref<128xi32, #tpu.memory_space<hbm>>
    %dma_wait3A_749 = arith.constant 0 : i32
    %dma_wait3A_750 = tpu.memref_slice %arg7[%dma_wait3A_744, %dma_wait3A_749] : memref<50x128xi32, #tpu.memory_space<vmem>> -> memref<1x128xi32, #tpu.memory_space<vmem>>
    %dma_wait3A_751 = tpu.memref_squeeze %dma_wait3A_750 : memref<1x128xi32, #tpu.memory_space<vmem>> -> memref<128xi32, #tpu.memory_space<vmem>>
    %dma_wait3A_752 = tpu.memref_slice %arg2[%mul3A_2] : memref<204800xi32, #tpu.memory_space<hbm>> -> memref<128xi32, #tpu.memory_space<hbm>>
    tpu.wait_dma2 semaphore(%arg12 : memref<!tpu.dma_semaphore, #tpu.memory_space<semaphore_mem>>) src(%dma_wait3A_752 : memref<128xi32, #tpu.memory_space<hbm>>) dst(%dma_wait3A_751 : memref<128xi32, #tpu.memory_space<vmem>>)
    %dma_wait3A_753 = arith.constant 22 : i32
    %dma_wait3A_754 = arith.constant 0 : i32
    %dma_wait3A_755 = tpu.memref_slice %arg7[%dma_wait3A_753, %dma_wait3A_754] : memref<50x128xi32, #tpu.memory_space<vmem>> -> memref<1x128xi32, #tpu.memory_space<vmem>>
    %dma_wait3A_756 = tpu.memref_squeeze %dma_wait3A_755 : memref<1x128xi32, #tpu.memory_space<vmem>> -> memref<128xi32, #tpu.memory_space<vmem>>
    %dma_wait3A_757 = tpu.memref_slice %arg2[%mul3A_2] : memref<204800xi32, #tpu.memory_space<hbm>> -> memref<128xi32, #tpu.memory_space<hbm>>
    %dma_wait3A_758 = arith.constant 0 : i32
    %dma_wait3A_759 = tpu.memref_slice %arg7[%dma_wait3A_753, %dma_wait3A_758] : memref<50x128xi32, #tpu.memory_space<vmem>> -> memref<1x128xi32, #tpu.memory_space<vmem>>
    %dma_wait3A_760 = tpu.memref_squeeze %dma_wait3A_759 : memref<1x128xi32, #tpu.memory_space<vmem>> -> memref<128xi32, #tpu.memory_space<vmem>>
    %dma_wait3A_761 = tpu.memref_slice %arg2[%mul3A_2] : memref<204800xi32, #tpu.memory_space<hbm>> -> memref<128xi32, #tpu.memory_space<hbm>>
    tpu.wait_dma2 semaphore(%arg12 : memref<!tpu.dma_semaphore, #tpu.memory_space<semaphore_mem>>) src(%dma_wait3A_761 : memref<128xi32, #tpu.memory_space<hbm>>) dst(%dma_wait3A_760 : memref<128xi32, #tpu.memory_space<vmem>>)
    %dma_wait3A_762 = arith.constant 23 : i32
    %dma_wait3A_763 = arith.constant 0 : i32
    %dma_wait3A_764 = tpu.memref_slice %arg7[%dma_wait3A_762, %dma_wait3A_763] : memref<50x128xi32, #tpu.memory_space<vmem>> -> memref<1x128xi32, #tpu.memory_space<vmem>>
    %dma_wait3A_765 = tpu.memref_squeeze %dma_wait3A_764 : memref<1x128xi32, #tpu.memory_space<vmem>> -> memref<128xi32, #tpu.memory_space<vmem>>
    %dma_wait3A_766 = tpu.memref_slice %arg2[%mul3A_2] : memref<204800xi32, #tpu.memory_space<hbm>> -> memref<128xi32, #tpu.memory_space<hbm>>
    %dma_wait3A_767 = arith.constant 0 : i32
    %dma_wait3A_768 = tpu.memref_slice %arg7[%dma_wait3A_762, %dma_wait3A_767] : memref<50x128xi32, #tpu.memory_space<vmem>> -> memref<1x128xi32, #tpu.memory_space<vmem>>
    %dma_wait3A_769 = tpu.memref_squeeze %dma_wait3A_768 : memref<1x128xi32, #tpu.memory_space<vmem>> -> memref<128xi32, #tpu.memory_space<vmem>>
    %dma_wait3A_770 = tpu.memref_slice %arg2[%mul3A_2] : memref<204800xi32, #tpu.memory_space<hbm>> -> memref<128xi32, #tpu.memory_space<hbm>>
    tpu.wait_dma2 semaphore(%arg12 : memref<!tpu.dma_semaphore, #tpu.memory_space<semaphore_mem>>) src(%dma_wait3A_770 : memref<128xi32, #tpu.memory_space<hbm>>) dst(%dma_wait3A_769 : memref<128xi32, #tpu.memory_space<vmem>>)
    %dma_wait3A_771 = arith.constant 24 : i32
    %dma_wait3A_772 = arith.constant 0 : i32
    %dma_wait3A_773 = tpu.memref_slice %arg7[%dma_wait3A_771, %dma_wait3A_772] : memref<50x128xi32, #tpu.memory_space<vmem>> -> memref<1x128xi32, #tpu.memory_space<vmem>>
    %dma_wait3A_774 = tpu.memref_squeeze %dma_wait3A_773 : memref<1x128xi32, #tpu.memory_space<vmem>> -> memref<128xi32, #tpu.memory_space<vmem>>
    %dma_wait3A_775 = tpu.memref_slice %arg2[%mul3A_2] : memref<204800xi32, #tpu.memory_space<hbm>> -> memref<128xi32, #tpu.memory_space<hbm>>
    %dma_wait3A_776 = arith.constant 0 : i32
    %dma_wait3A_777 = tpu.memref_slice %arg7[%dma_wait3A_771, %dma_wait3A_776] : memref<50x128xi32, #tpu.memory_space<vmem>> -> memref<1x128xi32, #tpu.memory_space<vmem>>
    %dma_wait3A_778 = tpu.memref_squeeze %dma_wait3A_777 : memref<1x128xi32, #tpu.memory_space<vmem>> -> memref<128xi32, #tpu.memory_space<vmem>>
    %dma_wait3A_779 = tpu.memref_slice %arg2[%mul3A_2] : memref<204800xi32, #tpu.memory_space<hbm>> -> memref<128xi32, #tpu.memory_space<hbm>>
    tpu.wait_dma2 semaphore(%arg12 : memref<!tpu.dma_semaphore, #tpu.memory_space<semaphore_mem>>) src(%dma_wait3A_779 : memref<128xi32, #tpu.memory_space<hbm>>) dst(%dma_wait3A_778 : memref<128xi32, #tpu.memory_space<vmem>>)
    %dma_wait3A_780 = arith.constant 25 : i32
    %dma_wait3A_781 = arith.constant 0 : i32
    %dma_wait3A_782 = tpu.memref_slice %arg7[%dma_wait3A_780, %dma_wait3A_781] : memref<50x128xi32, #tpu.memory_space<vmem>> -> memref<1x128xi32, #tpu.memory_space<vmem>>
    %dma_wait3A_783 = tpu.memref_squeeze %dma_wait3A_782 : memref<1x128xi32, #tpu.memory_space<vmem>> -> memref<128xi32, #tpu.memory_space<vmem>>
    %dma_wait3A_784 = tpu.memref_slice %arg2[%mul3A_2] : memref<204800xi32, #tpu.memory_space<hbm>> -> memref<128xi32, #tpu.memory_space<hbm>>
    %dma_wait3A_785 = arith.constant 0 : i32
    %dma_wait3A_786 = tpu.memref_slice %arg7[%dma_wait3A_780, %dma_wait3A_785] : memref<50x128xi32, #tpu.memory_space<vmem>> -> memref<1x128xi32, #tpu.memory_space<vmem>>
    %dma_wait3A_787 = tpu.memref_squeeze %dma_wait3A_786 : memref<1x128xi32, #tpu.memory_space<vmem>> -> memref<128xi32, #tpu.memory_space<vmem>>
    %dma_wait3A_788 = tpu.memref_slice %arg2[%mul3A_2] : memref<204800xi32, #tpu.memory_space<hbm>> -> memref<128xi32, #tpu.memory_space<hbm>>
    tpu.wait_dma2 semaphore(%arg12 : memref<!tpu.dma_semaphore, #tpu.memory_space<semaphore_mem>>) src(%dma_wait3A_788 : memref<128xi32, #tpu.memory_space<hbm>>) dst(%dma_wait3A_787 : memref<128xi32, #tpu.memory_space<vmem>>)
    %dma_wait3A_789 = arith.constant 26 : i32
    %dma_wait3A_790 = arith.constant 0 : i32
    %dma_wait3A_791 = tpu.memref_slice %arg7[%dma_wait3A_789, %dma_wait3A_790] : memref<50x128xi32, #tpu.memory_space<vmem>> -> memref<1x128xi32, #tpu.memory_space<vmem>>
    %dma_wait3A_792 = tpu.memref_squeeze %dma_wait3A_791 : memref<1x128xi32, #tpu.memory_space<vmem>> -> memref<128xi32, #tpu.memory_space<vmem>>
    %dma_wait3A_793 = tpu.memref_slice %arg2[%mul3A_2] : memref<204800xi32, #tpu.memory_space<hbm>> -> memref<128xi32, #tpu.memory_space<hbm>>
    %dma_wait3A_794 = arith.constant 0 : i32
    %dma_wait3A_795 = tpu.memref_slice %arg7[%dma_wait3A_789, %dma_wait3A_794] : memref<50x128xi32, #tpu.memory_space<vmem>> -> memref<1x128xi32, #tpu.memory_space<vmem>>
    %dma_wait3A_796 = tpu.memref_squeeze %dma_wait3A_795 : memref<1x128xi32, #tpu.memory_space<vmem>> -> memref<128xi32, #tpu.memory_space<vmem>>
    %dma_wait3A_797 = tpu.memref_slice %arg2[%mul3A_2] : memref<204800xi32, #tpu.memory_space<hbm>> -> memref<128xi32, #tpu.memory_space<hbm>>
    tpu.wait_dma2 semaphore(%arg12 : memref<!tpu.dma_semaphore, #tpu.memory_space<semaphore_mem>>) src(%dma_wait3A_797 : memref<128xi32, #tpu.memory_space<hbm>>) dst(%dma_wait3A_796 : memref<128xi32, #tpu.memory_space<vmem>>)
    %dma_wait3A_798 = arith.constant 27 : i32
    %dma_wait3A_799 = arith.constant 0 : i32
    %dma_wait3A_800 = tpu.memref_slice %arg7[%dma_wait3A_798, %dma_wait3A_799] : memref<50x128xi32, #tpu.memory_space<vmem>> -> memref<1x128xi32, #tpu.memory_space<vmem>>
    %dma_wait3A_801 = tpu.memref_squeeze %dma_wait3A_800 : memref<1x128xi32, #tpu.memory_space<vmem>> -> memref<128xi32, #tpu.memory_space<vmem>>
    %dma_wait3A_802 = tpu.memref_slice %arg2[%mul3A_2] : memref<204800xi32, #tpu.memory_space<hbm>> -> memref<128xi32, #tpu.memory_space<hbm>>
    %dma_wait3A_803 = arith.constant 0 : i32
    %dma_wait3A_804 = tpu.memref_slice %arg7[%dma_wait3A_798, %dma_wait3A_803] : memref<50x128xi32, #tpu.memory_space<vmem>> -> memref<1x128xi32, #tpu.memory_space<vmem>>
    %dma_wait3A_805 = tpu.memref_squeeze %dma_wait3A_804 : memref<1x128xi32, #tpu.memory_space<vmem>> -> memref<128xi32, #tpu.memory_space<vmem>>
    %dma_wait3A_806 = tpu.memref_slice %arg2[%mul3A_2] : memref<204800xi32, #tpu.memory_space<hbm>> -> memref<128xi32, #tpu.memory_space<hbm>>
    tpu.wait_dma2 semaphore(%arg12 : memref<!tpu.dma_semaphore, #tpu.memory_space<semaphore_mem>>) src(%dma_wait3A_806 : memref<128xi32, #tpu.memory_space<hbm>>) dst(%dma_wait3A_805 : memref<128xi32, #tpu.memory_space<vmem>>)
    %dma_wait3A_807 = arith.constant 28 : i32
    %dma_wait3A_808 = arith.constant 0 : i32
    %dma_wait3A_809 = tpu.memref_slice %arg7[%dma_wait3A_807, %dma_wait3A_808] : memref<50x128xi32, #tpu.memory_space<vmem>> -> memref<1x128xi32, #tpu.memory_space<vmem>>
    %dma_wait3A_810 = tpu.memref_squeeze %dma_wait3A_809 : memref<1x128xi32, #tpu.memory_space<vmem>> -> memref<128xi32, #tpu.memory_space<vmem>>
    %dma_wait3A_811 = tpu.memref_slice %arg2[%mul3A_2] : memref<204800xi32, #tpu.memory_space<hbm>> -> memref<128xi32, #tpu.memory_space<hbm>>
    %dma_wait3A_812 = arith.constant 0 : i32
    %dma_wait3A_813 = tpu.memref_slice %arg7[%dma_wait3A_807, %dma_wait3A_812] : memref<50x128xi32, #tpu.memory_space<vmem>> -> memref<1x128xi32, #tpu.memory_space<vmem>>
    %dma_wait3A_814 = tpu.memref_squeeze %dma_wait3A_813 : memref<1x128xi32, #tpu.memory_space<vmem>> -> memref<128xi32, #tpu.memory_space<vmem>>
    %dma_wait3A_815 = tpu.memref_slice %arg2[%mul3A_2] : memref<204800xi32, #tpu.memory_space<hbm>> -> memref<128xi32, #tpu.memory_space<hbm>>
    tpu.wait_dma2 semaphore(%arg12 : memref<!tpu.dma_semaphore, #tpu.memory_space<semaphore_mem>>) src(%dma_wait3A_815 : memref<128xi32, #tpu.memory_space<hbm>>) dst(%dma_wait3A_814 : memref<128xi32, #tpu.memory_space<vmem>>)
    %dma_wait3A_816 = arith.constant 29 : i32
    %dma_wait3A_817 = arith.constant 0 : i32
    %dma_wait3A_818 = tpu.memref_slice %arg7[%dma_wait3A_816, %dma_wait3A_817] : memref<50x128xi32, #tpu.memory_space<vmem>> -> memref<1x128xi32, #tpu.memory_space<vmem>>
    %dma_wait3A_819 = tpu.memref_squeeze %dma_wait3A_818 : memref<1x128xi32, #tpu.memory_space<vmem>> -> memref<128xi32, #tpu.memory_space<vmem>>
    %dma_wait3A_820 = tpu.memref_slice %arg2[%mul3A_2] : memref<204800xi32, #tpu.memory_space<hbm>> -> memref<128xi32, #tpu.memory_space<hbm>>
    %dma_wait3A_821 = arith.constant 0 : i32
    %dma_wait3A_822 = tpu.memref_slice %arg7[%dma_wait3A_816, %dma_wait3A_821] : memref<50x128xi32, #tpu.memory_space<vmem>> -> memref<1x128xi32, #tpu.memory_space<vmem>>
    %dma_wait3A_823 = tpu.memref_squeeze %dma_wait3A_822 : memref<1x128xi32, #tpu.memory_space<vmem>> -> memref<128xi32, #tpu.memory_space<vmem>>
    %dma_wait3A_824 = tpu.memref_slice %arg2[%mul3A_2] : memref<204800xi32, #tpu.memory_space<hbm>> -> memref<128xi32, #tpu.memory_space<hbm>>
    tpu.wait_dma2 semaphore(%arg12 : memref<!tpu.dma_semaphore, #tpu.memory_space<semaphore_mem>>) src(%dma_wait3A_824 : memref<128xi32, #tpu.memory_space<hbm>>) dst(%dma_wait3A_823 : memref<128xi32, #tpu.memory_space<vmem>>)
    %dma_wait3A_825 = arith.constant 30 : i32
    %dma_wait3A_826 = arith.constant 0 : i32
    %dma_wait3A_827 = tpu.memref_slice %arg7[%dma_wait3A_825, %dma_wait3A_826] : memref<50x128xi32, #tpu.memory_space<vmem>> -> memref<1x128xi32, #tpu.memory_space<vmem>>
    %dma_wait3A_828 = tpu.memref_squeeze %dma_wait3A_827 : memref<1x128xi32, #tpu.memory_space<vmem>> -> memref<128xi32, #tpu.memory_space<vmem>>
    %dma_wait3A_829 = tpu.memref_slice %arg2[%mul3A_2] : memref<204800xi32, #tpu.memory_space<hbm>> -> memref<128xi32, #tpu.memory_space<hbm>>
    %dma_wait3A_830 = arith.constant 0 : i32
    %dma_wait3A_831 = tpu.memref_slice %arg7[%dma_wait3A_825, %dma_wait3A_830] : memref<50x128xi32, #tpu.memory_space<vmem>> -> memref<1x128xi32, #tpu.memory_space<vmem>>
    %dma_wait3A_832 = tpu.memref_squeeze %dma_wait3A_831 : memref<1x128xi32, #tpu.memory_space<vmem>> -> memref<128xi32, #tpu.memory_space<vmem>>
    %dma_wait3A_833 = tpu.memref_slice %arg2[%mul3A_2] : memref<204800xi32, #tpu.memory_space<hbm>> -> memref<128xi32, #tpu.memory_space<hbm>>
    tpu.wait_dma2 semaphore(%arg12 : memref<!tpu.dma_semaphore, #tpu.memory_space<semaphore_mem>>) src(%dma_wait3A_833 : memref<128xi32, #tpu.memory_space<hbm>>) dst(%dma_wait3A_832 : memref<128xi32, #tpu.memory_space<vmem>>)
    %dma_wait3A_834 = arith.constant 31 : i32
    %dma_wait3A_835 = arith.constant 0 : i32
    %dma_wait3A_836 = tpu.memref_slice %arg7[%dma_wait3A_834, %dma_wait3A_835] : memref<50x128xi32, #tpu.memory_space<vmem>> -> memref<1x128xi32, #tpu.memory_space<vmem>>
    %dma_wait3A_837 = tpu.memref_squeeze %dma_wait3A_836 : memref<1x128xi32, #tpu.memory_space<vmem>> -> memref<128xi32, #tpu.memory_space<vmem>>
    %dma_wait3A_838 = tpu.memref_slice %arg2[%mul3A_2] : memref<204800xi32, #tpu.memory_space<hbm>> -> memref<128xi32, #tpu.memory_space<hbm>>
    %dma_wait3A_839 = arith.constant 0 : i32
    %dma_wait3A_840 = tpu.memref_slice %arg7[%dma_wait3A_834, %dma_wait3A_839] : memref<50x128xi32, #tpu.memory_space<vmem>> -> memref<1x128xi32, #tpu.memory_space<vmem>>
    %dma_wait3A_841 = tpu.memref_squeeze %dma_wait3A_840 : memref<1x128xi32, #tpu.memory_space<vmem>> -> memref<128xi32, #tpu.memory_space<vmem>>
    %dma_wait3A_842 = tpu.memref_slice %arg2[%mul3A_2] : memref<204800xi32, #tpu.memory_space<hbm>> -> memref<128xi32, #tpu.memory_space<hbm>>
    tpu.wait_dma2 semaphore(%arg12 : memref<!tpu.dma_semaphore, #tpu.memory_space<semaphore_mem>>) src(%dma_wait3A_842 : memref<128xi32, #tpu.memory_space<hbm>>) dst(%dma_wait3A_841 : memref<128xi32, #tpu.memory_space<vmem>>)
    %dma_wait3A_843 = arith.constant 32 : i32
    %dma_wait3A_844 = arith.constant 0 : i32
    %dma_wait3A_845 = tpu.memref_slice %arg7[%dma_wait3A_843, %dma_wait3A_844] : memref<50x128xi32, #tpu.memory_space<vmem>> -> memref<1x128xi32, #tpu.memory_space<vmem>>
    %dma_wait3A_846 = tpu.memref_squeeze %dma_wait3A_845 : memref<1x128xi32, #tpu.memory_space<vmem>> -> memref<128xi32, #tpu.memory_space<vmem>>
    %dma_wait3A_847 = tpu.memref_slice %arg2[%mul3A_2] : memref<204800xi32, #tpu.memory_space<hbm>> -> memref<128xi32, #tpu.memory_space<hbm>>
    %dma_wait3A_848 = arith.constant 0 : i32
    %dma_wait3A_849 = tpu.memref_slice %arg7[%dma_wait3A_843, %dma_wait3A_848] : memref<50x128xi32, #tpu.memory_space<vmem>> -> memref<1x128xi32, #tpu.memory_space<vmem>>
    %dma_wait3A_850 = tpu.memref_squeeze %dma_wait3A_849 : memref<1x128xi32, #tpu.memory_space<vmem>> -> memref<128xi32, #tpu.memory_space<vmem>>
    %dma_wait3A_851 = tpu.memref_slice %arg2[%mul3A_2] : memref<204800xi32, #tpu.memory_space<hbm>> -> memref<128xi32, #tpu.memory_space<hbm>>
    tpu.wait_dma2 semaphore(%arg12 : memref<!tpu.dma_semaphore, #tpu.memory_space<semaphore_mem>>) src(%dma_wait3A_851 : memref<128xi32, #tpu.memory_space<hbm>>) dst(%dma_wait3A_850 : memref<128xi32, #tpu.memory_space<vmem>>)
    %dma_wait3A_852 = arith.constant 33 : i32
    %dma_wait3A_853 = arith.constant 0 : i32
    %dma_wait3A_854 = tpu.memref_slice %arg7[%dma_wait3A_852, %dma_wait3A_853] : memref<50x128xi32, #tpu.memory_space<vmem>> -> memref<1x128xi32, #tpu.memory_space<vmem>>
    %dma_wait3A_855 = tpu.memref_squeeze %dma_wait3A_854 : memref<1x128xi32, #tpu.memory_space<vmem>> -> memref<128xi32, #tpu.memory_space<vmem>>
    %dma_wait3A_856 = tpu.memref_slice %arg2[%mul3A_2] : memref<204800xi32, #tpu.memory_space<hbm>> -> memref<128xi32, #tpu.memory_space<hbm>>
    %dma_wait3A_857 = arith.constant 0 : i32
    %dma_wait3A_858 = tpu.memref_slice %arg7[%dma_wait3A_852, %dma_wait3A_857] : memref<50x128xi32, #tpu.memory_space<vmem>> -> memref<1x128xi32, #tpu.memory_space<vmem>>
    %dma_wait3A_859 = tpu.memref_squeeze %dma_wait3A_858 : memref<1x128xi32, #tpu.memory_space<vmem>> -> memref<128xi32, #tpu.memory_space<vmem>>
    %dma_wait3A_860 = tpu.memref_slice %arg2[%mul3A_2] : memref<204800xi32, #tpu.memory_space<hbm>> -> memref<128xi32, #tpu.memory_space<hbm>>
    tpu.wait_dma2 semaphore(%arg12 : memref<!tpu.dma_semaphore, #tpu.memory_space<semaphore_mem>>) src(%dma_wait3A_860 : memref<128xi32, #tpu.memory_space<hbm>>) dst(%dma_wait3A_859 : memref<128xi32, #tpu.memory_space<vmem>>)
    %dma_wait3A_861 = arith.constant 34 : i32
    %dma_wait3A_862 = arith.constant 0 : i32
    %dma_wait3A_863 = tpu.memref_slice %arg7[%dma_wait3A_861, %dma_wait3A_862] : memref<50x128xi32, #tpu.memory_space<vmem>> -> memref<1x128xi32, #tpu.memory_space<vmem>>
    %dma_wait3A_864 = tpu.memref_squeeze %dma_wait3A_863 : memref<1x128xi32, #tpu.memory_space<vmem>> -> memref<128xi32, #tpu.memory_space<vmem>>
    %dma_wait3A_865 = tpu.memref_slice %arg2[%mul3A_2] : memref<204800xi32, #tpu.memory_space<hbm>> -> memref<128xi32, #tpu.memory_space<hbm>>
    %dma_wait3A_866 = arith.constant 0 : i32
    %dma_wait3A_867 = tpu.memref_slice %arg7[%dma_wait3A_861, %dma_wait3A_866] : memref<50x128xi32, #tpu.memory_space<vmem>> -> memref<1x128xi32, #tpu.memory_space<vmem>>
    %dma_wait3A_868 = tpu.memref_squeeze %dma_wait3A_867 : memref<1x128xi32, #tpu.memory_space<vmem>> -> memref<128xi32, #tpu.memory_space<vmem>>
    %dma_wait3A_869 = tpu.memref_slice %arg2[%mul3A_2] : memref<204800xi32, #tpu.memory_space<hbm>> -> memref<128xi32, #tpu.memory_space<hbm>>
    tpu.wait_dma2 semaphore(%arg12 : memref<!tpu.dma_semaphore, #tpu.memory_space<semaphore_mem>>) src(%dma_wait3A_869 : memref<128xi32, #tpu.memory_space<hbm>>) dst(%dma_wait3A_868 : memref<128xi32, #tpu.memory_space<vmem>>)
    %dma_wait3A_870 = arith.constant 35 : i32
    %dma_wait3A_871 = arith.constant 0 : i32
    %dma_wait3A_872 = tpu.memref_slice %arg7[%dma_wait3A_870, %dma_wait3A_871] : memref<50x128xi32, #tpu.memory_space<vmem>> -> memref<1x128xi32, #tpu.memory_space<vmem>>
    %dma_wait3A_873 = tpu.memref_squeeze %dma_wait3A_872 : memref<1x128xi32, #tpu.memory_space<vmem>> -> memref<128xi32, #tpu.memory_space<vmem>>
    %dma_wait3A_874 = tpu.memref_slice %arg2[%mul3A_2] : memref<204800xi32, #tpu.memory_space<hbm>> -> memref<128xi32, #tpu.memory_space<hbm>>
    %dma_wait3A_875 = arith.constant 0 : i32
    %dma_wait3A_876 = tpu.memref_slice %arg7[%dma_wait3A_870, %dma_wait3A_875] : memref<50x128xi32, #tpu.memory_space<vmem>> -> memref<1x128xi32, #tpu.memory_space<vmem>>
    %dma_wait3A_877 = tpu.memref_squeeze %dma_wait3A_876 : memref<1x128xi32, #tpu.memory_space<vmem>> -> memref<128xi32, #tpu.memory_space<vmem>>
    %dma_wait3A_878 = tpu.memref_slice %arg2[%mul3A_2] : memref<204800xi32, #tpu.memory_space<hbm>> -> memref<128xi32, #tpu.memory_space<hbm>>
    tpu.wait_dma2 semaphore(%arg12 : memref<!tpu.dma_semaphore, #tpu.memory_space<semaphore_mem>>) src(%dma_wait3A_878 : memref<128xi32, #tpu.memory_space<hbm>>) dst(%dma_wait3A_877 : memref<128xi32, #tpu.memory_space<vmem>>)
    %dma_wait3A_879 = arith.constant 36 : i32
    %dma_wait3A_880 = arith.constant 0 : i32
    %dma_wait3A_881 = tpu.memref_slice %arg7[%dma_wait3A_879, %dma_wait3A_880] : memref<50x128xi32, #tpu.memory_space<vmem>> -> memref<1x128xi32, #tpu.memory_space<vmem>>
    %dma_wait3A_882 = tpu.memref_squeeze %dma_wait3A_881 : memref<1x128xi32, #tpu.memory_space<vmem>> -> memref<128xi32, #tpu.memory_space<vmem>>
    %dma_wait3A_883 = tpu.memref_slice %arg2[%mul3A_2] : memref<204800xi32, #tpu.memory_space<hbm>> -> memref<128xi32, #tpu.memory_space<hbm>>
    %dma_wait3A_884 = arith.constant 0 : i32
    %dma_wait3A_885 = tpu.memref_slice %arg7[%dma_wait3A_879, %dma_wait3A_884] : memref<50x128xi32, #tpu.memory_space<vmem>> -> memref<1x128xi32, #tpu.memory_space<vmem>>
    %dma_wait3A_886 = tpu.memref_squeeze %dma_wait3A_885 : memref<1x128xi32, #tpu.memory_space<vmem>> -> memref<128xi32, #tpu.memory_space<vmem>>
    %dma_wait3A_887 = tpu.memref_slice %arg2[%mul3A_2] : memref<204800xi32, #tpu.memory_space<hbm>> -> memref<128xi32, #tpu.memory_space<hbm>>
    tpu.wait_dma2 semaphore(%arg12 : memref<!tpu.dma_semaphore, #tpu.memory_space<semaphore_mem>>) src(%dma_wait3A_887 : memref<128xi32, #tpu.memory_space<hbm>>) dst(%dma_wait3A_886 : memref<128xi32, #tpu.memory_space<vmem>>)
    %dma_wait3A_888 = arith.constant 37 : i32
    %dma_wait3A_889 = arith.constant 0 : i32
    %dma_wait3A_890 = tpu.memref_slice %arg7[%dma_wait3A_888, %dma_wait3A_889] : memref<50x128xi32, #tpu.memory_space<vmem>> -> memref<1x128xi32, #tpu.memory_space<vmem>>
    %dma_wait3A_891 = tpu.memref_squeeze %dma_wait3A_890 : memref<1x128xi32, #tpu.memory_space<vmem>> -> memref<128xi32, #tpu.memory_space<vmem>>
    %dma_wait3A_892 = tpu.memref_slice %arg2[%mul3A_2] : memref<204800xi32, #tpu.memory_space<hbm>> -> memref<128xi32, #tpu.memory_space<hbm>>
    %dma_wait3A_893 = arith.constant 0 : i32
    %dma_wait3A_894 = tpu.memref_slice %arg7[%dma_wait3A_888, %dma_wait3A_893] : memref<50x128xi32, #tpu.memory_space<vmem>> -> memref<1x128xi32, #tpu.memory_space<vmem>>
    %dma_wait3A_895 = tpu.memref_squeeze %dma_wait3A_894 : memref<1x128xi32, #tpu.memory_space<vmem>> -> memref<128xi32, #tpu.memory_space<vmem>>
    %dma_wait3A_896 = tpu.memref_slice %arg2[%mul3A_2] : memref<204800xi32, #tpu.memory_space<hbm>> -> memref<128xi32, #tpu.memory_space<hbm>>
    tpu.wait_dma2 semaphore(%arg12 : memref<!tpu.dma_semaphore, #tpu.memory_space<semaphore_mem>>) src(%dma_wait3A_896 : memref<128xi32, #tpu.memory_space<hbm>>) dst(%dma_wait3A_895 : memref<128xi32, #tpu.memory_space<vmem>>)
    %dma_wait3A_897 = arith.constant 38 : i32
    %dma_wait3A_898 = arith.constant 0 : i32
    %dma_wait3A_899 = tpu.memref_slice %arg7[%dma_wait3A_897, %dma_wait3A_898] : memref<50x128xi32, #tpu.memory_space<vmem>> -> memref<1x128xi32, #tpu.memory_space<vmem>>
    %dma_wait3A_900 = tpu.memref_squeeze %dma_wait3A_899 : memref<1x128xi32, #tpu.memory_space<vmem>> -> memref<128xi32, #tpu.memory_space<vmem>>
    %dma_wait3A_901 = tpu.memref_slice %arg2[%mul3A_2] : memref<204800xi32, #tpu.memory_space<hbm>> -> memref<128xi32, #tpu.memory_space<hbm>>
    %dma_wait3A_902 = arith.constant 0 : i32
    %dma_wait3A_903 = tpu.memref_slice %arg7[%dma_wait3A_897, %dma_wait3A_902] : memref<50x128xi32, #tpu.memory_space<vmem>> -> memref<1x128xi32, #tpu.memory_space<vmem>>
    %dma_wait3A_904 = tpu.memref_squeeze %dma_wait3A_903 : memref<1x128xi32, #tpu.memory_space<vmem>> -> memref<128xi32, #tpu.memory_space<vmem>>
    %dma_wait3A_905 = tpu.memref_slice %arg2[%mul3A_2] : memref<204800xi32, #tpu.memory_space<hbm>> -> memref<128xi32, #tpu.memory_space<hbm>>
    tpu.wait_dma2 semaphore(%arg12 : memref<!tpu.dma_semaphore, #tpu.memory_space<semaphore_mem>>) src(%dma_wait3A_905 : memref<128xi32, #tpu.memory_space<hbm>>) dst(%dma_wait3A_904 : memref<128xi32, #tpu.memory_space<vmem>>)
    %dma_wait3A_906 = arith.constant 39 : i32
    %dma_wait3A_907 = arith.constant 0 : i32
    %dma_wait3A_908 = tpu.memref_slice %arg7[%dma_wait3A_906, %dma_wait3A_907] : memref<50x128xi32, #tpu.memory_space<vmem>> -> memref<1x128xi32, #tpu.memory_space<vmem>>
    %dma_wait3A_909 = tpu.memref_squeeze %dma_wait3A_908 : memref<1x128xi32, #tpu.memory_space<vmem>> -> memref<128xi32, #tpu.memory_space<vmem>>
    %dma_wait3A_910 = tpu.memref_slice %arg2[%mul3A_2] : memref<204800xi32, #tpu.memory_space<hbm>> -> memref<128xi32, #tpu.memory_space<hbm>>
    %dma_wait3A_911 = arith.constant 0 : i32
    %dma_wait3A_912 = tpu.memref_slice %arg7[%dma_wait3A_906, %dma_wait3A_911] : memref<50x128xi32, #tpu.memory_space<vmem>> -> memref<1x128xi32, #tpu.memory_space<vmem>>
    %dma_wait3A_913 = tpu.memref_squeeze %dma_wait3A_912 : memref<1x128xi32, #tpu.memory_space<vmem>> -> memref<128xi32, #tpu.memory_space<vmem>>
    %dma_wait3A_914 = tpu.memref_slice %arg2[%mul3A_2] : memref<204800xi32, #tpu.memory_space<hbm>> -> memref<128xi32, #tpu.memory_space<hbm>>
    tpu.wait_dma2 semaphore(%arg12 : memref<!tpu.dma_semaphore, #tpu.memory_space<semaphore_mem>>) src(%dma_wait3A_914 : memref<128xi32, #tpu.memory_space<hbm>>) dst(%dma_wait3A_913 : memref<128xi32, #tpu.memory_space<vmem>>)
    %dma_wait3A_915 = arith.constant 40 : i32
    %dma_wait3A_916 = arith.constant 0 : i32
    %dma_wait3A_917 = tpu.memref_slice %arg7[%dma_wait3A_915, %dma_wait3A_916] : memref<50x128xi32, #tpu.memory_space<vmem>> -> memref<1x128xi32, #tpu.memory_space<vmem>>
    %dma_wait3A_918 = tpu.memref_squeeze %dma_wait3A_917 : memref<1x128xi32, #tpu.memory_space<vmem>> -> memref<128xi32, #tpu.memory_space<vmem>>
    %dma_wait3A_919 = tpu.memref_slice %arg2[%mul3A_2] : memref<204800xi32, #tpu.memory_space<hbm>> -> memref<128xi32, #tpu.memory_space<hbm>>
    %dma_wait3A_920 = arith.constant 0 : i32
    %dma_wait3A_921 = tpu.memref_slice %arg7[%dma_wait3A_915, %dma_wait3A_920] : memref<50x128xi32, #tpu.memory_space<vmem>> -> memref<1x128xi32, #tpu.memory_space<vmem>>
    %dma_wait3A_922 = tpu.memref_squeeze %dma_wait3A_921 : memref<1x128xi32, #tpu.memory_space<vmem>> -> memref<128xi32, #tpu.memory_space<vmem>>
    %dma_wait3A_923 = tpu.memref_slice %arg2[%mul3A_2] : memref<204800xi32, #tpu.memory_space<hbm>> -> memref<128xi32, #tpu.memory_space<hbm>>
    tpu.wait_dma2 semaphore(%arg12 : memref<!tpu.dma_semaphore, #tpu.memory_space<semaphore_mem>>) src(%dma_wait3A_923 : memref<128xi32, #tpu.memory_space<hbm>>) dst(%dma_wait3A_922 : memref<128xi32, #tpu.memory_space<vmem>>)
    %dma_wait3A_924 = arith.constant 41 : i32
    %dma_wait3A_925 = arith.constant 0 : i32
    %dma_wait3A_926 = tpu.memref_slice %arg7[%dma_wait3A_924, %dma_wait3A_925] : memref<50x128xi32, #tpu.memory_space<vmem>> -> memref<1x128xi32, #tpu.memory_space<vmem>>
    %dma_wait3A_927 = tpu.memref_squeeze %dma_wait3A_926 : memref<1x128xi32, #tpu.memory_space<vmem>> -> memref<128xi32, #tpu.memory_space<vmem>>
    %dma_wait3A_928 = tpu.memref_slice %arg2[%mul3A_2] : memref<204800xi32, #tpu.memory_space<hbm>> -> memref<128xi32, #tpu.memory_space<hbm>>
    %dma_wait3A_929 = arith.constant 0 : i32
    %dma_wait3A_930 = tpu.memref_slice %arg7[%dma_wait3A_924, %dma_wait3A_929] : memref<50x128xi32, #tpu.memory_space<vmem>> -> memref<1x128xi32, #tpu.memory_space<vmem>>
    %dma_wait3A_931 = tpu.memref_squeeze %dma_wait3A_930 : memref<1x128xi32, #tpu.memory_space<vmem>> -> memref<128xi32, #tpu.memory_space<vmem>>
    %dma_wait3A_932 = tpu.memref_slice %arg2[%mul3A_2] : memref<204800xi32, #tpu.memory_space<hbm>> -> memref<128xi32, #tpu.memory_space<hbm>>
    tpu.wait_dma2 semaphore(%arg12 : memref<!tpu.dma_semaphore, #tpu.memory_space<semaphore_mem>>) src(%dma_wait3A_932 : memref<128xi32, #tpu.memory_space<hbm>>) dst(%dma_wait3A_931 : memref<128xi32, #tpu.memory_space<vmem>>)
    %dma_wait3A_933 = arith.constant 42 : i32
    %dma_wait3A_934 = arith.constant 0 : i32
    %dma_wait3A_935 = tpu.memref_slice %arg7[%dma_wait3A_933, %dma_wait3A_934] : memref<50x128xi32, #tpu.memory_space<vmem>> -> memref<1x128xi32, #tpu.memory_space<vmem>>
    %dma_wait3A_936 = tpu.memref_squeeze %dma_wait3A_935 : memref<1x128xi32, #tpu.memory_space<vmem>> -> memref<128xi32, #tpu.memory_space<vmem>>
    %dma_wait3A_937 = tpu.memref_slice %arg2[%mul3A_2] : memref<204800xi32, #tpu.memory_space<hbm>> -> memref<128xi32, #tpu.memory_space<hbm>>
    %dma_wait3A_938 = arith.constant 0 : i32
    %dma_wait3A_939 = tpu.memref_slice %arg7[%dma_wait3A_933, %dma_wait3A_938] : memref<50x128xi32, #tpu.memory_space<vmem>> -> memref<1x128xi32, #tpu.memory_space<vmem>>
    %dma_wait3A_940 = tpu.memref_squeeze %dma_wait3A_939 : memref<1x128xi32, #tpu.memory_space<vmem>> -> memref<128xi32, #tpu.memory_space<vmem>>
    %dma_wait3A_941 = tpu.memref_slice %arg2[%mul3A_2] : memref<204800xi32, #tpu.memory_space<hbm>> -> memref<128xi32, #tpu.memory_space<hbm>>
    tpu.wait_dma2 semaphore(%arg12 : memref<!tpu.dma_semaphore, #tpu.memory_space<semaphore_mem>>) src(%dma_wait3A_941 : memref<128xi32, #tpu.memory_space<hbm>>) dst(%dma_wait3A_940 : memref<128xi32, #tpu.memory_space<vmem>>)
    %dma_wait3A_942 = arith.constant 43 : i32
    %dma_wait3A_943 = arith.constant 0 : i32
    %dma_wait3A_944 = tpu.memref_slice %arg7[%dma_wait3A_942, %dma_wait3A_943] : memref<50x128xi32, #tpu.memory_space<vmem>> -> memref<1x128xi32, #tpu.memory_space<vmem>>
    %dma_wait3A_945 = tpu.memref_squeeze %dma_wait3A_944 : memref<1x128xi32, #tpu.memory_space<vmem>> -> memref<128xi32, #tpu.memory_space<vmem>>
    %dma_wait3A_946 = tpu.memref_slice %arg2[%mul3A_2] : memref<204800xi32, #tpu.memory_space<hbm>> -> memref<128xi32, #tpu.memory_space<hbm>>
    %dma_wait3A_947 = arith.constant 0 : i32
    %dma_wait3A_948 = tpu.memref_slice %arg7[%dma_wait3A_942, %dma_wait3A_947] : memref<50x128xi32, #tpu.memory_space<vmem>> -> memref<1x128xi32, #tpu.memory_space<vmem>>
    %dma_wait3A_949 = tpu.memref_squeeze %dma_wait3A_948 : memref<1x128xi32, #tpu.memory_space<vmem>> -> memref<128xi32, #tpu.memory_space<vmem>>
    %dma_wait3A_950 = tpu.memref_slice %arg2[%mul3A_2] : memref<204800xi32, #tpu.memory_space<hbm>> -> memref<128xi32, #tpu.memory_space<hbm>>
    tpu.wait_dma2 semaphore(%arg12 : memref<!tpu.dma_semaphore, #tpu.memory_space<semaphore_mem>>) src(%dma_wait3A_950 : memref<128xi32, #tpu.memory_space<hbm>>) dst(%dma_wait3A_949 : memref<128xi32, #tpu.memory_space<vmem>>)
    %dma_wait3A_951 = arith.constant 44 : i32
    %dma_wait3A_952 = arith.constant 0 : i32
    %dma_wait3A_953 = tpu.memref_slice %arg7[%dma_wait3A_951, %dma_wait3A_952] : memref<50x128xi32, #tpu.memory_space<vmem>> -> memref<1x128xi32, #tpu.memory_space<vmem>>
    %dma_wait3A_954 = tpu.memref_squeeze %dma_wait3A_953 : memref<1x128xi32, #tpu.memory_space<vmem>> -> memref<128xi32, #tpu.memory_space<vmem>>
    %dma_wait3A_955 = tpu.memref_slice %arg2[%mul3A_2] : memref<204800xi32, #tpu.memory_space<hbm>> -> memref<128xi32, #tpu.memory_space<hbm>>
    %dma_wait3A_956 = arith.constant 0 : i32
    %dma_wait3A_957 = tpu.memref_slice %arg7[%dma_wait3A_951, %dma_wait3A_956] : memref<50x128xi32, #tpu.memory_space<vmem>> -> memref<1x128xi32, #tpu.memory_space<vmem>>
    %dma_wait3A_958 = tpu.memref_squeeze %dma_wait3A_957 : memref<1x128xi32, #tpu.memory_space<vmem>> -> memref<128xi32, #tpu.memory_space<vmem>>
    %dma_wait3A_959 = tpu.memref_slice %arg2[%mul3A_2] : memref<204800xi32, #tpu.memory_space<hbm>> -> memref<128xi32, #tpu.memory_space<hbm>>
    tpu.wait_dma2 semaphore(%arg12 : memref<!tpu.dma_semaphore, #tpu.memory_space<semaphore_mem>>) src(%dma_wait3A_959 : memref<128xi32, #tpu.memory_space<hbm>>) dst(%dma_wait3A_958 : memref<128xi32, #tpu.memory_space<vmem>>)
    %dma_wait3A_960 = arith.constant 45 : i32
    %dma_wait3A_961 = arith.constant 0 : i32
    %dma_wait3A_962 = tpu.memref_slice %arg7[%dma_wait3A_960, %dma_wait3A_961] : memref<50x128xi32, #tpu.memory_space<vmem>> -> memref<1x128xi32, #tpu.memory_space<vmem>>
    %dma_wait3A_963 = tpu.memref_squeeze %dma_wait3A_962 : memref<1x128xi32, #tpu.memory_space<vmem>> -> memref<128xi32, #tpu.memory_space<vmem>>
    %dma_wait3A_964 = tpu.memref_slice %arg2[%mul3A_2] : memref<204800xi32, #tpu.memory_space<hbm>> -> memref<128xi32, #tpu.memory_space<hbm>>
    %dma_wait3A_965 = arith.constant 0 : i32
    %dma_wait3A_966 = tpu.memref_slice %arg7[%dma_wait3A_960, %dma_wait3A_965] : memref<50x128xi32, #tpu.memory_space<vmem>> -> memref<1x128xi32, #tpu.memory_space<vmem>>
    %dma_wait3A_967 = tpu.memref_squeeze %dma_wait3A_966 : memref<1x128xi32, #tpu.memory_space<vmem>> -> memref<128xi32, #tpu.memory_space<vmem>>
    %dma_wait3A_968 = tpu.memref_slice %arg2[%mul3A_2] : memref<204800xi32, #tpu.memory_space<hbm>> -> memref<128xi32, #tpu.memory_space<hbm>>
    tpu.wait_dma2 semaphore(%arg12 : memref<!tpu.dma_semaphore, #tpu.memory_space<semaphore_mem>>) src(%dma_wait3A_968 : memref<128xi32, #tpu.memory_space<hbm>>) dst(%dma_wait3A_967 : memref<128xi32, #tpu.memory_space<vmem>>)
    %dma_wait3A_969 = arith.constant 46 : i32
    %dma_wait3A_970 = arith.constant 0 : i32
    %dma_wait3A_971 = tpu.memref_slice %arg7[%dma_wait3A_969, %dma_wait3A_970] : memref<50x128xi32, #tpu.memory_space<vmem>> -> memref<1x128xi32, #tpu.memory_space<vmem>>
    %dma_wait3A_972 = tpu.memref_squeeze %dma_wait3A_971 : memref<1x128xi32, #tpu.memory_space<vmem>> -> memref<128xi32, #tpu.memory_space<vmem>>
    %dma_wait3A_973 = tpu.memref_slice %arg2[%mul3A_2] : memref<204800xi32, #tpu.memory_space<hbm>> -> memref<128xi32, #tpu.memory_space<hbm>>
    %dma_wait3A_974 = arith.constant 0 : i32
    %dma_wait3A_975 = tpu.memref_slice %arg7[%dma_wait3A_969, %dma_wait3A_974] : memref<50x128xi32, #tpu.memory_space<vmem>> -> memref<1x128xi32, #tpu.memory_space<vmem>>
    %dma_wait3A_976 = tpu.memref_squeeze %dma_wait3A_975 : memref<1x128xi32, #tpu.memory_space<vmem>> -> memref<128xi32, #tpu.memory_space<vmem>>
    %dma_wait3A_977 = tpu.memref_slice %arg2[%mul3A_2] : memref<204800xi32, #tpu.memory_space<hbm>> -> memref<128xi32, #tpu.memory_space<hbm>>
    tpu.wait_dma2 semaphore(%arg12 : memref<!tpu.dma_semaphore, #tpu.memory_space<semaphore_mem>>) src(%dma_wait3A_977 : memref<128xi32, #tpu.memory_space<hbm>>) dst(%dma_wait3A_976 : memref<128xi32, #tpu.memory_space<vmem>>)
    %dma_wait3A_978 = arith.constant 47 : i32
    %dma_wait3A_979 = arith.constant 0 : i32
    %dma_wait3A_980 = tpu.memref_slice %arg7[%dma_wait3A_978, %dma_wait3A_979] : memref<50x128xi32, #tpu.memory_space<vmem>> -> memref<1x128xi32, #tpu.memory_space<vmem>>
    %dma_wait3A_981 = tpu.memref_squeeze %dma_wait3A_980 : memref<1x128xi32, #tpu.memory_space<vmem>> -> memref<128xi32, #tpu.memory_space<vmem>>
    %dma_wait3A_982 = tpu.memref_slice %arg2[%mul3A_2] : memref<204800xi32, #tpu.memory_space<hbm>> -> memref<128xi32, #tpu.memory_space<hbm>>
    %dma_wait3A_983 = arith.constant 0 : i32
    %dma_wait3A_984 = tpu.memref_slice %arg7[%dma_wait3A_978, %dma_wait3A_983] : memref<50x128xi32, #tpu.memory_space<vmem>> -> memref<1x128xi32, #tpu.memory_space<vmem>>
    %dma_wait3A_985 = tpu.memref_squeeze %dma_wait3A_984 : memref<1x128xi32, #tpu.memory_space<vmem>> -> memref<128xi32, #tpu.memory_space<vmem>>
    %dma_wait3A_986 = tpu.memref_slice %arg2[%mul3A_2] : memref<204800xi32, #tpu.memory_space<hbm>> -> memref<128xi32, #tpu.memory_space<hbm>>
    tpu.wait_dma2 semaphore(%arg12 : memref<!tpu.dma_semaphore, #tpu.memory_space<semaphore_mem>>) src(%dma_wait3A_986 : memref<128xi32, #tpu.memory_space<hbm>>) dst(%dma_wait3A_985 : memref<128xi32, #tpu.memory_space<vmem>>)
    %dma_wait3A_987 = arith.constant 48 : i32
    %dma_wait3A_988 = arith.constant 0 : i32
    %dma_wait3A_989 = tpu.memref_slice %arg7[%dma_wait3A_987, %dma_wait3A_988] : memref<50x128xi32, #tpu.memory_space<vmem>> -> memref<1x128xi32, #tpu.memory_space<vmem>>
    %dma_wait3A_990 = tpu.memref_squeeze %dma_wait3A_989 : memref<1x128xi32, #tpu.memory_space<vmem>> -> memref<128xi32, #tpu.memory_space<vmem>>
    %dma_wait3A_991 = tpu.memref_slice %arg2[%mul3A_2] : memref<204800xi32, #tpu.memory_space<hbm>> -> memref<128xi32, #tpu.memory_space<hbm>>
    %dma_wait3A_992 = arith.constant 0 : i32
    %dma_wait3A_993 = tpu.memref_slice %arg7[%dma_wait3A_987, %dma_wait3A_992] : memref<50x128xi32, #tpu.memory_space<vmem>> -> memref<1x128xi32, #tpu.memory_space<vmem>>
    %dma_wait3A_994 = tpu.memref_squeeze %dma_wait3A_993 : memref<1x128xi32, #tpu.memory_space<vmem>> -> memref<128xi32, #tpu.memory_space<vmem>>
    %dma_wait3A_995 = tpu.memref_slice %arg2[%mul3A_2] : memref<204800xi32, #tpu.memory_space<hbm>> -> memref<128xi32, #tpu.memory_space<hbm>>
    tpu.wait_dma2 semaphore(%arg12 : memref<!tpu.dma_semaphore, #tpu.memory_space<semaphore_mem>>) src(%dma_wait3A_995 : memref<128xi32, #tpu.memory_space<hbm>>) dst(%dma_wait3A_994 : memref<128xi32, #tpu.memory_space<vmem>>)
    %dma_wait3A_996 = arith.constant 49 : i32
    %dma_wait3A_997 = arith.constant 0 : i32
    %dma_wait3A_998 = tpu.memref_slice %arg7[%dma_wait3A_996, %dma_wait3A_997] : memref<50x128xi32, #tpu.memory_space<vmem>> -> memref<1x128xi32, #tpu.memory_space<vmem>>
    %dma_wait3A_999 = tpu.memref_squeeze %dma_wait3A_998 : memref<1x128xi32, #tpu.memory_space<vmem>> -> memref<128xi32, #tpu.memory_space<vmem>>
    %dma_wait3A_1000 = tpu.memref_slice %arg2[%mul3A_2] : memref<204800xi32, #tpu.memory_space<hbm>> -> memref<128xi32, #tpu.memory_space<hbm>>
    %dma_wait3A_1001 = arith.constant 0 : i32
    %dma_wait3A_1002 = tpu.memref_slice %arg7[%dma_wait3A_996, %dma_wait3A_1001] : memref<50x128xi32, #tpu.memory_space<vmem>> -> memref<1x128xi32, #tpu.memory_space<vmem>>
    %dma_wait3A_1003 = tpu.memref_squeeze %dma_wait3A_1002 : memref<1x128xi32, #tpu.memory_space<vmem>> -> memref<128xi32, #tpu.memory_space<vmem>>
    %dma_wait3A_1004 = tpu.memref_slice %arg2[%mul3A_2] : memref<204800xi32, #tpu.memory_space<hbm>> -> memref<128xi32, #tpu.memory_space<hbm>>
    tpu.wait_dma2 semaphore(%arg12 : memref<!tpu.dma_semaphore, #tpu.memory_space<semaphore_mem>>) src(%dma_wait3A_1004 : memref<128xi32, #tpu.memory_space<hbm>>) dst(%dma_wait3A_1003 : memref<128xi32, #tpu.memory_space<vmem>>)
    %dma_wait3A_1005 = arith.constant 0 : i32
    %dma_wait3A_1006 = tpu.memref_slice %arg5[%dma_wait3A_1005] : memref<26112xi32, #tpu.memory_space<hbm>> -> memref<816xi32, #tpu.memory_space<hbm>>
    %dma_wait3A_1007 = arith.constant 0 : i32
    %dma_wait3A_1008 = tpu.memref_slice %arg5[%dma_wait3A_1007] : memref<26112xi32, #tpu.memory_space<hbm>> -> memref<816xi32, #tpu.memory_space<hbm>>
    tpu.wait_dma2 semaphore(%arg12 : memref<!tpu.dma_semaphore, #tpu.memory_space<semaphore_mem>>) src(%dma_wait3A_1008 : memref<816xi32, #tpu.memory_space<hbm>>) dst(%arg8 : memref<816xi32, #tpu.memory_space<vmem>>)
    %dma_start3A_1009 = arith.constant 0 : i32
    %dma_start3A_1010 = arith.constant 0 : i32
    %dma_start3A_1011 = arith.constant 0 : i32
    %dma_start3A_1012 = arith.constant 0 : i32
    %dma_start3A_1013 = tpu.memref_slice %arg11[%dma_start3A_1010, %dma_start3A_1011, %dma_start3A_1012] : memref<4x128x128xf32, #tpu.memory_space<vmem>> -> memref<1x128x128xf32, #tpu.memory_space<vmem>>
    %dma_start3A_1014 = tpu.memref_squeeze %dma_start3A_1013 : memref<1x128x128xf32, #tpu.memory_space<vmem>> -> memref<128x128xf32, #tpu.memory_space<vmem>>
    %dma_start3A_1015 = arith.constant 0 : i32
    %dma_start3A_1016 = tpu.memref_slice %arg7[%dma_start3A_1009, %dma_start3A_1015] : memref<50x128xi32, #tpu.memory_space<vmem>> -> memref<1x128xi32, #tpu.memory_space<vmem>>
    %dma_start3A_1017 = tpu.memref_squeeze %dma_start3A_1016 : memref<1x128xi32, #tpu.memory_space<vmem>> -> memref<128xi32, #tpu.memory_space<vmem>>
    %dma_start3A_1018 = arith.constant 0 : i32
    %dma_start3A_1019 = arith.constant 0 : i32
    %dma_start3A_1020 = tpu.memref_slice %arg3[%dma_start3A_1018, %dma_start3A_1019] : memref<100000x128xf32, #tpu.memory_space<hbm>> -> memref<100000x128xf32, #tpu.memory_space<hbm>>
    tpu.enqueue_indirect_dma source(%dma_start3A_1020 : memref<100000x128xf32, #tpu.memory_space<hbm>>) target(%dma_start3A_1014 : memref<128x128xf32, #tpu.memory_space<vmem>>) offsets(%dma_start3A_1017 : memref<128xi32, #tpu.memory_space<vmem>>) semaphore(%arg14 : memref<!tpu.dma_semaphore, #tpu.memory_space<semaphore_mem>>)
    %dma_start3A_1021 = arith.constant 1 : i32
    %dma_start3A_1022 = arith.constant 1 : i32
    %dma_start3A_1023 = arith.constant 0 : i32
    %dma_start3A_1024 = arith.constant 0 : i32
    %dma_start3A_1025 = tpu.memref_slice %arg11[%dma_start3A_1022, %dma_start3A_1023, %dma_start3A_1024] : memref<4x128x128xf32, #tpu.memory_space<vmem>> -> memref<1x128x128xf32, #tpu.memory_space<vmem>>
    %dma_start3A_1026 = tpu.memref_squeeze %dma_start3A_1025 : memref<1x128x128xf32, #tpu.memory_space<vmem>> -> memref<128x128xf32, #tpu.memory_space<vmem>>
    %dma_start3A_1027 = arith.constant 0 : i32
    %dma_start3A_1028 = tpu.memref_slice %arg7[%dma_start3A_1021, %dma_start3A_1027] : memref<50x128xi32, #tpu.memory_space<vmem>> -> memref<1x128xi32, #tpu.memory_space<vmem>>
    %dma_start3A_1029 = tpu.memref_squeeze %dma_start3A_1028 : memref<1x128xi32, #tpu.memory_space<vmem>> -> memref<128xi32, #tpu.memory_space<vmem>>
    %dma_start3A_1030 = arith.constant 0 : i32
    %dma_start3A_1031 = arith.constant 0 : i32
    %dma_start3A_1032 = tpu.memref_slice %arg3[%dma_start3A_1030, %dma_start3A_1031] : memref<100000x128xf32, #tpu.memory_space<hbm>> -> memref<100000x128xf32, #tpu.memory_space<hbm>>
    tpu.enqueue_indirect_dma source(%dma_start3A_1032 : memref<100000x128xf32, #tpu.memory_space<hbm>>) target(%dma_start3A_1026 : memref<128x128xf32, #tpu.memory_space<vmem>>) offsets(%dma_start3A_1029 : memref<128xi32, #tpu.memory_space<vmem>>) semaphore(%arg15 : memref<!tpu.dma_semaphore, #tpu.memory_space<semaphore_mem>>)
    %dma_start3A_1033 = arith.constant 2 : i32
    %dma_start3A_1034 = arith.constant 2 : i32
    %dma_start3A_1035 = arith.constant 0 : i32
    %dma_start3A_1036 = arith.constant 0 : i32
    %dma_start3A_1037 = tpu.memref_slice %arg11[%dma_start3A_1034, %dma_start3A_1035, %dma_start3A_1036] : memref<4x128x128xf32, #tpu.memory_space<vmem>> -> memref<1x128x128xf32, #tpu.memory_space<vmem>>
    %dma_start3A_1038 = tpu.memref_squeeze %dma_start3A_1037 : memref<1x128x128xf32, #tpu.memory_space<vmem>> -> memref<128x128xf32, #tpu.memory_space<vmem>>
    %dma_start3A_1039 = arith.constant 0 : i32
    %dma_start3A_1040 = tpu.memref_slice %arg7[%dma_start3A_1033, %dma_start3A_1039] : memref<50x128xi32, #tpu.memory_space<vmem>> -> memref<1x128xi32, #tpu.memory_space<vmem>>
    %dma_start3A_1041 = tpu.memref_squeeze %dma_start3A_1040 : memref<1x128xi32, #tpu.memory_space<vmem>> -> memref<128xi32, #tpu.memory_space<vmem>>
    %dma_start3A_1042 = arith.constant 0 : i32
    %dma_start3A_1043 = arith.constant 0 : i32
    %dma_start3A_1044 = tpu.memref_slice %arg3[%dma_start3A_1042, %dma_start3A_1043] : memref<100000x128xf32, #tpu.memory_space<hbm>> -> memref<100000x128xf32, #tpu.memory_space<hbm>>
    tpu.enqueue_indirect_dma source(%dma_start3A_1044 : memref<100000x128xf32, #tpu.memory_space<hbm>>) target(%dma_start3A_1038 : memref<128x128xf32, #tpu.memory_space<vmem>>) offsets(%dma_start3A_1041 : memref<128xi32, #tpu.memory_space<vmem>>) semaphore(%arg16 : memref<!tpu.dma_semaphore, #tpu.memory_space<semaphore_mem>>)
    %dma_wait3A_1045 = arith.constant 0 : i32
    %dma_wait3A_1046 = arith.constant 0 : i32
    %dma_wait3A_1047 = arith.constant 0 : i32
    %dma_wait3A_1048 = arith.constant 0 : i32
    %dma_wait3A_1049 = tpu.memref_slice %arg11[%dma_wait3A_1046, %dma_wait3A_1047, %dma_wait3A_1048] : memref<4x128x128xf32, #tpu.memory_space<vmem>> -> memref<1x128x128xf32, #tpu.memory_space<vmem>>
    %dma_wait3A_1050 = tpu.memref_squeeze %dma_wait3A_1049 : memref<1x128x128xf32, #tpu.memory_space<vmem>> -> memref<128x128xf32, #tpu.memory_space<vmem>>
    %dma_wait3A_1051 = arith.constant 0 : i32
    %dma_wait3A_1052 = tpu.memref_slice %arg7[%dma_wait3A_1045, %dma_wait3A_1051] : memref<50x128xi32, #tpu.memory_space<vmem>> -> memref<1x128xi32, #tpu.memory_space<vmem>>
    %dma_wait3A_1053 = tpu.memref_squeeze %dma_wait3A_1052 : memref<1x128xi32, #tpu.memory_space<vmem>> -> memref<128xi32, #tpu.memory_space<vmem>>
    %dma_wait3A_1054 = arith.constant 0 : i32
    %dma_wait3A_1055 = arith.constant 0 : i32
    %dma_wait3A_1056 = tpu.memref_slice %arg3[%dma_wait3A_1054, %dma_wait3A_1055] : memref<100000x128xf32, #tpu.memory_space<hbm>> -> memref<100000x128xf32, #tpu.memory_space<hbm>>
    tpu.wait_indirect_dma semaphore(%arg14 : memref<!tpu.dma_semaphore, #tpu.memory_space<semaphore_mem>>) src(%dma_wait3A_1056 : memref<100000x128xf32, #tpu.memory_space<hbm>>) dst(%dma_wait3A_1050 : memref<128x128xf32, #tpu.memory_space<vmem>>)
    %dma_start3A_1057 = arith.constant 0 : i32
    %dma_start3A_1058 = arith.constant 0 : i32
    %dma_start3A_1059 = arith.constant 0 : i32
    %dma_start3A_1060 = arith.constant 0 : i32
    %dma_start3A_1061 = tpu.memref_slice %arg11[%dma_start3A_1057, %dma_start3A_1059, %dma_start3A_1060] : memref<4x128x128xf32, #tpu.memory_space<vmem>> -> memref<1x128x128xf32, #tpu.memory_space<vmem>>
    %dma_start3A_1062 = tpu.memref_squeeze %dma_start3A_1061 : memref<1x128x128xf32, #tpu.memory_space<vmem>> -> memref<128x128xf32, #tpu.memory_space<vmem>>
    %dma_start3A_1063 = arith.constant 0 : i32
    %dma_start3A_1064 = tpu.memref_slice %arg6[%dma_start3A_1058, %mul3A_2, %dma_start3A_1063] : memref<50x4096x128xf32, #tpu.memory_space<hbm>> -> memref<1x128x128xf32, #tpu.memory_space<hbm>>
    %dma_start3A_1065 = tpu.memref_squeeze %dma_start3A_1064 : memref<1x128x128xf32, #tpu.memory_space<hbm>> -> memref<128x128xf32, #tpu.memory_space<hbm>>
    %dma_start3A_1066 = arith.constant 0 : i32
    %dma_start3A_1067 = tpu.memref_slice %arg6[%dma_start3A_1058, %mul3A_2, %dma_start3A_1066] : memref<50x4096x128xf32, #tpu.memory_space<hbm>> -> memref<1x128x128xf32, #tpu.memory_space<hbm>>
    %dma_start3A_1068 = tpu.memref_squeeze %dma_start3A_1067 : memref<1x128x128xf32, #tpu.memory_space<hbm>> -> memref<128x128xf32, #tpu.memory_space<hbm>>
    %dma_start3A_1069 = arith.constant 0 : i32
    %dma_start3A_1070 = arith.constant 0 : i32
    %dma_start3A_1071 = tpu.memref_slice %arg11[%dma_start3A_1057, %dma_start3A_1069, %dma_start3A_1070] : memref<4x128x128xf32, #tpu.memory_space<vmem>> -> memref<1x128x128xf32, #tpu.memory_space<vmem>>
    %dma_start3A_1072 = tpu.memref_squeeze %dma_start3A_1071 : memref<1x128x128xf32, #tpu.memory_space<vmem>> -> memref<128x128xf32, #tpu.memory_space<vmem>>
    tpu.enqueue_dma source(%dma_start3A_1072 : memref<128x128xf32, #tpu.memory_space<vmem>>) target(%dma_start3A_1068 : memref<128x128xf32, #tpu.memory_space<hbm>>) target_semaphore(%arg18 : memref<!tpu.dma_semaphore, #tpu.memory_space<semaphore_mem>>)
    %dma_start3A_1073 = arith.constant 3 : i32
    %dma_start3A_1074 = arith.constant 3 : i32
    %dma_start3A_1075 = arith.constant 0 : i32
    %dma_start3A_1076 = arith.constant 0 : i32
    %dma_start3A_1077 = tpu.memref_slice %arg11[%dma_start3A_1074, %dma_start3A_1075, %dma_start3A_1076] : memref<4x128x128xf32, #tpu.memory_space<vmem>> -> memref<1x128x128xf32, #tpu.memory_space<vmem>>
    %dma_start3A_1078 = tpu.memref_squeeze %dma_start3A_1077 : memref<1x128x128xf32, #tpu.memory_space<vmem>> -> memref<128x128xf32, #tpu.memory_space<vmem>>
    %dma_start3A_1079 = arith.constant 0 : i32
    %dma_start3A_1080 = tpu.memref_slice %arg7[%dma_start3A_1073, %dma_start3A_1079] : memref<50x128xi32, #tpu.memory_space<vmem>> -> memref<1x128xi32, #tpu.memory_space<vmem>>
    %dma_start3A_1081 = tpu.memref_squeeze %dma_start3A_1080 : memref<1x128xi32, #tpu.memory_space<vmem>> -> memref<128xi32, #tpu.memory_space<vmem>>
    %dma_start3A_1082 = arith.constant 0 : i32
    %dma_start3A_1083 = arith.constant 0 : i32
    %dma_start3A_1084 = tpu.memref_slice %arg3[%dma_start3A_1082, %dma_start3A_1083] : memref<100000x128xf32, #tpu.memory_space<hbm>> -> memref<100000x128xf32, #tpu.memory_space<hbm>>
    tpu.enqueue_indirect_dma source(%dma_start3A_1084 : memref<100000x128xf32, #tpu.memory_space<hbm>>) target(%dma_start3A_1078 : memref<128x128xf32, #tpu.memory_space<vmem>>) offsets(%dma_start3A_1081 : memref<128xi32, #tpu.memory_space<vmem>>) semaphore(%arg17 : memref<!tpu.dma_semaphore, #tpu.memory_space<semaphore_mem>>)
    %dma_wait3A_1085 = arith.constant 1 : i32
    %dma_wait3A_1086 = arith.constant 1 : i32
    %dma_wait3A_1087 = arith.constant 0 : i32
    %dma_wait3A_1088 = arith.constant 0 : i32
    %dma_wait3A_1089 = tpu.memref_slice %arg11[%dma_wait3A_1086, %dma_wait3A_1087, %dma_wait3A_1088] : memref<4x128x128xf32, #tpu.memory_space<vmem>> -> memref<1x128x128xf32, #tpu.memory_space<vmem>>
    %dma_wait3A_1090 = tpu.memref_squeeze %dma_wait3A_1089 : memref<1x128x128xf32, #tpu.memory_space<vmem>> -> memref<128x128xf32, #tpu.memory_space<vmem>>
    %dma_wait3A_1091 = arith.constant 0 : i32
    %dma_wait3A_1092 = tpu.memref_slice %arg7[%dma_wait3A_1085, %dma_wait3A_1091] : memref<50x128xi32, #tpu.memory_space<vmem>> -> memref<1x128xi32, #tpu.memory_space<vmem>>
    %dma_wait3A_1093 = tpu.memref_squeeze %dma_wait3A_1092 : memref<1x128xi32, #tpu.memory_space<vmem>> -> memref<128xi32, #tpu.memory_space<vmem>>
    %dma_wait3A_1094 = arith.constant 0 : i32
    %dma_wait3A_1095 = arith.constant 0 : i32
    %dma_wait3A_1096 = tpu.memref_slice %arg3[%dma_wait3A_1094, %dma_wait3A_1095] : memref<100000x128xf32, #tpu.memory_space<hbm>> -> memref<100000x128xf32, #tpu.memory_space<hbm>>
    tpu.wait_indirect_dma semaphore(%arg15 : memref<!tpu.dma_semaphore, #tpu.memory_space<semaphore_mem>>) src(%dma_wait3A_1096 : memref<100000x128xf32, #tpu.memory_space<hbm>>) dst(%dma_wait3A_1090 : memref<128x128xf32, #tpu.memory_space<vmem>>)
    %dma_start3A_1097 = arith.constant 1 : i32
    %dma_start3A_1098 = arith.constant 1 : i32
    %dma_start3A_1099 = arith.constant 0 : i32
    %dma_start3A_1100 = arith.constant 0 : i32
    %dma_start3A_1101 = tpu.memref_slice %arg11[%dma_start3A_1097, %dma_start3A_1099, %dma_start3A_1100] : memref<4x128x128xf32, #tpu.memory_space<vmem>> -> memref<1x128x128xf32, #tpu.memory_space<vmem>>
    %dma_start3A_1102 = tpu.memref_squeeze %dma_start3A_1101 : memref<1x128x128xf32, #tpu.memory_space<vmem>> -> memref<128x128xf32, #tpu.memory_space<vmem>>
    %dma_start3A_1103 = arith.constant 0 : i32
    %dma_start3A_1104 = tpu.memref_slice %arg6[%dma_start3A_1098, %mul3A_2, %dma_start3A_1103] : memref<50x4096x128xf32, #tpu.memory_space<hbm>> -> memref<1x128x128xf32, #tpu.memory_space<hbm>>
    %dma_start3A_1105 = tpu.memref_squeeze %dma_start3A_1104 : memref<1x128x128xf32, #tpu.memory_space<hbm>> -> memref<128x128xf32, #tpu.memory_space<hbm>>
    %dma_start3A_1106 = arith.constant 0 : i32
    %dma_start3A_1107 = tpu.memref_slice %arg6[%dma_start3A_1098, %mul3A_2, %dma_start3A_1106] : memref<50x4096x128xf32, #tpu.memory_space<hbm>> -> memref<1x128x128xf32, #tpu.memory_space<hbm>>
    %dma_start3A_1108 = tpu.memref_squeeze %dma_start3A_1107 : memref<1x128x128xf32, #tpu.memory_space<hbm>> -> memref<128x128xf32, #tpu.memory_space<hbm>>
    %dma_start3A_1109 = arith.constant 0 : i32
    %dma_start3A_1110 = arith.constant 0 : i32
    %dma_start3A_1111 = tpu.memref_slice %arg11[%dma_start3A_1097, %dma_start3A_1109, %dma_start3A_1110] : memref<4x128x128xf32, #tpu.memory_space<vmem>> -> memref<1x128x128xf32, #tpu.memory_space<vmem>>
    %dma_start3A_1112 = tpu.memref_squeeze %dma_start3A_1111 : memref<1x128x128xf32, #tpu.memory_space<vmem>> -> memref<128x128xf32, #tpu.memory_space<vmem>>
    tpu.enqueue_dma source(%dma_start3A_1112 : memref<128x128xf32, #tpu.memory_space<vmem>>) target(%dma_start3A_1108 : memref<128x128xf32, #tpu.memory_space<hbm>>) target_semaphore(%arg19 : memref<!tpu.dma_semaphore, #tpu.memory_space<semaphore_mem>>)
    %scan3A = arith.constant 0 : i32
    %scan3A_1113 = arith.constant 0 : i32
    %scan3A_1114 = arith.constant 11 : i32
    %scan3A_1115 = arith.addi %scan3A_1113, %scan3A_1114 : i32
    %scan3A_1116 = arith.constant 1 : i32
    scf.for %scan3A_1361 = %scan3A_1113 to %scan3A_1115 step %scan3A_1116  : i32 {
      %mul3A_1362 = arith.constant 4 : i32
      %mul3A_1363 = arith.muli %scan3A_1361, %mul3A_1362 : i32
      %add3A_1364 = arith.constant 2 : i32
      %add3A_1365 = arith.addi %add3A_1364, %mul3A_1363 : i32
      %add3A_1366 = arith.constant 0 : i32
      %add3A_1367 = arith.addi %add3A_1365, %add3A_1366 : i32
      %sub3A = arith.constant 2 : i32
      %sub3A_1368 = arith.subi %add3A_1367, %sub3A : i32
      %dma_wait3A_1369 = arith.constant 0 : i32
      %dma_wait3A_1370 = arith.constant 0 : i32
      %dma_wait3A_1371 = arith.constant 0 : i32
      %dma_wait3A_1372 = tpu.memref_slice %arg11[%dma_wait3A_1369, %dma_wait3A_1370, %dma_wait3A_1371] : memref<4x128x128xf32, #tpu.memory_space<vmem>> -> memref<1x128x128xf32, #tpu.memory_space<vmem>>
      %dma_wait3A_1373 = tpu.memref_squeeze %dma_wait3A_1372 : memref<1x128x128xf32, #tpu.memory_space<vmem>> -> memref<128x128xf32, #tpu.memory_space<vmem>>
      %dma_wait3A_1374 = arith.constant 0 : i32
      %dma_wait3A_1375 = tpu.memref_slice %arg6[%sub3A_1368, %mul3A_2, %dma_wait3A_1374] : memref<50x4096x128xf32, #tpu.memory_space<hbm>> -> memref<1x128x128xf32, #tpu.memory_space<hbm>>
      %dma_wait3A_1376 = tpu.memref_squeeze %dma_wait3A_1375 : memref<1x128x128xf32, #tpu.memory_space<hbm>> -> memref<128x128xf32, #tpu.memory_space<hbm>>
      %dma_wait3A_1377 = arith.constant 0 : i32
      %dma_wait3A_1378 = tpu.memref_slice %arg6[%sub3A_1368, %mul3A_2, %dma_wait3A_1377] : memref<50x4096x128xf32, #tpu.memory_space<hbm>> -> memref<1x128x128xf32, #tpu.memory_space<hbm>>
      %dma_wait3A_1379 = tpu.memref_squeeze %dma_wait3A_1378 : memref<1x128x128xf32, #tpu.memory_space<hbm>> -> memref<128x128xf32, #tpu.memory_space<hbm>>
      %dma_wait3A_1380 = arith.constant 0 : i32
      %dma_wait3A_1381 = arith.constant 0 : i32
      %dma_wait3A_1382 = tpu.memref_slice %arg11[%dma_wait3A_1369, %dma_wait3A_1380, %dma_wait3A_1381] : memref<4x128x128xf32, #tpu.memory_space<vmem>> -> memref<1x128x128xf32, #tpu.memory_space<vmem>>
      %dma_wait3A_1383 = tpu.memref_squeeze %dma_wait3A_1382 : memref<1x128x128xf32, #tpu.memory_space<vmem>> -> memref<128x128xf32, #tpu.memory_space<vmem>>
      tpu.wait_dma2 semaphore(%arg18 : memref<!tpu.dma_semaphore, #tpu.memory_space<semaphore_mem>>) src(%dma_wait3A_1383 : memref<128x128xf32, #tpu.memory_space<vmem>>) dst(%dma_wait3A_1379 : memref<128x128xf32, #tpu.memory_space<hbm>>)
      %add3A_1384 = arith.constant 2 : i32
      %add3A_1385 = arith.addi %add3A_1367, %add3A_1384 : i32
      %dma_start3A_1386 = arith.constant 0 : i32
      %dma_start3A_1387 = arith.constant 0 : i32
      %dma_start3A_1388 = arith.constant 0 : i32
      %dma_start3A_1389 = tpu.memref_slice %arg11[%dma_start3A_1386, %dma_start3A_1387, %dma_start3A_1388] : memref<4x128x128xf32, #tpu.memory_space<vmem>> -> memref<1x128x128xf32, #tpu.memory_space<vmem>>
      %dma_start3A_1390 = tpu.memref_squeeze %dma_start3A_1389 : memref<1x128x128xf32, #tpu.memory_space<vmem>> -> memref<128x128xf32, #tpu.memory_space<vmem>>
      %dma_start3A_1391 = arith.constant 0 : i32
      %dma_start3A_1392 = tpu.memref_slice %arg7[%add3A_1385, %dma_start3A_1391] : memref<50x128xi32, #tpu.memory_space<vmem>> -> memref<1x128xi32, #tpu.memory_space<vmem>>
      %dma_start3A_1393 = tpu.memref_squeeze %dma_start3A_1392 : memref<1x128xi32, #tpu.memory_space<vmem>> -> memref<128xi32, #tpu.memory_space<vmem>>
      %dma_start3A_1394 = arith.constant 0 : i32
      %dma_start3A_1395 = arith.constant 0 : i32
      %dma_start3A_1396 = tpu.memref_slice %arg3[%dma_start3A_1394, %dma_start3A_1395] : memref<100000x128xf32, #tpu.memory_space<hbm>> -> memref<100000x128xf32, #tpu.memory_space<hbm>>
      tpu.enqueue_indirect_dma source(%dma_start3A_1396 : memref<100000x128xf32, #tpu.memory_space<hbm>>) target(%dma_start3A_1390 : memref<128x128xf32, #tpu.memory_space<vmem>>) offsets(%dma_start3A_1393 : memref<128xi32, #tpu.memory_space<vmem>>) semaphore(%arg14 : memref<!tpu.dma_semaphore, #tpu.memory_space<semaphore_mem>>)
      %dma_wait3A_1397 = arith.constant 2 : i32
      %dma_wait3A_1398 = arith.constant 0 : i32
      %dma_wait3A_1399 = arith.constant 0 : i32
      %dma_wait3A_1400 = tpu.memref_slice %arg11[%dma_wait3A_1397, %dma_wait3A_1398, %dma_wait3A_1399] : memref<4x128x128xf32, #tpu.memory_space<vmem>> -> memref<1x128x128xf32, #tpu.memory_space<vmem>>
      %dma_wait3A_1401 = tpu.memref_squeeze %dma_wait3A_1400 : memref<1x128x128xf32, #tpu.memory_space<vmem>> -> memref<128x128xf32, #tpu.memory_space<vmem>>
      %dma_wait3A_1402 = arith.constant 0 : i32
      %dma_wait3A_1403 = tpu.memref_slice %arg7[%add3A_1367, %dma_wait3A_1402] : memref<50x128xi32, #tpu.memory_space<vmem>> -> memref<1x128xi32, #tpu.memory_space<vmem>>
      %dma_wait3A_1404 = tpu.memref_squeeze %dma_wait3A_1403 : memref<1x128xi32, #tpu.memory_space<vmem>> -> memref<128xi32, #tpu.memory_space<vmem>>
      %dma_wait3A_1405 = arith.constant 0 : i32
      %dma_wait3A_1406 = arith.constant 0 : i32
      %dma_wait3A_1407 = tpu.memref_slice %arg3[%dma_wait3A_1405, %dma_wait3A_1406] : memref<100000x128xf32, #tpu.memory_space<hbm>> -> memref<100000x128xf32, #tpu.memory_space<hbm>>
      tpu.wait_indirect_dma semaphore(%arg16 : memref<!tpu.dma_semaphore, #tpu.memory_space<semaphore_mem>>) src(%dma_wait3A_1407 : memref<100000x128xf32, #tpu.memory_space<hbm>>) dst(%dma_wait3A_1401 : memref<128x128xf32, #tpu.memory_space<vmem>>)
      %dma_start3A_1408 = arith.constant 2 : i32
      %dma_start3A_1409 = arith.constant 0 : i32
      %dma_start3A_1410 = arith.constant 0 : i32
      %dma_start3A_1411 = tpu.memref_slice %arg11[%dma_start3A_1408, %dma_start3A_1409, %dma_start3A_1410] : memref<4x128x128xf32, #tpu.memory_space<vmem>> -> memref<1x128x128xf32, #tpu.memory_space<vmem>>
      %dma_start3A_1412 = tpu.memref_squeeze %dma_start3A_1411 : memref<1x128x128xf32, #tpu.memory_space<vmem>> -> memref<128x128xf32, #tpu.memory_space<vmem>>
      %dma_start3A_1413 = arith.constant 0 : i32
      %dma_start3A_1414 = tpu.memref_slice %arg6[%add3A_1367, %mul3A_2, %dma_start3A_1413] : memref<50x4096x128xf32, #tpu.memory_space<hbm>> -> memref<1x128x128xf32, #tpu.memory_space<hbm>>
      %dma_start3A_1415 = tpu.memref_squeeze %dma_start3A_1414 : memref<1x128x128xf32, #tpu.memory_space<hbm>> -> memref<128x128xf32, #tpu.memory_space<hbm>>
      %dma_start3A_1416 = arith.constant 0 : i32
      %dma_start3A_1417 = tpu.memref_slice %arg6[%add3A_1367, %mul3A_2, %dma_start3A_1416] : memref<50x4096x128xf32, #tpu.memory_space<hbm>> -> memref<1x128x128xf32, #tpu.memory_space<hbm>>
      %dma_start3A_1418 = tpu.memref_squeeze %dma_start3A_1417 : memref<1x128x128xf32, #tpu.memory_space<hbm>> -> memref<128x128xf32, #tpu.memory_space<hbm>>
      %dma_start3A_1419 = arith.constant 0 : i32
      %dma_start3A_1420 = arith.constant 0 : i32
      %dma_start3A_1421 = tpu.memref_slice %arg11[%dma_start3A_1408, %dma_start3A_1419, %dma_start3A_1420] : memref<4x128x128xf32, #tpu.memory_space<vmem>> -> memref<1x128x128xf32, #tpu.memory_space<vmem>>
      %dma_start3A_1422 = tpu.memref_squeeze %dma_start3A_1421 : memref<1x128x128xf32, #tpu.memory_space<vmem>> -> memref<128x128xf32, #tpu.memory_space<vmem>>
      tpu.enqueue_dma source(%dma_start3A_1422 : memref<128x128xf32, #tpu.memory_space<vmem>>) target(%dma_start3A_1418 : memref<128x128xf32, #tpu.memory_space<hbm>>) target_semaphore(%arg20 : memref<!tpu.dma_semaphore, #tpu.memory_space<semaphore_mem>>)
      %add3A_1423 = arith.constant 1 : i32
      %add3A_1424 = arith.addi %add3A_1365, %add3A_1423 : i32
      %sub3A_1425 = arith.constant 2 : i32
      %sub3A_1426 = arith.subi %add3A_1424, %sub3A_1425 : i32
      %dma_wait3A_1427 = arith.constant 1 : i32
      %dma_wait3A_1428 = arith.constant 0 : i32
      %dma_wait3A_1429 = arith.constant 0 : i32
      %dma_wait3A_1430 = tpu.memref_slice %arg11[%dma_wait3A_1427, %dma_wait3A_1428, %dma_wait3A_1429] : memref<4x128x128xf32, #tpu.memory_space<vmem>> -> memref<1x128x128xf32, #tpu.memory_space<vmem>>
      %dma_wait3A_1431 = tpu.memref_squeeze %dma_wait3A_1430 : memref<1x128x128xf32, #tpu.memory_space<vmem>> -> memref<128x128xf32, #tpu.memory_space<vmem>>
      %dma_wait3A_1432 = arith.constant 0 : i32
      %dma_wait3A_1433 = tpu.memref_slice %arg6[%sub3A_1426, %mul3A_2, %dma_wait3A_1432] : memref<50x4096x128xf32, #tpu.memory_space<hbm>> -> memref<1x128x128xf32, #tpu.memory_space<hbm>>
      %dma_wait3A_1434 = tpu.memref_squeeze %dma_wait3A_1433 : memref<1x128x128xf32, #tpu.memory_space<hbm>> -> memref<128x128xf32, #tpu.memory_space<hbm>>
      %dma_wait3A_1435 = arith.constant 0 : i32
      %dma_wait3A_1436 = tpu.memref_slice %arg6[%sub3A_1426, %mul3A_2, %dma_wait3A_1435] : memref<50x4096x128xf32, #tpu.memory_space<hbm>> -> memref<1x128x128xf32, #tpu.memory_space<hbm>>
      %dma_wait3A_1437 = tpu.memref_squeeze %dma_wait3A_1436 : memref<1x128x128xf32, #tpu.memory_space<hbm>> -> memref<128x128xf32, #tpu.memory_space<hbm>>
      %dma_wait3A_1438 = arith.constant 0 : i32
      %dma_wait3A_1439 = arith.constant 0 : i32
      %dma_wait3A_1440 = tpu.memref_slice %arg11[%dma_wait3A_1427, %dma_wait3A_1438, %dma_wait3A_1439] : memref<4x128x128xf32, #tpu.memory_space<vmem>> -> memref<1x128x128xf32, #tpu.memory_space<vmem>>
      %dma_wait3A_1441 = tpu.memref_squeeze %dma_wait3A_1440 : memref<1x128x128xf32, #tpu.memory_space<vmem>> -> memref<128x128xf32, #tpu.memory_space<vmem>>
      tpu.wait_dma2 semaphore(%arg19 : memref<!tpu.dma_semaphore, #tpu.memory_space<semaphore_mem>>) src(%dma_wait3A_1441 : memref<128x128xf32, #tpu.memory_space<vmem>>) dst(%dma_wait3A_1437 : memref<128x128xf32, #tpu.memory_space<hbm>>)
      %add3A_1442 = arith.constant 2 : i32
      %add3A_1443 = arith.addi %add3A_1424, %add3A_1442 : i32
      %dma_start3A_1444 = arith.constant 1 : i32
      %dma_start3A_1445 = arith.constant 0 : i32
      %dma_start3A_1446 = arith.constant 0 : i32
      %dma_start3A_1447 = tpu.memref_slice %arg11[%dma_start3A_1444, %dma_start3A_1445, %dma_start3A_1446] : memref<4x128x128xf32, #tpu.memory_space<vmem>> -> memref<1x128x128xf32, #tpu.memory_space<vmem>>
      %dma_start3A_1448 = tpu.memref_squeeze %dma_start3A_1447 : memref<1x128x128xf32, #tpu.memory_space<vmem>> -> memref<128x128xf32, #tpu.memory_space<vmem>>
      %dma_start3A_1449 = arith.constant 0 : i32
      %dma_start3A_1450 = tpu.memref_slice %arg7[%add3A_1443, %dma_start3A_1449] : memref<50x128xi32, #tpu.memory_space<vmem>> -> memref<1x128xi32, #tpu.memory_space<vmem>>
      %dma_start3A_1451 = tpu.memref_squeeze %dma_start3A_1450 : memref<1x128xi32, #tpu.memory_space<vmem>> -> memref<128xi32, #tpu.memory_space<vmem>>
      %dma_start3A_1452 = arith.constant 0 : i32
      %dma_start3A_1453 = arith.constant 0 : i32
      %dma_start3A_1454 = tpu.memref_slice %arg3[%dma_start3A_1452, %dma_start3A_1453] : memref<100000x128xf32, #tpu.memory_space<hbm>> -> memref<100000x128xf32, #tpu.memory_space<hbm>>
      tpu.enqueue_indirect_dma source(%dma_start3A_1454 : memref<100000x128xf32, #tpu.memory_space<hbm>>) target(%dma_start3A_1448 : memref<128x128xf32, #tpu.memory_space<vmem>>) offsets(%dma_start3A_1451 : memref<128xi32, #tpu.memory_space<vmem>>) semaphore(%arg15 : memref<!tpu.dma_semaphore, #tpu.memory_space<semaphore_mem>>)
      %dma_wait3A_1455 = arith.constant 3 : i32
      %dma_wait3A_1456 = arith.constant 0 : i32
      %dma_wait3A_1457 = arith.constant 0 : i32
      %dma_wait3A_1458 = tpu.memref_slice %arg11[%dma_wait3A_1455, %dma_wait3A_1456, %dma_wait3A_1457] : memref<4x128x128xf32, #tpu.memory_space<vmem>> -> memref<1x128x128xf32, #tpu.memory_space<vmem>>
      %dma_wait3A_1459 = tpu.memref_squeeze %dma_wait3A_1458 : memref<1x128x128xf32, #tpu.memory_space<vmem>> -> memref<128x128xf32, #tpu.memory_space<vmem>>
      %dma_wait3A_1460 = arith.constant 0 : i32
      %dma_wait3A_1461 = tpu.memref_slice %arg7[%add3A_1424, %dma_wait3A_1460] : memref<50x128xi32, #tpu.memory_space<vmem>> -> memref<1x128xi32, #tpu.memory_space<vmem>>
      %dma_wait3A_1462 = tpu.memref_squeeze %dma_wait3A_1461 : memref<1x128xi32, #tpu.memory_space<vmem>> -> memref<128xi32, #tpu.memory_space<vmem>>
      %dma_wait3A_1463 = arith.constant 0 : i32
      %dma_wait3A_1464 = arith.constant 0 : i32
      %dma_wait3A_1465 = tpu.memref_slice %arg3[%dma_wait3A_1463, %dma_wait3A_1464] : memref<100000x128xf32, #tpu.memory_space<hbm>> -> memref<100000x128xf32, #tpu.memory_space<hbm>>
      tpu.wait_indirect_dma semaphore(%arg17 : memref<!tpu.dma_semaphore, #tpu.memory_space<semaphore_mem>>) src(%dma_wait3A_1465 : memref<100000x128xf32, #tpu.memory_space<hbm>>) dst(%dma_wait3A_1459 : memref<128x128xf32, #tpu.memory_space<vmem>>)
      %dma_start3A_1466 = arith.constant 3 : i32
      %dma_start3A_1467 = arith.constant 0 : i32
      %dma_start3A_1468 = arith.constant 0 : i32
      %dma_start3A_1469 = tpu.memref_slice %arg11[%dma_start3A_1466, %dma_start3A_1467, %dma_start3A_1468] : memref<4x128x128xf32, #tpu.memory_space<vmem>> -> memref<1x128x128xf32, #tpu.memory_space<vmem>>
      %dma_start3A_1470 = tpu.memref_squeeze %dma_start3A_1469 : memref<1x128x128xf32, #tpu.memory_space<vmem>> -> memref<128x128xf32, #tpu.memory_space<vmem>>
      %dma_start3A_1471 = arith.constant 0 : i32
      %dma_start3A_1472 = tpu.memref_slice %arg6[%add3A_1424, %mul3A_2, %dma_start3A_1471] : memref<50x4096x128xf32, #tpu.memory_space<hbm>> -> memref<1x128x128xf32, #tpu.memory_space<hbm>>
      %dma_start3A_1473 = tpu.memref_squeeze %dma_start3A_1472 : memref<1x128x128xf32, #tpu.memory_space<hbm>> -> memref<128x128xf32, #tpu.memory_space<hbm>>
      %dma_start3A_1474 = arith.constant 0 : i32
      %dma_start3A_1475 = tpu.memref_slice %arg6[%add3A_1424, %mul3A_2, %dma_start3A_1474] : memref<50x4096x128xf32, #tpu.memory_space<hbm>> -> memref<1x128x128xf32, #tpu.memory_space<hbm>>
      %dma_start3A_1476 = tpu.memref_squeeze %dma_start3A_1475 : memref<1x128x128xf32, #tpu.memory_space<hbm>> -> memref<128x128xf32, #tpu.memory_space<hbm>>
      %dma_start3A_1477 = arith.constant 0 : i32
      %dma_start3A_1478 = arith.constant 0 : i32
      %dma_start3A_1479 = tpu.memref_slice %arg11[%dma_start3A_1466, %dma_start3A_1477, %dma_start3A_1478] : memref<4x128x128xf32, #tpu.memory_space<vmem>> -> memref<1x128x128xf32, #tpu.memory_space<vmem>>
      %dma_start3A_1480 = tpu.memref_squeeze %dma_start3A_1479 : memref<1x128x128xf32, #tpu.memory_space<vmem>> -> memref<128x128xf32, #tpu.memory_space<vmem>>
      tpu.enqueue_dma source(%dma_start3A_1480 : memref<128x128xf32, #tpu.memory_space<vmem>>) target(%dma_start3A_1476 : memref<128x128xf32, #tpu.memory_space<hbm>>) target_semaphore(%arg21 : memref<!tpu.dma_semaphore, #tpu.memory_space<semaphore_mem>>)
      %add3A_1481 = arith.constant 2 : i32
      %add3A_1482 = arith.addi %add3A_1365, %add3A_1481 : i32
      %sub3A_1483 = arith.constant 2 : i32
      %sub3A_1484 = arith.subi %add3A_1482, %sub3A_1483 : i32
      %dma_wait3A_1485 = arith.constant 2 : i32
      %dma_wait3A_1486 = arith.constant 0 : i32
      %dma_wait3A_1487 = arith.constant 0 : i32
      %dma_wait3A_1488 = tpu.memref_slice %arg11[%dma_wait3A_1485, %dma_wait3A_1486, %dma_wait3A_1487] : memref<4x128x128xf32, #tpu.memory_space<vmem>> -> memref<1x128x128xf32, #tpu.memory_space<vmem>>
      %dma_wait3A_1489 = tpu.memref_squeeze %dma_wait3A_1488 : memref<1x128x128xf32, #tpu.memory_space<vmem>> -> memref<128x128xf32, #tpu.memory_space<vmem>>
      %dma_wait3A_1490 = arith.constant 0 : i32
      %dma_wait3A_1491 = tpu.memref_slice %arg6[%sub3A_1484, %mul3A_2, %dma_wait3A_1490] : memref<50x4096x128xf32, #tpu.memory_space<hbm>> -> memref<1x128x128xf32, #tpu.memory_space<hbm>>
      %dma_wait3A_1492 = tpu.memref_squeeze %dma_wait3A_1491 : memref<1x128x128xf32, #tpu.memory_space<hbm>> -> memref<128x128xf32, #tpu.memory_space<hbm>>
      %dma_wait3A_1493 = arith.constant 0 : i32
      %dma_wait3A_1494 = tpu.memref_slice %arg6[%sub3A_1484, %mul3A_2, %dma_wait3A_1493] : memref<50x4096x128xf32, #tpu.memory_space<hbm>> -> memref<1x128x128xf32, #tpu.memory_space<hbm>>
      %dma_wait3A_1495 = tpu.memref_squeeze %dma_wait3A_1494 : memref<1x128x128xf32, #tpu.memory_space<hbm>> -> memref<128x128xf32, #tpu.memory_space<hbm>>
      %dma_wait3A_1496 = arith.constant 0 : i32
      %dma_wait3A_1497 = arith.constant 0 : i32
      %dma_wait3A_1498 = tpu.memref_slice %arg11[%dma_wait3A_1485, %dma_wait3A_1496, %dma_wait3A_1497] : memref<4x128x128xf32, #tpu.memory_space<vmem>> -> memref<1x128x128xf32, #tpu.memory_space<vmem>>
      %dma_wait3A_1499 = tpu.memref_squeeze %dma_wait3A_1498 : memref<1x128x128xf32, #tpu.memory_space<vmem>> -> memref<128x128xf32, #tpu.memory_space<vmem>>
      tpu.wait_dma2 semaphore(%arg20 : memref<!tpu.dma_semaphore, #tpu.memory_space<semaphore_mem>>) src(%dma_wait3A_1499 : memref<128x128xf32, #tpu.memory_space<vmem>>) dst(%dma_wait3A_1495 : memref<128x128xf32, #tpu.memory_space<hbm>>)
      %add3A_1500 = arith.constant 2 : i32
      %add3A_1501 = arith.addi %add3A_1482, %add3A_1500 : i32
      %dma_start3A_1502 = arith.constant 2 : i32
      %dma_start3A_1503 = arith.constant 0 : i32
      %dma_start3A_1504 = arith.constant 0 : i32
      %dma_start3A_1505 = tpu.memref_slice %arg11[%dma_start3A_1502, %dma_start3A_1503, %dma_start3A_1504] : memref<4x128x128xf32, #tpu.memory_space<vmem>> -> memref<1x128x128xf32, #tpu.memory_space<vmem>>
      %dma_start3A_1506 = tpu.memref_squeeze %dma_start3A_1505 : memref<1x128x128xf32, #tpu.memory_space<vmem>> -> memref<128x128xf32, #tpu.memory_space<vmem>>
      %dma_start3A_1507 = arith.constant 0 : i32
      %dma_start3A_1508 = tpu.memref_slice %arg7[%add3A_1501, %dma_start3A_1507] : memref<50x128xi32, #tpu.memory_space<vmem>> -> memref<1x128xi32, #tpu.memory_space<vmem>>
      %dma_start3A_1509 = tpu.memref_squeeze %dma_start3A_1508 : memref<1x128xi32, #tpu.memory_space<vmem>> -> memref<128xi32, #tpu.memory_space<vmem>>
      %dma_start3A_1510 = arith.constant 0 : i32
      %dma_start3A_1511 = arith.constant 0 : i32
      %dma_start3A_1512 = tpu.memref_slice %arg3[%dma_start3A_1510, %dma_start3A_1511] : memref<100000x128xf32, #tpu.memory_space<hbm>> -> memref<100000x128xf32, #tpu.memory_space<hbm>>
      tpu.enqueue_indirect_dma source(%dma_start3A_1512 : memref<100000x128xf32, #tpu.memory_space<hbm>>) target(%dma_start3A_1506 : memref<128x128xf32, #tpu.memory_space<vmem>>) offsets(%dma_start3A_1509 : memref<128xi32, #tpu.memory_space<vmem>>) semaphore(%arg16 : memref<!tpu.dma_semaphore, #tpu.memory_space<semaphore_mem>>)
      %dma_wait3A_1513 = arith.constant 0 : i32
      %dma_wait3A_1514 = arith.constant 0 : i32
      %dma_wait3A_1515 = arith.constant 0 : i32
      %dma_wait3A_1516 = tpu.memref_slice %arg11[%dma_wait3A_1513, %dma_wait3A_1514, %dma_wait3A_1515] : memref<4x128x128xf32, #tpu.memory_space<vmem>> -> memref<1x128x128xf32, #tpu.memory_space<vmem>>
      %dma_wait3A_1517 = tpu.memref_squeeze %dma_wait3A_1516 : memref<1x128x128xf32, #tpu.memory_space<vmem>> -> memref<128x128xf32, #tpu.memory_space<vmem>>
      %dma_wait3A_1518 = arith.constant 0 : i32
      %dma_wait3A_1519 = tpu.memref_slice %arg7[%add3A_1482, %dma_wait3A_1518] : memref<50x128xi32, #tpu.memory_space<vmem>> -> memref<1x128xi32, #tpu.memory_space<vmem>>
      %dma_wait3A_1520 = tpu.memref_squeeze %dma_wait3A_1519 : memref<1x128xi32, #tpu.memory_space<vmem>> -> memref<128xi32, #tpu.memory_space<vmem>>
      %dma_wait3A_1521 = arith.constant 0 : i32
      %dma_wait3A_1522 = arith.constant 0 : i32
      %dma_wait3A_1523 = tpu.memref_slice %arg3[%dma_wait3A_1521, %dma_wait3A_1522] : memref<100000x128xf32, #tpu.memory_space<hbm>> -> memref<100000x128xf32, #tpu.memory_space<hbm>>
      tpu.wait_indirect_dma semaphore(%arg14 : memref<!tpu.dma_semaphore, #tpu.memory_space<semaphore_mem>>) src(%dma_wait3A_1523 : memref<100000x128xf32, #tpu.memory_space<hbm>>) dst(%dma_wait3A_1517 : memref<128x128xf32, #tpu.memory_space<vmem>>)
      %dma_start3A_1524 = arith.constant 0 : i32
      %dma_start3A_1525 = arith.constant 0 : i32
      %dma_start3A_1526 = arith.constant 0 : i32
      %dma_start3A_1527 = tpu.memref_slice %arg11[%dma_start3A_1524, %dma_start3A_1525, %dma_start3A_1526] : memref<4x128x128xf32, #tpu.memory_space<vmem>> -> memref<1x128x128xf32, #tpu.memory_space<vmem>>
      %dma_start3A_1528 = tpu.memref_squeeze %dma_start3A_1527 : memref<1x128x128xf32, #tpu.memory_space<vmem>> -> memref<128x128xf32, #tpu.memory_space<vmem>>
      %dma_start3A_1529 = arith.constant 0 : i32
      %dma_start3A_1530 = tpu.memref_slice %arg6[%add3A_1482, %mul3A_2, %dma_start3A_1529] : memref<50x4096x128xf32, #tpu.memory_space<hbm>> -> memref<1x128x128xf32, #tpu.memory_space<hbm>>
      %dma_start3A_1531 = tpu.memref_squeeze %dma_start3A_1530 : memref<1x128x128xf32, #tpu.memory_space<hbm>> -> memref<128x128xf32, #tpu.memory_space<hbm>>
      %dma_start3A_1532 = arith.constant 0 : i32
      %dma_start3A_1533 = tpu.memref_slice %arg6[%add3A_1482, %mul3A_2, %dma_start3A_1532] : memref<50x4096x128xf32, #tpu.memory_space<hbm>> -> memref<1x128x128xf32, #tpu.memory_space<hbm>>
      %dma_start3A_1534 = tpu.memref_squeeze %dma_start3A_1533 : memref<1x128x128xf32, #tpu.memory_space<hbm>> -> memref<128x128xf32, #tpu.memory_space<hbm>>
      %dma_start3A_1535 = arith.constant 0 : i32
      %dma_start3A_1536 = arith.constant 0 : i32
      %dma_start3A_1537 = tpu.memref_slice %arg11[%dma_start3A_1524, %dma_start3A_1535, %dma_start3A_1536] : memref<4x128x128xf32, #tpu.memory_space<vmem>> -> memref<1x128x128xf32, #tpu.memory_space<vmem>>
      %dma_start3A_1538 = tpu.memref_squeeze %dma_start3A_1537 : memref<1x128x128xf32, #tpu.memory_space<vmem>> -> memref<128x128xf32, #tpu.memory_space<vmem>>
      tpu.enqueue_dma source(%dma_start3A_1538 : memref<128x128xf32, #tpu.memory_space<vmem>>) target(%dma_start3A_1534 : memref<128x128xf32, #tpu.memory_space<hbm>>) target_semaphore(%arg18 : memref<!tpu.dma_semaphore, #tpu.memory_space<semaphore_mem>>)
      %add3A_1539 = arith.constant 3 : i32
      %add3A_1540 = arith.addi %add3A_1365, %add3A_1539 : i32
      %sub3A_1541 = arith.constant 2 : i32
      %sub3A_1542 = arith.subi %add3A_1540, %sub3A_1541 : i32
      %dma_wait3A_1543 = arith.constant 3 : i32
      %dma_wait3A_1544 = arith.constant 0 : i32
      %dma_wait3A_1545 = arith.constant 0 : i32
      %dma_wait3A_1546 = tpu.memref_slice %arg11[%dma_wait3A_1543, %dma_wait3A_1544, %dma_wait3A_1545] : memref<4x128x128xf32, #tpu.memory_space<vmem>> -> memref<1x128x128xf32, #tpu.memory_space<vmem>>
      %dma_wait3A_1547 = tpu.memref_squeeze %dma_wait3A_1546 : memref<1x128x128xf32, #tpu.memory_space<vmem>> -> memref<128x128xf32, #tpu.memory_space<vmem>>
      %dma_wait3A_1548 = arith.constant 0 : i32
      %dma_wait3A_1549 = tpu.memref_slice %arg6[%sub3A_1542, %mul3A_2, %dma_wait3A_1548] : memref<50x4096x128xf32, #tpu.memory_space<hbm>> -> memref<1x128x128xf32, #tpu.memory_space<hbm>>
      %dma_wait3A_1550 = tpu.memref_squeeze %dma_wait3A_1549 : memref<1x128x128xf32, #tpu.memory_space<hbm>> -> memref<128x128xf32, #tpu.memory_space<hbm>>
      %dma_wait3A_1551 = arith.constant 0 : i32
      %dma_wait3A_1552 = tpu.memref_slice %arg6[%sub3A_1542, %mul3A_2, %dma_wait3A_1551] : memref<50x4096x128xf32, #tpu.memory_space<hbm>> -> memref<1x128x128xf32, #tpu.memory_space<hbm>>
      %dma_wait3A_1553 = tpu.memref_squeeze %dma_wait3A_1552 : memref<1x128x128xf32, #tpu.memory_space<hbm>> -> memref<128x128xf32, #tpu.memory_space<hbm>>
      %dma_wait3A_1554 = arith.constant 0 : i32
      %dma_wait3A_1555 = arith.constant 0 : i32
      %dma_wait3A_1556 = tpu.memref_slice %arg11[%dma_wait3A_1543, %dma_wait3A_1554, %dma_wait3A_1555] : memref<4x128x128xf32, #tpu.memory_space<vmem>> -> memref<1x128x128xf32, #tpu.memory_space<vmem>>
      %dma_wait3A_1557 = tpu.memref_squeeze %dma_wait3A_1556 : memref<1x128x128xf32, #tpu.memory_space<vmem>> -> memref<128x128xf32, #tpu.memory_space<vmem>>
      tpu.wait_dma2 semaphore(%arg21 : memref<!tpu.dma_semaphore, #tpu.memory_space<semaphore_mem>>) src(%dma_wait3A_1557 : memref<128x128xf32, #tpu.memory_space<vmem>>) dst(%dma_wait3A_1553 : memref<128x128xf32, #tpu.memory_space<hbm>>)
      %add3A_1558 = arith.constant 2 : i32
      %add3A_1559 = arith.addi %add3A_1540, %add3A_1558 : i32
      %dma_start3A_1560 = arith.constant 3 : i32
      %dma_start3A_1561 = arith.constant 0 : i32
      %dma_start3A_1562 = arith.constant 0 : i32
      %dma_start3A_1563 = tpu.memref_slice %arg11[%dma_start3A_1560, %dma_start3A_1561, %dma_start3A_1562] : memref<4x128x128xf32, #tpu.memory_space<vmem>> -> memref<1x128x128xf32, #tpu.memory_space<vmem>>
      %dma_start3A_1564 = tpu.memref_squeeze %dma_start3A_1563 : memref<1x128x128xf32, #tpu.memory_space<vmem>> -> memref<128x128xf32, #tpu.memory_space<vmem>>
      %dma_start3A_1565 = arith.constant 0 : i32
      %dma_start3A_1566 = tpu.memref_slice %arg7[%add3A_1559, %dma_start3A_1565] : memref<50x128xi32, #tpu.memory_space<vmem>> -> memref<1x128xi32, #tpu.memory_space<vmem>>
      %dma_start3A_1567 = tpu.memref_squeeze %dma_start3A_1566 : memref<1x128xi32, #tpu.memory_space<vmem>> -> memref<128xi32, #tpu.memory_space<vmem>>
      %dma_start3A_1568 = arith.constant 0 : i32
      %dma_start3A_1569 = arith.constant 0 : i32
      %dma_start3A_1570 = tpu.memref_slice %arg3[%dma_start3A_1568, %dma_start3A_1569] : memref<100000x128xf32, #tpu.memory_space<hbm>> -> memref<100000x128xf32, #tpu.memory_space<hbm>>
      tpu.enqueue_indirect_dma source(%dma_start3A_1570 : memref<100000x128xf32, #tpu.memory_space<hbm>>) target(%dma_start3A_1564 : memref<128x128xf32, #tpu.memory_space<vmem>>) offsets(%dma_start3A_1567 : memref<128xi32, #tpu.memory_space<vmem>>) semaphore(%arg17 : memref<!tpu.dma_semaphore, #tpu.memory_space<semaphore_mem>>)
      %dma_wait3A_1571 = arith.constant 1 : i32
      %dma_wait3A_1572 = arith.constant 0 : i32
      %dma_wait3A_1573 = arith.constant 0 : i32
      %dma_wait3A_1574 = tpu.memref_slice %arg11[%dma_wait3A_1571, %dma_wait3A_1572, %dma_wait3A_1573] : memref<4x128x128xf32, #tpu.memory_space<vmem>> -> memref<1x128x128xf32, #tpu.memory_space<vmem>>
      %dma_wait3A_1575 = tpu.memref_squeeze %dma_wait3A_1574 : memref<1x128x128xf32, #tpu.memory_space<vmem>> -> memref<128x128xf32, #tpu.memory_space<vmem>>
      %dma_wait3A_1576 = arith.constant 0 : i32
      %dma_wait3A_1577 = tpu.memref_slice %arg7[%add3A_1540, %dma_wait3A_1576] : memref<50x128xi32, #tpu.memory_space<vmem>> -> memref<1x128xi32, #tpu.memory_space<vmem>>
      %dma_wait3A_1578 = tpu.memref_squeeze %dma_wait3A_1577 : memref<1x128xi32, #tpu.memory_space<vmem>> -> memref<128xi32, #tpu.memory_space<vmem>>
      %dma_wait3A_1579 = arith.constant 0 : i32
      %dma_wait3A_1580 = arith.constant 0 : i32
      %dma_wait3A_1581 = tpu.memref_slice %arg3[%dma_wait3A_1579, %dma_wait3A_1580] : memref<100000x128xf32, #tpu.memory_space<hbm>> -> memref<100000x128xf32, #tpu.memory_space<hbm>>
      tpu.wait_indirect_dma semaphore(%arg15 : memref<!tpu.dma_semaphore, #tpu.memory_space<semaphore_mem>>) src(%dma_wait3A_1581 : memref<100000x128xf32, #tpu.memory_space<hbm>>) dst(%dma_wait3A_1575 : memref<128x128xf32, #tpu.memory_space<vmem>>)
      %dma_start3A_1582 = arith.constant 1 : i32
      %dma_start3A_1583 = arith.constant 0 : i32
      %dma_start3A_1584 = arith.constant 0 : i32
      %dma_start3A_1585 = tpu.memref_slice %arg11[%dma_start3A_1582, %dma_start3A_1583, %dma_start3A_1584] : memref<4x128x128xf32, #tpu.memory_space<vmem>> -> memref<1x128x128xf32, #tpu.memory_space<vmem>>
      %dma_start3A_1586 = tpu.memref_squeeze %dma_start3A_1585 : memref<1x128x128xf32, #tpu.memory_space<vmem>> -> memref<128x128xf32, #tpu.memory_space<vmem>>
      %dma_start3A_1587 = arith.constant 0 : i32
      %dma_start3A_1588 = tpu.memref_slice %arg6[%add3A_1540, %mul3A_2, %dma_start3A_1587] : memref<50x4096x128xf32, #tpu.memory_space<hbm>> -> memref<1x128x128xf32, #tpu.memory_space<hbm>>
      %dma_start3A_1589 = tpu.memref_squeeze %dma_start3A_1588 : memref<1x128x128xf32, #tpu.memory_space<hbm>> -> memref<128x128xf32, #tpu.memory_space<hbm>>
      %dma_start3A_1590 = arith.constant 0 : i32
      %dma_start3A_1591 = tpu.memref_slice %arg6[%add3A_1540, %mul3A_2, %dma_start3A_1590] : memref<50x4096x128xf32, #tpu.memory_space<hbm>> -> memref<1x128x128xf32, #tpu.memory_space<hbm>>
      %dma_start3A_1592 = tpu.memref_squeeze %dma_start3A_1591 : memref<1x128x128xf32, #tpu.memory_space<hbm>> -> memref<128x128xf32, #tpu.memory_space<hbm>>
      %dma_start3A_1593 = arith.constant 0 : i32
      %dma_start3A_1594 = arith.constant 0 : i32
      %dma_start3A_1595 = tpu.memref_slice %arg11[%dma_start3A_1582, %dma_start3A_1593, %dma_start3A_1594] : memref<4x128x128xf32, #tpu.memory_space<vmem>> -> memref<1x128x128xf32, #tpu.memory_space<vmem>>
      %dma_start3A_1596 = tpu.memref_squeeze %dma_start3A_1595 : memref<1x128x128xf32, #tpu.memory_space<vmem>> -> memref<128x128xf32, #tpu.memory_space<vmem>>
      tpu.enqueue_dma source(%dma_start3A_1596 : memref<128x128xf32, #tpu.memory_space<vmem>>) target(%dma_start3A_1592 : memref<128x128xf32, #tpu.memory_space<hbm>>) target_semaphore(%arg19 : memref<!tpu.dma_semaphore, #tpu.memory_space<semaphore_mem>>)
    }
    %scan3A_1117 = arith.constant 11 : i32
    %dma_wait3A_1118 = arith.constant 0 : i32
    %dma_wait3A_1119 = arith.constant 44 : i32
    %dma_wait3A_1120 = arith.constant 0 : i32
    %dma_wait3A_1121 = arith.constant 0 : i32
    %dma_wait3A_1122 = tpu.memref_slice %arg11[%dma_wait3A_1118, %dma_wait3A_1120, %dma_wait3A_1121] : memref<4x128x128xf32, #tpu.memory_space<vmem>> -> memref<1x128x128xf32, #tpu.memory_space<vmem>>
    %dma_wait3A_1123 = tpu.memref_squeeze %dma_wait3A_1122 : memref<1x128x128xf32, #tpu.memory_space<vmem>> -> memref<128x128xf32, #tpu.memory_space<vmem>>
    %dma_wait3A_1124 = arith.constant 0 : i32
    %dma_wait3A_1125 = tpu.memref_slice %arg6[%dma_wait3A_1119, %mul3A_2, %dma_wait3A_1124] : memref<50x4096x128xf32, #tpu.memory_space<hbm>> -> memref<1x128x128xf32, #tpu.memory_space<hbm>>
    %dma_wait3A_1126 = tpu.memref_squeeze %dma_wait3A_1125 : memref<1x128x128xf32, #tpu.memory_space<hbm>> -> memref<128x128xf32, #tpu.memory_space<hbm>>
    %dma_wait3A_1127 = arith.constant 0 : i32
    %dma_wait3A_1128 = tpu.memref_slice %arg6[%dma_wait3A_1119, %mul3A_2, %dma_wait3A_1127] : memref<50x4096x128xf32, #tpu.memory_space<hbm>> -> memref<1x128x128xf32, #tpu.memory_space<hbm>>
    %dma_wait3A_1129 = tpu.memref_squeeze %dma_wait3A_1128 : memref<1x128x128xf32, #tpu.memory_space<hbm>> -> memref<128x128xf32, #tpu.memory_space<hbm>>
    %dma_wait3A_1130 = arith.constant 0 : i32
    %dma_wait3A_1131 = arith.constant 0 : i32
    %dma_wait3A_1132 = tpu.memref_slice %arg11[%dma_wait3A_1118, %dma_wait3A_1130, %dma_wait3A_1131] : memref<4x128x128xf32, #tpu.memory_space<vmem>> -> memref<1x128x128xf32, #tpu.memory_space<vmem>>
    %dma_wait3A_1133 = tpu.memref_squeeze %dma_wait3A_1132 : memref<1x128x128xf32, #tpu.memory_space<vmem>> -> memref<128x128xf32, #tpu.memory_space<vmem>>
    tpu.wait_dma2 semaphore(%arg18 : memref<!tpu.dma_semaphore, #tpu.memory_space<semaphore_mem>>) src(%dma_wait3A_1133 : memref<128x128xf32, #tpu.memory_space<vmem>>) dst(%dma_wait3A_1129 : memref<128x128xf32, #tpu.memory_space<hbm>>)
    %dma_start3A_1134 = arith.constant 48 : i32
    %dma_start3A_1135 = arith.constant 0 : i32
    %dma_start3A_1136 = arith.constant 0 : i32
    %dma_start3A_1137 = arith.constant 0 : i32
    %dma_start3A_1138 = tpu.memref_slice %arg11[%dma_start3A_1135, %dma_start3A_1136, %dma_start3A_1137] : memref<4x128x128xf32, #tpu.memory_space<vmem>> -> memref<1x128x128xf32, #tpu.memory_space<vmem>>
    %dma_start3A_1139 = tpu.memref_squeeze %dma_start3A_1138 : memref<1x128x128xf32, #tpu.memory_space<vmem>> -> memref<128x128xf32, #tpu.memory_space<vmem>>
    %dma_start3A_1140 = arith.constant 0 : i32
    %dma_start3A_1141 = tpu.memref_slice %arg7[%dma_start3A_1134, %dma_start3A_1140] : memref<50x128xi32, #tpu.memory_space<vmem>> -> memref<1x128xi32, #tpu.memory_space<vmem>>
    %dma_start3A_1142 = tpu.memref_squeeze %dma_start3A_1141 : memref<1x128xi32, #tpu.memory_space<vmem>> -> memref<128xi32, #tpu.memory_space<vmem>>
    %dma_start3A_1143 = arith.constant 0 : i32
    %dma_start3A_1144 = arith.constant 0 : i32
    %dma_start3A_1145 = tpu.memref_slice %arg3[%dma_start3A_1143, %dma_start3A_1144] : memref<100000x128xf32, #tpu.memory_space<hbm>> -> memref<100000x128xf32, #tpu.memory_space<hbm>>
    tpu.enqueue_indirect_dma source(%dma_start3A_1145 : memref<100000x128xf32, #tpu.memory_space<hbm>>) target(%dma_start3A_1139 : memref<128x128xf32, #tpu.memory_space<vmem>>) offsets(%dma_start3A_1142 : memref<128xi32, #tpu.memory_space<vmem>>) semaphore(%arg14 : memref<!tpu.dma_semaphore, #tpu.memory_space<semaphore_mem>>)
    %dma_wait3A_1146 = arith.constant 46 : i32
    %dma_wait3A_1147 = arith.constant 2 : i32
    %dma_wait3A_1148 = arith.constant 0 : i32
    %dma_wait3A_1149 = arith.constant 0 : i32
    %dma_wait3A_1150 = tpu.memref_slice %arg11[%dma_wait3A_1147, %dma_wait3A_1148, %dma_wait3A_1149] : memref<4x128x128xf32, #tpu.memory_space<vmem>> -> memref<1x128x128xf32, #tpu.memory_space<vmem>>
    %dma_wait3A_1151 = tpu.memref_squeeze %dma_wait3A_1150 : memref<1x128x128xf32, #tpu.memory_space<vmem>> -> memref<128x128xf32, #tpu.memory_space<vmem>>
    %dma_wait3A_1152 = arith.constant 0 : i32
    %dma_wait3A_1153 = tpu.memref_slice %arg7[%dma_wait3A_1146, %dma_wait3A_1152] : memref<50x128xi32, #tpu.memory_space<vmem>> -> memref<1x128xi32, #tpu.memory_space<vmem>>
    %dma_wait3A_1154 = tpu.memref_squeeze %dma_wait3A_1153 : memref<1x128xi32, #tpu.memory_space<vmem>> -> memref<128xi32, #tpu.memory_space<vmem>>
    %dma_wait3A_1155 = arith.constant 0 : i32
    %dma_wait3A_1156 = arith.constant 0 : i32
    %dma_wait3A_1157 = tpu.memref_slice %arg3[%dma_wait3A_1155, %dma_wait3A_1156] : memref<100000x128xf32, #tpu.memory_space<hbm>> -> memref<100000x128xf32, #tpu.memory_space<hbm>>
    tpu.wait_indirect_dma semaphore(%arg16 : memref<!tpu.dma_semaphore, #tpu.memory_space<semaphore_mem>>) src(%dma_wait3A_1157 : memref<100000x128xf32, #tpu.memory_space<hbm>>) dst(%dma_wait3A_1151 : memref<128x128xf32, #tpu.memory_space<vmem>>)
    %dma_start3A_1158 = arith.constant 2 : i32
    %dma_start3A_1159 = arith.constant 46 : i32
    %dma_start3A_1160 = arith.constant 0 : i32
    %dma_start3A_1161 = arith.constant 0 : i32
    %dma_start3A_1162 = tpu.memref_slice %arg11[%dma_start3A_1158, %dma_start3A_1160, %dma_start3A_1161] : memref<4x128x128xf32, #tpu.memory_space<vmem>> -> memref<1x128x128xf32, #tpu.memory_space<vmem>>
    %dma_start3A_1163 = tpu.memref_squeeze %dma_start3A_1162 : memref<1x128x128xf32, #tpu.memory_space<vmem>> -> memref<128x128xf32, #tpu.memory_space<vmem>>
    %dma_start3A_1164 = arith.constant 0 : i32
    %dma_start3A_1165 = tpu.memref_slice %arg6[%dma_start3A_1159, %mul3A_2, %dma_start3A_1164] : memref<50x4096x128xf32, #tpu.memory_space<hbm>> -> memref<1x128x128xf32, #tpu.memory_space<hbm>>
    %dma_start3A_1166 = tpu.memref_squeeze %dma_start3A_1165 : memref<1x128x128xf32, #tpu.memory_space<hbm>> -> memref<128x128xf32, #tpu.memory_space<hbm>>
    %dma_start3A_1167 = arith.constant 0 : i32
    %dma_start3A_1168 = tpu.memref_slice %arg6[%dma_start3A_1159, %mul3A_2, %dma_start3A_1167] : memref<50x4096x128xf32, #tpu.memory_space<hbm>> -> memref<1x128x128xf32, #tpu.memory_space<hbm>>
    %dma_start3A_1169 = tpu.memref_squeeze %dma_start3A_1168 : memref<1x128x128xf32, #tpu.memory_space<hbm>> -> memref<128x128xf32, #tpu.memory_space<hbm>>
    %dma_start3A_1170 = arith.constant 0 : i32
    %dma_start3A_1171 = arith.constant 0 : i32
    %dma_start3A_1172 = tpu.memref_slice %arg11[%dma_start3A_1158, %dma_start3A_1170, %dma_start3A_1171] : memref<4x128x128xf32, #tpu.memory_space<vmem>> -> memref<1x128x128xf32, #tpu.memory_space<vmem>>
    %dma_start3A_1173 = tpu.memref_squeeze %dma_start3A_1172 : memref<1x128x128xf32, #tpu.memory_space<vmem>> -> memref<128x128xf32, #tpu.memory_space<vmem>>
    tpu.enqueue_dma source(%dma_start3A_1173 : memref<128x128xf32, #tpu.memory_space<vmem>>) target(%dma_start3A_1169 : memref<128x128xf32, #tpu.memory_space<hbm>>) target_semaphore(%arg20 : memref<!tpu.dma_semaphore, #tpu.memory_space<semaphore_mem>>)
    %dma_wait3A_1174 = arith.constant 1 : i32
    %dma_wait3A_1175 = arith.constant 45 : i32
    %dma_wait3A_1176 = arith.constant 0 : i32
    %dma_wait3A_1177 = arith.constant 0 : i32
    %dma_wait3A_1178 = tpu.memref_slice %arg11[%dma_wait3A_1174, %dma_wait3A_1176, %dma_wait3A_1177] : memref<4x128x128xf32, #tpu.memory_space<vmem>> -> memref<1x128x128xf32, #tpu.memory_space<vmem>>
    %dma_wait3A_1179 = tpu.memref_squeeze %dma_wait3A_1178 : memref<1x128x128xf32, #tpu.memory_space<vmem>> -> memref<128x128xf32, #tpu.memory_space<vmem>>
    %dma_wait3A_1180 = arith.constant 0 : i32
    %dma_wait3A_1181 = tpu.memref_slice %arg6[%dma_wait3A_1175, %mul3A_2, %dma_wait3A_1180] : memref<50x4096x128xf32, #tpu.memory_space<hbm>> -> memref<1x128x128xf32, #tpu.memory_space<hbm>>
    %dma_wait3A_1182 = tpu.memref_squeeze %dma_wait3A_1181 : memref<1x128x128xf32, #tpu.memory_space<hbm>> -> memref<128x128xf32, #tpu.memory_space<hbm>>
    %dma_wait3A_1183 = arith.constant 0 : i32
    %dma_wait3A_1184 = tpu.memref_slice %arg6[%dma_wait3A_1175, %mul3A_2, %dma_wait3A_1183] : memref<50x4096x128xf32, #tpu.memory_space<hbm>> -> memref<1x128x128xf32, #tpu.memory_space<hbm>>
    %dma_wait3A_1185 = tpu.memref_squeeze %dma_wait3A_1184 : memref<1x128x128xf32, #tpu.memory_space<hbm>> -> memref<128x128xf32, #tpu.memory_space<hbm>>
    %dma_wait3A_1186 = arith.constant 0 : i32
    %dma_wait3A_1187 = arith.constant 0 : i32
    %dma_wait3A_1188 = tpu.memref_slice %arg11[%dma_wait3A_1174, %dma_wait3A_1186, %dma_wait3A_1187] : memref<4x128x128xf32, #tpu.memory_space<vmem>> -> memref<1x128x128xf32, #tpu.memory_space<vmem>>
    %dma_wait3A_1189 = tpu.memref_squeeze %dma_wait3A_1188 : memref<1x128x128xf32, #tpu.memory_space<vmem>> -> memref<128x128xf32, #tpu.memory_space<vmem>>
    tpu.wait_dma2 semaphore(%arg19 : memref<!tpu.dma_semaphore, #tpu.memory_space<semaphore_mem>>) src(%dma_wait3A_1189 : memref<128x128xf32, #tpu.memory_space<vmem>>) dst(%dma_wait3A_1185 : memref<128x128xf32, #tpu.memory_space<hbm>>)
    %dma_start3A_1190 = arith.constant 49 : i32
    %dma_start3A_1191 = arith.constant 1 : i32
    %dma_start3A_1192 = arith.constant 0 : i32
    %dma_start3A_1193 = arith.constant 0 : i32
    %dma_start3A_1194 = tpu.memref_slice %arg11[%dma_start3A_1191, %dma_start3A_1192, %dma_start3A_1193] : memref<4x128x128xf32, #tpu.memory_space<vmem>> -> memref<1x128x128xf32, #tpu.memory_space<vmem>>
    %dma_start3A_1195 = tpu.memref_squeeze %dma_start3A_1194 : memref<1x128x128xf32, #tpu.memory_space<vmem>> -> memref<128x128xf32, #tpu.memory_space<vmem>>
    %dma_start3A_1196 = arith.constant 0 : i32
    %dma_start3A_1197 = tpu.memref_slice %arg7[%dma_start3A_1190, %dma_start3A_1196] : memref<50x128xi32, #tpu.memory_space<vmem>> -> memref<1x128xi32, #tpu.memory_space<vmem>>
    %dma_start3A_1198 = tpu.memref_squeeze %dma_start3A_1197 : memref<1x128xi32, #tpu.memory_space<vmem>> -> memref<128xi32, #tpu.memory_space<vmem>>
    %dma_start3A_1199 = arith.constant 0 : i32
    %dma_start3A_1200 = arith.constant 0 : i32
    %dma_start3A_1201 = tpu.memref_slice %arg3[%dma_start3A_1199, %dma_start3A_1200] : memref<100000x128xf32, #tpu.memory_space<hbm>> -> memref<100000x128xf32, #tpu.memory_space<hbm>>
    tpu.enqueue_indirect_dma source(%dma_start3A_1201 : memref<100000x128xf32, #tpu.memory_space<hbm>>) target(%dma_start3A_1195 : memref<128x128xf32, #tpu.memory_space<vmem>>) offsets(%dma_start3A_1198 : memref<128xi32, #tpu.memory_space<vmem>>) semaphore(%arg15 : memref<!tpu.dma_semaphore, #tpu.memory_space<semaphore_mem>>)
    %dma_wait3A_1202 = arith.constant 47 : i32
    %dma_wait3A_1203 = arith.constant 3 : i32
    %dma_wait3A_1204 = arith.constant 0 : i32
    %dma_wait3A_1205 = arith.constant 0 : i32
    %dma_wait3A_1206 = tpu.memref_slice %arg11[%dma_wait3A_1203, %dma_wait3A_1204, %dma_wait3A_1205] : memref<4x128x128xf32, #tpu.memory_space<vmem>> -> memref<1x128x128xf32, #tpu.memory_space<vmem>>
    %dma_wait3A_1207 = tpu.memref_squeeze %dma_wait3A_1206 : memref<1x128x128xf32, #tpu.memory_space<vmem>> -> memref<128x128xf32, #tpu.memory_space<vmem>>
    %dma_wait3A_1208 = arith.constant 0 : i32
    %dma_wait3A_1209 = tpu.memref_slice %arg7[%dma_wait3A_1202, %dma_wait3A_1208] : memref<50x128xi32, #tpu.memory_space<vmem>> -> memref<1x128xi32, #tpu.memory_space<vmem>>
    %dma_wait3A_1210 = tpu.memref_squeeze %dma_wait3A_1209 : memref<1x128xi32, #tpu.memory_space<vmem>> -> memref<128xi32, #tpu.memory_space<vmem>>
    %dma_wait3A_1211 = arith.constant 0 : i32
    %dma_wait3A_1212 = arith.constant 0 : i32
    %dma_wait3A_1213 = tpu.memref_slice %arg3[%dma_wait3A_1211, %dma_wait3A_1212] : memref<100000x128xf32, #tpu.memory_space<hbm>> -> memref<100000x128xf32, #tpu.memory_space<hbm>>
    tpu.wait_indirect_dma semaphore(%arg17 : memref<!tpu.dma_semaphore, #tpu.memory_space<semaphore_mem>>) src(%dma_wait3A_1213 : memref<100000x128xf32, #tpu.memory_space<hbm>>) dst(%dma_wait3A_1207 : memref<128x128xf32, #tpu.memory_space<vmem>>)
    %dma_start3A_1214 = arith.constant 3 : i32
    %dma_start3A_1215 = arith.constant 47 : i32
    %dma_start3A_1216 = arith.constant 0 : i32
    %dma_start3A_1217 = arith.constant 0 : i32
    %dma_start3A_1218 = tpu.memref_slice %arg11[%dma_start3A_1214, %dma_start3A_1216, %dma_start3A_1217] : memref<4x128x128xf32, #tpu.memory_space<vmem>> -> memref<1x128x128xf32, #tpu.memory_space<vmem>>
    %dma_start3A_1219 = tpu.memref_squeeze %dma_start3A_1218 : memref<1x128x128xf32, #tpu.memory_space<vmem>> -> memref<128x128xf32, #tpu.memory_space<vmem>>
    %dma_start3A_1220 = arith.constant 0 : i32
    %dma_start3A_1221 = tpu.memref_slice %arg6[%dma_start3A_1215, %mul3A_2, %dma_start3A_1220] : memref<50x4096x128xf32, #tpu.memory_space<hbm>> -> memref<1x128x128xf32, #tpu.memory_space<hbm>>
    %dma_start3A_1222 = tpu.memref_squeeze %dma_start3A_1221 : memref<1x128x128xf32, #tpu.memory_space<hbm>> -> memref<128x128xf32, #tpu.memory_space<hbm>>
    %dma_start3A_1223 = arith.constant 0 : i32
    %dma_start3A_1224 = tpu.memref_slice %arg6[%dma_start3A_1215, %mul3A_2, %dma_start3A_1223] : memref<50x4096x128xf32, #tpu.memory_space<hbm>> -> memref<1x128x128xf32, #tpu.memory_space<hbm>>
    %dma_start3A_1225 = tpu.memref_squeeze %dma_start3A_1224 : memref<1x128x128xf32, #tpu.memory_space<hbm>> -> memref<128x128xf32, #tpu.memory_space<hbm>>
    %dma_start3A_1226 = arith.constant 0 : i32
    %dma_start3A_1227 = arith.constant 0 : i32
    %dma_start3A_1228 = tpu.memref_slice %arg11[%dma_start3A_1214, %dma_start3A_1226, %dma_start3A_1227] : memref<4x128x128xf32, #tpu.memory_space<vmem>> -> memref<1x128x128xf32, #tpu.memory_space<vmem>>
    %dma_start3A_1229 = tpu.memref_squeeze %dma_start3A_1228 : memref<1x128x128xf32, #tpu.memory_space<vmem>> -> memref<128x128xf32, #tpu.memory_space<vmem>>
    tpu.enqueue_dma source(%dma_start3A_1229 : memref<128x128xf32, #tpu.memory_space<vmem>>) target(%dma_start3A_1225 : memref<128x128xf32, #tpu.memory_space<hbm>>) target_semaphore(%arg21 : memref<!tpu.dma_semaphore, #tpu.memory_space<semaphore_mem>>)
    %dma_wait3A_1230 = arith.constant 48 : i32
    %dma_wait3A_1231 = arith.constant 0 : i32
    %dma_wait3A_1232 = arith.constant 0 : i32
    %dma_wait3A_1233 = arith.constant 0 : i32
    %dma_wait3A_1234 = tpu.memref_slice %arg11[%dma_wait3A_1231, %dma_wait3A_1232, %dma_wait3A_1233] : memref<4x128x128xf32, #tpu.memory_space<vmem>> -> memref<1x128x128xf32, #tpu.memory_space<vmem>>
    %dma_wait3A_1235 = tpu.memref_squeeze %dma_wait3A_1234 : memref<1x128x128xf32, #tpu.memory_space<vmem>> -> memref<128x128xf32, #tpu.memory_space<vmem>>
    %dma_wait3A_1236 = arith.constant 0 : i32
    %dma_wait3A_1237 = tpu.memref_slice %arg7[%dma_wait3A_1230, %dma_wait3A_1236] : memref<50x128xi32, #tpu.memory_space<vmem>> -> memref<1x128xi32, #tpu.memory_space<vmem>>
    %dma_wait3A_1238 = tpu.memref_squeeze %dma_wait3A_1237 : memref<1x128xi32, #tpu.memory_space<vmem>> -> memref<128xi32, #tpu.memory_space<vmem>>
    %dma_wait3A_1239 = arith.constant 0 : i32
    %dma_wait3A_1240 = arith.constant 0 : i32
    %dma_wait3A_1241 = tpu.memref_slice %arg3[%dma_wait3A_1239, %dma_wait3A_1240] : memref<100000x128xf32, #tpu.memory_space<hbm>> -> memref<100000x128xf32, #tpu.memory_space<hbm>>
    tpu.wait_indirect_dma semaphore(%arg14 : memref<!tpu.dma_semaphore, #tpu.memory_space<semaphore_mem>>) src(%dma_wait3A_1241 : memref<100000x128xf32, #tpu.memory_space<hbm>>) dst(%dma_wait3A_1235 : memref<128x128xf32, #tpu.memory_space<vmem>>)
    %dma_start3A_1242 = arith.constant 0 : i32
    %dma_start3A_1243 = arith.constant 48 : i32
    %dma_start3A_1244 = arith.constant 0 : i32
    %dma_start3A_1245 = arith.constant 0 : i32
    %dma_start3A_1246 = tpu.memref_slice %arg11[%dma_start3A_1242, %dma_start3A_1244, %dma_start3A_1245] : memref<4x128x128xf32, #tpu.memory_space<vmem>> -> memref<1x128x128xf32, #tpu.memory_space<vmem>>
    %dma_start3A_1247 = tpu.memref_squeeze %dma_start3A_1246 : memref<1x128x128xf32, #tpu.memory_space<vmem>> -> memref<128x128xf32, #tpu.memory_space<vmem>>
    %dma_start3A_1248 = arith.constant 0 : i32
    %dma_start3A_1249 = tpu.memref_slice %arg6[%dma_start3A_1243, %mul3A_2, %dma_start3A_1248] : memref<50x4096x128xf32, #tpu.memory_space<hbm>> -> memref<1x128x128xf32, #tpu.memory_space<hbm>>
    %dma_start3A_1250 = tpu.memref_squeeze %dma_start3A_1249 : memref<1x128x128xf32, #tpu.memory_space<hbm>> -> memref<128x128xf32, #tpu.memory_space<hbm>>
    %dma_start3A_1251 = arith.constant 0 : i32
    %dma_start3A_1252 = tpu.memref_slice %arg6[%dma_start3A_1243, %mul3A_2, %dma_start3A_1251] : memref<50x4096x128xf32, #tpu.memory_space<hbm>> -> memref<1x128x128xf32, #tpu.memory_space<hbm>>
    %dma_start3A_1253 = tpu.memref_squeeze %dma_start3A_1252 : memref<1x128x128xf32, #tpu.memory_space<hbm>> -> memref<128x128xf32, #tpu.memory_space<hbm>>
    %dma_start3A_1254 = arith.constant 0 : i32
    %dma_start3A_1255 = arith.constant 0 : i32
    %dma_start3A_1256 = tpu.memref_slice %arg11[%dma_start3A_1242, %dma_start3A_1254, %dma_start3A_1255] : memref<4x128x128xf32, #tpu.memory_space<vmem>> -> memref<1x128x128xf32, #tpu.memory_space<vmem>>
    %dma_start3A_1257 = tpu.memref_squeeze %dma_start3A_1256 : memref<1x128x128xf32, #tpu.memory_space<vmem>> -> memref<128x128xf32, #tpu.memory_space<vmem>>
    tpu.enqueue_dma source(%dma_start3A_1257 : memref<128x128xf32, #tpu.memory_space<vmem>>) target(%dma_start3A_1253 : memref<128x128xf32, #tpu.memory_space<hbm>>) target_semaphore(%arg18 : memref<!tpu.dma_semaphore, #tpu.memory_space<semaphore_mem>>)
    %dma_wait3A_1258 = arith.constant 49 : i32
    %dma_wait3A_1259 = arith.constant 1 : i32
    %dma_wait3A_1260 = arith.constant 0 : i32
    %dma_wait3A_1261 = arith.constant 0 : i32
    %dma_wait3A_1262 = tpu.memref_slice %arg11[%dma_wait3A_1259, %dma_wait3A_1260, %dma_wait3A_1261] : memref<4x128x128xf32, #tpu.memory_space<vmem>> -> memref<1x128x128xf32, #tpu.memory_space<vmem>>
    %dma_wait3A_1263 = tpu.memref_squeeze %dma_wait3A_1262 : memref<1x128x128xf32, #tpu.memory_space<vmem>> -> memref<128x128xf32, #tpu.memory_space<vmem>>
    %dma_wait3A_1264 = arith.constant 0 : i32
    %dma_wait3A_1265 = tpu.memref_slice %arg7[%dma_wait3A_1258, %dma_wait3A_1264] : memref<50x128xi32, #tpu.memory_space<vmem>> -> memref<1x128xi32, #tpu.memory_space<vmem>>
    %dma_wait3A_1266 = tpu.memref_squeeze %dma_wait3A_1265 : memref<1x128xi32, #tpu.memory_space<vmem>> -> memref<128xi32, #tpu.memory_space<vmem>>
    %dma_wait3A_1267 = arith.constant 0 : i32
    %dma_wait3A_1268 = arith.constant 0 : i32
    %dma_wait3A_1269 = tpu.memref_slice %arg3[%dma_wait3A_1267, %dma_wait3A_1268] : memref<100000x128xf32, #tpu.memory_space<hbm>> -> memref<100000x128xf32, #tpu.memory_space<hbm>>
    tpu.wait_indirect_dma semaphore(%arg15 : memref<!tpu.dma_semaphore, #tpu.memory_space<semaphore_mem>>) src(%dma_wait3A_1269 : memref<100000x128xf32, #tpu.memory_space<hbm>>) dst(%dma_wait3A_1263 : memref<128x128xf32, #tpu.memory_space<vmem>>)
    %dma_start3A_1270 = arith.constant 1 : i32
    %dma_start3A_1271 = arith.constant 49 : i32
    %dma_start3A_1272 = arith.constant 0 : i32
    %dma_start3A_1273 = arith.constant 0 : i32
    %dma_start3A_1274 = tpu.memref_slice %arg11[%dma_start3A_1270, %dma_start3A_1272, %dma_start3A_1273] : memref<4x128x128xf32, #tpu.memory_space<vmem>> -> memref<1x128x128xf32, #tpu.memory_space<vmem>>
    %dma_start3A_1275 = tpu.memref_squeeze %dma_start3A_1274 : memref<1x128x128xf32, #tpu.memory_space<vmem>> -> memref<128x128xf32, #tpu.memory_space<vmem>>
    %dma_start3A_1276 = arith.constant 0 : i32
    %dma_start3A_1277 = tpu.memref_slice %arg6[%dma_start3A_1271, %mul3A_2, %dma_start3A_1276] : memref<50x4096x128xf32, #tpu.memory_space<hbm>> -> memref<1x128x128xf32, #tpu.memory_space<hbm>>
    %dma_start3A_1278 = tpu.memref_squeeze %dma_start3A_1277 : memref<1x128x128xf32, #tpu.memory_space<hbm>> -> memref<128x128xf32, #tpu.memory_space<hbm>>
    %dma_start3A_1279 = arith.constant 0 : i32
    %dma_start3A_1280 = tpu.memref_slice %arg6[%dma_start3A_1271, %mul3A_2, %dma_start3A_1279] : memref<50x4096x128xf32, #tpu.memory_space<hbm>> -> memref<1x128x128xf32, #tpu.memory_space<hbm>>
    %dma_start3A_1281 = tpu.memref_squeeze %dma_start3A_1280 : memref<1x128x128xf32, #tpu.memory_space<hbm>> -> memref<128x128xf32, #tpu.memory_space<hbm>>
    %dma_start3A_1282 = arith.constant 0 : i32
    %dma_start3A_1283 = arith.constant 0 : i32
    %dma_start3A_1284 = tpu.memref_slice %arg11[%dma_start3A_1270, %dma_start3A_1282, %dma_start3A_1283] : memref<4x128x128xf32, #tpu.memory_space<vmem>> -> memref<1x128x128xf32, #tpu.memory_space<vmem>>
    %dma_start3A_1285 = tpu.memref_squeeze %dma_start3A_1284 : memref<1x128x128xf32, #tpu.memory_space<vmem>> -> memref<128x128xf32, #tpu.memory_space<vmem>>
    tpu.enqueue_dma source(%dma_start3A_1285 : memref<128x128xf32, #tpu.memory_space<vmem>>) target(%dma_start3A_1281 : memref<128x128xf32, #tpu.memory_space<hbm>>) target_semaphore(%arg19 : memref<!tpu.dma_semaphore, #tpu.memory_space<semaphore_mem>>)
    %dma_wait3A_1286 = arith.constant 0 : i32
    %dma_wait3A_1287 = arith.constant 0 : i32
    %dma_wait3A_1288 = arith.constant 0 : i32
    %dma_wait3A_1289 = arith.constant 0 : i32
    %dma_wait3A_1290 = tpu.memref_slice %arg11[%dma_wait3A_1286, %dma_wait3A_1288, %dma_wait3A_1289] : memref<4x128x128xf32, #tpu.memory_space<vmem>> -> memref<1x128x128xf32, #tpu.memory_space<vmem>>
    %dma_wait3A_1291 = tpu.memref_squeeze %dma_wait3A_1290 : memref<1x128x128xf32, #tpu.memory_space<vmem>> -> memref<128x128xf32, #tpu.memory_space<vmem>>
    %dma_wait3A_1292 = arith.constant 0 : i32
    %dma_wait3A_1293 = tpu.memref_slice %arg6[%dma_wait3A_1287, %mul3A_2, %dma_wait3A_1292] : memref<50x4096x128xf32, #tpu.memory_space<hbm>> -> memref<1x128x128xf32, #tpu.memory_space<hbm>>
    %dma_wait3A_1294 = tpu.memref_squeeze %dma_wait3A_1293 : memref<1x128x128xf32, #tpu.memory_space<hbm>> -> memref<128x128xf32, #tpu.memory_space<hbm>>
    %dma_wait3A_1295 = arith.constant 0 : i32
    %dma_wait3A_1296 = tpu.memref_slice %arg6[%dma_wait3A_1287, %mul3A_2, %dma_wait3A_1295] : memref<50x4096x128xf32, #tpu.memory_space<hbm>> -> memref<1x128x128xf32, #tpu.memory_space<hbm>>
    %dma_wait3A_1297 = tpu.memref_squeeze %dma_wait3A_1296 : memref<1x128x128xf32, #tpu.memory_space<hbm>> -> memref<128x128xf32, #tpu.memory_space<hbm>>
    %dma_wait3A_1298 = arith.constant 0 : i32
    %dma_wait3A_1299 = arith.constant 0 : i32
    %dma_wait3A_1300 = tpu.memref_slice %arg11[%dma_wait3A_1286, %dma_wait3A_1298, %dma_wait3A_1299] : memref<4x128x128xf32, #tpu.memory_space<vmem>> -> memref<1x128x128xf32, #tpu.memory_space<vmem>>
    %dma_wait3A_1301 = tpu.memref_squeeze %dma_wait3A_1300 : memref<1x128x128xf32, #tpu.memory_space<vmem>> -> memref<128x128xf32, #tpu.memory_space<vmem>>
    tpu.wait_dma2 semaphore(%arg18 : memref<!tpu.dma_semaphore, #tpu.memory_space<semaphore_mem>>) src(%dma_wait3A_1301 : memref<128x128xf32, #tpu.memory_space<vmem>>) dst(%dma_wait3A_1297 : memref<128x128xf32, #tpu.memory_space<hbm>>)
    %dma_wait3A_1302 = arith.constant 1 : i32
    %dma_wait3A_1303 = arith.constant 0 : i32
    %dma_wait3A_1304 = arith.constant 0 : i32
    %dma_wait3A_1305 = arith.constant 0 : i32
    %dma_wait3A_1306 = tpu.memref_slice %arg11[%dma_wait3A_1302, %dma_wait3A_1304, %dma_wait3A_1305] : memref<4x128x128xf32, #tpu.memory_space<vmem>> -> memref<1x128x128xf32, #tpu.memory_space<vmem>>
    %dma_wait3A_1307 = tpu.memref_squeeze %dma_wait3A_1306 : memref<1x128x128xf32, #tpu.memory_space<vmem>> -> memref<128x128xf32, #tpu.memory_space<vmem>>
    %dma_wait3A_1308 = arith.constant 0 : i32
    %dma_wait3A_1309 = tpu.memref_slice %arg6[%dma_wait3A_1303, %mul3A_2, %dma_wait3A_1308] : memref<50x4096x128xf32, #tpu.memory_space<hbm>> -> memref<1x128x128xf32, #tpu.memory_space<hbm>>
    %dma_wait3A_1310 = tpu.memref_squeeze %dma_wait3A_1309 : memref<1x128x128xf32, #tpu.memory_space<hbm>> -> memref<128x128xf32, #tpu.memory_space<hbm>>
    %dma_wait3A_1311 = arith.constant 0 : i32
    %dma_wait3A_1312 = tpu.memref_slice %arg6[%dma_wait3A_1303, %mul3A_2, %dma_wait3A_1311] : memref<50x4096x128xf32, #tpu.memory_space<hbm>> -> memref<1x128x128xf32, #tpu.memory_space<hbm>>
    %dma_wait3A_1313 = tpu.memref_squeeze %dma_wait3A_1312 : memref<1x128x128xf32, #tpu.memory_space<hbm>> -> memref<128x128xf32, #tpu.memory_space<hbm>>
    %dma_wait3A_1314 = arith.constant 0 : i32
    %dma_wait3A_1315 = arith.constant 0 : i32
    %dma_wait3A_1316 = tpu.memref_slice %arg11[%dma_wait3A_1302, %dma_wait3A_1314, %dma_wait3A_1315] : memref<4x128x128xf32, #tpu.memory_space<vmem>> -> memref<1x128x128xf32, #tpu.memory_space<vmem>>
    %dma_wait3A_1317 = tpu.memref_squeeze %dma_wait3A_1316 : memref<1x128x128xf32, #tpu.memory_space<vmem>> -> memref<128x128xf32, #tpu.memory_space<vmem>>
    tpu.wait_dma2 semaphore(%arg19 : memref<!tpu.dma_semaphore, #tpu.memory_space<semaphore_mem>>) src(%dma_wait3A_1317 : memref<128x128xf32, #tpu.memory_space<vmem>>) dst(%dma_wait3A_1313 : memref<128x128xf32, #tpu.memory_space<hbm>>)
    %dma_wait3A_1318 = arith.constant 2 : i32
    %dma_wait3A_1319 = arith.constant 0 : i32
    %dma_wait3A_1320 = arith.constant 0 : i32
    %dma_wait3A_1321 = arith.constant 0 : i32
    %dma_wait3A_1322 = tpu.memref_slice %arg11[%dma_wait3A_1318, %dma_wait3A_1320, %dma_wait3A_1321] : memref<4x128x128xf32, #tpu.memory_space<vmem>> -> memref<1x128x128xf32, #tpu.memory_space<vmem>>
    %dma_wait3A_1323 = tpu.memref_squeeze %dma_wait3A_1322 : memref<1x128x128xf32, #tpu.memory_space<vmem>> -> memref<128x128xf32, #tpu.memory_space<vmem>>
    %dma_wait3A_1324 = arith.constant 0 : i32
    %dma_wait3A_1325 = tpu.memref_slice %arg6[%dma_wait3A_1319, %mul3A_2, %dma_wait3A_1324] : memref<50x4096x128xf32, #tpu.memory_space<hbm>> -> memref<1x128x128xf32, #tpu.memory_space<hbm>>
    %dma_wait3A_1326 = tpu.memref_squeeze %dma_wait3A_1325 : memref<1x128x128xf32, #tpu.memory_space<hbm>> -> memref<128x128xf32, #tpu.memory_space<hbm>>
    %dma_wait3A_1327 = arith.constant 0 : i32
    %dma_wait3A_1328 = tpu.memref_slice %arg6[%dma_wait3A_1319, %mul3A_2, %dma_wait3A_1327] : memref<50x4096x128xf32, #tpu.memory_space<hbm>> -> memref<1x128x128xf32, #tpu.memory_space<hbm>>
    %dma_wait3A_1329 = tpu.memref_squeeze %dma_wait3A_1328 : memref<1x128x128xf32, #tpu.memory_space<hbm>> -> memref<128x128xf32, #tpu.memory_space<hbm>>
    %dma_wait3A_1330 = arith.constant 0 : i32
    %dma_wait3A_1331 = arith.constant 0 : i32
    %dma_wait3A_1332 = tpu.memref_slice %arg11[%dma_wait3A_1318, %dma_wait3A_1330, %dma_wait3A_1331] : memref<4x128x128xf32, #tpu.memory_space<vmem>> -> memref<1x128x128xf32, #tpu.memory_space<vmem>>
    %dma_wait3A_1333 = tpu.memref_squeeze %dma_wait3A_1332 : memref<1x128x128xf32, #tpu.memory_space<vmem>> -> memref<128x128xf32, #tpu.memory_space<vmem>>
    tpu.wait_dma2 semaphore(%arg20 : memref<!tpu.dma_semaphore, #tpu.memory_space<semaphore_mem>>) src(%dma_wait3A_1333 : memref<128x128xf32, #tpu.memory_space<vmem>>) dst(%dma_wait3A_1329 : memref<128x128xf32, #tpu.memory_space<hbm>>)
    %dma_wait3A_1334 = arith.constant 3 : i32
    %dma_wait3A_1335 = arith.constant 0 : i32
    %dma_wait3A_1336 = arith.constant 0 : i32
    %dma_wait3A_1337 = arith.constant 0 : i32
    %dma_wait3A_1338 = tpu.memref_slice %arg11[%dma_wait3A_1334, %dma_wait3A_1336, %dma_wait3A_1337] : memref<4x128x128xf32, #tpu.memory_space<vmem>> -> memref<1x128x128xf32, #tpu.memory_space<vmem>>
    %dma_wait3A_1339 = tpu.memref_squeeze %dma_wait3A_1338 : memref<1x128x128xf32, #tpu.memory_space<vmem>> -> memref<128x128xf32, #tpu.memory_space<vmem>>
    %dma_wait3A_1340 = arith.constant 0 : i32
    %dma_wait3A_1341 = tpu.memref_slice %arg6[%dma_wait3A_1335, %mul3A_2, %dma_wait3A_1340] : memref<50x4096x128xf32, #tpu.memory_space<hbm>> -> memref<1x128x128xf32, #tpu.memory_space<hbm>>
    %dma_wait3A_1342 = tpu.memref_squeeze %dma_wait3A_1341 : memref<1x128x128xf32, #tpu.memory_space<hbm>> -> memref<128x128xf32, #tpu.memory_space<hbm>>
    %dma_wait3A_1343 = arith.constant 0 : i32
    %dma_wait3A_1344 = tpu.memref_slice %arg6[%dma_wait3A_1335, %mul3A_2, %dma_wait3A_1343] : memref<50x4096x128xf32, #tpu.memory_space<hbm>> -> memref<1x128x128xf32, #tpu.memory_space<hbm>>
    %dma_wait3A_1345 = tpu.memref_squeeze %dma_wait3A_1344 : memref<1x128x128xf32, #tpu.memory_space<hbm>> -> memref<128x128xf32, #tpu.memory_space<hbm>>
    %dma_wait3A_1346 = arith.constant 0 : i32
    %dma_wait3A_1347 = arith.constant 0 : i32
    %dma_wait3A_1348 = tpu.memref_slice %arg11[%dma_wait3A_1334, %dma_wait3A_1346, %dma_wait3A_1347] : memref<4x128x128xf32, #tpu.memory_space<vmem>> -> memref<1x128x128xf32, #tpu.memory_space<vmem>>
    %dma_wait3A_1349 = tpu.memref_squeeze %dma_wait3A_1348 : memref<1x128x128xf32, #tpu.memory_space<vmem>> -> memref<128x128xf32, #tpu.memory_space<vmem>>
    tpu.wait_dma2 semaphore(%arg21 : memref<!tpu.dma_semaphore, #tpu.memory_space<semaphore_mem>>) src(%dma_wait3A_1349 : memref<128x128xf32, #tpu.memory_space<vmem>>) dst(%dma_wait3A_1345 : memref<128x128xf32, #tpu.memory_space<hbm>>)
    %get3A = arith.constant 0 : index
    %get3A_1350 = tpu.vector_load %arg8[%get3A] {strides = array<i32>} : memref<816xi32, #tpu.memory_space<vmem>>, vector<16xi32>,
    %get3A_1351 = vector.shape_cast %get3A_1350 : vector<16xi32> to vector<16xi32>
    %slice3A = vector.extract_strided_slice %get3A_1351 {offsets = [0], sizes = [1], strides = [1]} : vector<16xi32> to vector<1xi32>
    %squeeze3A = vector.extract %slice3A[0] : i32 from vector<1xi32>
    %while3A = arith.constant 0 : i32
    %while3A_1352 = arith.constant 0 : i32
    %while3A_1353 = arith.subi %squeeze3A, %while3A_1352 : i32
    %while3A_1354 = arith.addi %while3A_1352, %while3A_1353 : i32
    %while3A_1355 = arith.constant 1 : i32
    %while3A_1356 = arith.divsi %while3A_1353, %while3A_1355 : i32
    %while3A_1357 = arith.muli %while3A_1356, %while3A_1355 : i32
    %while3A_1358 = arith.addi %while3A_1352, %while3A_1357 : i32
    %while3A_1359 = arith.constant 1 : i32
    scf.for %while3A_1361 = %while3A_1352 to %while3A_1358 step %while3A_1359  : i32 {
      %mul3A_1362 = arith.constant 16 : i32
      %mul3A_1363 = arith.muli %mul3A_1362, %while3A_1361 : i32
      %add3A_1364 = arith.constant 16 : i32
      %add3A_1365 = arith.addi %add3A_1364, %mul3A_1363 : i32
      %get3A_1366 = arith.index_cast %add3A_1365 : i32 to index
      %get3A_1367 = tpu.vector_load %arg8[%get3A_1366] {strides = array<i32>} : memref<816xi32, #tpu.memory_space<vmem>>, vector<16xi32>,
      %get3A_1368 = vector.shape_cast %get3A_1367 : vector<16xi32> to vector<16xi32>
      %slice3A_1369 = vector.extract_strided_slice %get3A_1368 {offsets = [0], sizes = [1], strides = [1]} : vector<16xi32> to vector<1xi32>
      %squeeze3A_1370 = vector.extract %slice3A_1369[0] : i32 from vector<1xi32>
      %run_scoped3A = arith.constant 0 : i32
      "tpu.region"() ({
        %run_scoped3A_1579 = tpu.sem_alloc : memref<!tpu.dma_semaphore, #tpu.memory_space<semaphore_mem>>
        %dma_start3A_1580 = arith.constant 0 : i32
        %dma_start3A_1581 = arith.constant 0 : i32
        %dma_start3A_1582 = tpu.memref_slice %arg11[%run_scoped3A, %dma_start3A_1580, %dma_start3A_1581] : memref<4x128x128xf32, #tpu.memory_space<vmem>> -> memref<1x128x128xf32, #tpu.memory_space<vmem>>
        %dma_start3A_1583 = tpu.memref_squeeze %dma_start3A_1582 : memref<1x128x128xf32, #tpu.memory_space<vmem>> -> memref<128x128xf32, #tpu.memory_space<vmem>>
        %dma_start3A_1584 = arith.constant 0 : i32
        %dma_start3A_1585 = tpu.memref_slice %arg6[%squeeze3A_1370, %mul3A_2, %dma_start3A_1584] : memref<50x4096x128xf32, #tpu.memory_space<hbm>> -> memref<1x128x128xf32, #tpu.memory_space<hbm>>
        %dma_start3A_1586 = tpu.memref_squeeze %dma_start3A_1585 : memref<1x128x128xf32, #tpu.memory_space<hbm>> -> memref<128x128xf32, #tpu.memory_space<hbm>>
        %dma_start3A_1587 = arith.constant 0 : i32
        %dma_start3A_1588 = arith.constant 0 : i32
        %dma_start3A_1589 = tpu.memref_slice %arg11[%run_scoped3A, %dma_start3A_1587, %dma_start3A_1588] : memref<4x128x128xf32, #tpu.memory_space<vmem>> -> memref<1x128x128xf32, #tpu.memory_space<vmem>>
        %dma_start3A_1590 = tpu.memref_squeeze %dma_start3A_1589 : memref<1x128x128xf32, #tpu.memory_space<vmem>> -> memref<128x128xf32, #tpu.memory_space<vmem>>
        %dma_start3A_1591 = arith.constant 0 : i32
        %dma_start3A_1592 = tpu.memref_slice %arg6[%squeeze3A_1370, %mul3A_2, %dma_start3A_1591] : memref<50x4096x128xf32, #tpu.memory_space<hbm>> -> memref<1x128x128xf32, #tpu.memory_space<hbm>>
        %dma_start3A_1593 = tpu.memref_squeeze %dma_start3A_1592 : memref<1x128x128xf32, #tpu.memory_space<hbm>> -> memref<128x128xf32, #tpu.memory_space<hbm>>
        tpu.enqueue_dma source(%dma_start3A_1593 : memref<128x128xf32, #tpu.memory_space<hbm>>) target(%dma_start3A_1590 : memref<128x128xf32, #tpu.memory_space<vmem>>) target_semaphore(%run_scoped3A_1579 : memref<!tpu.dma_semaphore, #tpu.memory_space<semaphore_mem>>)
        %dma_wait3A_1594 = arith.constant 0 : i32
        %dma_wait3A_1595 = arith.constant 0 : i32
        %dma_wait3A_1596 = tpu.memref_slice %arg11[%run_scoped3A, %dma_wait3A_1594, %dma_wait3A_1595] : memref<4x128x128xf32, #tpu.memory_space<vmem>> -> memref<1x128x128xf32, #tpu.memory_space<vmem>>
        %dma_wait3A_1597 = tpu.memref_squeeze %dma_wait3A_1596 : memref<1x128x128xf32, #tpu.memory_space<vmem>> -> memref<128x128xf32, #tpu.memory_space<vmem>>
        %dma_wait3A_1598 = arith.constant 0 : i32
        %dma_wait3A_1599 = tpu.memref_slice %arg6[%squeeze3A_1370, %mul3A_2, %dma_wait3A_1598] : memref<50x4096x128xf32, #tpu.memory_space<hbm>> -> memref<1x128x128xf32, #tpu.memory_space<hbm>>
        %dma_wait3A_1600 = tpu.memref_squeeze %dma_wait3A_1599 : memref<1x128x128xf32, #tpu.memory_space<hbm>> -> memref<128x128xf32, #tpu.memory_space<hbm>>
        %dma_wait3A_1601 = arith.constant 0 : i32
        %dma_wait3A_1602 = arith.constant 0 : i32
        %dma_wait3A_1603 = tpu.memref_slice %arg11[%run_scoped3A, %dma_wait3A_1601, %dma_wait3A_1602] : memref<4x128x128xf32, #tpu.memory_space<vmem>> -> memref<1x128x128xf32, #tpu.memory_space<vmem>>
        %dma_wait3A_1604 = tpu.memref_squeeze %dma_wait3A_1603 : memref<1x128x128xf32, #tpu.memory_space<vmem>> -> memref<128x128xf32, #tpu.memory_space<vmem>>
        %dma_wait3A_1605 = arith.constant 0 : i32
        %dma_wait3A_1606 = tpu.memref_slice %arg6[%squeeze3A_1370, %mul3A_2, %dma_wait3A_1605] : memref<50x4096x128xf32, #tpu.memory_space<hbm>> -> memref<1x128x128xf32, #tpu.memory_space<hbm>>
        %dma_wait3A_1607 = tpu.memref_squeeze %dma_wait3A_1606 : memref<1x128x128xf32, #tpu.memory_space<hbm>> -> memref<128x128xf32, #tpu.memory_space<hbm>>
        tpu.wait_dma2 semaphore(%run_scoped3A_1579 : memref<!tpu.dma_semaphore, #tpu.memory_space<semaphore_mem>>) src(%dma_wait3A_1607 : memref<128x128xf32, #tpu.memory_space<hbm>>) dst(%dma_wait3A_1604 : memref<128x128xf32, #tpu.memory_space<vmem>>)
        tpu.yield
      }) : () -> ()
      %get3A_1371 = arith.index_cast %squeeze3A_1370 : i32 to index
      %get3A_1372 = arith.constant 0 : index
      %get3A_1373 = tpu.vector_load %arg7[%get3A_1371, %get3A_1372] {strides = array<i32>} : memref<50x128xi32, #tpu.memory_space<vmem>>, vector<1x16xi32>,
      %get3A_1374 = vector.shape_cast %get3A_1373 : vector<1x16xi32> to vector<16xi32>
      %eq3A = arith.constant 1 : i32
      %eq3A_1375 = vector.broadcast %eq3A : i32 to vector<16xi32>
      %eq3A_1376 = arith.cmpi eq, %get3A_1374, %eq3A_1375 : vector<16xi32>
      %jit3A = arith.constant 1 : i32
      %jit3A_1377 = arith.constant 0 : i32
      %broadcast_in_dim3A = vector.broadcast %jit3A : i32 to vector<16xi32>
      %broadcast_in_dim3A_1378 = vector.broadcast %jit3A_1377 : i32 to vector<16xi32>
      %select_n3A = arith.select %eq3A_1376, %broadcast_in_dim3A, %broadcast_in_dim3A_1378 : vector<16xi1>, vector<16xi32>
      %eq3A_1379 = arith.constant 2 : i32
      %eq3A_1380 = vector.broadcast %eq3A_1379 : i32 to vector<16xi32>
      %eq3A_1381 = arith.cmpi eq, %get3A_1374, %eq3A_1380 : vector<16xi32>
      %jit3A_1382 = arith.constant 2 : i32
      %jit3A_1383 = arith.constant 0 : i32
      %broadcast_in_dim3A_1384 = vector.broadcast %jit3A_1382 : i32 to vector<16xi32>
      %broadcast_in_dim3A_1385 = vector.broadcast %jit3A_1383 : i32 to vector<16xi32>
      %select_n3A_1386 = arith.select %eq3A_1381, %broadcast_in_dim3A_1384, %broadcast_in_dim3A_1385 : vector<16xi1>, vector<16xi32>
      %add3A_1387 = arith.addi %select_n3A, %select_n3A_1386 : vector<16xi32>
      %swap3A = arith.constant 0 : index
      %swap3A_1388 = tpu.vector_load %arg9[%swap3A] {strides = array<i32>} : memref<128xi32, #tpu.memory_space<vmem>>, vector<16xi32>,
      %swap3A_1389 = vector.shape_cast %swap3A_1388 : vector<16xi32> to vector<16xi32>
      %swap3A_1390 = vector.shape_cast %add3A_1387 : vector<16xi32> to vector<16xi32>
      tpu.vector_store %arg9[%swap3A], %swap3A_1390 {strides = array<i32>} : memref<128xi32, #tpu.memory_space<vmem>>, vector<16xi32>,
      %get3A_1391 = arith.index_cast %squeeze3A_1370 : i32 to index
      %get3A_1392 = arith.constant 16 : index
      %get3A_1393 = tpu.vector_load %arg7[%get3A_1391, %get3A_1392] {strides = array<i32>} : memref<50x128xi32, #tpu.memory_space<vmem>>, vector<1x16xi32>,
      %get3A_1394 = vector.shape_cast %get3A_1393 : vector<1x16xi32> to vector<16xi32>
      %eq3A_1395 = arith.constant 1 : i32
      %eq3A_1396 = vector.broadcast %eq3A_1395 : i32 to vector<16xi32>
      %eq3A_1397 = arith.cmpi eq, %get3A_1394, %eq3A_1396 : vector<16xi32>
      %jit3A_1398 = arith.constant 1 : i32
      %jit3A_1399 = arith.constant 0 : i32
      %broadcast_in_dim3A_1400 = vector.broadcast %jit3A_1398 : i32 to vector<16xi32>
      %broadcast_in_dim3A_1401 = vector.broadcast %jit3A_1399 : i32 to vector<16xi32>
      %select_n3A_1402 = arith.select %eq3A_1397, %broadcast_in_dim3A_1400, %broadcast_in_dim3A_1401 : vector<16xi1>, vector<16xi32>
      %eq3A_1403 = arith.constant 2 : i32
      %eq3A_1404 = vector.broadcast %eq3A_1403 : i32 to vector<16xi32>
      %eq3A_1405 = arith.cmpi eq, %get3A_1394, %eq3A_1404 : vector<16xi32>
      %jit3A_1406 = arith.constant 2 : i32
      %jit3A_1407 = arith.constant 0 : i32
      %broadcast_in_dim3A_1408 = vector.broadcast %jit3A_1406 : i32 to vector<16xi32>
      %broadcast_in_dim3A_1409 = vector.broadcast %jit3A_1407 : i32 to vector<16xi32>
      %select_n3A_1410 = arith.select %eq3A_1405, %broadcast_in_dim3A_1408, %broadcast_in_dim3A_1409 : vector<16xi1>, vector<16xi32>
      %add3A_1411 = arith.addi %select_n3A_1402, %select_n3A_1410 : vector<16xi32>
      %swap3A_1412 = arith.constant 16 : index
      %swap3A_1413 = tpu.vector_load %arg9[%swap3A_1412] {strides = array<i32>} : memref<128xi32, #tpu.memory_space<vmem>>, vector<16xi32>,
      %swap3A_1414 = vector.shape_cast %swap3A_1413 : vector<16xi32> to vector<16xi32>
      %swap3A_1415 = vector.shape_cast %add3A_1411 : vector<16xi32> to vector<16xi32>
      tpu.vector_store %arg9[%swap3A_1412], %swap3A_1415 {strides = array<i32>} : memref<128xi32, #tpu.memory_space<vmem>>, vector<16xi32>,
      %get3A_1416 = arith.index_cast %squeeze3A_1370 : i32 to index
      %get3A_1417 = arith.constant 32 : index
      %get3A_1418 = tpu.vector_load %arg7[%get3A_1416, %get3A_1417] {strides = array<i32>} : memref<50x128xi32, #tpu.memory_space<vmem>>, vector<1x16xi32>,
      %get3A_1419 = vector.shape_cast %get3A_1418 : vector<1x16xi32> to vector<16xi32>
      %eq3A_1420 = arith.constant 1 : i32
      %eq3A_1421 = vector.broadcast %eq3A_1420 : i32 to vector<16xi32>
      %eq3A_1422 = arith.cmpi eq, %get3A_1419, %eq3A_1421 : vector<16xi32>
      %jit3A_1423 = arith.constant 1 : i32
      %jit3A_1424 = arith.constant 0 : i32
      %broadcast_in_dim3A_1425 = vector.broadcast %jit3A_1423 : i32 to vector<16xi32>
      %broadcast_in_dim3A_1426 = vector.broadcast %jit3A_1424 : i32 to vector<16xi32>
      %select_n3A_1427 = arith.select %eq3A_1422, %broadcast_in_dim3A_1425, %broadcast_in_dim3A_1426 : vector<16xi1>, vector<16xi32>
      %eq3A_1428 = arith.constant 2 : i32
      %eq3A_1429 = vector.broadcast %eq3A_1428 : i32 to vector<16xi32>
      %eq3A_1430 = arith.cmpi eq, %get3A_1419, %eq3A_1429 : vector<16xi32>
      %jit3A_1431 = arith.constant 2 : i32
      %jit3A_1432 = arith.constant 0 : i32
      %broadcast_in_dim3A_1433 = vector.broadcast %jit3A_1431 : i32 to vector<16xi32>
      %broadcast_in_dim3A_1434 = vector.broadcast %jit3A_1432 : i32 to vector<16xi32>
      %select_n3A_1435 = arith.select %eq3A_1430, %broadcast_in_dim3A_1433, %broadcast_in_dim3A_1434 : vector<16xi1>, vector<16xi32>
      %add3A_1436 = arith.addi %select_n3A_1427, %select_n3A_1435 : vector<16xi32>
      %swap3A_1437 = arith.constant 32 : index
      %swap3A_1438 = tpu.vector_load %arg9[%swap3A_1437] {strides = array<i32>} : memref<128xi32, #tpu.memory_space<vmem>>, vector<16xi32>,
      %swap3A_1439 = vector.shape_cast %swap3A_1438 : vector<16xi32> to vector<16xi32>
      %swap3A_1440 = vector.shape_cast %add3A_1436 : vector<16xi32> to vector<16xi32>
      tpu.vector_store %arg9[%swap3A_1437], %swap3A_1440 {strides = array<i32>} : memref<128xi32, #tpu.memory_space<vmem>>, vector<16xi32>,
      %get3A_1441 = arith.index_cast %squeeze3A_1370 : i32 to index
      %get3A_1442 = arith.constant 48 : index
      %get3A_1443 = tpu.vector_load %arg7[%get3A_1441, %get3A_1442] {strides = array<i32>} : memref<50x128xi32, #tpu.memory_space<vmem>>, vector<1x16xi32>,
      %get3A_1444 = vector.shape_cast %get3A_1443 : vector<1x16xi32> to vector<16xi32>
      %eq3A_1445 = arith.constant 1 : i32
      %eq3A_1446 = vector.broadcast %eq3A_1445 : i32 to vector<16xi32>
      %eq3A_1447 = arith.cmpi eq, %get3A_1444, %eq3A_1446 : vector<16xi32>
      %jit3A_1448 = arith.constant 1 : i32
      %jit3A_1449 = arith.constant 0 : i32
      %broadcast_in_dim3A_1450 = vector.broadcast %jit3A_1448 : i32 to vector<16xi32>
      %broadcast_in_dim3A_1451 = vector.broadcast %jit3A_1449 : i32 to vector<16xi32>
      %select_n3A_1452 = arith.select %eq3A_1447, %broadcast_in_dim3A_1450, %broadcast_in_dim3A_1451 : vector<16xi1>, vector<16xi32>
      %eq3A_1453 = arith.constant 2 : i32
      %eq3A_1454 = vector.broadcast %eq3A_1453 : i32 to vector<16xi32>
      %eq3A_1455 = arith.cmpi eq, %get3A_1444, %eq3A_1454 : vector<16xi32>
      %jit3A_1456 = arith.constant 2 : i32
      %jit3A_1457 = arith.constant 0 : i32
      %broadcast_in_dim3A_1458 = vector.broadcast %jit3A_1456 : i32 to vector<16xi32>
      %broadcast_in_dim3A_1459 = vector.broadcast %jit3A_1457 : i32 to vector<16xi32>
      %select_n3A_1460 = arith.select %eq3A_1455, %broadcast_in_dim3A_1458, %broadcast_in_dim3A_1459 : vector<16xi1>, vector<16xi32>
      %add3A_1461 = arith.addi %select_n3A_1452, %select_n3A_1460 : vector<16xi32>
      %swap3A_1462 = arith.constant 48 : index
      %swap3A_1463 = tpu.vector_load %arg9[%swap3A_1462] {strides = array<i32>} : memref<128xi32, #tpu.memory_space<vmem>>, vector<16xi32>,
      %swap3A_1464 = vector.shape_cast %swap3A_1463 : vector<16xi32> to vector<16xi32>
      %swap3A_1465 = vector.shape_cast %add3A_1461 : vector<16xi32> to vector<16xi32>
      tpu.vector_store %arg9[%swap3A_1462], %swap3A_1465 {strides = array<i32>} : memref<128xi32, #tpu.memory_space<vmem>>, vector<16xi32>,
      %get3A_1466 = arith.index_cast %squeeze3A_1370 : i32 to index
      %get3A_1467 = arith.constant 64 : index
      %get3A_1468 = tpu.vector_load %arg7[%get3A_1466, %get3A_1467] {strides = array<i32>} : memref<50x128xi32, #tpu.memory_space<vmem>>, vector<1x16xi32>,
      %get3A_1469 = vector.shape_cast %get3A_1468 : vector<1x16xi32> to vector<16xi32>
      %eq3A_1470 = arith.constant 1 : i32
      %eq3A_1471 = vector.broadcast %eq3A_1470 : i32 to vector<16xi32>
      %eq3A_1472 = arith.cmpi eq, %get3A_1469, %eq3A_1471 : vector<16xi32>
      %jit3A_1473 = arith.constant 1 : i32
      %jit3A_1474 = arith.constant 0 : i32
      %broadcast_in_dim3A_1475 = vector.broadcast %jit3A_1473 : i32 to vector<16xi32>
      %broadcast_in_dim3A_1476 = vector.broadcast %jit3A_1474 : i32 to vector<16xi32>
      %select_n3A_1477 = arith.select %eq3A_1472, %broadcast_in_dim3A_1475, %broadcast_in_dim3A_1476 : vector<16xi1>, vector<16xi32>
      %eq3A_1478 = arith.constant 2 : i32
      %eq3A_1479 = vector.broadcast %eq3A_1478 : i32 to vector<16xi32>
      %eq3A_1480 = arith.cmpi eq, %get3A_1469, %eq3A_1479 : vector<16xi32>
      %jit3A_1481 = arith.constant 2 : i32
      %jit3A_1482 = arith.constant 0 : i32
      %broadcast_in_dim3A_1483 = vector.broadcast %jit3A_1481 : i32 to vector<16xi32>
      %broadcast_in_dim3A_1484 = vector.broadcast %jit3A_1482 : i32 to vector<16xi32>
      %select_n3A_1485 = arith.select %eq3A_1480, %broadcast_in_dim3A_1483, %broadcast_in_dim3A_1484 : vector<16xi1>, vector<16xi32>
      %add3A_1486 = arith.addi %select_n3A_1477, %select_n3A_1485 : vector<16xi32>
      %swap3A_1487 = arith.constant 64 : index
      %swap3A_1488 = tpu.vector_load %arg9[%swap3A_1487] {strides = array<i32>} : memref<128xi32, #tpu.memory_space<vmem>>, vector<16xi32>,
      %swap3A_1489 = vector.shape_cast %swap3A_1488 : vector<16xi32> to vector<16xi32>
      %swap3A_1490 = vector.shape_cast %add3A_1486 : vector<16xi32> to vector<16xi32>
      tpu.vector_store %arg9[%swap3A_1487], %swap3A_1490 {strides = array<i32>} : memref<128xi32, #tpu.memory_space<vmem>>, vector<16xi32>,
      %get3A_1491 = arith.index_cast %squeeze3A_1370 : i32 to index
      %get3A_1492 = arith.constant 80 : index
      %get3A_1493 = tpu.vector_load %arg7[%get3A_1491, %get3A_1492] {strides = array<i32>} : memref<50x128xi32, #tpu.memory_space<vmem>>, vector<1x16xi32>,
      %get3A_1494 = vector.shape_cast %get3A_1493 : vector<1x16xi32> to vector<16xi32>
      %eq3A_1495 = arith.constant 1 : i32
      %eq3A_1496 = vector.broadcast %eq3A_1495 : i32 to vector<16xi32>
      %eq3A_1497 = arith.cmpi eq, %get3A_1494, %eq3A_1496 : vector<16xi32>
      %jit3A_1498 = arith.constant 1 : i32
      %jit3A_1499 = arith.constant 0 : i32
      %broadcast_in_dim3A_1500 = vector.broadcast %jit3A_1498 : i32 to vector<16xi32>
      %broadcast_in_dim3A_1501 = vector.broadcast %jit3A_1499 : i32 to vector<16xi32>
      %select_n3A_1502 = arith.select %eq3A_1497, %broadcast_in_dim3A_1500, %broadcast_in_dim3A_1501 : vector<16xi1>, vector<16xi32>
      %eq3A_1503 = arith.constant 2 : i32
      %eq3A_1504 = vector.broadcast %eq3A_1503 : i32 to vector<16xi32>
      %eq3A_1505 = arith.cmpi eq, %get3A_1494, %eq3A_1504 : vector<16xi32>
      %jit3A_1506 = arith.constant 2 : i32
      %jit3A_1507 = arith.constant 0 : i32
      %broadcast_in_dim3A_1508 = vector.broadcast %jit3A_1506 : i32 to vector<16xi32>
      %broadcast_in_dim3A_1509 = vector.broadcast %jit3A_1507 : i32 to vector<16xi32>
      %select_n3A_1510 = arith.select %eq3A_1505, %broadcast_in_dim3A_1508, %broadcast_in_dim3A_1509 : vector<16xi1>, vector<16xi32>
      %add3A_1511 = arith.addi %select_n3A_1502, %select_n3A_1510 : vector<16xi32>
      %swap3A_1512 = arith.constant 80 : index
      %swap3A_1513 = tpu.vector_load %arg9[%swap3A_1512] {strides = array<i32>} : memref<128xi32, #tpu.memory_space<vmem>>, vector<16xi32>,
      %swap3A_1514 = vector.shape_cast %swap3A_1513 : vector<16xi32> to vector<16xi32>
      %swap3A_1515 = vector.shape_cast %add3A_1511 : vector<16xi32> to vector<16xi32>
      tpu.vector_store %arg9[%swap3A_1512], %swap3A_1515 {strides = array<i32>} : memref<128xi32, #tpu.memory_space<vmem>>, vector<16xi32>,
      %get3A_1516 = arith.index_cast %squeeze3A_1370 : i32 to index
      %get3A_1517 = arith.constant 96 : index
      %get3A_1518 = tpu.vector_load %arg7[%get3A_1516, %get3A_1517] {strides = array<i32>} : memref<50x128xi32, #tpu.memory_space<vmem>>, vector<1x16xi32>,
      %get3A_1519 = vector.shape_cast %get3A_1518 : vector<1x16xi32> to vector<16xi32>
      %eq3A_1520 = arith.constant 1 : i32
      %eq3A_1521 = vector.broadcast %eq3A_1520 : i32 to vector<16xi32>
      %eq3A_1522 = arith.cmpi eq, %get3A_1519, %eq3A_1521 : vector<16xi32>
      %jit3A_1523 = arith.constant 1 : i32
      %jit3A_1524 = arith.constant 0 : i32
      %broadcast_in_dim3A_1525 = vector.broadcast %jit3A_1523 : i32 to vector<16xi32>
      %broadcast_in_dim3A_1526 = vector.broadcast %jit3A_1524 : i32 to vector<16xi32>
      %select_n3A_1527 = arith.select %eq3A_1522, %broadcast_in_dim3A_1525, %broadcast_in_dim3A_1526 : vector<16xi1>, vector<16xi32>
      %eq3A_1528 = arith.constant 2 : i32
      %eq3A_1529 = vector.broadcast %eq3A_1528 : i32 to vector<16xi32>
      %eq3A_1530 = arith.cmpi eq, %get3A_1519, %eq3A_1529 : vector<16xi32>
      %jit3A_1531 = arith.constant 2 : i32
      %jit3A_1532 = arith.constant 0 : i32
      %broadcast_in_dim3A_1533 = vector.broadcast %jit3A_1531 : i32 to vector<16xi32>
      %broadcast_in_dim3A_1534 = vector.broadcast %jit3A_1532 : i32 to vector<16xi32>
      %select_n3A_1535 = arith.select %eq3A_1530, %broadcast_in_dim3A_1533, %broadcast_in_dim3A_1534 : vector<16xi1>, vector<16xi32>
      %add3A_1536 = arith.addi %select_n3A_1527, %select_n3A_1535 : vector<16xi32>
      %swap3A_1537 = arith.constant 96 : index
      %swap3A_1538 = tpu.vector_load %arg9[%swap3A_1537] {strides = array<i32>} : memref<128xi32, #tpu.memory_space<vmem>>, vector<16xi32>,
      %swap3A_1539 = vector.shape_cast %swap3A_1538 : vector<16xi32> to vector<16xi32>
      %swap3A_1540 = vector.shape_cast %add3A_1536 : vector<16xi32> to vector<16xi32>
      tpu.vector_store %arg9[%swap3A_1537], %swap3A_1540 {strides = array<i32>} : memref<128xi32, #tpu.memory_space<vmem>>, vector<16xi32>,
      %get3A_1541 = arith.index_cast %squeeze3A_1370 : i32 to index
      %get3A_1542 = arith.constant 112 : index
      %get3A_1543 = tpu.vector_load %arg7[%get3A_1541, %get3A_1542] {strides = array<i32>} : memref<50x128xi32, #tpu.memory_space<vmem>>, vector<1x16xi32>,
      %get3A_1544 = vector.shape_cast %get3A_1543 : vector<1x16xi32> to vector<16xi32>
      %eq3A_1545 = arith.constant 1 : i32
      %eq3A_1546 = vector.broadcast %eq3A_1545 : i32 to vector<16xi32>
      %eq3A_1547 = arith.cmpi eq, %get3A_1544, %eq3A_1546 : vector<16xi32>
      %jit3A_1548 = arith.constant 1 : i32
      %jit3A_1549 = arith.constant 0 : i32
      %broadcast_in_dim3A_1550 = vector.broadcast %jit3A_1548 : i32 to vector<16xi32>
      %broadcast_in_dim3A_1551 = vector.broadcast %jit3A_1549 : i32 to vector<16xi32>
      %select_n3A_1552 = arith.select %eq3A_1547, %broadcast_in_dim3A_1550, %broadcast_in_dim3A_1551 : vector<16xi1>, vector<16xi32>
      %eq3A_1553 = arith.constant 2 : i32
      %eq3A_1554 = vector.broadcast %eq3A_1553 : i32 to vector<16xi32>
      %eq3A_1555 = arith.cmpi eq, %get3A_1544, %eq3A_1554 : vector<16xi32>
      %jit3A_1556 = arith.constant 2 : i32
      %jit3A_1557 = arith.constant 0 : i32
      %broadcast_in_dim3A_1558 = vector.broadcast %jit3A_1556 : i32 to vector<16xi32>
      %broadcast_in_dim3A_1559 = vector.broadcast %jit3A_1557 : i32 to vector<16xi32>
      %select_n3A_1560 = arith.select %eq3A_1555, %broadcast_in_dim3A_1558, %broadcast_in_dim3A_1559 : vector<16xi1>, vector<16xi32>
      %add3A_1561 = arith.addi %select_n3A_1552, %select_n3A_1560 : vector<16xi32>
      %swap3A_1562 = arith.constant 112 : index
      %swap3A_1563 = tpu.vector_load %arg9[%swap3A_1562] {strides = array<i32>} : memref<128xi32, #tpu.memory_space<vmem>>, vector<16xi32>,
      %swap3A_1564 = vector.shape_cast %swap3A_1563 : vector<16xi32> to vector<16xi32>
      %swap3A_1565 = vector.shape_cast %add3A_1561 : vector<16xi32> to vector<16xi32>
      tpu.vector_store %arg9[%swap3A_1562], %swap3A_1565 {strides = array<i32>} : memref<128xi32, #tpu.memory_space<vmem>>, vector<16xi32>,
      %dma_start3A_1566 = arith.constant 0 : i32
      %dma_start3A_1567 = arith.constant 0 : i32
      %dma_start3A_1568 = tpu.memref_slice %arg4[%dma_start3A_1566, %dma_start3A_1567] : memref<3x128xf32, #tpu.memory_space<hbm>> -> memref<3x128xf32, #tpu.memory_space<hbm>>
      tpu.enqueue_indirect_dma source(%dma_start3A_1568 : memref<3x128xf32, #tpu.memory_space<hbm>>) target(%arg10 : memref<128x128xf32, #tpu.memory_space<vmem>>) offsets(%arg9 : memref<128xi32, #tpu.memory_space<vmem>>) semaphore(%arg13 : memref<!tpu.dma_semaphore, #tpu.memory_space<semaphore_mem>>)
      %dma_wait3A_1569 = arith.constant 0 : i32
      %dma_wait3A_1570 = arith.constant 0 : i32
      %dma_wait3A_1571 = tpu.memref_slice %arg4[%dma_wait3A_1569, %dma_wait3A_1570] : memref<3x128xf32, #tpu.memory_space<hbm>> -> memref<3x128xf32, #tpu.memory_space<hbm>>
      tpu.wait_indirect_dma semaphore(%arg13 : memref<!tpu.dma_semaphore, #tpu.memory_space<semaphore_mem>>) src(%dma_wait3A_1571 : memref<3x128xf32, #tpu.memory_space<hbm>>) dst(%arg10 : memref<128x128xf32, #tpu.memory_space<vmem>>)
      %scan3A_1572 = arith.constant 0 : i32
      %scan3A_1573 = arith.constant 0 : i32
      %scan3A_1574 = arith.constant 128 : i32
      %scan3A_1575 = arith.addi %scan3A_1573, %scan3A_1574 : i32
      %scan3A_1576 = arith.constant 1 : i32
      scf.for %scan3A_1579 = %scan3A_1573 to %scan3A_1575 step %scan3A_1576  : i32 {
        %get3A_1580 = arith.constant 0 : i32
        %get3A_1581 = arith.index_cast %get3A_1580 : i32 to index
        %get3A_1582 = arith.index_cast %scan3A_1579 : i32 to index
        %get3A_1583 = arith.constant 0 : index
        %get3A_1584 = tpu.vector_load %arg11[%get3A_1581, %get3A_1582, %get3A_1583] {strides = array<i32>} : memref<4x128x128xf32, #tpu.memory_space<vmem>>, vector<1x1x16xf32>,
        %get3A_1585 = vector.shape_cast %get3A_1584 : vector<1x1x16xf32> to vector<16xf32>
        %get3A_1586 = arith.index_cast %scan3A_1579 : i32 to index
        %get3A_1587 = arith.constant 0 : index
        %get3A_1588 = tpu.vector_load %arg10[%get3A_1586, %get3A_1587] {strides = array<i32>} : memref<128x128xf32, #tpu.memory_space<vmem>>, vector<1x16xf32>,
        %get3A_1589 = vector.shape_cast %get3A_1588 : vector<1x16xf32> to vector<16xf32>
        %add3A_1590 = arith.addf %get3A_1585, %get3A_1589 : vector<16xf32>
        %swap3A_1591 = arith.constant 0 : i32
        %swap3A_1592 = arith.index_cast %swap3A_1591 : i32 to index
        %swap3A_1593 = arith.index_cast %scan3A_1579 : i32 to index
        %swap3A_1594 = arith.constant 0 : index
        %swap3A_1595 = tpu.vector_load %arg11[%swap3A_1592, %swap3A_1593, %swap3A_1594] {strides = array<i32>} : memref<4x128x128xf32, #tpu.memory_space<vmem>>, vector<1x1x16xf32>,
        %swap3A_1596 = vector.shape_cast %swap3A_1595 : vector<1x1x16xf32> to vector<16xf32>
        %swap3A_1597 = vector.shape_cast %add3A_1590 : vector<16xf32> to vector<1x1x16xf32>
        tpu.vector_store %arg11[%swap3A_1592, %swap3A_1593, %swap3A_1594], %swap3A_1597 {strides = array<i32>} : memref<4x128x128xf32, #tpu.memory_space<vmem>>, vector<1x1x16xf32>,
        %get3A_1598 = arith.constant 0 : i32
        %get3A_1599 = arith.index_cast %get3A_1598 : i32 to index
        %get3A_1600 = arith.index_cast %scan3A_1579 : i32 to index
        %get3A_1601 = arith.constant 16 : index
        %get3A_1602 = tpu.vector_load %arg11[%get3A_1599, %get3A_1600, %get3A_1601] {strides = array<i32>} : memref<4x128x128xf32, #tpu.memory_space<vmem>>, vector<1x1x16xf32>,
        %get3A_1603 = vector.shape_cast %get3A_1602 : vector<1x1x16xf32> to vector<16xf32>
        %get3A_1604 = arith.index_cast %scan3A_1579 : i32 to index
        %get3A_1605 = arith.constant 16 : index
        %get3A_1606 = tpu.vector_load %arg10[%get3A_1604, %get3A_1605] {strides = array<i32>} : memref<128x128xf32, #tpu.memory_space<vmem>>, vector<1x16xf32>,
        %get3A_1607 = vector.shape_cast %get3A_1606 : vector<1x16xf32> to vector<16xf32>
        %add3A_1608 = arith.addf %get3A_1603, %get3A_1607 : vector<16xf32>
        %swap3A_1609 = arith.constant 0 : i32
        %swap3A_1610 = arith.index_cast %swap3A_1609 : i32 to index
        %swap3A_1611 = arith.index_cast %scan3A_1579 : i32 to index
        %swap3A_1612 = arith.constant 16 : index
        %swap3A_1613 = tpu.vector_load %arg11[%swap3A_1610, %swap3A_1611, %swap3A_1612] {strides = array<i32>} : memref<4x128x128xf32, #tpu.memory_space<vmem>>, vector<1x1x16xf32>,
        %swap3A_1614 = vector.shape_cast %swap3A_1613 : vector<1x1x16xf32> to vector<16xf32>
        %swap3A_1615 = vector.shape_cast %add3A_1608 : vector<16xf32> to vector<1x1x16xf32>
        tpu.vector_store %arg11[%swap3A_1610, %swap3A_1611, %swap3A_1612], %swap3A_1615 {strides = array<i32>} : memref<4x128x128xf32, #tpu.memory_space<vmem>>, vector<1x1x16xf32>,
        %get3A_1616 = arith.constant 0 : i32
        %get3A_1617 = arith.index_cast %get3A_1616 : i32 to index
        %get3A_1618 = arith.index_cast %scan3A_1579 : i32 to index
        %get3A_1619 = arith.constant 32 : index
        %get3A_1620 = tpu.vector_load %arg11[%get3A_1617, %get3A_1618, %get3A_1619] {strides = array<i32>} : memref<4x128x128xf32, #tpu.memory_space<vmem>>, vector<1x1x16xf32>,
        %get3A_1621 = vector.shape_cast %get3A_1620 : vector<1x1x16xf32> to vector<16xf32>
        %get3A_1622 = arith.index_cast %scan3A_1579 : i32 to index
        %get3A_1623 = arith.constant 32 : index
        %get3A_1624 = tpu.vector_load %arg10[%get3A_1622, %get3A_1623] {strides = array<i32>} : memref<128x128xf32, #tpu.memory_space<vmem>>, vector<1x16xf32>,
        %get3A_1625 = vector.shape_cast %get3A_1624 : vector<1x16xf32> to vector<16xf32>
        %add3A_1626 = arith.addf %get3A_1621, %get3A_1625 : vector<16xf32>
        %swap3A_1627 = arith.constant 0 : i32
        %swap3A_1628 = arith.index_cast %swap3A_1627 : i32 to index
        %swap3A_1629 = arith.index_cast %scan3A_1579 : i32 to index
        %swap3A_1630 = arith.constant 32 : index
        %swap3A_1631 = tpu.vector_load %arg11[%swap3A_1628, %swap3A_1629, %swap3A_1630] {strides = array<i32>} : memref<4x128x128xf32, #tpu.memory_space<vmem>>, vector<1x1x16xf32>,
        %swap3A_1632 = vector.shape_cast %swap3A_1631 : vector<1x1x16xf32> to vector<16xf32>
        %swap3A_1633 = vector.shape_cast %add3A_1626 : vector<16xf32> to vector<1x1x16xf32>
        tpu.vector_store %arg11[%swap3A_1628, %swap3A_1629, %swap3A_1630], %swap3A_1633 {strides = array<i32>} : memref<4x128x128xf32, #tpu.memory_space<vmem>>, vector<1x1x16xf32>,
        %get3A_1634 = arith.constant 0 : i32
        %get3A_1635 = arith.index_cast %get3A_1634 : i32 to index
        %get3A_1636 = arith.index_cast %scan3A_1579 : i32 to index
        %get3A_1637 = arith.constant 48 : index
        %get3A_1638 = tpu.vector_load %arg11[%get3A_1635, %get3A_1636, %get3A_1637] {strides = array<i32>} : memref<4x128x128xf32, #tpu.memory_space<vmem>>, vector<1x1x16xf32>,
        %get3A_1639 = vector.shape_cast %get3A_1638 : vector<1x1x16xf32> to vector<16xf32>
        %get3A_1640 = arith.index_cast %scan3A_1579 : i32 to index
        %get3A_1641 = arith.constant 48 : index
        %get3A_1642 = tpu.vector_load %arg10[%get3A_1640, %get3A_1641] {strides = array<i32>} : memref<128x128xf32, #tpu.memory_space<vmem>>, vector<1x16xf32>,
        %get3A_1643 = vector.shape_cast %get3A_1642 : vector<1x16xf32> to vector<16xf32>
        %add3A_1644 = arith.addf %get3A_1639, %get3A_1643 : vector<16xf32>
        %swap3A_1645 = arith.constant 0 : i32
        %swap3A_1646 = arith.index_cast %swap3A_1645 : i32 to index
        %swap3A_1647 = arith.index_cast %scan3A_1579 : i32 to index
        %swap3A_1648 = arith.constant 48 : index
        %swap3A_1649 = tpu.vector_load %arg11[%swap3A_1646, %swap3A_1647, %swap3A_1648] {strides = array<i32>} : memref<4x128x128xf32, #tpu.memory_space<vmem>>, vector<1x1x16xf32>,
        %swap3A_1650 = vector.shape_cast %swap3A_1649 : vector<1x1x16xf32> to vector<16xf32>
        %swap3A_1651 = vector.shape_cast %add3A_1644 : vector<16xf32> to vector<1x1x16xf32>
        tpu.vector_store %arg11[%swap3A_1646, %swap3A_1647, %swap3A_1648], %swap3A_1651 {strides = array<i32>} : memref<4x128x128xf32, #tpu.memory_space<vmem>>, vector<1x1x16xf32>,
        %get3A_1652 = arith.constant 0 : i32
        %get3A_1653 = arith.index_cast %get3A_1652 : i32 to index
        %get3A_1654 = arith.index_cast %scan3A_1579 : i32 to index
        %get3A_1655 = arith.constant 64 : index
        %get3A_1656 = tpu.vector_load %arg11[%get3A_1653, %get3A_1654, %get3A_1655] {strides = array<i32>} : memref<4x128x128xf32, #tpu.memory_space<vmem>>, vector<1x1x16xf32>,
        %get3A_1657 = vector.shape_cast %get3A_1656 : vector<1x1x16xf32> to vector<16xf32>
        %get3A_1658 = arith.index_cast %scan3A_1579 : i32 to index
        %get3A_1659 = arith.constant 64 : index
        %get3A_1660 = tpu.vector_load %arg10[%get3A_1658, %get3A_1659] {strides = array<i32>} : memref<128x128xf32, #tpu.memory_space<vmem>>, vector<1x16xf32>,
        %get3A_1661 = vector.shape_cast %get3A_1660 : vector<1x16xf32> to vector<16xf32>
        %add3A_1662 = arith.addf %get3A_1657, %get3A_1661 : vector<16xf32>
        %swap3A_1663 = arith.constant 0 : i32
        %swap3A_1664 = arith.index_cast %swap3A_1663 : i32 to index
        %swap3A_1665 = arith.index_cast %scan3A_1579 : i32 to index
        %swap3A_1666 = arith.constant 64 : index
        %swap3A_1667 = tpu.vector_load %arg11[%swap3A_1664, %swap3A_1665, %swap3A_1666] {strides = array<i32>} : memref<4x128x128xf32, #tpu.memory_space<vmem>>, vector<1x1x16xf32>,
        %swap3A_1668 = vector.shape_cast %swap3A_1667 : vector<1x1x16xf32> to vector<16xf32>
        %swap3A_1669 = vector.shape_cast %add3A_1662 : vector<16xf32> to vector<1x1x16xf32>
        tpu.vector_store %arg11[%swap3A_1664, %swap3A_1665, %swap3A_1666], %swap3A_1669 {strides = array<i32>} : memref<4x128x128xf32, #tpu.memory_space<vmem>>, vector<1x1x16xf32>,
        %get3A_1670 = arith.constant 0 : i32
        %get3A_1671 = arith.index_cast %get3A_1670 : i32 to index
        %get3A_1672 = arith.index_cast %scan3A_1579 : i32 to index
        %get3A_1673 = arith.constant 80 : index
        %get3A_1674 = tpu.vector_load %arg11[%get3A_1671, %get3A_1672, %get3A_1673] {strides = array<i32>} : memref<4x128x128xf32, #tpu.memory_space<vmem>>, vector<1x1x16xf32>,
        %get3A_1675 = vector.shape_cast %get3A_1674 : vector<1x1x16xf32> to vector<16xf32>
        %get3A_1676 = arith.index_cast %scan3A_1579 : i32 to index
        %get3A_1677 = arith.constant 80 : index
        %get3A_1678 = tpu.vector_load %arg10[%get3A_1676, %get3A_1677] {strides = array<i32>} : memref<128x128xf32, #tpu.memory_space<vmem>>, vector<1x16xf32>,
        %get3A_1679 = vector.shape_cast %get3A_1678 : vector<1x16xf32> to vector<16xf32>
        %add3A_1680 = arith.addf %get3A_1675, %get3A_1679 : vector<16xf32>
        %swap3A_1681 = arith.constant 0 : i32
        %swap3A_1682 = arith.index_cast %swap3A_1681 : i32 to index
        %swap3A_1683 = arith.index_cast %scan3A_1579 : i32 to index
        %swap3A_1684 = arith.constant 80 : index
        %swap3A_1685 = tpu.vector_load %arg11[%swap3A_1682, %swap3A_1683, %swap3A_1684] {strides = array<i32>} : memref<4x128x128xf32, #tpu.memory_space<vmem>>, vector<1x1x16xf32>,
        %swap3A_1686 = vector.shape_cast %swap3A_1685 : vector<1x1x16xf32> to vector<16xf32>
        %swap3A_1687 = vector.shape_cast %add3A_1680 : vector<16xf32> to vector<1x1x16xf32>
        tpu.vector_store %arg11[%swap3A_1682, %swap3A_1683, %swap3A_1684], %swap3A_1687 {strides = array<i32>} : memref<4x128x128xf32, #tpu.memory_space<vmem>>, vector<1x1x16xf32>,
        %get3A_1688 = arith.constant 0 : i32
        %get3A_1689 = arith.index_cast %get3A_1688 : i32 to index
        %get3A_1690 = arith.index_cast %scan3A_1579 : i32 to index
        %get3A_1691 = arith.constant 96 : index
        %get3A_1692 = tpu.vector_load %arg11[%get3A_1689, %get3A_1690, %get3A_1691] {strides = array<i32>} : memref<4x128x128xf32, #tpu.memory_space<vmem>>, vector<1x1x16xf32>,
        %get3A_1693 = vector.shape_cast %get3A_1692 : vector<1x1x16xf32> to vector<16xf32>
        %get3A_1694 = arith.index_cast %scan3A_1579 : i32 to index
        %get3A_1695 = arith.constant 96 : index
        %get3A_1696 = tpu.vector_load %arg10[%get3A_1694, %get3A_1695] {strides = array<i32>} : memref<128x128xf32, #tpu.memory_space<vmem>>, vector<1x16xf32>,
        %get3A_1697 = vector.shape_cast %get3A_1696 : vector<1x16xf32> to vector<16xf32>
        %add3A_1698 = arith.addf %get3A_1693, %get3A_1697 : vector<16xf32>
        %swap3A_1699 = arith.constant 0 : i32
        %swap3A_1700 = arith.index_cast %swap3A_1699 : i32 to index
        %swap3A_1701 = arith.index_cast %scan3A_1579 : i32 to index
        %swap3A_1702 = arith.constant 96 : index
        %swap3A_1703 = tpu.vector_load %arg11[%swap3A_1700, %swap3A_1701, %swap3A_1702] {strides = array<i32>} : memref<4x128x128xf32, #tpu.memory_space<vmem>>, vector<1x1x16xf32>,
        %swap3A_1704 = vector.shape_cast %swap3A_1703 : vector<1x1x16xf32> to vector<16xf32>
        %swap3A_1705 = vector.shape_cast %add3A_1698 : vector<16xf32> to vector<1x1x16xf32>
        tpu.vector_store %arg11[%swap3A_1700, %swap3A_1701, %swap3A_1702], %swap3A_1705 {strides = array<i32>} : memref<4x128x128xf32, #tpu.memory_space<vmem>>, vector<1x1x16xf32>,
        %get3A_1706 = arith.constant 0 : i32
        %get3A_1707 = arith.index_cast %get3A_1706 : i32 to index
        %get3A_1708 = arith.index_cast %scan3A_1579 : i32 to index
        %get3A_1709 = arith.constant 112 : index
        %get3A_1710 = tpu.vector_load %arg11[%get3A_1707, %get3A_1708, %get3A_1709] {strides = array<i32>} : memref<4x128x128xf32, #tpu.memory_space<vmem>>, vector<1x1x16xf32>,
        %get3A_1711 = vector.shape_cast %get3A_1710 : vector<1x1x16xf32> to vector<16xf32>
        %get3A_1712 = arith.index_cast %scan3A_1579 : i32 to index
        %get3A_1713 = arith.constant 112 : index
        %get3A_1714 = tpu.vector_load %arg10[%get3A_1712, %get3A_1713] {strides = array<i32>} : memref<128x128xf32, #tpu.memory_space<vmem>>, vector<1x16xf32>,
        %get3A_1715 = vector.shape_cast %get3A_1714 : vector<1x16xf32> to vector<16xf32>
        %add3A_1716 = arith.addf %get3A_1711, %get3A_1715 : vector<16xf32>
        %swap3A_1717 = arith.constant 0 : i32
        %swap3A_1718 = arith.index_cast %swap3A_1717 : i32 to index
        %swap3A_1719 = arith.index_cast %scan3A_1579 : i32 to index
        %swap3A_1720 = arith.constant 112 : index
        %swap3A_1721 = tpu.vector_load %arg11[%swap3A_1718, %swap3A_1719, %swap3A_1720] {strides = array<i32>} : memref<4x128x128xf32, #tpu.memory_space<vmem>>, vector<1x1x16xf32>,
        %swap3A_1722 = vector.shape_cast %swap3A_1721 : vector<1x1x16xf32> to vector<16xf32>
        %swap3A_1723 = vector.shape_cast %add3A_1716 : vector<16xf32> to vector<1x1x16xf32>
        tpu.vector_store %arg11[%swap3A_1718, %swap3A_1719, %swap3A_1720], %swap3A_1723 {strides = array<i32>} : memref<4x128x128xf32, #tpu.memory_space<vmem>>, vector<1x1x16xf32>,
      }
      %scan3A_1577 = arith.constant 128 : i32
      %run_scoped3A_1578 = arith.constant 0 : i32
      "tpu.region"() ({
        %run_scoped3A_1579 = tpu.sem_alloc : memref<!tpu.dma_semaphore, #tpu.memory_space<semaphore_mem>>
        %dma_start3A_1580 = arith.constant 0 : i32
        %dma_start3A_1581 = arith.constant 0 : i32
        %dma_start3A_1582 = tpu.memref_slice %arg11[%run_scoped3A_1578, %dma_start3A_1580, %dma_start3A_1581] : memref<4x128x128xf32, #tpu.memory_space<vmem>> -> memref<1x128x128xf32, #tpu.memory_space<vmem>>
        %dma_start3A_1583 = tpu.memref_squeeze %dma_start3A_1582 : memref<1x128x128xf32, #tpu.memory_space<vmem>> -> memref<128x128xf32, #tpu.memory_space<vmem>>
        %dma_start3A_1584 = arith.constant 0 : i32
        %dma_start3A_1585 = tpu.memref_slice %arg6[%squeeze3A_1370, %mul3A_2, %dma_start3A_1584] : memref<50x4096x128xf32, #tpu.memory_space<hbm>> -> memref<1x128x128xf32, #tpu.memory_space<hbm>>
        %dma_start3A_1586 = tpu.memref_squeeze %dma_start3A_1585 : memref<1x128x128xf32, #tpu.memory_space<hbm>> -> memref<128x128xf32, #tpu.memory_space<hbm>>
        %dma_start3A_1587 = arith.constant 0 : i32
        %dma_start3A_1588 = tpu.memref_slice %arg6[%squeeze3A_1370, %mul3A_2, %dma_start3A_1587] : memref<50x4096x128xf32, #tpu.memory_space<hbm>> -> memref<1x128x128xf32, #tpu.memory_space<hbm>>
        %dma_start3A_1589 = tpu.memref_squeeze %dma_start3A_1588 : memref<1x128x128xf32, #tpu.memory_space<hbm>> -> memref<128x128xf32, #tpu.memory_space<hbm>>
        %dma_start3A_1590 = arith.constant 0 : i32
        %dma_start3A_1591 = arith.constant 0 : i32
        %dma_start3A_1592 = tpu.memref_slice %arg11[%run_scoped3A_1578, %dma_start3A_1590, %dma_start3A_1591] : memref<4x128x128xf32, #tpu.memory_space<vmem>> -> memref<1x128x128xf32, #tpu.memory_space<vmem>>
        %dma_start3A_1593 = tpu.memref_squeeze %dma_start3A_1592 : memref<1x128x128xf32, #tpu.memory_space<vmem>> -> memref<128x128xf32, #tpu.memory_space<vmem>>
        tpu.enqueue_dma source(%dma_start3A_1593 : memref<128x128xf32, #tpu.memory_space<vmem>>) target(%dma_start3A_1589 : memref<128x128xf32, #tpu.memory_space<hbm>>) target_semaphore(%run_scoped3A_1579 : memref<!tpu.dma_semaphore, #tpu.memory_space<semaphore_mem>>)
        %dma_wait3A_1594 = arith.constant 0 : i32
        %dma_wait3A_1595 = arith.constant 0 : i32
        %dma_wait3A_1596 = tpu.memref_slice %arg11[%run_scoped3A_1578, %dma_wait3A_1594, %dma_wait3A_1595] : memref<4x128x128xf32, #tpu.memory_space<vmem>> -> memref<1x128x128xf32, #tpu.memory_space<vmem>>
        %dma_wait3A_1597 = tpu.memref_squeeze %dma_wait3A_1596 : memref<1x128x128xf32, #tpu.memory_space<vmem>> -> memref<128x128xf32, #tpu.memory_space<vmem>>
        %dma_wait3A_1598 = arith.constant 0 : i32
        %dma_wait3A_1599 = tpu.memref_slice %arg6[%squeeze3A_1370, %mul3A_2, %dma_wait3A_1598] : memref<50x4096x128xf32, #tpu.memory_space<hbm>> -> memref<1x128x128xf32, #tpu.memory_space<hbm>>
        %dma_wait3A_1600 = tpu.memref_squeeze %dma_wait3A_1599 : memref<1x128x128xf32, #tpu.memory_space<hbm>> -> memref<128x128xf32, #tpu.memory_space<hbm>>
        %dma_wait3A_1601 = arith.constant 0 : i32
        %dma_wait3A_1602 = tpu.memref_slice %arg6[%squeeze3A_1370, %mul3A_2, %dma_wait3A_1601] : memref<50x4096x128xf32, #tpu.memory_space<hbm>> -> memref<1x128x128xf32, #tpu.memory_space<hbm>>
        %dma_wait3A_1603 = tpu.memref_squeeze %dma_wait3A_1602 : memref<1x128x128xf32, #tpu.memory_space<hbm>> -> memref<128x128xf32, #tpu.memory_space<hbm>>
        %dma_wait3A_1604 = arith.constant 0 : i32
        %dma_wait3A_1605 = arith.constant 0 : i32
        %dma_wait3A_1606 = tpu.memref_slice %arg11[%run_scoped3A_1578, %dma_wait3A_1604, %dma_wait3A_1605] : memref<4x128x128xf32, #tpu.memory_space<vmem>> -> memref<1x128x128xf32, #tpu.memory_space<vmem>>
        %dma_wait3A_1607 = tpu.memref_squeeze %dma_wait3A_1606 : memref<1x128x128xf32, #tpu.memory_space<vmem>> -> memref<128x128xf32, #tpu.memory_space<vmem>>
        tpu.wait_dma2 semaphore(%run_scoped3A_1579 : memref<!tpu.dma_semaphore, #tpu.memory_space<semaphore_mem>>) src(%dma_wait3A_1607 : memref<128x128xf32, #tpu.memory_space<vmem>>) dst(%dma_wait3A_1603 : memref<128x128xf32, #tpu.memory_space<hbm>>)
        tpu.yield
      }) : () -> ()
    }
    %while3A_1360 = arith.constant 1 : i32
    scf.for %while3A_1361 = %while3A_1358 to %while3A_1354 step %while3A_1360  : i32 {
      %mul3A_1362 = arith.constant 16 : i32
      %mul3A_1363 = arith.muli %mul3A_1362, %while3A_1361 : i32
      %add3A_1364 = arith.constant 16 : i32
      %add3A_1365 = arith.addi %add3A_1364, %mul3A_1363 : i32
      %get3A_1366 = arith.index_cast %add3A_1365 : i32 to index
      %get3A_1367 = tpu.vector_load %arg8[%get3A_1366] {strides = array<i32>} : memref<816xi32, #tpu.memory_space<vmem>>, vector<16xi32>,
      %get3A_1368 = vector.shape_cast %get3A_1367 : vector<16xi32> to vector<16xi32>
      %slice3A_1369 = vector.extract_strided_slice %get3A_1368 {offsets = [0], sizes = [1], strides = [1]} : vector<16xi32> to vector<1xi32>
      %squeeze3A_1370 = vector.extract %slice3A_1369[0] : i32 from vector<1xi32>
      %run_scoped3A = arith.constant 0 : i32
      "tpu.region"() ({
        %run_scoped3A_1579 = tpu.sem_alloc : memref<!tpu.dma_semaphore, #tpu.memory_space<semaphore_mem>>
        %dma_start3A_1580 = arith.constant 0 : i32
        %dma_start3A_1581 = arith.constant 0 : i32
        %dma_start3A_1582 = tpu.memref_slice %arg11[%run_scoped3A, %dma_start3A_1580, %dma_start3A_1581] : memref<4x128x128xf32, #tpu.memory_space<vmem>> -> memref<1x128x128xf32, #tpu.memory_space<vmem>>
        %dma_start3A_1583 = tpu.memref_squeeze %dma_start3A_1582 : memref<1x128x128xf32, #tpu.memory_space<vmem>> -> memref<128x128xf32, #tpu.memory_space<vmem>>
        %dma_start3A_1584 = arith.constant 0 : i32
        %dma_start3A_1585 = tpu.memref_slice %arg6[%squeeze3A_1370, %mul3A_2, %dma_start3A_1584] : memref<50x4096x128xf32, #tpu.memory_space<hbm>> -> memref<1x128x128xf32, #tpu.memory_space<hbm>>
        %dma_start3A_1586 = tpu.memref_squeeze %dma_start3A_1585 : memref<1x128x128xf32, #tpu.memory_space<hbm>> -> memref<128x128xf32, #tpu.memory_space<hbm>>
        %dma_start3A_1587 = arith.constant 0 : i32
        %dma_start3A_1588 = arith.constant 0 : i32
        %dma_start3A_1589 = tpu.memref_slice %arg11[%run_scoped3A, %dma_start3A_1587, %dma_start3A_1588] : memref<4x128x128xf32, #tpu.memory_space<vmem>> -> memref<1x128x128xf32, #tpu.memory_space<vmem>>
        %dma_start3A_1590 = tpu.memref_squeeze %dma_start3A_1589 : memref<1x128x128xf32, #tpu.memory_space<vmem>> -> memref<128x128xf32, #tpu.memory_space<vmem>>
        %dma_start3A_1591 = arith.constant 0 : i32
        %dma_start3A_1592 = tpu.memref_slice %arg6[%squeeze3A_1370, %mul3A_2, %dma_start3A_1591] : memref<50x4096x128xf32, #tpu.memory_space<hbm>> -> memref<1x128x128xf32, #tpu.memory_space<hbm>>
        %dma_start3A_1593 = tpu.memref_squeeze %dma_start3A_1592 : memref<1x128x128xf32, #tpu.memory_space<hbm>> -> memref<128x128xf32, #tpu.memory_space<hbm>>
        tpu.enqueue_dma source(%dma_start3A_1593 : memref<128x128xf32, #tpu.memory_space<hbm>>) target(%dma_start3A_1590 : memref<128x128xf32, #tpu.memory_space<vmem>>) target_semaphore(%run_scoped3A_1579 : memref<!tpu.dma_semaphore, #tpu.memory_space<semaphore_mem>>)
        %dma_wait3A_1594 = arith.constant 0 : i32
        %dma_wait3A_1595 = arith.constant 0 : i32
        %dma_wait3A_1596 = tpu.memref_slice %arg11[%run_scoped3A, %dma_wait3A_1594, %dma_wait3A_1595] : memref<4x128x128xf32, #tpu.memory_space<vmem>> -> memref<1x128x128xf32, #tpu.memory_space<vmem>>
        %dma_wait3A_1597 = tpu.memref_squeeze %dma_wait3A_1596 : memref<1x128x128xf32, #tpu.memory_space<vmem>> -> memref<128x128xf32, #tpu.memory_space<vmem>>
        %dma_wait3A_1598 = arith.constant 0 : i32
        %dma_wait3A_1599 = tpu.memref_slice %arg6[%squeeze3A_1370, %mul3A_2, %dma_wait3A_1598] : memref<50x4096x128xf32, #tpu.memory_space<hbm>> -> memref<1x128x128xf32, #tpu.memory_space<hbm>>
        %dma_wait3A_1600 = tpu.memref_squeeze %dma_wait3A_1599 : memref<1x128x128xf32, #tpu.memory_space<hbm>> -> memref<128x128xf32, #tpu.memory_space<hbm>>
        %dma_wait3A_1601 = arith.constant 0 : i32
        %dma_wait3A_1602 = arith.constant 0 : i32
        %dma_wait3A_1603 = tpu.memref_slice %arg11[%run_scoped3A, %dma_wait3A_1601, %dma_wait3A_1602] : memref<4x128x128xf32, #tpu.memory_space<vmem>> -> memref<1x128x128xf32, #tpu.memory_space<vmem>>
        %dma_wait3A_1604 = tpu.memref_squeeze %dma_wait3A_1603 : memref<1x128x128xf32, #tpu.memory_space<vmem>> -> memref<128x128xf32, #tpu.memory_space<vmem>>
        %dma_wait3A_1605 = arith.constant 0 : i32
        %dma_wait3A_1606 = tpu.memref_slice %arg6[%squeeze3A_1370, %mul3A_2, %dma_wait3A_1605] : memref<50x4096x128xf32, #tpu.memory_space<hbm>> -> memref<1x128x128xf32, #tpu.memory_space<hbm>>
        %dma_wait3A_1607 = tpu.memref_squeeze %dma_wait3A_1606 : memref<1x128x128xf32, #tpu.memory_space<hbm>> -> memref<128x128xf32, #tpu.memory_space<hbm>>
        tpu.wait_dma2 semaphore(%run_scoped3A_1579 : memref<!tpu.dma_semaphore, #tpu.memory_space<semaphore_mem>>) src(%dma_wait3A_1607 : memref<128x128xf32, #tpu.memory_space<hbm>>) dst(%dma_wait3A_1604 : memref<128x128xf32, #tpu.memory_space<vmem>>)
        tpu.yield
      }) : () -> ()
      %get3A_1371 = arith.index_cast %squeeze3A_1370 : i32 to index
      %get3A_1372 = arith.constant 0 : index
      %get3A_1373 = tpu.vector_load %arg7[%get3A_1371, %get3A_1372] {strides = array<i32>} : memref<50x128xi32, #tpu.memory_space<vmem>>, vector<1x16xi32>,
      %get3A_1374 = vector.shape_cast %get3A_1373 : vector<1x16xi32> to vector<16xi32>
      %eq3A = arith.constant 1 : i32
      %eq3A_1375 = vector.broadcast %eq3A : i32 to vector<16xi32>
      %eq3A_1376 = arith.cmpi eq, %get3A_1374, %eq3A_1375 : vector<16xi32>
      %jit3A = arith.constant 1 : i32
      %jit3A_1377 = arith.constant 0 : i32
      %broadcast_in_dim3A = vector.broadcast %jit3A : i32 to vector<16xi32>
      %broadcast_in_dim3A_1378 = vector.broadcast %jit3A_1377 : i32 to vector<16xi32>
      %select_n3A = arith.select %eq3A_1376, %broadcast_in_dim3A, %broadcast_in_dim3A_1378 : vector<16xi1>, vector<16xi32>
      %eq3A_1379 = arith.constant 2 : i32
      %eq3A_1380 = vector.broadcast %eq3A_1379 : i32 to vector<16xi32>
      %eq3A_1381 = arith.cmpi eq, %get3A_1374, %eq3A_1380 : vector<16xi32>
      %jit3A_1382 = arith.constant 2 : i32
      %jit3A_1383 = arith.constant 0 : i32
      %broadcast_in_dim3A_1384 = vector.broadcast %jit3A_1382 : i32 to vector<16xi32>
      %broadcast_in_dim3A_1385 = vector.broadcast %jit3A_1383 : i32 to vector<16xi32>
      %select_n3A_1386 = arith.select %eq3A_1381, %broadcast_in_dim3A_1384, %broadcast_in_dim3A_1385 : vector<16xi1>, vector<16xi32>
      %add3A_1387 = arith.addi %select_n3A, %select_n3A_1386 : vector<16xi32>
      %swap3A = arith.constant 0 : index
      %swap3A_1388 = tpu.vector_load %arg9[%swap3A] {strides = array<i32>} : memref<128xi32, #tpu.memory_space<vmem>>, vector<16xi32>,
      %swap3A_1389 = vector.shape_cast %swap3A_1388 : vector<16xi32> to vector<16xi32>
      %swap3A_1390 = vector.shape_cast %add3A_1387 : vector<16xi32> to vector<16xi32>
      tpu.vector_store %arg9[%swap3A], %swap3A_1390 {strides = array<i32>} : memref<128xi32, #tpu.memory_space<vmem>>, vector<16xi32>,
      %get3A_1391 = arith.index_cast %squeeze3A_1370 : i32 to index
      %get3A_1392 = arith.constant 16 : index
      %get3A_1393 = tpu.vector_load %arg7[%get3A_1391, %get3A_1392] {strides = array<i32>} : memref<50x128xi32, #tpu.memory_space<vmem>>, vector<1x16xi32>,
      %get3A_1394 = vector.shape_cast %get3A_1393 : vector<1x16xi32> to vector<16xi32>
      %eq3A_1395 = arith.constant 1 : i32
      %eq3A_1396 = vector.broadcast %eq3A_1395 : i32 to vector<16xi32>
      %eq3A_1397 = arith.cmpi eq, %get3A_1394, %eq3A_1396 : vector<16xi32>
      %jit3A_1398 = arith.constant 1 : i32
      %jit3A_1399 = arith.constant 0 : i32
      %broadcast_in_dim3A_1400 = vector.broadcast %jit3A_1398 : i32 to vector<16xi32>
      %broadcast_in_dim3A_1401 = vector.broadcast %jit3A_1399 : i32 to vector<16xi32>
      %select_n3A_1402 = arith.select %eq3A_1397, %broadcast_in_dim3A_1400, %broadcast_in_dim3A_1401 : vector<16xi1>, vector<16xi32>
      %eq3A_1403 = arith.constant 2 : i32
      %eq3A_1404 = vector.broadcast %eq3A_1403 : i32 to vector<16xi32>
      %eq3A_1405 = arith.cmpi eq, %get3A_1394, %eq3A_1404 : vector<16xi32>
      %jit3A_1406 = arith.constant 2 : i32
      %jit3A_1407 = arith.constant 0 : i32
      %broadcast_in_dim3A_1408 = vector.broadcast %jit3A_1406 : i32 to vector<16xi32>
      %broadcast_in_dim3A_1409 = vector.broadcast %jit3A_1407 : i32 to vector<16xi32>
      %select_n3A_1410 = arith.select %eq3A_1405, %broadcast_in_dim3A_1408, %broadcast_in_dim3A_1409 : vector<16xi1>, vector<16xi32>
      %add3A_1411 = arith.addi %select_n3A_1402, %select_n3A_1410 : vector<16xi32>
      %swap3A_1412 = arith.constant 16 : index
      %swap3A_1413 = tpu.vector_load %arg9[%swap3A_1412] {strides = array<i32>} : memref<128xi32, #tpu.memory_space<vmem>>, vector<16xi32>,
      %swap3A_1414 = vector.shape_cast %swap3A_1413 : vector<16xi32> to vector<16xi32>
      %swap3A_1415 = vector.shape_cast %add3A_1411 : vector<16xi32> to vector<16xi32>
      tpu.vector_store %arg9[%swap3A_1412], %swap3A_1415 {strides = array<i32>} : memref<128xi32, #tpu.memory_space<vmem>>, vector<16xi32>,
      %get3A_1416 = arith.index_cast %squeeze3A_1370 : i32 to index
      %get3A_1417 = arith.constant 32 : index
      %get3A_1418 = tpu.vector_load %arg7[%get3A_1416, %get3A_1417] {strides = array<i32>} : memref<50x128xi32, #tpu.memory_space<vmem>>, vector<1x16xi32>,
      %get3A_1419 = vector.shape_cast %get3A_1418 : vector<1x16xi32> to vector<16xi32>
      %eq3A_1420 = arith.constant 1 : i32
      %eq3A_1421 = vector.broadcast %eq3A_1420 : i32 to vector<16xi32>
      %eq3A_1422 = arith.cmpi eq, %get3A_1419, %eq3A_1421 : vector<16xi32>
      %jit3A_1423 = arith.constant 1 : i32
      %jit3A_1424 = arith.constant 0 : i32
      %broadcast_in_dim3A_1425 = vector.broadcast %jit3A_1423 : i32 to vector<16xi32>
      %broadcast_in_dim3A_1426 = vector.broadcast %jit3A_1424 : i32 to vector<16xi32>
      %select_n3A_1427 = arith.select %eq3A_1422, %broadcast_in_dim3A_1425, %broadcast_in_dim3A_1426 : vector<16xi1>, vector<16xi32>
      %eq3A_1428 = arith.constant 2 : i32
      %eq3A_1429 = vector.broadcast %eq3A_1428 : i32 to vector<16xi32>
      %eq3A_1430 = arith.cmpi eq, %get3A_1419, %eq3A_1429 : vector<16xi32>
      %jit3A_1431 = arith.constant 2 : i32
      %jit3A_1432 = arith.constant 0 : i32
      %broadcast_in_dim3A_1433 = vector.broadcast %jit3A_1431 : i32 to vector<16xi32>
      %broadcast_in_dim3A_1434 = vector.broadcast %jit3A_1432 : i32 to vector<16xi32>
      %select_n3A_1435 = arith.select %eq3A_1430, %broadcast_in_dim3A_1433, %broadcast_in_dim3A_1434 : vector<16xi1>, vector<16xi32>
      %add3A_1436 = arith.addi %select_n3A_1427, %select_n3A_1435 : vector<16xi32>
      %swap3A_1437 = arith.constant 32 : index
      %swap3A_1438 = tpu.vector_load %arg9[%swap3A_1437] {strides = array<i32>} : memref<128xi32, #tpu.memory_space<vmem>>, vector<16xi32>,
      %swap3A_1439 = vector.shape_cast %swap3A_1438 : vector<16xi32> to vector<16xi32>
      %swap3A_1440 = vector.shape_cast %add3A_1436 : vector<16xi32> to vector<16xi32>
      tpu.vector_store %arg9[%swap3A_1437], %swap3A_1440 {strides = array<i32>} : memref<128xi32, #tpu.memory_space<vmem>>, vector<16xi32>,
      %get3A_1441 = arith.index_cast %squeeze3A_1370 : i32 to index
      %get3A_1442 = arith.constant 48 : index
      %get3A_1443 = tpu.vector_load %arg7[%get3A_1441, %get3A_1442] {strides = array<i32>} : memref<50x128xi32, #tpu.memory_space<vmem>>, vector<1x16xi32>,
      %get3A_1444 = vector.shape_cast %get3A_1443 : vector<1x16xi32> to vector<16xi32>
      %eq3A_1445 = arith.constant 1 : i32
      %eq3A_1446 = vector.broadcast %eq3A_1445 : i32 to vector<16xi32>
      %eq3A_1447 = arith.cmpi eq, %get3A_1444, %eq3A_1446 : vector<16xi32>
      %jit3A_1448 = arith.constant 1 : i32
      %jit3A_1449 = arith.constant 0 : i32
      %broadcast_in_dim3A_1450 = vector.broadcast %jit3A_1448 : i32 to vector<16xi32>
      %broadcast_in_dim3A_1451 = vector.broadcast %jit3A_1449 : i32 to vector<16xi32>
      %select_n3A_1452 = arith.select %eq3A_1447, %broadcast_in_dim3A_1450, %broadcast_in_dim3A_1451 : vector<16xi1>, vector<16xi32>
      %eq3A_1453 = arith.constant 2 : i32
      %eq3A_1454 = vector.broadcast %eq3A_1453 : i32 to vector<16xi32>
      %eq3A_1455 = arith.cmpi eq, %get3A_1444, %eq3A_1454 : vector<16xi32>
      %jit3A_1456 = arith.constant 2 : i32
      %jit3A_1457 = arith.constant 0 : i32
      %broadcast_in_dim3A_1458 = vector.broadcast %jit3A_1456 : i32 to vector<16xi32>
      %broadcast_in_dim3A_1459 = vector.broadcast %jit3A_1457 : i32 to vector<16xi32>
      %select_n3A_1460 = arith.select %eq3A_1455, %broadcast_in_dim3A_1458, %broadcast_in_dim3A_1459 : vector<16xi1>, vector<16xi32>
      %add3A_1461 = arith.addi %select_n3A_1452, %select_n3A_1460 : vector<16xi32>
      %swap3A_1462 = arith.constant 48 : index
      %swap3A_1463 = tpu.vector_load %arg9[%swap3A_1462] {strides = array<i32>} : memref<128xi32, #tpu.memory_space<vmem>>, vector<16xi32>,
      %swap3A_1464 = vector.shape_cast %swap3A_1463 : vector<16xi32> to vector<16xi32>
      %swap3A_1465 = vector.shape_cast %add3A_1461 : vector<16xi32> to vector<16xi32>
      tpu.vector_store %arg9[%swap3A_1462], %swap3A_1465 {strides = array<i32>} : memref<128xi32, #tpu.memory_space<vmem>>, vector<16xi32>,
      %get3A_1466 = arith.index_cast %squeeze3A_1370 : i32 to index
      %get3A_1467 = arith.constant 64 : index
      %get3A_1468 = tpu.vector_load %arg7[%get3A_1466, %get3A_1467] {strides = array<i32>} : memref<50x128xi32, #tpu.memory_space<vmem>>, vector<1x16xi32>,
      %get3A_1469 = vector.shape_cast %get3A_1468 : vector<1x16xi32> to vector<16xi32>
      %eq3A_1470 = arith.constant 1 : i32
      %eq3A_1471 = vector.broadcast %eq3A_1470 : i32 to vector<16xi32>
      %eq3A_1472 = arith.cmpi eq, %get3A_1469, %eq3A_1471 : vector<16xi32>
      %jit3A_1473 = arith.constant 1 : i32
      %jit3A_1474 = arith.constant 0 : i32
      %broadcast_in_dim3A_1475 = vector.broadcast %jit3A_1473 : i32 to vector<16xi32>
      %broadcast_in_dim3A_1476 = vector.broadcast %jit3A_1474 : i32 to vector<16xi32>
      %select_n3A_1477 = arith.select %eq3A_1472, %broadcast_in_dim3A_1475, %broadcast_in_dim3A_1476 : vector<16xi1>, vector<16xi32>
      %eq3A_1478 = arith.constant 2 : i32
      %eq3A_1479 = vector.broadcast %eq3A_1478 : i32 to vector<16xi32>
      %eq3A_1480 = arith.cmpi eq, %get3A_1469, %eq3A_1479 : vector<16xi32>
      %jit3A_1481 = arith.constant 2 : i32
      %jit3A_1482 = arith.constant 0 : i32
      %broadcast_in_dim3A_1483 = vector.broadcast %jit3A_1481 : i32 to vector<16xi32>
      %broadcast_in_dim3A_1484 = vector.broadcast %jit3A_1482 : i32 to vector<16xi32>
      %select_n3A_1485 = arith.select %eq3A_1480, %broadcast_in_dim3A_1483, %broadcast_in_dim3A_1484 : vector<16xi1>, vector<16xi32>
      %add3A_1486 = arith.addi %select_n3A_1477, %select_n3A_1485 : vector<16xi32>
      %swap3A_1487 = arith.constant 64 : index
      %swap3A_1488 = tpu.vector_load %arg9[%swap3A_1487] {strides = array<i32>} : memref<128xi32, #tpu.memory_space<vmem>>, vector<16xi32>,
      %swap3A_1489 = vector.shape_cast %swap3A_1488 : vector<16xi32> to vector<16xi32>
      %swap3A_1490 = vector.shape_cast %add3A_1486 : vector<16xi32> to vector<16xi32>
      tpu.vector_store %arg9[%swap3A_1487], %swap3A_1490 {strides = array<i32>} : memref<128xi32, #tpu.memory_space<vmem>>, vector<16xi32>,
      %get3A_1491 = arith.index_cast %squeeze3A_1370 : i32 to index
      %get3A_1492 = arith.constant 80 : index
      %get3A_1493 = tpu.vector_load %arg7[%get3A_1491, %get3A_1492] {strides = array<i32>} : memref<50x128xi32, #tpu.memory_space<vmem>>, vector<1x16xi32>,
      %get3A_1494 = vector.shape_cast %get3A_1493 : vector<1x16xi32> to vector<16xi32>
      %eq3A_1495 = arith.constant 1 : i32
      %eq3A_1496 = vector.broadcast %eq3A_1495 : i32 to vector<16xi32>
      %eq3A_1497 = arith.cmpi eq, %get3A_1494, %eq3A_1496 : vector<16xi32>
      %jit3A_1498 = arith.constant 1 : i32
      %jit3A_1499 = arith.constant 0 : i32
      %broadcast_in_dim3A_1500 = vector.broadcast %jit3A_1498 : i32 to vector<16xi32>
      %broadcast_in_dim3A_1501 = vector.broadcast %jit3A_1499 : i32 to vector<16xi32>
      %select_n3A_1502 = arith.select %eq3A_1497, %broadcast_in_dim3A_1500, %broadcast_in_dim3A_1501 : vector<16xi1>, vector<16xi32>
      %eq3A_1503 = arith.constant 2 : i32
      %eq3A_1504 = vector.broadcast %eq3A_1503 : i32 to vector<16xi32>
      %eq3A_1505 = arith.cmpi eq, %get3A_1494, %eq3A_1504 : vector<16xi32>
      %jit3A_1506 = arith.constant 2 : i32
      %jit3A_1507 = arith.constant 0 : i32
      %broadcast_in_dim3A_1508 = vector.broadcast %jit3A_1506 : i32 to vector<16xi32>
      %broadcast_in_dim3A_1509 = vector.broadcast %jit3A_1507 : i32 to vector<16xi32>
      %select_n3A_1510 = arith.select %eq3A_1505, %broadcast_in_dim3A_1508, %broadcast_in_dim3A_1509 : vector<16xi1>, vector<16xi32>
      %add3A_1511 = arith.addi %select_n3A_1502, %select_n3A_1510 : vector<16xi32>
      %swap3A_1512 = arith.constant 80 : index
      %swap3A_1513 = tpu.vector_load %arg9[%swap3A_1512] {strides = array<i32>} : memref<128xi32, #tpu.memory_space<vmem>>, vector<16xi32>,
      %swap3A_1514 = vector.shape_cast %swap3A_1513 : vector<16xi32> to vector<16xi32>
      %swap3A_1515 = vector.shape_cast %add3A_1511 : vector<16xi32> to vector<16xi32>
      tpu.vector_store %arg9[%swap3A_1512], %swap3A_1515 {strides = array<i32>} : memref<128xi32, #tpu.memory_space<vmem>>, vector<16xi32>,
      %get3A_1516 = arith.index_cast %squeeze3A_1370 : i32 to index
      %get3A_1517 = arith.constant 96 : index
      %get3A_1518 = tpu.vector_load %arg7[%get3A_1516, %get3A_1517] {strides = array<i32>} : memref<50x128xi32, #tpu.memory_space<vmem>>, vector<1x16xi32>,
      %get3A_1519 = vector.shape_cast %get3A_1518 : vector<1x16xi32> to vector<16xi32>
      %eq3A_1520 = arith.constant 1 : i32
      %eq3A_1521 = vector.broadcast %eq3A_1520 : i32 to vector<16xi32>
      %eq3A_1522 = arith.cmpi eq, %get3A_1519, %eq3A_1521 : vector<16xi32>
      %jit3A_1523 = arith.constant 1 : i32
      %jit3A_1524 = arith.constant 0 : i32
      %broadcast_in_dim3A_1525 = vector.broadcast %jit3A_1523 : i32 to vector<16xi32>
      %broadcast_in_dim3A_1526 = vector.broadcast %jit3A_1524 : i32 to vector<16xi32>
      %select_n3A_1527 = arith.select %eq3A_1522, %broadcast_in_dim3A_1525, %broadcast_in_dim3A_1526 : vector<16xi1>, vector<16xi32>
      %eq3A_1528 = arith.constant 2 : i32
      %eq3A_1529 = vector.broadcast %eq3A_1528 : i32 to vector<16xi32>
      %eq3A_1530 = arith.cmpi eq, %get3A_1519, %eq3A_1529 : vector<16xi32>
      %jit3A_1531 = arith.constant 2 : i32
      %jit3A_1532 = arith.constant 0 : i32
      %broadcast_in_dim3A_1533 = vector.broadcast %jit3A_1531 : i32 to vector<16xi32>
      %broadcast_in_dim3A_1534 = vector.broadcast %jit3A_1532 : i32 to vector<16xi32>
      %select_n3A_1535 = arith.select %eq3A_1530, %broadcast_in_dim3A_1533, %broadcast_in_dim3A_1534 : vector<16xi1>, vector<16xi32>
      %add3A_1536 = arith.addi %select_n3A_1527, %select_n3A_1535 : vector<16xi32>
      %swap3A_1537 = arith.constant 96 : index
      %swap3A_1538 = tpu.vector_load %arg9[%swap3A_1537] {strides = array<i32>} : memref<128xi32, #tpu.memory_space<vmem>>, vector<16xi32>,
      %swap3A_1539 = vector.shape_cast %swap3A_1538 : vector<16xi32> to vector<16xi32>
      %swap3A_1540 = vector.shape_cast %add3A_1536 : vector<16xi32> to vector<16xi32>
      tpu.vector_store %arg9[%swap3A_1537], %swap3A_1540 {strides = array<i32>} : memref<128xi32, #tpu.memory_space<vmem>>, vector<16xi32>,
      %get3A_1541 = arith.index_cast %squeeze3A_1370 : i32 to index
      %get3A_1542 = arith.constant 112 : index
      %get3A_1543 = tpu.vector_load %arg7[%get3A_1541, %get3A_1542] {strides = array<i32>} : memref<50x128xi32, #tpu.memory_space<vmem>>, vector<1x16xi32>,
      %get3A_1544 = vector.shape_cast %get3A_1543 : vector<1x16xi32> to vector<16xi32>
      %eq3A_1545 = arith.constant 1 : i32
      %eq3A_1546 = vector.broadcast %eq3A_1545 : i32 to vector<16xi32>
      %eq3A_1547 = arith.cmpi eq, %get3A_1544, %eq3A_1546 : vector<16xi32>
      %jit3A_1548 = arith.constant 1 : i32
      %jit3A_1549 = arith.constant 0 : i32
      %broadcast_in_dim3A_1550 = vector.broadcast %jit3A_1548 : i32 to vector<16xi32>
      %broadcast_in_dim3A_1551 = vector.broadcast %jit3A_1549 : i32 to vector<16xi32>
      %select_n3A_1552 = arith.select %eq3A_1547, %broadcast_in_dim3A_1550, %broadcast_in_dim3A_1551 : vector<16xi1>, vector<16xi32>
      %eq3A_1553 = arith.constant 2 : i32
      %eq3A_1554 = vector.broadcast %eq3A_1553 : i32 to vector<16xi32>
      %eq3A_1555 = arith.cmpi eq, %get3A_1544, %eq3A_1554 : vector<16xi32>
      %jit3A_1556 = arith.constant 2 : i32
      %jit3A_1557 = arith.constant 0 : i32
      %broadcast_in_dim3A_1558 = vector.broadcast %jit3A_1556 : i32 to vector<16xi32>
      %broadcast_in_dim3A_1559 = vector.broadcast %jit3A_1557 : i32 to vector<16xi32>
      %select_n3A_1560 = arith.select %eq3A_1555, %broadcast_in_dim3A_1558, %broadcast_in_dim3A_1559 : vector<16xi1>, vector<16xi32>
      %add3A_1561 = arith.addi %select_n3A_1552, %select_n3A_1560 : vector<16xi32>
      %swap3A_1562 = arith.constant 112 : index
      %swap3A_1563 = tpu.vector_load %arg9[%swap3A_1562] {strides = array<i32>} : memref<128xi32, #tpu.memory_space<vmem>>, vector<16xi32>,
      %swap3A_1564 = vector.shape_cast %swap3A_1563 : vector<16xi32> to vector<16xi32>
      %swap3A_1565 = vector.shape_cast %add3A_1561 : vector<16xi32> to vector<16xi32>
      tpu.vector_store %arg9[%swap3A_1562], %swap3A_1565 {strides = array<i32>} : memref<128xi32, #tpu.memory_space<vmem>>, vector<16xi32>,
      %dma_start3A_1566 = arith.constant 0 : i32
      %dma_start3A_1567 = arith.constant 0 : i32
      %dma_start3A_1568 = tpu.memref_slice %arg4[%dma_start3A_1566, %dma_start3A_1567] : memref<3x128xf32, #tpu.memory_space<hbm>> -> memref<3x128xf32, #tpu.memory_space<hbm>>
      tpu.enqueue_indirect_dma source(%dma_start3A_1568 : memref<3x128xf32, #tpu.memory_space<hbm>>) target(%arg10 : memref<128x128xf32, #tpu.memory_space<vmem>>) offsets(%arg9 : memref<128xi32, #tpu.memory_space<vmem>>) semaphore(%arg13 : memref<!tpu.dma_semaphore, #tpu.memory_space<semaphore_mem>>)
      %dma_wait3A_1569 = arith.constant 0 : i32
      %dma_wait3A_1570 = arith.constant 0 : i32
      %dma_wait3A_1571 = tpu.memref_slice %arg4[%dma_wait3A_1569, %dma_wait3A_1570] : memref<3x128xf32, #tpu.memory_space<hbm>> -> memref<3x128xf32, #tpu.memory_space<hbm>>
      tpu.wait_indirect_dma semaphore(%arg13 : memref<!tpu.dma_semaphore, #tpu.memory_space<semaphore_mem>>) src(%dma_wait3A_1571 : memref<3x128xf32, #tpu.memory_space<hbm>>) dst(%arg10 : memref<128x128xf32, #tpu.memory_space<vmem>>)
      %scan3A_1572 = arith.constant 0 : i32
      %scan3A_1573 = arith.constant 0 : i32
      %scan3A_1574 = arith.constant 128 : i32
      %scan3A_1575 = arith.addi %scan3A_1573, %scan3A_1574 : i32
      %scan3A_1576 = arith.constant 1 : i32
      scf.for %scan3A_1579 = %scan3A_1573 to %scan3A_1575 step %scan3A_1576  : i32 {
        %get3A_1580 = arith.constant 0 : i32
        %get3A_1581 = arith.index_cast %get3A_1580 : i32 to index
        %get3A_1582 = arith.index_cast %scan3A_1579 : i32 to index
        %get3A_1583 = arith.constant 0 : index
        %get3A_1584 = tpu.vector_load %arg11[%get3A_1581, %get3A_1582, %get3A_1583] {strides = array<i32>} : memref<4x128x128xf32, #tpu.memory_space<vmem>>, vector<1x1x16xf32>,
        %get3A_1585 = vector.shape_cast %get3A_1584 : vector<1x1x16xf32> to vector<16xf32>
        %get3A_1586 = arith.index_cast %scan3A_1579 : i32 to index
        %get3A_1587 = arith.constant 0 : index
        %get3A_1588 = tpu.vector_load %arg10[%get3A_1586, %get3A_1587] {strides = array<i32>} : memref<128x128xf32, #tpu.memory_space<vmem>>, vector<1x16xf32>,
        %get3A_1589 = vector.shape_cast %get3A_1588 : vector<1x16xf32> to vector<16xf32>
        %add3A_1590 = arith.addf %get3A_1585, %get3A_1589 : vector<16xf32>
        %swap3A_1591 = arith.constant 0 : i32
        %swap3A_1592 = arith.index_cast %swap3A_1591 : i32 to index
        %swap3A_1593 = arith.index_cast %scan3A_1579 : i32 to index
        %swap3A_1594 = arith.constant 0 : index
        %swap3A_1595 = tpu.vector_load %arg11[%swap3A_1592, %swap3A_1593, %swap3A_1594] {strides = array<i32>} : memref<4x128x128xf32, #tpu.memory_space<vmem>>, vector<1x1x16xf32>,
        %swap3A_1596 = vector.shape_cast %swap3A_1595 : vector<1x1x16xf32> to vector<16xf32>
        %swap3A_1597 = vector.shape_cast %add3A_1590 : vector<16xf32> to vector<1x1x16xf32>
        tpu.vector_store %arg11[%swap3A_1592, %swap3A_1593, %swap3A_1594], %swap3A_1597 {strides = array<i32>} : memref<4x128x128xf32, #tpu.memory_space<vmem>>, vector<1x1x16xf32>,
        %get3A_1598 = arith.constant 0 : i32
        %get3A_1599 = arith.index_cast %get3A_1598 : i32 to index
        %get3A_1600 = arith.index_cast %scan3A_1579 : i32 to index
        %get3A_1601 = arith.constant 16 : index
        %get3A_1602 = tpu.vector_load %arg11[%get3A_1599, %get3A_1600, %get3A_1601] {strides = array<i32>} : memref<4x128x128xf32, #tpu.memory_space<vmem>>, vector<1x1x16xf32>,
        %get3A_1603 = vector.shape_cast %get3A_1602 : vector<1x1x16xf32> to vector<16xf32>
        %get3A_1604 = arith.index_cast %scan3A_1579 : i32 to index
        %get3A_1605 = arith.constant 16 : index
        %get3A_1606 = tpu.vector_load %arg10[%get3A_1604, %get3A_1605] {strides = array<i32>} : memref<128x128xf32, #tpu.memory_space<vmem>>, vector<1x16xf32>,
        %get3A_1607 = vector.shape_cast %get3A_1606 : vector<1x16xf32> to vector<16xf32>
        %add3A_1608 = arith.addf %get3A_1603, %get3A_1607 : vector<16xf32>
        %swap3A_1609 = arith.constant 0 : i32
        %swap3A_1610 = arith.index_cast %swap3A_1609 : i32 to index
        %swap3A_1611 = arith.index_cast %scan3A_1579 : i32 to index
        %swap3A_1612 = arith.constant 16 : index
        %swap3A_1613 = tpu.vector_load %arg11[%swap3A_1610, %swap3A_1611, %swap3A_1612] {strides = array<i32>} : memref<4x128x128xf32, #tpu.memory_space<vmem>>, vector<1x1x16xf32>,
        %swap3A_1614 = vector.shape_cast %swap3A_1613 : vector<1x1x16xf32> to vector<16xf32>
        %swap3A_1615 = vector.shape_cast %add3A_1608 : vector<16xf32> to vector<1x1x16xf32>
        tpu.vector_store %arg11[%swap3A_1610, %swap3A_1611, %swap3A_1612], %swap3A_1615 {strides = array<i32>} : memref<4x128x128xf32, #tpu.memory_space<vmem>>, vector<1x1x16xf32>,
        %get3A_1616 = arith.constant 0 : i32
        %get3A_1617 = arith.index_cast %get3A_1616 : i32 to index
        %get3A_1618 = arith.index_cast %scan3A_1579 : i32 to index
        %get3A_1619 = arith.constant 32 : index
        %get3A_1620 = tpu.vector_load %arg11[%get3A_1617, %get3A_1618, %get3A_1619] {strides = array<i32>} : memref<4x128x128xf32, #tpu.memory_space<vmem>>, vector<1x1x16xf32>,
        %get3A_1621 = vector.shape_cast %get3A_1620 : vector<1x1x16xf32> to vector<16xf32>
        %get3A_1622 = arith.index_cast %scan3A_1579 : i32 to index
        %get3A_1623 = arith.constant 32 : index
        %get3A_1624 = tpu.vector_load %arg10[%get3A_1622, %get3A_1623] {strides = array<i32>} : memref<128x128xf32, #tpu.memory_space<vmem>>, vector<1x16xf32>,
        %get3A_1625 = vector.shape_cast %get3A_1624 : vector<1x16xf32> to vector<16xf32>
        %add3A_1626 = arith.addf %get3A_1621, %get3A_1625 : vector<16xf32>
        %swap3A_1627 = arith.constant 0 : i32
        %swap3A_1628 = arith.index_cast %swap3A_1627 : i32 to index
        %swap3A_1629 = arith.index_cast %scan3A_1579 : i32 to index
        %swap3A_1630 = arith.constant 32 : index
        %swap3A_1631 = tpu.vector_load %arg11[%swap3A_1628, %swap3A_1629, %swap3A_1630] {strides = array<i32>} : memref<4x128x128xf32, #tpu.memory_space<vmem>>, vector<1x1x16xf32>,
        %swap3A_1632 = vector.shape_cast %swap3A_1631 : vector<1x1x16xf32> to vector<16xf32>
        %swap3A_1633 = vector.shape_cast %add3A_1626 : vector<16xf32> to vector<1x1x16xf32>
        tpu.vector_store %arg11[%swap3A_1628, %swap3A_1629, %swap3A_1630], %swap3A_1633 {strides = array<i32>} : memref<4x128x128xf32, #tpu.memory_space<vmem>>, vector<1x1x16xf32>,
        %get3A_1634 = arith.constant 0 : i32
        %get3A_1635 = arith.index_cast %get3A_1634 : i32 to index
        %get3A_1636 = arith.index_cast %scan3A_1579 : i32 to index
        %get3A_1637 = arith.constant 48 : index
        %get3A_1638 = tpu.vector_load %arg11[%get3A_1635, %get3A_1636, %get3A_1637] {strides = array<i32>} : memref<4x128x128xf32, #tpu.memory_space<vmem>>, vector<1x1x16xf32>,
        %get3A_1639 = vector.shape_cast %get3A_1638 : vector<1x1x16xf32> to vector<16xf32>
        %get3A_1640 = arith.index_cast %scan3A_1579 : i32 to index
        %get3A_1641 = arith.constant 48 : index
        %get3A_1642 = tpu.vector_load %arg10[%get3A_1640, %get3A_1641] {strides = array<i32>} : memref<128x128xf32, #tpu.memory_space<vmem>>, vector<1x16xf32>,
        %get3A_1643 = vector.shape_cast %get3A_1642 : vector<1x16xf32> to vector<16xf32>
        %add3A_1644 = arith.addf %get3A_1639, %get3A_1643 : vector<16xf32>
        %swap3A_1645 = arith.constant 0 : i32
        %swap3A_1646 = arith.index_cast %swap3A_1645 : i32 to index
        %swap3A_1647 = arith.index_cast %scan3A_1579 : i32 to index
        %swap3A_1648 = arith.constant 48 : index
        %swap3A_1649 = tpu.vector_load %arg11[%swap3A_1646, %swap3A_1647, %swap3A_1648] {strides = array<i32>} : memref<4x128x128xf32, #tpu.memory_space<vmem>>, vector<1x1x16xf32>,
        %swap3A_1650 = vector.shape_cast %swap3A_1649 : vector<1x1x16xf32> to vector<16xf32>
        %swap3A_1651 = vector.shape_cast %add3A_1644 : vector<16xf32> to vector<1x1x16xf32>
        tpu.vector_store %arg11[%swap3A_1646, %swap3A_1647, %swap3A_1648], %swap3A_1651 {strides = array<i32>} : memref<4x128x128xf32, #tpu.memory_space<vmem>>, vector<1x1x16xf32>,
        %get3A_1652 = arith.constant 0 : i32
        %get3A_1653 = arith.index_cast %get3A_1652 : i32 to index
        %get3A_1654 = arith.index_cast %scan3A_1579 : i32 to index
        %get3A_1655 = arith.constant 64 : index
        %get3A_1656 = tpu.vector_load %arg11[%get3A_1653, %get3A_1654, %get3A_1655] {strides = array<i32>} : memref<4x128x128xf32, #tpu.memory_space<vmem>>, vector<1x1x16xf32>,
        %get3A_1657 = vector.shape_cast %get3A_1656 : vector<1x1x16xf32> to vector<16xf32>
        %get3A_1658 = arith.index_cast %scan3A_1579 : i32 to index
        %get3A_1659 = arith.constant 64 : index
        %get3A_1660 = tpu.vector_load %arg10[%get3A_1658, %get3A_1659] {strides = array<i32>} : memref<128x128xf32, #tpu.memory_space<vmem>>, vector<1x16xf32>,
        %get3A_1661 = vector.shape_cast %get3A_1660 : vector<1x16xf32> to vector<16xf32>
        %add3A_1662 = arith.addf %get3A_1657, %get3A_1661 : vector<16xf32>
        %swap3A_1663 = arith.constant 0 : i32
        %swap3A_1664 = arith.index_cast %swap3A_1663 : i32 to index
        %swap3A_1665 = arith.index_cast %scan3A_1579 : i32 to index
        %swap3A_1666 = arith.constant 64 : index
        %swap3A_1667 = tpu.vector_load %arg11[%swap3A_1664, %swap3A_1665, %swap3A_1666] {strides = array<i32>} : memref<4x128x128xf32, #tpu.memory_space<vmem>>, vector<1x1x16xf32>,
        %swap3A_1668 = vector.shape_cast %swap3A_1667 : vector<1x1x16xf32> to vector<16xf32>
        %swap3A_1669 = vector.shape_cast %add3A_1662 : vector<16xf32> to vector<1x1x16xf32>
        tpu.vector_store %arg11[%swap3A_1664, %swap3A_1665, %swap3A_1666], %swap3A_1669 {strides = array<i32>} : memref<4x128x128xf32, #tpu.memory_space<vmem>>, vector<1x1x16xf32>,
        %get3A_1670 = arith.constant 0 : i32
        %get3A_1671 = arith.index_cast %get3A_1670 : i32 to index
        %get3A_1672 = arith.index_cast %scan3A_1579 : i32 to index
        %get3A_1673 = arith.constant 80 : index
        %get3A_1674 = tpu.vector_load %arg11[%get3A_1671, %get3A_1672, %get3A_1673] {strides = array<i32>} : memref<4x128x128xf32, #tpu.memory_space<vmem>>, vector<1x1x16xf32>,
        %get3A_1675 = vector.shape_cast %get3A_1674 : vector<1x1x16xf32> to vector<16xf32>
        %get3A_1676 = arith.index_cast %scan3A_1579 : i32 to index
        %get3A_1677 = arith.constant 80 : index
        %get3A_1678 = tpu.vector_load %arg10[%get3A_1676, %get3A_1677] {strides = array<i32>} : memref<128x128xf32, #tpu.memory_space<vmem>>, vector<1x16xf32>,
        %get3A_1679 = vector.shape_cast %get3A_1678 : vector<1x16xf32> to vector<16xf32>
        %add3A_1680 = arith.addf %get3A_1675, %get3A_1679 : vector<16xf32>
        %swap3A_1681 = arith.constant 0 : i32
        %swap3A_1682 = arith.index_cast %swap3A_1681 : i32 to index
        %swap3A_1683 = arith.index_cast %scan3A_1579 : i32 to index
        %swap3A_1684 = arith.constant 80 : index
        %swap3A_1685 = tpu.vector_load %arg11[%swap3A_1682, %swap3A_1683, %swap3A_1684] {strides = array<i32>} : memref<4x128x128xf32, #tpu.memory_space<vmem>>, vector<1x1x16xf32>,
        %swap3A_1686 = vector.shape_cast %swap3A_1685 : vector<1x1x16xf32> to vector<16xf32>
        %swap3A_1687 = vector.shape_cast %add3A_1680 : vector<16xf32> to vector<1x1x16xf32>
        tpu.vector_store %arg11[%swap3A_1682, %swap3A_1683, %swap3A_1684], %swap3A_1687 {strides = array<i32>} : memref<4x128x128xf32, #tpu.memory_space<vmem>>, vector<1x1x16xf32>,
        %get3A_1688 = arith.constant 0 : i32
        %get3A_1689 = arith.index_cast %get3A_1688 : i32 to index
        %get3A_1690 = arith.index_cast %scan3A_1579 : i32 to index
        %get3A_1691 = arith.constant 96 : index
        %get3A_1692 = tpu.vector_load %arg11[%get3A_1689, %get3A_1690, %get3A_1691] {strides = array<i32>} : memref<4x128x128xf32, #tpu.memory_space<vmem>>, vector<1x1x16xf32>,
        %get3A_1693 = vector.shape_cast %get3A_1692 : vector<1x1x16xf32> to vector<16xf32>
        %get3A_1694 = arith.index_cast %scan3A_1579 : i32 to index
        %get3A_1695 = arith.constant 96 : index
        %get3A_1696 = tpu.vector_load %arg10[%get3A_1694, %get3A_1695] {strides = array<i32>} : memref<128x128xf32, #tpu.memory_space<vmem>>, vector<1x16xf32>,
        %get3A_1697 = vector.shape_cast %get3A_1696 : vector<1x16xf32> to vector<16xf32>
        %add3A_1698 = arith.addf %get3A_1693, %get3A_1697 : vector<16xf32>
        %swap3A_1699 = arith.constant 0 : i32
        %swap3A_1700 = arith.index_cast %swap3A_1699 : i32 to index
        %swap3A_1701 = arith.index_cast %scan3A_1579 : i32 to index
        %swap3A_1702 = arith.constant 96 : index
        %swap3A_1703 = tpu.vector_load %arg11[%swap3A_1700, %swap3A_1701, %swap3A_1702] {strides = array<i32>} : memref<4x128x128xf32, #tpu.memory_space<vmem>>, vector<1x1x16xf32>,
        %swap3A_1704 = vector.shape_cast %swap3A_1703 : vector<1x1x16xf32> to vector<16xf32>
        %swap3A_1705 = vector.shape_cast %add3A_1698 : vector<16xf32> to vector<1x1x16xf32>
        tpu.vector_store %arg11[%swap3A_1700, %swap3A_1701, %swap3A_1702], %swap3A_1705 {strides = array<i32>} : memref<4x128x128xf32, #tpu.memory_space<vmem>>, vector<1x1x16xf32>,
        %get3A_1706 = arith.constant 0 : i32
        %get3A_1707 = arith.index_cast %get3A_1706 : i32 to index
        %get3A_1708 = arith.index_cast %scan3A_1579 : i32 to index
        %get3A_1709 = arith.constant 112 : index
        %get3A_1710 = tpu.vector_load %arg11[%get3A_1707, %get3A_1708, %get3A_1709] {strides = array<i32>} : memref<4x128x128xf32, #tpu.memory_space<vmem>>, vector<1x1x16xf32>,
        %get3A_1711 = vector.shape_cast %get3A_1710 : vector<1x1x16xf32> to vector<16xf32>
        %get3A_1712 = arith.index_cast %scan3A_1579 : i32 to index
        %get3A_1713 = arith.constant 112 : index
        %get3A_1714 = tpu.vector_load %arg10[%get3A_1712, %get3A_1713] {strides = array<i32>} : memref<128x128xf32, #tpu.memory_space<vmem>>, vector<1x16xf32>,
        %get3A_1715 = vector.shape_cast %get3A_1714 : vector<1x16xf32> to vector<16xf32>
        %add3A_1716 = arith.addf %get3A_1711, %get3A_1715 : vector<16xf32>
        %swap3A_1717 = arith.constant 0 : i32
        %swap3A_1718 = arith.index_cast %swap3A_1717 : i32 to index
        %swap3A_1719 = arith.index_cast %scan3A_1579 : i32 to index
        %swap3A_1720 = arith.constant 112 : index
        %swap3A_1721 = tpu.vector_load %arg11[%swap3A_1718, %swap3A_1719, %swap3A_1720] {strides = array<i32>} : memref<4x128x128xf32, #tpu.memory_space<vmem>>, vector<1x1x16xf32>,
        %swap3A_1722 = vector.shape_cast %swap3A_1721 : vector<1x1x16xf32> to vector<16xf32>
        %swap3A_1723 = vector.shape_cast %add3A_1716 : vector<16xf32> to vector<1x1x16xf32>
        tpu.vector_store %arg11[%swap3A_1718, %swap3A_1719, %swap3A_1720], %swap3A_1723 {strides = array<i32>} : memref<4x128x128xf32, #tpu.memory_space<vmem>>, vector<1x1x16xf32>,
      }
      %scan3A_1577 = arith.constant 128 : i32
      %run_scoped3A_1578 = arith.constant 0 : i32
      "tpu.region"() ({
        %run_scoped3A_1579 = tpu.sem_alloc : memref<!tpu.dma_semaphore, #tpu.memory_space<semaphore_mem>>
        %dma_start3A_1580 = arith.constant 0 : i32
        %dma_start3A_1581 = arith.constant 0 : i32
        %dma_start3A_1582 = tpu.memref_slice %arg11[%run_scoped3A_1578, %dma_start3A_1580, %dma_start3A_1581] : memref<4x128x128xf32, #tpu.memory_space<vmem>> -> memref<1x128x128xf32, #tpu.memory_space<vmem>>
        %dma_start3A_1583 = tpu.memref_squeeze %dma_start3A_1582 : memref<1x128x128xf32, #tpu.memory_space<vmem>> -> memref<128x128xf32, #tpu.memory_space<vmem>>
        %dma_start3A_1584 = arith.constant 0 : i32
        %dma_start3A_1585 = tpu.memref_slice %arg6[%squeeze3A_1370, %mul3A_2, %dma_start3A_1584] : memref<50x4096x128xf32, #tpu.memory_space<hbm>> -> memref<1x128x128xf32, #tpu.memory_space<hbm>>
        %dma_start3A_1586 = tpu.memref_squeeze %dma_start3A_1585 : memref<1x128x128xf32, #tpu.memory_space<hbm>> -> memref<128x128xf32, #tpu.memory_space<hbm>>
        %dma_start3A_1587 = arith.constant 0 : i32
        %dma_start3A_1588 = tpu.memref_slice %arg6[%squeeze3A_1370, %mul3A_2, %dma_start3A_1587] : memref<50x4096x128xf32, #tpu.memory_space<hbm>> -> memref<1x128x128xf32, #tpu.memory_space<hbm>>
        %dma_start3A_1589 = tpu.memref_squeeze %dma_start3A_1588 : memref<1x128x128xf32, #tpu.memory_space<hbm>> -> memref<128x128xf32, #tpu.memory_space<hbm>>
        %dma_start3A_1590 = arith.constant 0 : i32
        %dma_start3A_1591 = arith.constant 0 : i32
        %dma_start3A_1592 = tpu.memref_slice %arg11[%run_scoped3A_1578, %dma_start3A_1590, %dma_start3A_1591] : memref<4x128x128xf32, #tpu.memory_space<vmem>> -> memref<1x128x128xf32, #tpu.memory_space<vmem>>
        %dma_start3A_1593 = tpu.memref_squeeze %dma_start3A_1592 : memref<1x128x128xf32, #tpu.memory_space<vmem>> -> memref<128x128xf32, #tpu.memory_space<vmem>>
        tpu.enqueue_dma source(%dma_start3A_1593 : memref<128x128xf32, #tpu.memory_space<vmem>>) target(%dma_start3A_1589 : memref<128x128xf32, #tpu.memory_space<hbm>>) target_semaphore(%run_scoped3A_1579 : memref<!tpu.dma_semaphore, #tpu.memory_space<semaphore_mem>>)
        %dma_wait3A_1594 = arith.constant 0 : i32
        %dma_wait3A_1595 = arith.constant 0 : i32
        %dma_wait3A_1596 = tpu.memref_slice %arg11[%run_scoped3A_1578, %dma_wait3A_1594, %dma_wait3A_1595] : memref<4x128x128xf32, #tpu.memory_space<vmem>> -> memref<1x128x128xf32, #tpu.memory_space<vmem>>
        %dma_wait3A_1597 = tpu.memref_squeeze %dma_wait3A_1596 : memref<1x128x128xf32, #tpu.memory_space<vmem>> -> memref<128x128xf32, #tpu.memory_space<vmem>>
        %dma_wait3A_1598 = arith.constant 0 : i32
        %dma_wait3A_1599 = tpu.memref_slice %arg6[%squeeze3A_1370, %mul3A_2, %dma_wait3A_1598] : memref<50x4096x128xf32, #tpu.memory_space<hbm>> -> memref<1x128x128xf32, #tpu.memory_space<hbm>>
        %dma_wait3A_1600 = tpu.memref_squeeze %dma_wait3A_1599 : memref<1x128x128xf32, #tpu.memory_space<hbm>> -> memref<128x128xf32, #tpu.memory_space<hbm>>
        %dma_wait3A_1601 = arith.constant 0 : i32
        %dma_wait3A_1602 = tpu.memref_slice %arg6[%squeeze3A_1370, %mul3A_2, %dma_wait3A_1601] : memref<50x4096x128xf32, #tpu.memory_space<hbm>> -> memref<1x128x128xf32, #tpu.memory_space<hbm>>
        %dma_wait3A_1603 = tpu.memref_squeeze %dma_wait3A_1602 : memref<1x128x128xf32, #tpu.memory_space<hbm>> -> memref<128x128xf32, #tpu.memory_space<hbm>>
        %dma_wait3A_1604 = arith.constant 0 : i32
        %dma_wait3A_1605 = arith.constant 0 : i32
        %dma_wait3A_1606 = tpu.memref_slice %arg11[%run_scoped3A_1578, %dma_wait3A_1604, %dma_wait3A_1605] : memref<4x128x128xf32, #tpu.memory_space<vmem>> -> memref<1x128x128xf32, #tpu.memory_space<vmem>>
        %dma_wait3A_1607 = tpu.memref_squeeze %dma_wait3A_1606 : memref<1x128x128xf32, #tpu.memory_space<vmem>> -> memref<128x128xf32, #tpu.memory_space<vmem>>
        tpu.wait_dma2 semaphore(%run_scoped3A_1579 : memref<!tpu.dma_semaphore, #tpu.memory_space<semaphore_mem>>) src(%dma_wait3A_1607 : memref<128x128xf32, #tpu.memory_space<vmem>>) dst(%dma_wait3A_1603 : memref<128x128xf32, #tpu.memory_space<hbm>>)
        tpu.yield
      }) : () -> ()
    }
    return
  }
}

</mosaic_0001>

<sc_bundles>
// kernel: kernel.3.cloned.1.call-start
scs
__scs_entry_jumppad:
0x0: {  	(pc) =	sbr.rel $0x88, $3  }
0x1: {  	(tag) =	ssettag $0x0;
	lr =	simm.s32 $0x1  }
0x2: {  	[smem:$0x3F9E] =	sst lr;
	_ =	strace $0xD0000000  }
0x3: {  	_ = 	snop  }
0x4: {  	_ = 	snop  }
0x5: {  	_ = 	snop  }
0x6: {  	_ = 	snop  }
0x7: {  	_ = 	snop  }
__scs_overlays_trampoline_lowered:
0x8: {  	[smem:$0x3FAD] =	sst s0  }
0x9: {  	[smem:$0x3FAE] =	sst s1  }
0xa: {  	[smem:$0x3FAF] =	sst s2  }
0xb: {  	[smem:$0x3FB0] =	sst s3  }
0xc: {  	[smem:$0x3FB1] =	sst s4  }
0xd: {  	[smem:$0x3FB2] =	sst s5  }
0xe: {  	[smem:$0x3FB3] =	sst s6  }
0xf: {  	[smem:$0x3FB4] =	sst s7  }
0x10: {  	[smem:$0x3FB5] =	sst s8  }
0x11: {  	[smem:$0x3FB6] =	sst s9;
	s0 =	simm.s32 @!p0 $0x0  }
0x12: {  	s1 =	sld [smem:$0x3F9C];
	s0 =	simm.s32 @p0 $0x1  }
0x13: {  	[smem:$0x3FB7] =	sst s0;
	s0 =	simm.s32 @!p1 $0x0  }
0x14: {  	s2 =	sld [smem:$0x3F9B];
	s0 =	simm.s32 @p1 $0x1  }
0x15: {  	[smem:$0x3FB8] =	sst s0;
	s0 =	simm.s32 @!p2 $0x0  }
0x16: {  	s3 =	sld [smem:$0x3FDB];
	s0 =	simm.s32 @p2 $0x1  }
0x17: {  	s4 =	simm.s32 $0x1BF5;
	[smem:$0x3FBA] =	sst s0  }
0x18: {  	s0 =	sld [smem:$0x3F9D];
	_ =	swait.ge [sflag:s4], $0x0  }
0x19: {  	s7 =	sld [smem:$0x3F9E]  }
0x1a: {  	s8 =	sadd.s32 $0xFFFFE003, lr  }
0x1b: {  	s9 =	sadd.s32 $0xFFFFFEF7, lr;
	s5 =	simm.s32 $0xFFFFFFFF;
	p2 =	slt.u32 s8, $0xFFFFF086  }
0x1c: {  	p1 =	slt.u32 s9, $0xF7A;
	s5 =	simm.s32 @!p2 $0x0  }
0x1d: {  	s5 =	simm.s32 @p1 $0x1;
	p0 =	seq.s32 s7, s2  }
0x1e: {  	s7 =	smul.u32 @!p0 $0xF7A, s2;
	p2 =	seq.s32 @!p0 s5, $0x0  }
0x1f: {  	s9 =	smul.u32 $0xF7A, s1;
	s8 =	simm.s32 @!p0 $0x1BF5;
	p2 =	por !p2, p0  }
0x20: {  	[sflag:s8] =	ssyncset.s32 @!p0 $0xFFFFF086;
	s6 =	sadd.s32 @!p0 s3, s7;
	s7 =	simm.s32 @!p0 $0x108  }
0x21: {  	s3 =	sadd.s32 s3, s9;
	s6 =	sadd.s32 @!p0 $0x88, s6;
	s7 =	simm.s32 @p2 $0x1082  }
0x22: {  	[simem:s7], [sflag:s8] =	dma.local @!p0 [hbm:s6], $0xF7A  }
0x23: {  	s9 =	sor.u32 $0xD0000000, s2;
	s6 =	simm.s32 $0x108;
	_ =	swait.ge @!p0 [sflag:s8], $0x0  }
0x24: {  	s3 =	sadd.s32 $0x88, s3;
	s6 =	simm.s32 @!p1 $0x1082;
	[sflag:s4] =	ssyncset.s32 $0xFFFFF086  }
0x25: {  	[simem:s6], [sflag:s4] =	dma.local [hbm:s3], $0xF7A  }
0x26: {  	[smem:$0x3F9E] =	sst s1;
	(tag) =	ssettag s2;
	_ =	strace s9  }
0x27: {  	s1 =	sld [smem:$0x3FAE]  }
0x28: {  	s2 =	sld [smem:$0x3FAF]  }
0x29: {  	s4 =	sld [smem:$0x3FB1]  }
0x2a: {  	p0 =	seq.s32 s5, $0x0;
	s5 =	sld [smem:$0x3FB2]  }
0x2b: {  	s6 =	sld [smem:$0x3FB3]  }
0x2c: {  	s7 =	sld [smem:$0x3FB4]  }
0x2d: {  	s3 =	simm.s32 $0x108;
	s8 =	sld [smem:$0x3FB5]  }
0x2e: {  	s3 =	simm.s32 @!p0 $0x1082;
	s9 =	sld [smem:$0x3FB6]  }
0x2f: {  	lr =	sadd.s32 s0, s3;
	s0 =	sld [smem:$0x3FAD]  }
0x30: {  	s3 =	sld [smem:$0x3FB0]  }
0x31: {  	[smem:$0x3FB9] =	sst s10  }
0x32: {  	s10 =	sld [smem:$0x3FB7];
	_ =	sdelay $0x3  }
0x33: {  	p0 =	seq.s32 s10, $0x1;
	s10 =	sld [smem:$0x3FB9];
	_ =	sdelay $0x3  }
0x34: {  	[smem:$0x3FB9] =	sst s10  }
0x35: {  	s10 =	sld [smem:$0x3FB8];
	_ =	sdelay $0x3  }
0x36: {  	p1 =	seq.s32 s10, $0x1;
	s10 =	sld [smem:$0x3FB9];
	_ =	sdelay $0x3  }
0x37: {  	[smem:$0x3FB9] =	sst s10  }
0x38: {  	s10 =	sld [smem:$0x3FBA]  }
0x39: {  	_ = 	snop;
	(pc) =	sbr.ind lr, $3  }
0x3a: {  	_ = 	snop  }
0x3b: {  	_ = 	snop  }
0x3c: {  	p2 =	seq.s32 s10, $0x1;
	s10 =	sld [smem:$0x3FB9]  }
0x3d: {  	_ =	shalt  }
0x3e: {  	_ =	shalt  }
0x3f: {  	_ =	shalt  }
0x40: {  	_ =	shalt  }
0x41: {  	_ =	shalt  }
0x42: {  	_ =	shalt  }
0x43: {  	_ =	shalt  }
0x44: {  	_ =	shalt  }
0x45: {  	_ =	shalt  }
0x46: {  	_ =	shalt  }
0x47: {  	_ =	shalt  }
0x48: {  	_ =	shalt  }
0x49: {  	_ =	shalt  }
0x4a: {  	_ =	shalt  }
0x4b: {  	_ =	shalt  }
0x4c: {  	_ =	shalt  }
0x4d: {  	_ =	shalt  }
0x4e: {  	_ =	shalt  }
0x4f: {  	_ =	shalt  }
0x50: {  	_ =	shalt  }
0x51: {  	_ =	shalt  }
0x52: {  	_ =	shalt  }
0x53: {  	_ =	shalt  }
0x54: {  	_ =	shalt  }
0x55: {  	_ =	shalt  }
0x56: {  	_ =	shalt  }
0x57: {  	_ =	shalt  }
0x58: {  	_ =	shalt  }
0x59: {  	_ =	shalt  }
0x5a: {  	_ =	shalt  }
0x5b: {  	_ =	shalt  }
0x5c: {  	_ =	shalt  }
0x5d: {  	_ =	shalt  }
0x5e: {  	_ =	shalt  }
0x5f: {  	_ =	shalt  }
0x60: {  	_ =	shalt  }
0x61: {  	_ =	shalt  }
0x62: {  	_ =	shalt  }
0x63: {  	_ =	shalt  }
0x64: {  	_ =	shalt  }
0x65: {  	_ =	shalt  }
0x66: {  	_ =	shalt  }
0x67: {  	_ =	shalt  }
0x68: {  	_ =	shalt  }
0x69: {  	_ =	shalt  }
0x6a: {  	_ =	shalt  }
0x6b: {  	_ =	shalt  }
0x6c: {  	_ =	shalt  }
0x6d: {  	_ =	shalt  }
0x6e: {  	_ =	shalt  }
0x6f: {  	_ =	shalt  }
0x70: {  	_ =	shalt  }
0x71: {  	_ =	shalt  }
0x72: {  	_ =	shalt  }
0x73: {  	_ =	shalt  }
0x74: {  	_ =	shalt  }
0x75: {  	_ =	shalt  }
0x76: {  	_ =	shalt  }
0x77: {  	_ =	shalt  }
0x78: {  	_ =	shalt  }
0x79: {  	_ =	shalt  }
0x7a: {  	_ =	shalt  }
0x7b: {  	_ =	shalt  }
0x7c: {  	_ =	shalt  }
0x7d: {  	_ =	shalt  }
0x7e: {  	_ =	shalt  }
0x7f: {  	_ =	shalt  }
0x80: {  	_ =	shalt  }
0x81: {  	_ =	shalt  }
0x82: {  	_ =	shalt  }
0x83: {  	_ =	shalt  }
0x84: {  	_ =	shalt  }
0x85: {  	_ =	shalt  }
0x86: {  	_ =	shalt  }
0x87: {  	_ =	shalt  }
.Lfunc_end0:
.L_simem_size_0:
called_computation_lowered:
.L_overlay_start_0:
0x88: {  	s2 =	sld [smem:$0x3FD9]  }
0x89: {  	s3 =	sld [smem:$0x3FFE];
	_ =	sdelay $0x1  }
0x8a: {  	s1 =	srdreg.scid  }
0x8b: {  	s0 =	sand.u32 $0x1, s1  }
0x8c: {  	s17 =	sshll.u32 s0, $0xA;
	s2 =	sadd.s32 s3, s2  }
0x8d: {  	s2 =	sadd.s32 s2, s17  }
0x8e: {  	[smem:$0x3FC5] =	sst s2  }
0x8f: {  	_ = 	snop  }
0x90: {  	s2 =	sld [smem:$0x3FC8]  }
0x91: {  	s18 =	sld [smem:$0x3FD0];
	(tm) =	ssettm $0x1  }
0x92: {  	s4 =	sld [smem:$0x3FFB];
	_ =	sdelay $0x3  }
0x93: {  	_ =	strace s4  }
0x94: {  	s4 =	sld [smem:$0x3FFC];
	_ =	sdelay $0x3  }
0x95: {  	_ =	strace s4  }
0x96: {  	s4 =	sld [smem:$0x3FFD];
	_ =	sdelay $0x3  }
0x97: {  	_ =	strace s4  }
0x98: {  	_ =	strace $0x8FFFFFFF  }
0x99: {  	s19 =	sld [smem:$0x3FDB];
	_ =	sdelay $0x1  }
0x9a: {  	s5 =	simm.s32 $_scs_section_size  }
0x9b: {  	s6 =	simm.s32 $_size__tile_overlayer_lowered;
	s7 =	simm.s32 $_tile_overlayer_lowered  }
0x9c: {  	s22 =	simm.s32 $0x1BFF;
	s21 =	sshll.u32 s7, $0x1;
	s4 =	sadd.s32 s5, s19  }
0x9d: {  	s8 =	simm.s32 $0x0;
	s20 =	sshll.u32 s6, $0x1;
	s6 =	sadd.s32 s21, s4  }
0x9e: {  	[timem:s8], [sflag:s22] =	dma.local [hbm:s6], s20  }
0x9f: {  	_ =	swait.ge [sflag:s22], s20  }
0xa0: {  	s5 =	ssub.s32 $0x0, s20;
	[sflag:s22] =	ssyncset.done $0x0  }
0xa1: {  	[sflag:s22] =	ssyncadd.s32 s5;
	_ =	sdelay $0x1  }
0xa2: {  	s23 =	simm.s32 $0x1B8B  }
0xa3: {  	_ =	swait.ge [sflag:s23], $0x1  }
0xa4: {  	[sflag:s23] =	ssyncset.done $0x0  }
0xa5: {  	s25 =	simm.s32 $0x1B8E;
	s24 =	sld [smem:$0x3FFE];
	[sflag:s23] =	ssyncadd.s32 $0xFFFFFFFF  }
0xa6: {  	s26 =	simm.s32 $execute0_lowered;
	[smem:$0x3FD2] =	sst s25  }
0xa7: {  	s6 =	sshll.u32 s26, $0x1;
	_ =	strace $0x80000046;
	[dreg:$0x1] =	wrdreg $0xFFFFFFFF  }
0xa8: {  	s28 =	simm.s32 $_size_execute0_lowered;
	s4 =	sadd.s32 s4, s6;
	[dreg:$0x0] =	wrdreg $0x0  }
0xa9: {  	s6 =	sshll.u32 s28, $0x1;
	[dreg:$0x2] =	wrdreg s4  }
0xaa: {  	[dreg:$0x3] =	wrdreg s6  }
0xab: {  	[dreg:$0x4] =	wrdreg $0xC0  }
0xac: {  	_ =	task [dreg:s8], $0x5FFFF  }
0xad: {  	[dreg:$0x1] =	wrdreg $0xFFFFFFFF  }
0xae: {  	[dreg:$0x0] =	wrdreg $0x60  }
0xaf: {  	[dreg:$0x2] =	wrdreg s24  }
0xb0: {  	[dreg:$0x3] =	wrdreg s2  }
0xb1: {  	[dreg:$0x4] =	wrdreg s18  }
0xb2: {  	[dreg:$0x5] =	wrdreg $0x9  }
0xb3: {  	_ =	task.clear_ibuf [dreg:s8], $0x6FFFF;
	_ =	strace $0x90000046  }
0xb4: {  	s29 =	simm.s32 $0x9;
	_ =	strace $0x80000048  }
0xb5: {  	_ =	swait.ge [sflag:s29], $0x1  }
0xb6: {  	[sflag:s29] =	ssyncadd.s32 $0xFFFFFFFF  }
0xb7: {  	_ =	strace $0x90000048  }
0xb8: {  	_ =	sfence  }
0xb9: {  	s30 =	sld [smem:$0x0];
	_ =	sdelay $0x2  }
0xba: {  	s31 =	sshll.u32 s1, $0xD;
	s1 =	sshrl.u32 s1, $0x2  }
0xbb: {  	s3 =	sand.u32 $0x4000, s31;
	s1 =	sadd.s32 s1, s30  }
0xbc: {  	s0 =	sor.u32 s3, s0;
	s1 =	sshll.u32 s1, $0x11  }
0xbd: {  	s0 =	sor.u32 s1, s0  }
0xbe: {  	s0 =	sadd.s32 $0x8F2B, s0  }
0xbf: {  	[sflag:s0] =	ssyncadd.remote.s32 $0x1  }
0xc0: {  	_ =	sfence.sel $0xFFFF  }
0xc1: {  	[dreg:$0x0] =	wrdreg $0xFFFFFFFF;
	(pc) =	sbr.abs _section_cstart, $3  }
0xc2: {  	[dreg:$0x1] =	wrdreg $0xFFFFFFFF  }
0xc3: {  	_ =	task.clear_ibuf [dreg:s8], $0x2FFFF;
	_ =	strace $0x9FFFFFFF  }
0xc4: {  	(tm) =	ssettm $0x7FFFFFFF  }
0xc5: {  	_ =	shalt  }
tec
execute0_lowered:
.L_overlay_start_1:
0x0: {  	(tag) =	ssettag $0x1  }
0x1: {  	s0 =	rddreg [dreg:$0x0]  }
0x2: {  	s1 =	srdreg.scid;
	s11 =	stileid.u32  }
0x3: {  	s2 =	rddreg [dreg:$0x1];
	s1 =	sand.u32 $0x1, s1;
	s5 =	sshll.u32 s11, $0x1  }
0x4: {  	s3 =	rddreg [dreg:$0x2];
	s4 =	simm.s32 $0x0;
	s6 =	sor.u32 s1, s5  }
0x5: {  	[smem:$0x7FF] =	sst s4;
	s9 =	sshll.u32 s6, $0x4  }
0x6: {  	_ =	strace $0x80000047;
	s8 =	ssub.s32 $0x2, s1;
	s9 =	sadd.s32 s0, s9  }
0x7: {  	s10 =	sshrl.u32 s8, $0x1;
	s31 =	sadd.s32 $0x200, s9;
	[dreg:$0x4] =	wrdreg s9  }
0x8: {  	s30 =	ssub.s32 s8, s10;
	s10 =	sadd.s32 $0x400, s9;
	[dreg:$0x5] =	wrdreg s31  }
0x9: {  	s12 =	sadd.s32 $0x600, s9;
	[dreg:$0x6] =	wrdreg s10  }
0xa: {  	s13 =	sadd.s32 $0x800, s9;
	[dreg:$0x7] =	wrdreg s12  }
0xb: {  	s14 =	sadd.s32 $0xA00, s9;
	[dreg:$0x8] =	wrdreg s13  }
0xc: {  	s15 =	sadd.s32 $0xC00, s9;
	[dreg:$0x9] =	wrdreg s14  }
0xd: {  	s16 =	sadd.s32 $0xE00, s9;
	[dreg:$0xa] =	wrdreg s15  }
0xe: {  	s22 =	sshll.u32 s11, $0xF;
	s17 =	sadd.s32 $0x1000, s9;
	[dreg:$0xb] =	wrdreg s16  }
0xf: {  	s5 =	sadd.s32 $0x7200, s0;
	s18 =	sadd.s32 $0x1200, s9;
	[dreg:$0xc] =	wrdreg s17  }
0x10: {  	s1 =	sshll.u32 s1, $0xE;
	s19 =	sadd.s32 $0x1400, s9;
	[dreg:$0xd] =	wrdreg s18  }
0x11: {  	s7 =	smul.u32 $0x66, s6;
	s20 =	sadd.s32 $0x1600, s9;
	[dreg:$0xe] =	wrdreg s19  }
0x12: {  	s1 =	sor.u32 s1, s22;
	s21 =	sadd.s32 $0x1800, s9;
	[dreg:$0xf] =	wrdreg s20  }
0x13: {  	s7 =	sadd.s32 s7, s0;
	s0 =	smax.u32 s30, $0x1;
	[dreg:$0x10] =	wrdreg s21  }
0x14: {  	s24 =	sshrl.u32 s1, $0x3;
	s30 =	sor.u32 $0x200000, s1;
	[dreg:$0x13] =	wrdreg s0  }
0x15: {  	s26 =	sor.u32 $0x280000, s1;
	s1 =	sadd.s32 $0x1A00, s9;
	[dreg:$0x15] =	wrdreg s30  }
0x16: {  	s8 =	sadd.s32 $0x1E00, s9;
	[dreg:$0x17] =	wrdreg s1  }
0x17: {  	s11 =	sadd.s32 $0x2200, s9;
	[dreg:$0x19] =	wrdreg s8  }
0x18: {  	s22 =	sadd.s32 $0x3600, s9;
	[dreg:$0x1b] =	wrdreg s11  }
0x19: {  	s25 =	sadd.s32 s24, s3;
	s24 =	sadd.s32 $0x3A00, s9;
	[smem:$0x7E2] =	sst s22  }
0x1a: {  	s7 =	sadd.s32 $0x6400, s7;
	[smem:$0x7E4] =	sst s24  }
0x1b: {  	s23 =	sshll.u32 s6, $0xB;
	s0 =	sadd.s32 $0x30000, s25;
	[dreg:$0x11] =	wrdreg s7  }
0x1c: {  	s20 =	sshll.u32 s6, $0xE;
	s6 =	sadd.s32 $0x1C00, s9;
	[dreg:$0x14] =	wrdreg s0  }
0x1d: {  	s10 =	sadd.s32 $0x2000, s9;
	[dreg:$0x18] =	wrdreg s6  }
0x1e: {  	s12 =	sadd.s32 $0x2400, s9;
	[dreg:$0x1a] =	wrdreg s10  }
0x1f: {  	s13 =	sadd.s32 $0x2600, s9;
	[dreg:$0x1c] =	wrdreg s12  }
0x20: {  	s14 =	sadd.s32 $0x2800, s9;
	[dreg:$0x1d] =	wrdreg s13  }
0x21: {  	s15 =	sadd.s32 $0x2A00, s9;
	[dreg:$0x1e] =	wrdreg s14  }
0x22: {  	s16 =	sadd.s32 $0x2C00, s9;
	[dreg:$0x1f] =	wrdreg s15  }
0x23: {  	s17 =	sadd.s32 $0x2E00, s9;
	[smem:$0x7DD] =	sst s16  }
0x24: {  	s18 =	sadd.s32 $0x3000, s9;
	[smem:$0x7DE] =	sst s17  }
0x25: {  	s19 =	sadd.s32 $0x3200, s9;
	[smem:$0x7DF] =	sst s18  }
0x26: {  	s21 =	sadd.s32 $0x3400, s9;
	[smem:$0x7E0] =	sst s19  }
0x27: {  	s25 =	sadd.s32 $0x3C00, s9;
	[smem:$0x7E1] =	sst s21  }
0x28: {  	s31 =	sshrl.u32 s26, $0x3;
	s26 =	sadd.s32 $0x3E00, s9;
	[smem:$0x7E5] =	sst s25  }
0x29: {  	s30 =	sadd.s32 $0x4000, s9;
	[smem:$0x7E6] =	sst s26  }
0x2a: {  	s1 =	sadd.s32 $0x4400, s9;
	[smem:$0x7E7] =	sst s30  }
0x2b: {  	s8 =	sadd.s32 $0x4800, s9;
	[smem:$0x7E9] =	sst s1  }
0x2c: {  	s11 =	sadd.s32 $0x4C00, s9;
	[smem:$0x7EB] =	sst s8  }
0x2d: {  	s22 =	sadd.s32 $0x6000, s9;
	[smem:$0x7ED] =	sst s11  }
0x2e: {  	s0 =	sadd.s32 s31, s3;
	[smem:$0x7F7] =	sst s22  }
0x2f: {  	s7 =	sadd.s32 s3, s23;
	s23 =	sadd.s32 $0x3800, s9;
	[dreg:$0x16] =	wrdreg s0  }
0x30: {  	s31 =	sadd.s32 $0x4200, s9;
	[smem:$0x7E3] =	sst s23  }
0x31: {  	s6 =	sadd.s32 $0x4600, s9;
	[smem:$0x7E8] =	sst s31  }
0x32: {  	s10 =	sadd.s32 $0x4A00, s9;
	[smem:$0x7EA] =	sst s6  }
0x33: {  	s12 =	sadd.s32 $0x4E00, s9;
	[smem:$0x7EC] =	sst s10  }
0x34: {  	s13 =	sadd.s32 $0x5000, s9;
	[smem:$0x7EE] =	sst s12  }
0x35: {  	s14 =	sadd.s32 $0x5200, s9;
	[smem:$0x7EF] =	sst s13  }
0x36: {  	s15 =	sadd.s32 $0x5400, s9;
	[smem:$0x7F0] =	sst s14  }
0x37: {  	s16 =	sadd.s32 $0x5600, s9;
	[smem:$0x7F1] =	sst s15  }
0x38: {  	s28 =	simm.s32 $0x7;
	s17 =	sadd.s32 $0x5800, s9;
	[smem:$0x7F2] =	sst s16  }
0x39: {  	s29 =	simm.s32 $0x8;
	s18 =	sadd.s32 $0x5A00, s9;
	[smem:$0x7F3] =	sst s17  }
0x3a: {  	s19 =	sadd.s32 $0x5C00, s9;
	s21 =	sadd.s32 $0x5E00, s9;
	[smem:$0x7F4] =	sst s18  }
0x3b: {  	s1 =	simm.s32 $0x6000;
	s8 =	simm.s32 $0xE000;
	[smem:$0x7F5] =	sst s19  }
0x3c: {  	s11 =	simm.s32 $0x4;
	s22 =	simm.s32 $0x0;
	[smem:$0x7F6] =	sst s21  }
0x3d: {  	s23 =	sadd.s32 $0x6200, s9;
	s24 =	sadd.s32 $0x10000, s7;
	s25 =	sadd.s32 $0x2E0000, s7  }
0x3e: {  	s26 =	sadd.s32 $0x2F0000, s7;
	s30 =	sadd.s32 $0x300000, s7;
	[dreg:$0x12] =	wrdreg s7  }
0x3f: {  	s31 =	sadd.s32 $0x310000, s7;
	s0 =	simm.s32 $0x1;
	s7 =	simm.s32 $0xA000  }
0x40: {  	s9 =	simm.s32 $0x3;
	s10 =	simm.s32 $0x12000;
	[smem:$0x7F8] =	sst s23  }
.Ltmp0:
0x41: {  	s12 =	simm.s32 $0x5;
	[smem:$0x7F9] =	sst s24;
	(pc) =	sbr.rel .LBB2_1-.Ltmp0, $4  }
0x42: {  	s13 =	simm.s32 $0x6;
	s14 =	simm.s32 $0x9;
	[smem:$0x7FA] =	sst s25  }
0x43: {  	s15 =	simm.s32 $0xA;
	s16 =	simm.s32 $0xB;
	[smem:$0x7FB] =	sst s26  }
0x44: {  	s17 =	simm.s32 $0x1F80;
	s18 =	simm.s32 $0x2000;
	[smem:$0x7FC] =	sst s30  }
0x45: {  	v0 =	vimm.s32 $0x0;
	s19 =	simm.s32 $0x2;
	[smem:$0x7FD] =	sst s31;
	s26 =	simm.s32 $0x80  }
.LBB2_8:
0x46: {  	s22 =	sadd.s32 $0x1, s22;
	s6 =	rddreg [dreg:$0x13]  }
0x47: {  	p0 =	sne.s32 s22, s6  }
.Ltmp1:
0x48: {  	_ = 	snop;
	(pc) =	sbr.rel @!p0 .LBB2_9-.Ltmp1, $1  }
0x49: {  	_ =	sdelay $0x3  }
.LBB2_1:
0x4a: {  	s6 =	rddreg [dreg:$0x4]  }
0x4b: {  	[tilespmem:s4], [sflag:$0x1] =	stream.linear.gather [hbm4b:s6+s4], $0x80, $0x38;
	[tilespmem:$0x16000] =	vst v63  }
0x4c: {  	s21 =	rddreg [dreg:$0x5]  }
0x4d: {  	[tilespmem:s26], [sflag:$0x1] =	stream.linear.gather [hbm4b:s21+s4], $0x80, $0x38;
	[tilespmem:$0x16000] =	vst v63  }
0x4e: {  	s23 =	rddreg [dreg:$0x6];
	s21 =	simm.s32 $0x100  }
0x4f: {  	[tilespmem:s21], [sflag:$0x1] =	stream.linear.gather [hbm4b:s23+s4], $0x80, $0x38;
	[tilespmem:$0x16000] =	vst v63  }
0x50: {  	s24 =	rddreg [dreg:$0x7];
	s23 =	simm.s32 $0x180  }
0x51: {  	[tilespmem:s23], [sflag:$0x1] =	stream.linear.gather [hbm4b:s24+s4], $0x80, $0x38;
	[tilespmem:$0x16000] =	vst v63  }
0x52: {  	s25 =	rddreg [dreg:$0x8];
	s24 =	simm.s32 $0x200  }
0x53: {  	[tilespmem:s24], [sflag:$0x1] =	stream.linear.gather [hbm4b:s25+s4], $0x80, $0x38;
	[tilespmem:$0x16000] =	vst v63  }
0x54: {  	s24 =	rddreg [dreg:$0x9];
	s25 =	simm.s32 $0x280  }
0x55: {  	[tilespmem:s25], [sflag:$0x1] =	stream.linear.gather [hbm4b:s24+s4], $0x80, $0x38;
	[tilespmem:$0x16000] =	vst v63  }
0x56: {  	s24 =	rddreg [dreg:$0xa];
	s25 =	simm.s32 $0x300  }
0x57: {  	[tilespmem:s25], [sflag:$0x1] =	stream.linear.gather [hbm4b:s24+s4], $0x80, $0x38;
	[tilespmem:$0x16000] =	vst v63  }
0x58: {  	s24 =	rddreg [dreg:$0xb];
	s25 =	simm.s32 $0x380  }
0x59: {  	[tilespmem:s25], [sflag:$0x1] =	stream.linear.gather [hbm4b:s24+s4], $0x80, $0x38;
	[tilespmem:$0x16000] =	vst v63  }
0x5a: {  	s24 =	rddreg [dreg:$0xc];
	s25 =	simm.s32 $0x400  }
0x5b: {  	[tilespmem:s25], [sflag:$0x1] =	stream.linear.gather [hbm4b:s24+s4], $0x80, $0x38;
	[tilespmem:$0x16000] =	vst v63  }
0x5c: {  	s24 =	rddreg [dreg:$0xd];
	s25 =	simm.s32 $0x480  }
0x5d: {  	[tilespmem:s25], [sflag:$0x1] =	stream.linear.gather [hbm4b:s24+s4], $0x80, $0x38;
	[tilespmem:$0x16000] =	vst v63  }
0x5e: {  	s24 =	rddreg [dreg:$0xe];
	s25 =	simm.s32 $0x500  }
0x5f: {  	[tilespmem:s25], [sflag:$0x1] =	stream.linear.gather [hbm4b:s24+s4], $0x80, $0x38;
	[tilespmem:$0x16000] =	vst v63  }
0x60: {  	s24 =	rddreg [dreg:$0xf];
	s25 =	simm.s32 $0x580  }
0x61: {  	[tilespmem:s25], [sflag:$0x1] =	stream.linear.gather [hbm4b:s24+s4], $0x80, $0x38;
	[tilespmem:$0x16000] =	vst v63  }
0x62: {  	s24 =	rddreg [dreg:$0x10];
	s25 =	simm.s32 $0x600  }
0x63: {  	[tilespmem:s25], [sflag:$0x1] =	stream.linear.gather [hbm4b:s24+s4], $0x80, $0x38;
	[tilespmem:$0x16000] =	vst v63  }
0x64: {  	s24 =	rddreg [dreg:$0x17];
	s25 =	simm.s32 $0x680  }
0x65: {  	[tilespmem:s25], [sflag:$0x1] =	stream.linear.gather [hbm4b:s24+s4], $0x80, $0x38;
	[tilespmem:$0x16000] =	vst v63  }
0x66: {  	s24 =	rddreg [dreg:$0x18];
	s25 =	simm.s32 $0x700  }
0x67: {  	[tilespmem:s25], [sflag:$0x1] =	stream.linear.gather [hbm4b:s24+s4], $0x80, $0x38;
	[tilespmem:$0x16000] =	vst v63  }
0x68: {  	s24 =	rddreg [dreg:$0x19];
	s25 =	simm.s32 $0x780  }
0x69: {  	[tilespmem:s25], [sflag:$0x1] =	stream.linear.gather [hbm4b:s24+s4], $0x80, $0x38;
	[tilespmem:$0x16000] =	vst v63  }
0x6a: {  	s24 =	rddreg [dreg:$0x1a];
	s25 =	simm.s32 $0x800  }
0x6b: {  	[tilespmem:s25], [sflag:$0x1] =	stream.linear.gather [hbm4b:s24+s4], $0x80, $0x38;
	[tilespmem:$0x16000] =	vst v63  }
0x6c: {  	s24 =	rddreg [dreg:$0x1b];
	s25 =	simm.s32 $0x880  }
0x6d: {  	[tilespmem:s25], [sflag:$0x1] =	stream.linear.gather [hbm4b:s24+s4], $0x80, $0x38;
	[tilespmem:$0x16000] =	vst v63  }
0x6e: {  	s24 =	rddreg [dreg:$0x1c];
	s25 =	simm.s32 $0x900  }
0x6f: {  	[tilespmem:s25], [sflag:$0x1] =	stream.linear.gather [hbm4b:s24+s4], $0x80, $0x38;
	[tilespmem:$0x16000] =	vst v63  }
0x70: {  	s24 =	rddreg [dreg:$0x1d];
	s25 =	simm.s32 $0x980  }
0x71: {  	[tilespmem:s25], [sflag:$0x1] =	stream.linear.gather [hbm4b:s24+s4], $0x80, $0x38;
	[tilespmem:$0x16000] =	vst v63  }
0x72: {  	s24 =	rddreg [dreg:$0x1e];
	s25 =	simm.s32 $0xA00  }
0x73: {  	[tilespmem:s25], [sflag:$0x1] =	stream.linear.gather [hbm4b:s24+s4], $0x80, $0x38;
	[tilespmem:$0x16000] =	vst v63  }
0x74: {  	s24 =	rddreg [dreg:$0x1f];
	s25 =	simm.s32 $0xA80  }
0x75: {  	[tilespmem:s25], [sflag:$0x1] =	stream.linear.gather [hbm4b:s24+s4], $0x80, $0x38;
	[tilespmem:$0x16000] =	vst v63  }
0x76: {  	s24 =	sld [smem:$0x7DD];
	_ =	sdelay $0x1  }
0x77: {  	s25 =	simm.s32 $0xB00  }
0x78: {  	[tilespmem:s25], [sflag:$0x1] =	stream.linear.gather [hbm4b:s24+s4], $0x80, $0x38;
	[tilespmem:$0x16000] =	vst v63  }
0x79: {  	s24 =	sld [smem:$0x7DE];
	_ =	sdelay $0x1  }
0x7a: {  	s25 =	simm.s32 $0xB80  }
0x7b: {  	[tilespmem:s25], [sflag:$0x1] =	stream.linear.gather [hbm4b:s24+s4], $0x80, $0x38;
	[tilespmem:$0x16000] =	vst v63  }
0x7c: {  	s24 =	sld [smem:$0x7DF];
	_ =	sdelay $0x1  }
0x7d: {  	s25 =	simm.s32 $0xC00  }
0x7e: {  	[tilespmem:s25], [sflag:$0x1] =	stream.linear.gather [hbm4b:s24+s4], $0x80, $0x38;
	[tilespmem:$0x16000] =	vst v63  }
0x7f: {  	s24 =	sld [smem:$0x7E0];
	_ =	sdelay $0x1  }
0x80: {  	s25 =	simm.s32 $0xC80  }
0x81: {  	[tilespmem:s25], [sflag:$0x1] =	stream.linear.gather [hbm4b:s24+s4], $0x80, $0x38;
	[tilespmem:$0x16000] =	vst v63  }
0x82: {  	s24 =	sld [smem:$0x7E1];
	_ =	sdelay $0x1  }
0x83: {  	s25 =	simm.s32 $0xD00  }
0x84: {  	[tilespmem:s25], [sflag:$0x1] =	stream.linear.gather [hbm4b:s24+s4], $0x80, $0x38;
	[tilespmem:$0x16000] =	vst v63  }
0x85: {  	s24 =	sld [smem:$0x7E2];
	_ =	sdelay $0x1  }
0x86: {  	s25 =	simm.s32 $0xD80  }
0x87: {  	[tilespmem:s25], [sflag:$0x1] =	stream.linear.gather [hbm4b:s24+s4], $0x80, $0x38;
	[tilespmem:$0x16000] =	vst v63  }
0x88: {  	s24 =	sld [smem:$0x7E3];
	_ =	sdelay $0x1  }
0x89: {  	s25 =	simm.s32 $0xE00  }
0x8a: {  	[tilespmem:s25], [sflag:$0x1] =	stream.linear.gather [hbm4b:s24+s4], $0x80, $0x38;
	[tilespmem:$0x16000] =	vst v63  }
0x8b: {  	s24 =	sld [smem:$0x7E4];
	_ =	sdelay $0x1  }
0x8c: {  	s25 =	simm.s32 $0xE80  }
0x8d: {  	[tilespmem:s25], [sflag:$0x1] =	stream.linear.gather [hbm4b:s24+s4], $0x80, $0x38;
	[tilespmem:$0x16000] =	vst v63  }
0x8e: {  	s24 =	sld [smem:$0x7E5];
	_ =	sdelay $0x1  }
0x8f: {  	s25 =	simm.s32 $0xF00  }
0x90: {  	[tilespmem:s25], [sflag:$0x1] =	stream.linear.gather [hbm4b:s24+s4], $0x80, $0x38;
	[tilespmem:$0x16000] =	vst v63  }
0x91: {  	s24 =	sld [smem:$0x7E6];
	_ =	sdelay $0x1  }
0x92: {  	s25 =	simm.s32 $0xF80  }
0x93: {  	[tilespmem:s25], [sflag:$0x1] =	stream.linear.gather [hbm4b:s24+s4], $0x80, $0x38;
	[tilespmem:$0x16000] =	vst v63  }
0x94: {  	s24 =	sld [smem:$0x7E7];
	_ =	sdelay $0x1  }
0x95: {  	s25 =	simm.s32 $0x1000  }
0x96: {  	[tilespmem:s25], [sflag:$0x1] =	stream.linear.gather [hbm4b:s24+s4], $0x80, $0x38;
	[tilespmem:$0x16000] =	vst v63  }
0x97: {  	s24 =	sld [smem:$0x7E8];
	_ =	sdelay $0x1  }
0x98: {  	s25 =	simm.s32 $0x1080  }
0x99: {  	[tilespmem:s25], [sflag:$0x1] =	stream.linear.gather [hbm4b:s24+s4], $0x80, $0x38;
	[tilespmem:$0x16000] =	vst v63  }
0x9a: {  	s24 =	sld [smem:$0x7E9];
	_ =	sdelay $0x1  }
0x9b: {  	s25 =	simm.s32 $0x1100  }
0x9c: {  	[tilespmem:s25], [sflag:$0x1] =	stream.linear.gather [hbm4b:s24+s4], $0x80, $0x38;
	[tilespmem:$0x16000] =	vst v63  }
0x9d: {  	s24 =	sld [smem:$0x7EA];
	_ =	sdelay $0x1  }
0x9e: {  	s25 =	simm.s32 $0x1180  }
0x9f: {  	[tilespmem:s25], [sflag:$0x1] =	stream.linear.gather [hbm4b:s24+s4], $0x80, $0x38;
	[tilespmem:$0x16000] =	vst v63  }
0xa0: {  	s24 =	sld [smem:$0x7EB];
	_ =	sdelay $0x1  }
0xa1: {  	s25 =	simm.s32 $0x1200  }
0xa2: {  	[tilespmem:s25], [sflag:$0x1] =	stream.linear.gather [hbm4b:s24+s4], $0x80, $0x38;
	[tilespmem:$0x16000] =	vst v63  }
0xa3: {  	s24 =	sld [smem:$0x7EC];
	_ =	sdelay $0x1  }
0xa4: {  	s25 =	simm.s32 $0x1280  }
0xa5: {  	[tilespmem:s25], [sflag:$0x1] =	stream.linear.gather [hbm4b:s24+s4], $0x80, $0x38;
	[tilespmem:$0x16000] =	vst v63  }
0xa6: {  	s24 =	sld [smem:$0x7ED];
	_ =	sdelay $0x1  }
0xa7: {  	s25 =	simm.s32 $0x1300  }
0xa8: {  	[tilespmem:s25], [sflag:$0x1] =	stream.linear.gather [hbm4b:s24+s4], $0x80, $0x38;
	[tilespmem:$0x16000] =	vst v63  }
0xa9: {  	s24 =	sld [smem:$0x7EE];
	_ =	sdelay $0x1  }
0xaa: {  	s25 =	simm.s32 $0x1380  }
0xab: {  	[tilespmem:s25], [sflag:$0x1] =	stream.linear.gather [hbm4b:s24+s4], $0x80, $0x38;
	[tilespmem:$0x16000] =	vst v63  }
0xac: {  	s24 =	sld [smem:$0x7EF];
	_ =	sdelay $0x1  }
0xad: {  	s25 =	simm.s32 $0x1400  }
0xae: {  	[tilespmem:s25], [sflag:$0x1] =	stream.linear.gather [hbm4b:s24+s4], $0x80, $0x38;
	[tilespmem:$0x16000] =	vst v63  }
0xaf: {  	s24 =	sld [smem:$0x7F0];
	_ =	sdelay $0x1  }
0xb0: {  	s25 =	simm.s32 $0x1480  }
0xb1: {  	[tilespmem:s25], [sflag:$0x1] =	stream.linear.gather [hbm4b:s24+s4], $0x80, $0x38;
	[tilespmem:$0x16000] =	vst v63  }
0xb2: {  	s24 =	sld [smem:$0x7F1];
	_ =	sdelay $0x1  }
0xb3: {  	s25 =	simm.s32 $0x1500  }
0xb4: {  	[tilespmem:s25], [sflag:$0x1] =	stream.linear.gather [hbm4b:s24+s4], $0x80, $0x38;
	[tilespmem:$0x16000] =	vst v63  }
0xb5: {  	s24 =	sld [smem:$0x7F2];
	_ =	sdelay $0x1  }
0xb6: {  	s25 =	simm.s32 $0x1580  }
0xb7: {  	[tilespmem:s25], [sflag:$0x1] =	stream.linear.gather [hbm4b:s24+s4], $0x80, $0x38;
	[tilespmem:$0x16000] =	vst v63  }
0xb8: {  	s24 =	sld [smem:$0x7F3];
	_ =	sdelay $0x1  }
0xb9: {  	s25 =	simm.s32 $0x1600  }
0xba: {  	[tilespmem:s25], [sflag:$0x1] =	stream.linear.gather [hbm4b:s24+s4], $0x80, $0x38;
	[tilespmem:$0x16000] =	vst v63  }
0xbb: {  	s24 =	sld [smem:$0x7F4];
	_ =	sdelay $0x1  }
0xbc: {  	s25 =	simm.s32 $0x1680  }
0xbd: {  	[tilespmem:s25], [sflag:$0x1] =	stream.linear.gather [hbm4b:s24+s4], $0x80, $0x38;
	[tilespmem:$0x16000] =	vst v63  }
0xbe: {  	s24 =	sld [smem:$0x7F5];
	_ =	sdelay $0x1  }
0xbf: {  	s25 =	simm.s32 $0x1700  }
0xc0: {  	[tilespmem:s25], [sflag:$0x1] =	stream.linear.gather [hbm4b:s24+s4], $0x80, $0x38;
	[tilespmem:$0x16000] =	vst v63  }
0xc1: {  	s24 =	sld [smem:$0x7F6];
	_ =	sdelay $0x1  }
0xc2: {  	s25 =	simm.s32 $0x1780  }
0xc3: {  	[tilespmem:s25], [sflag:$0x1] =	stream.linear.gather [hbm4b:s24+s4], $0x80, $0x38;
	[tilespmem:$0x16000] =	vst v63  }
0xc4: {  	s24 =	sld [smem:$0x7F7];
	_ =	sdelay $0x1  }
0xc5: {  	s25 =	simm.s32 $0x1800  }
0xc6: {  	[tilespmem:s25], [sflag:$0x1] =	stream.linear.gather [hbm4b:s24+s4], $0x80, $0x38;
	[tilespmem:$0x16000] =	vst v63  }
0xc7: {  	s24 =	sld [smem:$0x7F8];
	_ =	sdelay $0x1  }
0xc8: {  	s25 =	simm.s32 $0x1880  }
0xc9: {  	[tilespmem:s25], [sflag:$0x1] =	stream.linear.gather [hbm4b:s24+s4], $0x80, $0x38;
	[tilespmem:$0x16000] =	vst v63  }
0xca: {  	s24 =	rddreg [dreg:$0x11];
	s25 =	simm.s32 $0x1C00  }
0xcb: {  	[tilespmem:s25], [sflag:$0x1] =	stream.linear.gather [hbm4b:s24+s4], $0x330, $0x38;
	[tilespmem:$0x16000] =	vst v63  }
0xcc: {  	_ =	swait.ge [sflag:s0], $0x80  }
0xcd: {  	[sflag:s0] =	ssyncset.done $0x0  }
0xce: {  	[sflag:s0] =	ssyncadd.s32 $0xFFFFFF80  }
0xcf: {  	_ =	swait.ge [sflag:s0], $0x80  }
0xd0: {  	[sflag:s0] =	ssyncset.done $0x0  }
0xd1: {  	[sflag:s0] =	ssyncadd.s32 $0xFFFFFF80  }
0xd2: {  	_ =	swait.ge [sflag:s0], $0x80  }
0xd3: {  	[sflag:s0] =	ssyncset.done $0x0  }
0xd4: {  	[sflag:s0] =	ssyncadd.s32 $0xFFFFFF80  }
0xd5: {  	_ =	swait.ge [sflag:s0], $0x80  }
0xd6: {  	[sflag:s0] =	ssyncset.done $0x0  }
0xd7: {  	[sflag:s0] =	ssyncadd.s32 $0xFFFFFF80  }
0xd8: {  	_ =	swait.ge [sflag:s0], $0x80  }
0xd9: {  	[sflag:s0] =	ssyncset.done $0x0  }
0xda: {  	[sflag:s0] =	ssyncadd.s32 $0xFFFFFF80  }
0xdb: {  	_ =	swait.ge [sflag:s0], $0x80  }
0xdc: {  	[sflag:s0] =	ssyncset.done $0x0  }
0xdd: {  	[sflag:s0] =	ssyncadd.s32 $0xFFFFFF80  }
0xde: {  	_ =	swait.ge [sflag:s0], $0x80  }
0xdf: {  	[sflag:s0] =	ssyncset.done $0x0  }
0xe0: {  	[sflag:s0] =	ssyncadd.s32 $0xFFFFFF80  }
0xe1: {  	_ =	swait.ge [sflag:s0], $0x80  }
0xe2: {  	[sflag:s0] =	ssyncset.done $0x0  }
0xe3: {  	[sflag:s0] =	ssyncadd.s32 $0xFFFFFF80  }
0xe4: {  	_ =	swait.ge [sflag:s0], $0x80  }
0xe5: {  	[sflag:s0] =	ssyncset.done $0x0  }
0xe6: {  	[sflag:s0] =	ssyncadd.s32 $0xFFFFFF80  }
0xe7: {  	_ =	swait.ge [sflag:s0], $0x80  }
0xe8: {  	[sflag:s0] =	ssyncset.done $0x0  }
0xe9: {  	[sflag:s0] =	ssyncadd.s32 $0xFFFFFF80  }
0xea: {  	_ =	swait.ge [sflag:s0], $0x80  }
0xeb: {  	[sflag:s0] =	ssyncset.done $0x0  }
0xec: {  	[sflag:s0] =	ssyncadd.s32 $0xFFFFFF80  }
0xed: {  	_ =	swait.ge [sflag:s0], $0x80  }
0xee: {  	[sflag:s0] =	ssyncset.done $0x0  }
0xef: {  	[sflag:s0] =	ssyncadd.s32 $0xFFFFFF80  }
0xf0: {  	_ =	swait.ge [sflag:s0], $0x80  }
0xf1: {  	[sflag:s0] =	ssyncset.done $0x0  }
0xf2: {  	[sflag:s0] =	ssyncadd.s32 $0xFFFFFF80  }
0xf3: {  	_ =	swait.ge [sflag:s0], $0x80  }
0xf4: {  	[sflag:s0] =	ssyncset.done $0x0  }
0xf5: {  	[sflag:s0] =	ssyncadd.s32 $0xFFFFFF80  }
0xf6: {  	_ =	swait.ge [sflag:s0], $0x80  }
0xf7: {  	[sflag:s0] =	ssyncset.done $0x0  }
0xf8: {  	[sflag:s0] =	ssyncadd.s32 $0xFFFFFF80  }
0xf9: {  	_ =	swait.ge [sflag:s0], $0x80  }
0xfa: {  	[sflag:s0] =	ssyncset.done $0x0  }
0xfb: {  	[sflag:s0] =	ssyncadd.s32 $0xFFFFFF80  }
0xfc: {  	_ =	swait.ge [sflag:s0], $0x80  }
0xfd: {  	[sflag:s0] =	ssyncset.done $0x0  }
0xfe: {  	[sflag:s0] =	ssyncadd.s32 $0xFFFFFF80  }
0xff: {  	_ =	swait.ge [sflag:s0], $0x80  }
0x100: {  	[sflag:s0] =	ssyncset.done $0x0  }
0x101: {  	[sflag:s0] =	ssyncadd.s32 $0xFFFFFF80  }
0x102: {  	_ =	swait.ge [sflag:s0], $0x80  }
0x103: {  	[sflag:s0] =	ssyncset.done $0x0  }
0x104: {  	[sflag:s0] =	ssyncadd.s32 $0xFFFFFF80  }
0x105: {  	_ =	swait.ge [sflag:s0], $0x80  }
0x106: {  	[sflag:s0] =	ssyncset.done $0x0  }
0x107: {  	[sflag:s0] =	ssyncadd.s32 $0xFFFFFF80  }
0x108: {  	_ =	swait.ge [sflag:s0], $0x80  }
0x109: {  	[sflag:s0] =	ssyncset.done $0x0  }
0x10a: {  	[sflag:s0] =	ssyncadd.s32 $0xFFFFFF80  }
0x10b: {  	_ =	swait.ge [sflag:s0], $0x80  }
0x10c: {  	[sflag:s0] =	ssyncset.done $0x0  }
0x10d: {  	[sflag:s0] =	ssyncadd.s32 $0xFFFFFF80  }
0x10e: {  	_ =	swait.ge [sflag:s0], $0x80  }
0x10f: {  	[sflag:s0] =	ssyncset.done $0x0  }
0x110: {  	[sflag:s0] =	ssyncadd.s32 $0xFFFFFF80  }
0x111: {  	_ =	swait.ge [sflag:s0], $0x80  }
0x112: {  	[sflag:s0] =	ssyncset.done $0x0  }
0x113: {  	[sflag:s0] =	ssyncadd.s32 $0xFFFFFF80  }
0x114: {  	_ =	swait.ge [sflag:s0], $0x80  }
0x115: {  	[sflag:s0] =	ssyncset.done $0x0  }
0x116: {  	[sflag:s0] =	ssyncadd.s32 $0xFFFFFF80  }
0x117: {  	_ =	swait.ge [sflag:s0], $0x80  }
0x118: {  	[sflag:s0] =	ssyncset.done $0x0  }
0x119: {  	[sflag:s0] =	ssyncadd.s32 $0xFFFFFF80  }
0x11a: {  	_ =	swait.ge [sflag:s0], $0x80  }
0x11b: {  	[sflag:s0] =	ssyncset.done $0x0  }
0x11c: {  	[sflag:s0] =	ssyncadd.s32 $0xFFFFFF80  }
0x11d: {  	_ =	swait.ge [sflag:s0], $0x80  }
0x11e: {  	[sflag:s0] =	ssyncset.done $0x0  }
0x11f: {  	[sflag:s0] =	ssyncadd.s32 $0xFFFFFF80  }
0x120: {  	_ =	swait.ge [sflag:s0], $0x80  }
0x121: {  	[sflag:s0] =	ssyncset.done $0x0  }
0x122: {  	[sflag:s0] =	ssyncadd.s32 $0xFFFFFF80  }
0x123: {  	_ =	swait.ge [sflag:s0], $0x80  }
0x124: {  	[sflag:s0] =	ssyncset.done $0x0  }
0x125: {  	[sflag:s0] =	ssyncadd.s32 $0xFFFFFF80  }
0x126: {  	_ =	swait.ge [sflag:s0], $0x80  }
0x127: {  	[sflag:s0] =	ssyncset.done $0x0  }
0x128: {  	[sflag:s0] =	ssyncadd.s32 $0xFFFFFF80  }
0x129: {  	_ =	swait.ge [sflag:s0], $0x80  }
0x12a: {  	[sflag:s0] =	ssyncset.done $0x0  }
0x12b: {  	[sflag:s0] =	ssyncadd.s32 $0xFFFFFF80  }
0x12c: {  	_ =	swait.ge [sflag:s0], $0x80  }
0x12d: {  	[sflag:s0] =	ssyncset.done $0x0  }
0x12e: {  	[sflag:s0] =	ssyncadd.s32 $0xFFFFFF80  }
0x12f: {  	_ =	swait.ge [sflag:s0], $0x80  }
0x130: {  	[sflag:s0] =	ssyncset.done $0x0  }
0x131: {  	[sflag:s0] =	ssyncadd.s32 $0xFFFFFF80  }
0x132: {  	_ =	swait.ge [sflag:s0], $0x80  }
0x133: {  	[sflag:s0] =	ssyncset.done $0x0  }
0x134: {  	[sflag:s0] =	ssyncadd.s32 $0xFFFFFF80  }
0x135: {  	_ =	swait.ge [sflag:s0], $0x80  }
0x136: {  	[sflag:s0] =	ssyncset.done $0x0  }
0x137: {  	[sflag:s0] =	ssyncadd.s32 $0xFFFFFF80  }
0x138: {  	_ =	swait.ge [sflag:s0], $0x80  }
0x139: {  	[sflag:s0] =	ssyncset.done $0x0  }
0x13a: {  	[sflag:s0] =	ssyncadd.s32 $0xFFFFFF80  }
0x13b: {  	_ =	swait.ge [sflag:s0], $0x80  }
0x13c: {  	[sflag:s0] =	ssyncset.done $0x0  }
0x13d: {  	[sflag:s0] =	ssyncadd.s32 $0xFFFFFF80  }
0x13e: {  	_ =	swait.ge [sflag:s0], $0x80  }
0x13f: {  	[sflag:s0] =	ssyncset.done $0x0  }
0x140: {  	[sflag:s0] =	ssyncadd.s32 $0xFFFFFF80  }
0x141: {  	_ =	swait.ge [sflag:s0], $0x80  }
0x142: {  	[sflag:s0] =	ssyncset.done $0x0  }
0x143: {  	[sflag:s0] =	ssyncadd.s32 $0xFFFFFF80  }
0x144: {  	_ =	swait.ge [sflag:s0], $0x80  }
0x145: {  	[sflag:s0] =	ssyncset.done $0x0  }
0x146: {  	[sflag:s0] =	ssyncadd.s32 $0xFFFFFF80  }
0x147: {  	_ =	swait.ge [sflag:s0], $0x80  }
0x148: {  	[sflag:s0] =	ssyncset.done $0x0  }
0x149: {  	[sflag:s0] =	ssyncadd.s32 $0xFFFFFF80  }
0x14a: {  	_ =	swait.ge [sflag:s0], $0x80  }
0x14b: {  	[sflag:s0] =	ssyncset.done $0x0  }
0x14c: {  	[sflag:s0] =	ssyncadd.s32 $0xFFFFFF80  }
0x14d: {  	_ =	swait.ge [sflag:s0], $0x80  }
0x14e: {  	[sflag:s0] =	ssyncset.done $0x0  }
0x14f: {  	[sflag:s0] =	ssyncadd.s32 $0xFFFFFF80  }
0x150: {  	_ =	swait.ge [sflag:s0], $0x80  }
0x151: {  	[sflag:s0] =	ssyncset.done $0x0  }
0x152: {  	[sflag:s0] =	ssyncadd.s32 $0xFFFFFF80  }
0x153: {  	_ =	swait.ge [sflag:s0], $0x80  }
0x154: {  	[sflag:s0] =	ssyncset.done $0x0  }
0x155: {  	[sflag:s0] =	ssyncadd.s32 $0xFFFFFF80  }
0x156: {  	_ =	swait.ge [sflag:s0], $0x80  }
0x157: {  	[sflag:s0] =	ssyncset.done $0x0  }
0x158: {  	[sflag:s0] =	ssyncadd.s32 $0xFFFFFF80  }
0x159: {  	_ =	swait.ge [sflag:s0], $0x80  }
0x15a: {  	[sflag:s0] =	ssyncset.done $0x0  }
0x15b: {  	[sflag:s0] =	ssyncadd.s32 $0xFFFFFF80  }
0x15c: {  	_ =	swait.ge [sflag:s0], $0x80  }
0x15d: {  	[sflag:s0] =	ssyncset.done $0x0  }
0x15e: {  	[sflag:s0] =	ssyncadd.s32 $0xFFFFFF80  }
0x15f: {  	_ =	swait.ge [sflag:s0], $0x80  }
0x160: {  	[sflag:s0] =	ssyncset.done $0x0  }
0x161: {  	[sflag:s0] =	ssyncadd.s32 $0xFFFFFF80  }
0x162: {  	_ =	swait.ge [sflag:s0], $0x330  }
0x163: {  	[sflag:s0] =	ssyncset.done $0x0  }
0x164: {  	[sflag:s0] =	ssyncadd.s32 $0xFFFFFCD0  }
0x165: {  	[tilespmem:s1], [sflag:$0x3] =	stream.indirect.gather [hbm4b:s2+s26], $0x80, s4, s26, $0xb8;
	[tilespmem:$0x16000] =	vst v63  }
0x166: {  	_ = 	snop  }
0x167: {  	[tilespmem:s7], [sflag:$0x4] =	stream.indirect.gather [hbm4b:s2+s26], $0x80, s26, s26, $0xb8;
	[tilespmem:$0x16000] =	vst v63  }
0x168: {  	_ = 	snop  }
0x169: {  	[tilespmem:s8], [sflag:$0x5] =	stream.indirect.gather [hbm4b:s2+s26], $0x80, s21, s26, $0xb8;
	[tilespmem:$0x16000] =	vst v63  }
0x16a: {  	_ =	swait.ge [sflag:s9], $0x4000  }
0x16b: {  	[sflag:s9] =	ssyncset.done $0x0  }
0x16c: {  	s25 =	rddreg [dreg:$0x12];
	[sflag:s9] =	ssyncadd.s32 $0xFFFFC000  }
0x16d: {  	[hbm4b:s25+s4] =	stream.linear.scatter [tilespmem:s1], [sflag:$0x7], $0x4000, $0x38;
	[tilespmem:$0x16000] =	vst v63  }
0x16e: {  	_ = 	snop  }
0x16f: {  	[tilespmem:s10], [sflag:$0x6] =	stream.indirect.gather [hbm4b:s2+s26], $0x80, s23, s26, $0xb8;
	[tilespmem:$0x16000] =	vst v63  }
0x170: {  	_ =	swait.ge [sflag:s11], $0x4000  }
0x171: {  	s21 =	sld [smem:$0x7F9]  }
0x172: {  	[sflag:s11] =	ssyncset.done $0x0  }
0x173: {  	[sflag:s11] =	ssyncadd.s32 $0xFFFFC000  }
0x174: {  	[hbm4b:s21+s4] =	stream.linear.scatter [tilespmem:s7], [sflag:$0x8], $0x4000, $0x38;
	[tilespmem:$0x16000] =	vst v63  }
0x175: {  	_ =	swait.ge [sflag:s28], $0x4000  }
0x176: {  	[sflag:s28] =	ssyncset.done $0x0  }
0x177: {  	s23 =	simm.s32 $0x200;
	[sflag:s28] =	ssyncadd.s32 $0xFFFFC000  }
0x178: {  	[tilespmem:s1], [sflag:$0x3] =	stream.indirect.gather [hbm4b:s2+s26], $0x80, s23, s26, $0xb8;
	[tilespmem:$0x16000] =	vst v63  }
0x179: {  	_ =	swait.ge [sflag:s12], $0x4000  }
0x17a: {  	[sflag:s12] =	ssyncset.done $0x0;
	s23 =	rddreg [dreg:$0x14]  }
0x17b: {  	[sflag:s12] =	ssyncadd.s32 $0xFFFFC000;
	s24 =	sadd.s32 $0xFFFF0000, s23  }
0x17c: {  	[hbm4b:s24+s4] =	stream.linear.scatter [tilespmem:s8], [sflag:$0x9], $0x4000, $0x38;
	[tilespmem:$0x16000] =	vst v63  }
0x17d: {  	_ =	swait.ge [sflag:s29], $0x4000  }
0x17e: {  	[sflag:s29] =	ssyncset.done $0x0  }
0x17f: {  	s25 =	simm.s32 $0x280;
	[sflag:s29] =	ssyncadd.s32 $0xFFFFC000  }
0x180: {  	[tilespmem:s7], [sflag:$0x4] =	stream.indirect.gather [hbm4b:s2+s26], $0x80, s25, s26, $0xb8;
	[tilespmem:$0x16000] =	vst v63  }
0x181: {  	_ =	swait.ge [sflag:s13], $0x4000  }
0x182: {  	[sflag:s13] =	ssyncset.done $0x0  }
0x183: {  	[sflag:s13] =	ssyncadd.s32 $0xFFFFC000  }
0x184: {  	[hbm4b:s23+s4] =	stream.linear.scatter [tilespmem:s10], [sflag:$0xA], $0x4000, $0x38;
	[tilespmem:$0x16000] =	vst v63  }
0x185: {  	_ =	swait.ge [sflag:s14], $0x4000  }
0x186: {  	[sflag:s14] =	ssyncset.done $0x0  }
0x187: {  	s21 =	simm.s32 $0x300;
	[sflag:s14] =	ssyncadd.s32 $0xFFFFC000  }
0x188: {  	[tilespmem:s8], [sflag:$0x5] =	stream.indirect.gather [hbm4b:s2+s26], $0x80, s21, s26, $0xb8;
	[tilespmem:$0x16000] =	vst v63  }
0x189: {  	_ =	swait.ge [sflag:s9], $0x4000  }
0x18a: {  	s30 =	rddreg [dreg:$0x15]  }
0x18b: {  	[sflag:s9] =	ssyncset.done $0x0;
	s24 =	sshrl.u32 s30, $0x3  }
0x18c: {  	[sflag:s9] =	ssyncadd.s32 $0xFFFFC000;
	s6 =	sadd.s32 s3, s24  }
0x18d: {  	[hbm4b:s6+s4] =	stream.linear.scatter [tilespmem:s1], [sflag:$0x7], $0x4000, $0x38;
	[tilespmem:$0x16000] =	vst v63  }
0x18e: {  	_ =	swait.ge [sflag:s15], $0x4000  }
0x18f: {  	[sflag:s15] =	ssyncset.done $0x0  }
0x190: {  	s25 =	simm.s32 $0x380;
	[sflag:s15] =	ssyncadd.s32 $0xFFFFC000  }
0x191: {  	[tilespmem:s10], [sflag:$0x6] =	stream.indirect.gather [hbm4b:s2+s26], $0x80, s25, s26, $0xb8;
	[tilespmem:$0x16000] =	vst v63  }
0x192: {  	s21 =	simm.s32 $0x800;
	_ =	swait.ge [sflag:s11], $0x4000  }
0x193: {  	s30 =	sadd.s32 $0x200000, s30;
	[sflag:s11] =	ssyncset.done $0x0;
	s31 =	rddreg [dreg:$0x16]  }
0x194: {  	s25 =	sadd.s32 $0x40000, s23;
	s24 =	sadd.s32 $0x40000, s31;
	[sflag:s11] =	ssyncadd.s32 $0xFFFFC000  }
.LBB2_2:
0x195: {  	[hbm4b:s31+s4] =	stream.linear.scatter [tilespmem:s7], [sflag:$0x8], $0x4000, $0x38;
	[tilespmem:$0x16000] =	vst v63  }
0x196: {  	s6 =	smov.u32 s21;
	s31 =	smov.u32 s24  }
0x197: {  	p0 =	sne.s32 s21, $0x5000;
	s21 =	sadd.s32 $0x800, s21;
	_ =	swait.ge [sflag:s28], $0x4000  }
0x198: {  	s6 =	sshra.s32 s6, $0x2;
	[sflag:s28] =	ssyncset.done $0x0  }
0x199: {  	s23 =	sadd.s32 $0x200, s6;
	[sflag:s28] =	ssyncadd.s32 $0xFFFFC000  }
0x19a: {  	[tilespmem:s1], [sflag:$0x3] =	stream.indirect.gather [hbm4b:s2+s26], $0x80, s23, s26, $0xb8;
	[tilespmem:$0x16000] =	vst v63  }
0x19b: {  	_ =	swait.ge [sflag:s12], $0x4000  }
0x19c: {  	[sflag:s12] =	ssyncset.done $0x0  }
0x19d: {  	s23 =	sadd.s32 $0xFFFF0000, s25;
	[sflag:s12] =	ssyncadd.s32 $0xFFFFC000  }
0x19e: {  	[hbm4b:s23+s4] =	stream.linear.scatter [tilespmem:s8], [sflag:$0x9], $0x4000, $0x38;
	[tilespmem:$0x16000] =	vst v63  }
0x19f: {  	_ =	swait.ge [sflag:s29], $0x4000  }
0x1a0: {  	[sflag:s29] =	ssyncset.done $0x0  }
0x1a1: {  	s23 =	sadd.s32 $0x280, s6;
	[sflag:s29] =	ssyncadd.s32 $0xFFFFC000  }
0x1a2: {  	[tilespmem:s7], [sflag:$0x4] =	stream.indirect.gather [hbm4b:s2+s26], $0x80, s23, s26, $0xb8;
	[tilespmem:$0x16000] =	vst v63  }
0x1a3: {  	_ =	swait.ge [sflag:s13], $0x4000  }
0x1a4: {  	[sflag:s13] =	ssyncset.done $0x0  }
0x1a5: {  	[sflag:s13] =	ssyncadd.s32 $0xFFFFC000  }
0x1a6: {  	[hbm4b:s25+s4] =	stream.linear.scatter [tilespmem:s10], [sflag:$0xA], $0x4000, $0x38;
	[tilespmem:$0x16000] =	vst v63  }
0x1a7: {  	_ =	swait.ge [sflag:s14], $0x4000  }
0x1a8: {  	[sflag:s14] =	ssyncset.done $0x0  }
0x1a9: {  	s23 =	sadd.s32 $0x300, s6;
	[sflag:s14] =	ssyncadd.s32 $0xFFFFC000  }
0x1aa: {  	[tilespmem:s8], [sflag:$0x5] =	stream.indirect.gather [hbm4b:s2+s26], $0x80, s23, s26, $0xb8;
	[tilespmem:$0x16000] =	vst v63  }
0x1ab: {  	_ =	swait.ge [sflag:s9], $0x4000  }
0x1ac: {  	s23 =	sshrl.u32 s30, $0x3;
	[sflag:s9] =	ssyncset.done $0x0  }
0x1ad: {  	s23 =	sadd.s32 s3, s23;
	[sflag:s9] =	ssyncadd.s32 $0xFFFFC000  }
0x1ae: {  	[hbm4b:s23+s4] =	stream.linear.scatter [tilespmem:s1], [sflag:$0x7], $0x4000, $0x38;
	[tilespmem:$0x16000] =	vst v63  }
0x1af: {  	_ =	swait.ge [sflag:s15], $0x4000  }
0x1b0: {  	[sflag:s15] =	ssyncset.done $0x0  }
.Ltmp2:
0x1b1: {  	s6 =	sadd.s32 $0x380, s6;
	[sflag:s15] =	ssyncadd.s32 $0xFFFFC000;
	(pc) =	sbr.rel @p0 .LBB2_2-.Ltmp2, $4  }
0x1b2: {  	[tilespmem:s10], [sflag:$0x6] =	stream.indirect.gather [hbm4b:s2+s26], $0x80, s6, s26, $0xb8;
	[tilespmem:$0x16000] =	vst v63  }
0x1b3: {  	_ =	swait.ge [sflag:s11], $0x4000  }
0x1b4: {  	s24 =	sadd.s32 $0x40000, s24;
	[sflag:s11] =	ssyncset.done $0x0  }
0x1b5: {  	s25 =	sadd.s32 $0x40000, s25;
	s30 =	sadd.s32 $0x200000, s30;
	[sflag:s11] =	ssyncadd.s32 $0xFFFFC000  }
0x1b6: {  	[hbm4b:s31+s4] =	stream.linear.scatter [tilespmem:s7], [sflag:$0x8], $0x4000, $0x38;
	[tilespmem:$0x16000] =	vst v63  }
0x1b7: {  	_ =	swait.ge [sflag:s28], $0x4000  }
0x1b8: {  	[sflag:s28] =	ssyncset.done $0x0  }
0x1b9: {  	s6 =	simm.s32 $0x1800;
	[sflag:s28] =	ssyncadd.s32 $0xFFFFC000  }
0x1ba: {  	[tilespmem:s1], [sflag:$0x3] =	stream.indirect.gather [hbm4b:s2+s26], $0x80, s6, s26, $0xb8;
	[tilespmem:$0x16000] =	vst v63  }
0x1bb: {  	_ =	swait.ge [sflag:s12], $0x4000  }
0x1bc: {  	s21 =	sld [smem:$0x7FA]  }
0x1bd: {  	[sflag:s12] =	ssyncset.done $0x0  }
0x1be: {  	[sflag:s12] =	ssyncadd.s32 $0xFFFFC000  }
0x1bf: {  	[hbm4b:s21+s4] =	stream.linear.scatter [tilespmem:s8], [sflag:$0x9], $0x4000, $0x38;
	[tilespmem:$0x16000] =	vst v63  }
0x1c0: {  	_ =	swait.ge [sflag:s29], $0x4000  }
0x1c1: {  	[sflag:s29] =	ssyncset.done $0x0  }
0x1c2: {  	s23 =	simm.s32 $0x1880;
	[sflag:s29] =	ssyncadd.s32 $0xFFFFC000  }
0x1c3: {  	[tilespmem:s7], [sflag:$0x4] =	stream.indirect.gather [hbm4b:s2+s26], $0x80, s23, s26, $0xb8;
	[tilespmem:$0x16000] =	vst v63  }
0x1c4: {  	_ =	swait.ge [sflag:s13], $0x4000  }
0x1c5: {  	s24 =	sld [smem:$0x7FB]  }
0x1c6: {  	[sflag:s13] =	ssyncset.done $0x0  }
0x1c7: {  	[sflag:s13] =	ssyncadd.s32 $0xFFFFC000  }
0x1c8: {  	[hbm4b:s24+s4] =	stream.linear.scatter [tilespmem:s10], [sflag:$0xA], $0x4000, $0x38;
	[tilespmem:$0x16000] =	vst v63  }
0x1c9: {  	_ =	swait.ge [sflag:s9], $0x4000  }
0x1ca: {  	s25 =	sld [smem:$0x7FC]  }
0x1cb: {  	[sflag:s9] =	ssyncset.done $0x0  }
0x1cc: {  	[sflag:s9] =	ssyncadd.s32 $0xFFFFC000  }
0x1cd: {  	[hbm4b:s25+s4] =	stream.linear.scatter [tilespmem:s1], [sflag:$0x7], $0x4000, $0x38;
	[tilespmem:$0x16000] =	vst v63  }
0x1ce: {  	_ =	swait.ge [sflag:s11], $0x4000  }
0x1cf: {  	s31 =	sld [smem:$0x7FD]  }
0x1d0: {  	[sflag:s11] =	ssyncset.done $0x0  }
0x1d1: {  	[sflag:s11] =	ssyncadd.s32 $0xFFFFC000  }
0x1d2: {  	[hbm4b:s31+s4] =	stream.linear.scatter [tilespmem:s7], [sflag:$0x8], $0x4000, $0x38;
	[tilespmem:$0x16000] =	vst v63  }
0x1d3: {  	_ =	swait.ge [sflag:s28], $0x4000  }
0x1d4: {  	[sflag:s28] =	ssyncset.done $0x0  }
0x1d5: {  	[sflag:s28] =	ssyncadd.s32 $0xFFFFC000  }
0x1d6: {  	_ =	swait.ge [sflag:s29], $0x4000  }
0x1d7: {  	[sflag:s29] =	ssyncset.done $0x0  }
0x1d8: {  	[sflag:s29] =	ssyncadd.s32 $0xFFFFC000  }
0x1d9: {  	_ =	swait.ge [sflag:s14], $0x4000  }
0x1da: {  	[sflag:s14] =	ssyncset.done $0x0  }
0x1db: {  	[sflag:s14] =	ssyncadd.s32 $0xFFFFC000  }
0x1dc: {  	_ =	swait.ge [sflag:s15], $0x4000  }
0x1dd: {  	[sflag:s15] =	ssyncset.done $0x0  }
0x1de: {  	[sflag:s15] =	ssyncadd.s32 $0xFFFFC000  }
0x1df: {  	v1 =	vld [tilespmem:$0x1C00];
	_ =	sdelay $0x4  }
0x1e0: {  	(v2sf) =	vpush v1, $0x0;
	_ =	sdelay $0xe  }
0x1e1: {  	s30 =	spop (v2sf)  }
0x1e2: {  	p0 =	slt.s32 s30, $0x1  }
.Ltmp3:
0x1e3: {  	_ = 	snop;
	(pc) =	sbr.rel @p0 .LBB2_8-.Ltmp3, $1  }
0x1e4: {  	_ =	sdelay $0x3  }
0x1e5: {  	s31 =	simm.s32 $0x0;
	s21 =	simm.s32 $0x0  }
.LBB2_5:
0x1e6: {  	s6 =	sshll.u32 s21, $0x6  }
0x1e7: {  	s6 =	sshra.s32 s6, $0x2  }
0x1e8: {  	v1 =	vld [tilespmem:s6+$0x1C10];
	_ =	sdelay $0x4  }
0x1e9: {  	(v2sf) =	vpush v1, $0x0;
	_ =	sdelay $0xe  }
0x1ea: {  	s25 =	spop (v2sf)  }
0x1eb: {  	s23 =	sshll.u32 s25, $0x13  }
0x1ec: {  	s23 =	sor.u32 s20, s23  }
0x1ed: {  	s23 =	sshrl.u32 s23, $0x3  }
0x1ee: {  	s24 =	sadd.s32 s3, s23  }
0x1ef: {  	[tilespmem:s1], [sflag:$0xB] =	stream.linear.gather [hbm4b:s24+s31], $0x4000, $0x38;
	[tilespmem:$0x16000] =	vst v63  }
0x1f0: {  	_ =	swait.ge [sflag:s16], $0x4000  }
0x1f1: {  	s6 =	sshll.u32 s25, $0x9;
	[sflag:s16] =	ssyncset.done $0x0  }
0x1f2: {  	s6 =	sshra.s32 s6, $0x2;
	[sflag:s16] =	ssyncadd.s32 $0xFFFFC000  }
0x1f3: {  	v1 =	vld [tilespmem:s6+$0x0];
	_ =	sdelay $0x4  }
0x1f4: {  	vm0 =	veq.s32 v1, $0x1;
	vm1 =	veq.s32 v1, $0x2  }
0x1f5: {  	v1 =	vsel vm0, $0x1, v0;
	v2 =	vsel vm1, $0x2, v0  }
0x1f6: {  	v1 =	vor.u32 v1, v2  }
0x1f7: {  	[tilespmem:$0x1F80] =	vst v1  }
0x1f8: {  	v1 =	vld [tilespmem:s6+$0x10];
	_ =	sdelay $0x4  }
0x1f9: {  	vm14 =	veq.s32 v1, $0x1;
	vm15 =	veq.s32 v1, $0x2  }
0x1fa: {  	v1 =	vsel vm14, $0x1, v0;
	v2 =	vsel vm15, $0x2, v0  }
0x1fb: {  	v1 =	vor.u32 v1, v2  }
0x1fc: {  	[tilespmem:$0x1F90] =	vst v1  }
0x1fd: {  	v1 =	vld [tilespmem:s6+$0x20];
	_ =	sdelay $0x4  }
0x1fe: {  	vm4 =	veq.s32 v1, $0x1;
	vm5 =	veq.s32 v1, $0x2  }
0x1ff: {  	v1 =	vsel vm4, $0x1, v0;
	v2 =	vsel vm5, $0x2, v0  }
0x200: {  	v1 =	vor.u32 v1, v2  }
0x201: {  	[tilespmem:$0x1FA0] =	vst v1  }
0x202: {  	v1 =	vld [tilespmem:s6+$0x30];
	_ =	sdelay $0x4  }
0x203: {  	vm6 =	veq.s32 v1, $0x1;
	vm7 =	veq.s32 v1, $0x2  }
0x204: {  	v1 =	vsel vm6, $0x1, v0;
	v2 =	vsel vm7, $0x2, v0  }
0x205: {  	v1 =	vor.u32 v1, v2  }
0x206: {  	[tilespmem:$0x1FB0] =	vst v1  }
0x207: {  	v1 =	vld [tilespmem:s6+$0x40];
	_ =	sdelay $0x4  }
0x208: {  	vm8 =	veq.s32 v1, $0x1;
	vm9 =	veq.s32 v1, $0x2  }
0x209: {  	v1 =	vsel vm8, $0x1, v0;
	v2 =	vsel vm9, $0x2, v0  }
0x20a: {  	v1 =	vor.u32 v1, v2  }
0x20b: {  	[tilespmem:$0x1FC0] =	vst v1  }
0x20c: {  	v1 =	vld [tilespmem:s6+$0x50];
	_ =	sdelay $0x4  }
0x20d: {  	vm10 =	veq.s32 v1, $0x1;
	vm11 =	veq.s32 v1, $0x2  }
0x20e: {  	v1 =	vsel vm10, $0x1, v0;
	v2 =	vsel vm11, $0x2, v0  }
0x20f: {  	v1 =	vor.u32 v1, v2  }
0x210: {  	[tilespmem:$0x1FD0] =	vst v1  }
0x211: {  	v1 =	vld [tilespmem:s6+$0x60];
	_ =	sdelay $0x4  }
0x212: {  	vm12 =	veq.s32 v1, $0x1;
	vm13 =	veq.s32 v1, $0x2  }
0x213: {  	v1 =	vsel vm12, $0x1, v0;
	v2 =	vsel vm13, $0x2, v0  }
0x214: {  	v1 =	vor.u32 v1, v2  }
0x215: {  	[tilespmem:$0x1FE0] =	vst v1  }
0x216: {  	v1 =	vld [tilespmem:s6+$0x70];
	_ =	sdelay $0x4  }
0x217: {  	vm14 =	veq.s32 v1, $0x1;
	vm15 =	veq.s32 v1, $0x2  }
0x218: {  	v1 =	vsel vm14, $0x1, v0;
	v2 =	vsel vm15, $0x2, v0  }
0x219: {  	v1 =	vor.u32 v1, v2  }
0x21a: {  	[tilespmem:$0x1FF0] =	vst v1  }
0x21b: {  	[tilespmem:s18], [sflag:$0x2] =	stream.indirect.gather [hbm4b:s5+s26], $0x80, s17, s26, $0xb8;
	[tilespmem:$0x16000] =	vst v63  }
0x21c: {  	_ =	swait.ge [sflag:s19], $0x4000  }
0x21d: {  	[sflag:s19] =	ssyncset.done $0x0  }
0x21e: {  	s25 =	simm.s32 $0x0;
	[sflag:s19] =	ssyncadd.s32 $0xFFFFC000  }
0x21f: {  	v8 =	vld [tilespmem:s25+$0x2000]  }
0x220: {  	v12 =	vld [tilespmem:s25+$0x2010]  }
0x221: {  	v6 =	vld [tilespmem:s25+$0x2020]  }
0x222: {  	v5 =	vld [tilespmem:s25+$0x2030]  }
0x223: {  	v4 =	vld [tilespmem:s25+$0x2040]  }
0x224: {  	v3 =	vld [tilespmem:s25+$0x2050]  }
0x225: {  	v2 =	vld [tilespmem:s25+$0x2060]  }
0x226: {  	v1 =	vld [tilespmem:s25+$0x2070]  }
0x227: {  	v13 =	vld [tilespmem:s25+$0x6000]  }
0x228: {  	v14 =	vld [tilespmem:s25+$0x6010]  }
0x229: {  	v11 =	vld [tilespmem:s25+$0x6020]  }
0x22a: {  	v10 =	vld [tilespmem:s25+$0x6030]  }
0x22b: {  	v9 =	vld [tilespmem:s25+$0x6040]  }
0x22c: {  	v7 =	vld [tilespmem:s25+$0x6050];
	v13 =	vadd.f32 v8, v13  }
0x22d: {  	s6 =	simm.s32 $0x200;
	v12 =	vadd.f32 v12, v14;
	v8 =	vld [tilespmem:s25+$0x6060]  }
.LBB2_6:
0x22e: {  	s23 =	sshra.s32 s6, $0x2;
	p0 =	sne.s32 s6, $0xFE00;
	[tilespmem:s25+$0x6000] =	vst v13;
	v6 =	vadd.f32 v6, v11;
	v11 =	vld [tilespmem:s25+$0x6070]  }
0x22f: {  	v13 =	vld [tilespmem:s23+$0x2000];
	[tilespmem:s25+$0x6010] =	vst v12;
	v5 =	vadd.f32 v5, v10  }
0x230: {  	v12 =	vld [tilespmem:s23+$0x2010];
	[tilespmem:s25+$0x6020] =	vst v6;
	v4 =	vadd.f32 v4, v9  }
0x231: {  	v6 =	vld [tilespmem:s23+$0x2020];
	[tilespmem:s25+$0x6030] =	vst v5;
	v3 =	vadd.f32 v3, v7  }
0x232: {  	v5 =	vld [tilespmem:s23+$0x2030];
	[tilespmem:s25+$0x6040] =	vst v4;
	v2 =	vadd.f32 v2, v8  }
0x233: {  	v4 =	vld [tilespmem:s23+$0x2040];
	[tilespmem:s25+$0x6050] =	vst v3;
	v1 =	vadd.f32 v1, v11  }
0x234: {  	v3 =	vld [tilespmem:s23+$0x2050];
	[tilespmem:s25+$0x6060] =	vst v2  }
0x235: {  	v2 =	vld [tilespmem:s23+$0x2060];
	[tilespmem:s25+$0x6070] =	vst v1;
	s25 =	smov.u32 s23  }
0x236: {  	v1 =	vld [tilespmem:s25+$0x2070]  }
0x237: {  	v7 =	vld [tilespmem:s25+$0x6000]  }
0x238: {  	v8 =	vld [tilespmem:s25+$0x6010]  }
.Ltmp4:
0x239: {  	v11 =	vld [tilespmem:s25+$0x6020];
	(pc) =	sbr.rel @p0 .LBB2_6-.Ltmp4, $4  }
0x23a: {  	v10 =	vld [tilespmem:s25+$0x6030]  }
0x23b: {  	v9 =	vld [tilespmem:s25+$0x6040]  }
0x23c: {  	v13 =	vadd.f32 v13, v7;
	v7 =	vld [tilespmem:s25+$0x6050]  }
0x23d: {  	s6 =	sadd.s32 $0x200, s6;
	v12 =	vadd.f32 v12, v8;
	v8 =	vld [tilespmem:s25+$0x6060]  }
0x23e: {  	[tilespmem:s25+$0x6000] =	vst v13;
	v6 =	vadd.f32 v6, v11;
	v63 =	vld [tilespmem:s25+$0x6070]  }
0x23f: {  	[tilespmem:s25+$0x6010] =	vst v12;
	v5 =	vadd.f32 v5, v10  }
0x240: {  	[tilespmem:s25+$0x6020] =	vst v6;
	v4 =	vadd.f32 v4, v9  }
0x241: {  	[tilespmem:s25+$0x6030] =	vst v5;
	v3 =	vadd.f32 v3, v7  }
0x242: {  	[tilespmem:s25+$0x6040] =	vst v4;
	v2 =	vadd.f32 v2, v8  }
0x243: {  	[tilespmem:s25+$0x6050] =	vst v3;
	v1 =	vadd.f32 v1, v63  }
0x244: {  	s21 =	sadd.s32 $0x1, s21;
	[tilespmem:s25+$0x6060] =	vst v2  }
0x245: {  	p0 =	sne.s32 s21, s30;
	[tilespmem:s25+$0x6070] =	vst v1  }
0x246: {  	[hbm4b:s24+s4] =	stream.linear.scatter [tilespmem:s1], [sflag:$0xB], $0x4000, $0x38;
	[tilespmem:$0x16000] =	vst v63  }
.Ltmp5:
0x247: {  	_ = 	snop;
	(pc) =	sbr.rel @p0 .LBB2_5-.Ltmp5, $4  }
.Ltmp6:
0x248: {  	_ = 	snop;
	(pc) =	sbr.rel @!p0 .LBB2_8-.Ltmp6, $4  }
0x249: {  	_ =	swait.ge [sflag:s16], $0x4000  }
0x24a: {  	[sflag:s16] =	ssyncset.done $0x0  }
0x24b: {  	[sflag:s16] =	ssyncadd.s32 $0xFFFFC000  }
0x24c: {  	_ = 	snop  }
.LBB2_9:
0x24d: {  	_ =	sfence.sel $0x180000  }
0x24e: {  	[bflag:$0x0] =	sbarrier.arrive $0xFFFF  }
0x24f: {  	_ =	strace $0x90000047  }
0x250: {  	s0 =	stileid.u32;
	[bflag:$0x2] =	sbarrier.arrive $0xFFFF  }
0x251: {  	p0 =	sne.s32 s0, $0x0;
	s0 =	rddreg [dreg:$0x3]  }
0x252: {  	s0 =	sadd.s32 @!p0 $0x100000, s0  }
0x253: {  	[sflag:s0] =	ssyncadd.tile.s32 @!p0 $0x1;
	_ =	shalt  }
.Lfunc_end2:
_tile_overlayer_lowered:
.L_overlay_start_2:
0x254: {  	(tag) =	ssettag $0x2  }
0x255: {  	s0 =	rddreg [dreg:$0x0];
	s2 =	stileid.u32  }
0x256: {  	s1 =	rddreg [dreg:$0x1];
	p0 =	sne.s32 s2, $0x0  }
0x257: {  	s3 =	rddreg [dreg:$0x2];
	[bflag:$0x3] =	sbarrier.arrive $0xFFFF;
	s2 =	simm.s32 @!p0 $0x1C0B  }
0x258: {  	[timem:s3], [sflag:s2] =	dma.local @!p0 [hbm:s0], s1  }
0x259: {  	s0 =	simm.s32 @!p0 $0xB  }
0x25a: {  	_ =	swait.ge @!p0 [sflag:s0], s1  }
0x25b: {  	s1 =	ssub.s32 @!p0 $0x0, s1;
	[sflag:s0] =	ssyncset.done @!p0 $0x0  }
0x25c: {  	[sflag:s0] =	ssyncadd.s32 @!p0 s1  }
0x25d: {  	[bflag:$0x3] =	sbarrier.arrive $0xFFFF  }
0x25e: {  	_ =	shalt  }

</sc_bundles>
